<compile_context>
chip_gen: v7x
topology: tpu7x:2x2x1
jax: 0.10.2.dev20260603
libtpu: 0.0.44.dev20260713+nightly
codegen_flags: <defaults>
</compile_context>

<pallas_src>
import functools

import jax
import jax.numpy as jnp
from jax import lax
from jax.experimental import pallas as pl
from jax.experimental.pallas import tpu as pltpu
from jax.experimental.pallas import tpu_sc as plsc

ND = 16384
C = 1024
B = 16384
LAYERS = (0, 1)

NC = 2
NS = 16
L = 16

CS = 128
NCS = C // CS
DH = ND // 2
ACC_ROWS = DH + L
RPT = B // NS
SB = 128
NSB = RPT // SB
GPB = SB // L
ZR = 64
DSTRIPE = DH // NS


def _sc_seg(dom, src, with_counts):
    mesh = plsc.VectorSubcoreMesh(core_axis_name="c", subcore_axis_name="s")
    out_type = [jax.ShapeDtypeStruct((ND, C), jnp.float32)]
    if with_counts:
        out_type.append(jax.ShapeDtypeStruct((ND, CS), jnp.float32))
    scratch = [
        pltpu.VMEM((RPT,), jnp.int32),
        pltpu.VMEM((SB, CS), jnp.float32),
        pltpu.VMEM((SB, CS), jnp.float32),
        pltpu.VMEM((L, CS), jnp.float32),
        pltpu.VMEM((ZR, CS), jnp.float32),
        pltpu.VMEM_SHARED((ACC_ROWS, CS), jnp.float32),
        pltpu.SemaphoreType.DMA,
        pltpu.SemaphoreType.DMA,
        pltpu.SemaphoreType.DMA,
        pltpu.SemaphoreType.DMA,
        pltpu.SemaphoreType.DMA,
        pltpu.SemaphoreType.DMA,
    ]

    @functools.partial(pl.kernel, out_type=tuple(out_type), mesh=mesh,
                       scratch_types=scratch)
    def k(dom_h, src_h, *refs):
        if with_counts:
            (seg_h, cnt_h, dom_v, stage0, stage1, ones_v, zbuf, acc,
             sem_st0, sem_st1, sem_sc0, sem_sc1, sem_cp, sem_z) = refs
        else:
            (seg_h, dom_v, stage0, stage1, ones_v, zbuf, acc,
             sem_st0, sem_st1, sem_sc0, sem_sc1, sem_cp, sem_z) = refs
            cnt_h = None
        c = lax.axis_index("c")
        s = lax.axis_index("s")
        stages = (stage0, stage1)
        sem_st = (sem_st0, sem_st1)
        sem_sc = (sem_sc0, sem_sc1)

        zero16 = jnp.zeros((L,), jnp.float32)
        one16 = jnp.ones((L,), jnp.float32)

        def zb_outer(r, _):
            def zb_inner(j, _):
                zbuf[r, pl.ds(j * L, L)] = zero16
                return 0
            return lax.fori_loop(0, CS // L, zb_inner, 0)
        lax.fori_loop(0, ZR, zb_outer, 0)

        if with_counts:
            def ones_outer(r, _):
                def ones_inner(j, _):
                    ones_v[r, pl.ds(j * L, L)] = one16
                    return 0
                return lax.fori_loop(0, CS // L, ones_inner, 0)
            lax.fori_loop(0, L, ones_outer, 0)

        pltpu.sync_copy(dom_h.at[pl.ds(s * RPT, RPT)], dom_v)

        dh_lo = c * DH
        lo_v = jnp.full((L,), dh_lo, jnp.int32)
        hi_v = jnp.full((L,), dh_lo + DH, jnp.int32)
        garb_v = jnp.full((L,), DH, jnp.int32)

        def zero_acc():
            def zf(i, _):
                pltpu.make_async_copy(
                    zbuf, acc.at[pl.ds(s * DSTRIPE + i * ZR, ZR)],
                    sem_z).start()
                return 0
            lax.fori_loop(0, DSTRIPE // ZR, zf, 0)

            def zw(i, _):
                pltpu.make_async_copy(
                    zbuf, acc.at[pl.ds(s * DSTRIPE, ZR)], sem_z).wait()
                return 0
            lax.fori_loop(0, DSTRIPE // ZR, zw, 0)

        lane8 = jax.lax.iota(jnp.int32, L) * NCS

        def fire_gathers(b, base_row, csi):
            stg = stages[b]

            def g_body(g, _):
                rb = (s * RPT + base_row + g * L) * NCS + csi
                idx = lane8 + jnp.full((L,), rb, jnp.int32)
                pltpu.make_async_copy(
                    src_h.at[idx], stg.at[pl.ds(g * L, L)],
                    sem_st[b]).start()
                return 0
            lax.fori_loop(0, GPB, g_body, 0)

        def wait_gathers(b):
            pltpu.make_async_copy(
                src_h.at[pl.ds(0, SB)], stages[b], sem_st[b]).wait()

        def fire_scatters(b, base_row):
            stg = stages[b]
            sem = sem_sc[b]

            def g_body(g, _):
                d = dom_v[pl.ds(base_row + g * L, L)]
                m = (d >= lo_v) & (d < hi_v)
                svec = jnp.where(m, d - lo_v, garb_v)
                pltpu.make_async_copy(
                    stg.at[pl.ds(g * L, L)], acc.at[svec],
                    sem).start(add=True)
                return 0
            lax.fori_loop(0, GPB, g_body, 0)

        def drain_sc(b):
            pltpu.make_async_copy(
                src_h.at[pl.ds(0, SB)], stages[b], sem_sc[b]).wait()

        def do_pass(csi):
            for sb in range(NSB):
                b = sb & 1
                wait_gathers(b)
                fire_scatters(b, sb * SB)
                if sb + 1 < NSB:
                    nb = 1 - b
                    if sb >= 1:
                        drain_sc(nb)
                    fire_gathers(nb, (sb + 1) * SB, csi)
            drain_sc(0)
            drain_sc(1)
            @pl.when(csi + 1 < NCS)
            def _():
                fire_gathers(0, 0, csi + 1)

        def copy_out_zero(col):
            def cp_desc(i):
                return pltpu.make_async_copy(
                    acc.at[pl.ds(s * DSTRIPE + i * ZR, ZR)],
                    seg_h.at[pl.ds(dh_lo + s * DSTRIPE + i * ZR, ZR),
                             pl.ds(col, CS)],
                    sem_cp)
            for i in range(DSTRIPE // ZR):
                cp_desc(i).start()
            for i in range(DSTRIPE // ZR):
                cp_desc(i).wait()
                pltpu.make_async_copy(
                    zbuf, acc.at[pl.ds(s * DSTRIPE + i * ZR, ZR)],
                    sem_z).start()
            for i in range(DSTRIPE // ZR):
                pltpu.make_async_copy(
                    zbuf, acc.at[pl.ds(s * DSTRIPE, ZR)], sem_z).wait()

        zero_acc()
        plsc.subcore_barrier()

        def cs_body(csi, _):
            @pl.when(csi == 0)
            def _():
                fire_gathers(0, 0, csi)
            do_pass(csi)
            plsc.subcore_barrier()
            copy_out_zero(pl.multiple_of(csi * CS, CS))
            plsc.subcore_barrier()
            return 0
        lax.fori_loop(0, NCS, cs_body, 0)

        if with_counts:
            def cnt_group(g, _):
                d = dom_v[pl.ds(g * L, L)]
                m = (d >= lo_v) & (d < hi_v)
                svec = jnp.where(m, d - lo_v, garb_v)
                pltpu.make_async_copy(
                    ones_v, acc.at[svec], sem_sc0).start(add=True)
                return 0
            lax.fori_loop(0, RPT // L, cnt_group, 0)

            def cnt_drain(i, _):
                drain_sc(0)
                return 0
            lax.fori_loop(0, (RPT // L) // GPB, cnt_drain, 0)
            plsc.subcore_barrier()
            pltpu.sync_copy(
                acc.at[pl.ds(s * DSTRIPE, DSTRIPE)],
                cnt_h.at[pl.ds(dh_lo + s * DSTRIPE, DSTRIPE)])

    return k(dom, src)


BR = 512


def _tc_merge(seg, cnt, table, count2d, mlog, upd, with_count_out):
    def body(mlog_ref, upd_ref, seg_ref, cnt_ref, tab_ref, count_ref,
             out_ref, *maybe_co):
        m = jax.nn.sigmoid(mlog_ref[0, 0])
        u = upd_ref[0, 0] != 0
        bc = cnt_ref[:, 0:1]
        present = bc > 0.5
        upd_mask = jnp.logical_and(present, u)
        denom = jnp.maximum(bc, 1.0)
        cval = count_ref[...]
        first = cval == 0
        mean = seg_ref[...] / denom
        new = jnp.where(first, mean, m * tab_ref[...] + (1.0 - m) * mean)
        out_ref[...] = jnp.where(upd_mask, new, tab_ref[...])
        if with_count_out:
            maybe_co[0][...] = cval + upd_mask.astype(jnp.int32)

    out_specs = [pl.BlockSpec((BR, C), lambda i: (i, 0))]
    out_shape = [jax.ShapeDtypeStruct((ND, C), jnp.float32)]
    if with_count_out:
        out_specs.append(pl.BlockSpec((BR, 1), lambda i: (i, 0)))
        out_shape.append(jax.ShapeDtypeStruct((ND, 1), jnp.int32))

    return pl.pallas_call(
        body,
        grid=(ND // BR,),
        in_specs=[
            pl.BlockSpec(memory_space=pltpu.SMEM),
            pl.BlockSpec(memory_space=pltpu.SMEM),
            pl.BlockSpec((BR, C), lambda i: (i, 0)),
            pl.BlockSpec((BR, CS), lambda i: (i, 0)),
            pl.BlockSpec((BR, C), lambda i: (i, 0)),
            pl.BlockSpec((BR, 1), lambda i: (i, 0)),
        ],
        out_specs=out_specs,
        out_shape=out_shape,
    )(mlog, upd, seg, cnt, table, count2d)


def kernel(domain_idx, layer_idx, mu, sig, mu_table, sig_table, count,
           momentum_logit):
    mu2 = mu.reshape(B * NCS, CS)
    sig2 = sig.reshape(B * NCS, CS)
    dom = domain_idx.astype(jnp.int32)
    seg_mu, cnt = _sc_seg(dom, mu2, with_counts=True)
    seg_sig, = _sc_seg(dom, sig2, with_counts=False)
    upd = jnp.any(jnp.asarray(layer_idx) == jnp.asarray(LAYERS)) \
        .astype(jnp.int32).reshape(1, 1)
    mlog = jnp.asarray(momentum_logit, jnp.float32).reshape(1, 1)
    count2d = count.reshape(ND, 1)
    mu_f, cnt_f = _tc_merge(seg_mu, cnt, mu_table, count2d, mlog, upd,
                            with_count_out=True)
    sig_f, = _tc_merge(seg_sig, cnt, sig_table, count2d, mlog, upd,
                       with_count_out=False)
    return mu_f, sig_f, cnt_f.reshape(ND)

# --- scband reference (transcript-rebuilt; emitter-appended) ---
"""Pipeline reference for scband-style-statistics-2662879723549 (READ-ONLY COPY).

The authoritative reference and input builder live on the scoring server;
editing this copy changes nothing except your own understanding.
"""

import jax, jax.numpy as jnp
import numpy as np

NUM_DOMAINS = 16384
C = 1024
B = 16384
TARGET_LAYERS = (0, 1)
EMA_MOMENTUM = 0.9


def setup_inputs(seed: int = 0) -> dict:
    key = jax.random.key(seed)
    k1, k2, k3, k4, k5, k6 = jax.random.split(key, 6)
    mu = jax.random.normal(k1, (B, C, 1, 1), dtype=jnp.float32)
    sig = jax.random.uniform(k2, (B, C, 1, 1), dtype=jnp.float32)
    domain_idx = jax.random.randint(k3, (B,), 0, NUM_DOMAINS)
    # learned / persistent state sized per init_kwargs
    mu_table = jax.random.normal(k4, (NUM_DOMAINS, C), dtype=jnp.float32) * 0.1
    sig_table = jax.random.uniform(k5, (NUM_DOMAINS, C), dtype=jnp.float32)
    # mix of zero and nonzero counts to exercise both init and EMA branches
    count = jax.random.randint(k6, (NUM_DOMAINS,), 0, 5)
    # selective mode stores a per-layer momentum Parameter initialized to ema_momentum,
    # and _get_momentum applies sigmoid to it
    momentum_logit = jnp.asarray(EMA_MOMENTUM, dtype=jnp.float32)
    return {
        "domain_idx": domain_idx,
        "layer_idx": 0,
        "mu": mu,
        "sig": sig,
        "mu_table": mu_table,
        "sig_table": sig_table,
        "count": count,
        "momentum_logit": momentum_logit,
    }


def reference(domain_idx, layer_idx, mu, sig, mu_table, sig_table, count, momentum_logit):
    # _should_update_layer for selective mode
    should_update = jnp.any(layer_idx == jnp.asarray(TARGET_LAYERS))
    # squeeze trailing singleton dims: [B, C, 1, 1] -> [B, C]
    mu2 = mu.reshape(mu.shape[0], mu.shape[1])
    sig2 = sig.reshape(sig.shape[0], sig.shape[1])
    # per-domain mean of mu/sig over the batch (vectorized form of the
    # `for d in domain_idx.unique(): mu[mask].mean(0)` loop)
    seg_mu = jax.ops.segment_sum(mu2, domain_idx, num_segments=NUM_DOMAINS)
    seg_sig = jax.ops.segment_sum(sig2, domain_idx, num_segments=NUM_DOMAINS)
    batch_counts = jnp.bincount(domain_idx, length=NUM_DOMAINS)
    present = batch_counts > 0
    denom = jnp.maximum(batch_counts, 1).astype(mu2.dtype)[:, None]
    mu_mean = seg_mu / denom
    sig_mean = seg_sig / denom
    # selective-mode momentum: sigmoid(layer_momentum)
    m = jax.nn.sigmoid(momentum_logit)
    first = (count == 0)[:, None]
    ema_mu = m * mu_table + (1.0 - m) * mu_mean
    ema_sig = m * sig_table + (1.0 - m) * sig_mean
    new_mu = jnp.where(first, mu_mean, ema_mu)
    new_sig = jnp.where(first, sig_mean, ema_sig)
    pres = present[:, None]
    mu_out = jnp.where(pres, new_mu, mu_table)
    sig_out = jnp.where(pres, new_sig, sig_table)
    count_out = count + present.astype(count.dtype)
    mu_final = jnp.where(should_update, mu_out, mu_table)
    sig_final = jnp.where(should_update, sig_out, sig_table)
    count_final = jnp.where(should_update, count_out, count)
    return mu_final, sig_final, count_final

if __name__ == "__main__":
    import jax
    _d = setup_inputs()
    print(jax.jit(kernel)(*tuple(_d.values())))

</pallas_src>

<mosaic_0001>
#map = affine_map<(d0, d1) -> (0)>
#map1 = affine_map<(d0, d1) -> (0, 0)>
module attributes {stable_mosaic.version = 14 : i64} {
  func.func @k(%arg0: i32, %arg1: i32, %arg2: memref<16384xi32, #tpu.memory_space<hbm>>, %arg3: memref<131072x128xf32, #tpu.memory_space<hbm>>, %arg4: memref<16384x1024xf32, #tpu.memory_space<hbm>>, %arg5: memref<16384x128xf32, #tpu.memory_space<hbm>>, %arg6: memref<1024xi32, #tpu.memory_space<vmem>>, %arg7: memref<128x128xf32, #tpu.memory_space<vmem>>, %arg8: memref<128x128xf32, #tpu.memory_space<vmem>>, %arg9: memref<16x128xf32, #tpu.memory_space<vmem>>, %arg10: memref<64x128xf32, #tpu.memory_space<vmem>>, %arg11: memref<8208x128xf32, #tpu.memory_space<vmem_shared>>, %arg12: memref<!tpu.dma_semaphore, #tpu.memory_space<semaphore_mem>>, %arg13: memref<!tpu.dma_semaphore, #tpu.memory_space<semaphore_mem>>, %arg14: memref<!tpu.dma_semaphore, #tpu.memory_space<semaphore_mem>>, %arg15: memref<!tpu.dma_semaphore, #tpu.memory_space<semaphore_mem>>, %arg16: memref<!tpu.dma_semaphore, #tpu.memory_space<semaphore_mem>>, %arg17: memref<!tpu.dma_semaphore, #tpu.memory_space<semaphore_mem>>) attributes {dimension_semantics = [#tpu.dimension_semantics<core_parallel>, #tpu.dimension_semantics<subcore_parallel>], iteration_bounds = array<i64: 2, 16>, scalar_prefetch = 0 : i64, scratch_operands = 12 : i64, tpu.core_type = #tpu.core_type<sc_vector_subcore>, window_params = [{transform_indices = #map}, {transform_indices = #map1}, {transform_indices = #map1}, {transform_indices = #map1}]} {
    %broadcast_in_dim3A = arith.constant 0.000000e+00 : f32
    %broadcast_in_dim3A_0 = vector.broadcast %broadcast_in_dim3A : f32 to vector<16xf32>
    %broadcast_in_dim3A_1 = arith.constant 1.000000e+00 : f32
    %broadcast_in_dim3A_2 = vector.broadcast %broadcast_in_dim3A_1 : f32 to vector<16xf32>
    %scan3A = arith.constant 0 : i32
    %scan3A_3 = arith.constant 0 : i32
    %scan3A_4 = arith.constant 64 : i32
    %scan3A_5 = arith.addi %scan3A_3, %scan3A_4 : i32
    %scan3A_6 = arith.constant 1 : i32
    %scan3A_7 = scf.for %scan3A_68 = %scan3A_3 to %scan3A_5 step %scan3A_6 iter_args(%scan3A_69 = %scan3A) -> (i32)  : i32 {
      %scan3A_70 = arith.constant 0 : i32
      %scan3A_71 = arith.constant 0 : i32
      %scan3A_72 = arith.constant 8 : i32
      %scan3A_73 = arith.addi %scan3A_71, %scan3A_72 : i32
      %scan3A_74 = arith.constant 1 : i32
      %scan3A_75 = scf.for %scan3A_77 = %scan3A_71 to %scan3A_73 step %scan3A_74 iter_args(%scan3A_78 = %scan3A_70) -> (i32)  : i32 {
        %mul3A_79 = arith.constant 16 : i32
        %mul3A_80 = arith.muli %scan3A_77, %mul3A_79 : i32
        %swap3A = arith.index_cast %scan3A_68 : i32 to index
        %swap3A_81 = arith.index_cast %mul3A_80 : i32 to index
        %swap3A_82 = tpu.vector_load %arg10[%swap3A, %swap3A_81] {strides = array<i32>} : memref<64x128xf32, #tpu.memory_space<vmem>>, vector<1x16xf32>,
        %swap3A_83 = vector.shape_cast %swap3A_82 : vector<1x16xf32> to vector<16xf32>
        %swap3A_84 = vector.shape_cast %broadcast_in_dim3A_0 : vector<16xf32> to vector<1x16xf32>
        tpu.vector_store %arg10[%swap3A, %swap3A_81], %swap3A_84 {strides = array<i32>} : memref<64x128xf32, #tpu.memory_space<vmem>>, vector<1x16xf32>,
        %scan3A_85 = arith.constant 0 : i32
        scf.yield %scan3A_85 : i32
      }
      %scan3A_76 = arith.constant 8 : i32
      scf.yield %scan3A_75 : i32
    }
    %scan3A_8 = arith.constant 64 : i32
    %scan3A_9 = arith.constant 0 : i32
    %scan3A_10 = arith.constant 0 : i32
    %scan3A_11 = arith.constant 16 : i32
    %scan3A_12 = arith.addi %scan3A_10, %scan3A_11 : i32
    %scan3A_13 = arith.constant 1 : i32
    %scan3A_14 = scf.for %scan3A_68 = %scan3A_10 to %scan3A_12 step %scan3A_13 iter_args(%scan3A_69 = %scan3A_9) -> (i32)  : i32 {
      %scan3A_70 = arith.constant 0 : i32
      %scan3A_71 = arith.constant 0 : i32
      %scan3A_72 = arith.constant 8 : i32
      %scan3A_73 = arith.addi %scan3A_71, %scan3A_72 : i32
      %scan3A_74 = arith.constant 1 : i32
      %scan3A_75 = scf.for %scan3A_77 = %scan3A_71 to %scan3A_73 step %scan3A_74 iter_args(%scan3A_78 = %scan3A_70) -> (i32)  : i32 {
        %mul3A_79 = arith.constant 16 : i32
        %mul3A_80 = arith.muli %scan3A_77, %mul3A_79 : i32
        %swap3A = arith.index_cast %scan3A_68 : i32 to index
        %swap3A_81 = arith.index_cast %mul3A_80 : i32 to index
        %swap3A_82 = tpu.vector_load %arg9[%swap3A, %swap3A_81] {strides = array<i32>} : memref<16x128xf32, #tpu.memory_space<vmem>>, vector<1x16xf32>,
        %swap3A_83 = vector.shape_cast %swap3A_82 : vector<1x16xf32> to vector<16xf32>
        %swap3A_84 = vector.shape_cast %broadcast_in_dim3A_2 : vector<16xf32> to vector<1x16xf32>
        tpu.vector_store %arg9[%swap3A, %swap3A_81], %swap3A_84 {strides = array<i32>} : memref<16x128xf32, #tpu.memory_space<vmem>>, vector<1x16xf32>,
        %scan3A_85 = arith.constant 0 : i32
        scf.yield %scan3A_85 : i32
      }
      %scan3A_76 = arith.constant 8 : i32
      scf.yield %scan3A_75 : i32
    }
    %scan3A_15 = arith.constant 16 : i32
    %mul3A = arith.constant 1024 : i32
    %mul3A_16 = arith.muli %arg1, %mul3A : i32
    "tpu.region"() ({
      %run_scoped3A = tpu.sem_alloc : memref<!tpu.dma_semaphore, #tpu.memory_space<semaphore_mem>>
      %dma_start3A = tpu.memref_slice %arg2[%mul3A_16] : memref<16384xi32, #tpu.memory_space<hbm>> -> memref<1024xi32, #tpu.memory_space<hbm>>
      %dma_start3A_68 = tpu.memref_slice %arg2[%mul3A_16] : memref<16384xi32, #tpu.memory_space<hbm>> -> memref<1024xi32, #tpu.memory_space<hbm>>
      tpu.enqueue_dma source(%dma_start3A_68 : memref<1024xi32, #tpu.memory_space<hbm>>) target(%arg6 : memref<1024xi32, #tpu.memory_space<vmem>>) target_semaphore(%run_scoped3A : memref<!tpu.dma_semaphore, #tpu.memory_space<semaphore_mem>>)
      %dma_wait3A = tpu.memref_slice %arg2[%mul3A_16] : memref<16384xi32, #tpu.memory_space<hbm>> -> memref<1024xi32, #tpu.memory_space<hbm>>
      %dma_wait3A_69 = tpu.memref_slice %arg2[%mul3A_16] : memref<16384xi32, #tpu.memory_space<hbm>> -> memref<1024xi32, #tpu.memory_space<hbm>>
      tpu.wait_dma2 semaphore(%run_scoped3A : memref<!tpu.dma_semaphore, #tpu.memory_space<semaphore_mem>>) src(%dma_wait3A_69 : memref<1024xi32, #tpu.memory_space<hbm>>) dst(%arg6 : memref<1024xi32, #tpu.memory_space<vmem>>)
      tpu.yield
    }) : () -> ()
    %mul3A_17 = arith.constant 8192 : i32
    %mul3A_18 = arith.muli %arg0, %mul3A_17 : i32
    %broadcast_in_dim3A_19 = vector.broadcast %mul3A_18 : i32 to vector<16xi32>
    %add3A = arith.constant 8192 : i32
    %add3A_20 = arith.addi %mul3A_18, %add3A : i32
    %broadcast_in_dim3A_21 = vector.broadcast %add3A_20 : i32 to vector<16xi32>
    %broadcast_in_dim3A_22 = arith.constant 8192 : i32
    %broadcast_in_dim3A_23 = vector.broadcast %broadcast_in_dim3A_22 : i32 to vector<16xi32>
    %iota3A = tpu.iota {dimensions = array<i32: 0>} : vector<16xi32>
    %mul3A_24 = arith.constant 8 : i32
    %mul3A_25 = vector.broadcast %mul3A_24 : i32 to vector<16xi32>
    %mul3A_26 = arith.muli %iota3A, %mul3A_25 : vector<16xi32>
    %scan3A_27 = arith.constant 0 : i32
    %scan3A_28 = arith.constant 0 : i32
    %scan3A_29 = arith.constant 8 : i32
    %scan3A_30 = arith.addi %scan3A_28, %scan3A_29 : i32
    %scan3A_31 = arith.constant 1 : i32
    %scan3A_32 = scf.for %scan3A_68 = %scan3A_28 to %scan3A_30 step %scan3A_31 iter_args(%scan3A_69 = %scan3A_27) -> (i32)  : i32 {
      %mul3A_70 = arith.constant 512 : i32
      %mul3A_71 = arith.muli %arg1, %mul3A_70 : i32
      %mul3A_72 = arith.constant 64 : i32
      %mul3A_73 = arith.muli %scan3A_68, %mul3A_72 : i32
      %add3A_74 = arith.addi %mul3A_71, %mul3A_73 : i32
      %dma_start3A = arith.constant 0 : i32
      %dma_start3A_75 = tpu.memref_slice %arg11[%add3A_74, %dma_start3A] : memref<8208x128xf32, #tpu.memory_space<vmem_shared>> -> memref<64x128xf32, #tpu.memory_space<vmem_shared>>
      %dma_start3A_76 = arith.constant 0 : i32
      %dma_start3A_77 = tpu.memref_slice %arg11[%add3A_74, %dma_start3A_76] : memref<8208x128xf32, #tpu.memory_space<vmem_shared>> -> memref<64x128xf32, #tpu.memory_space<vmem_shared>>
      tpu.enqueue_dma source(%arg10 : memref<64x128xf32, #tpu.memory_space<vmem>>) target(%dma_start3A_77 : memref<64x128xf32, #tpu.memory_space<vmem_shared>>) target_semaphore(%arg17 : memref<!tpu.dma_semaphore, #tpu.memory_space<semaphore_mem>>)
      %scan3A_78 = arith.constant 0 : i32
      scf.yield %scan3A_78 : i32
    }
    %scan3A_33 = arith.constant 8 : i32
    %scan3A_34 = arith.constant 0 : i32
    %scan3A_35 = arith.constant 0 : i32
    %scan3A_36 = arith.constant 8 : i32
    %scan3A_37 = arith.addi %scan3A_35, %scan3A_36 : i32
    %scan3A_38 = arith.constant 1 : i32
    %scan3A_39 = scf.for %scan3A_68 = %scan3A_35 to %scan3A_37 step %scan3A_38 iter_args(%scan3A_69 = %scan3A_34) -> (i32)  : i32 {
      %mul3A_70 = arith.constant 512 : i32
      %mul3A_71 = arith.muli %arg1, %mul3A_70 : i32
      %dma_wait3A = arith.constant 0 : i32
      %dma_wait3A_72 = tpu.memref_slice %arg11[%mul3A_71, %dma_wait3A] : memref<8208x128xf32, #tpu.memory_space<vmem_shared>> -> memref<64x128xf32, #tpu.memory_space<vmem_shared>>
      %dma_wait3A_73 = arith.constant 0 : i32
      %dma_wait3A_74 = tpu.memref_slice %arg11[%mul3A_71, %dma_wait3A_73] : memref<8208x128xf32, #tpu.memory_space<vmem_shared>> -> memref<64x128xf32, #tpu.memory_space<vmem_shared>>
      tpu.wait_dma2 semaphore(%arg17 : memref<!tpu.dma_semaphore, #tpu.memory_space<semaphore_mem>>) src(%arg10 : memref<64x128xf32, #tpu.memory_space<vmem>>) dst(%dma_wait3A_74 : memref<64x128xf32, #tpu.memory_space<vmem_shared>>)
      %scan3A_75 = arith.constant 0 : i32
      scf.yield %scan3A_75 : i32
    }
    %scan3A_40 = arith.constant 8 : i32
    %barrier3A = arith.constant 0 : index
    tpu.barrier barrier_id(%barrier3A)
    %scan3A_41 = arith.constant 0 : i32
    %scan3A_42 = arith.constant 0 : i32
    %scan3A_43 = arith.constant 8 : i32
    %scan3A_44 = arith.addi %scan3A_42, %scan3A_43 : i32
    %scan3A_45 = arith.constant 1 : i32
    %scan3A_46 = scf.for %scan3A_68 = %scan3A_42 to %scan3A_44 step %scan3A_45 iter_args(%scan3A_69 = %scan3A_41) -> (i32)  : i32 {
      %eq3A = arith.constant 0 : i32
      %eq3A_70 = arith.cmpi eq, %scan3A_68, %eq3A : i32
      %convert_element_type3A = arith.extui %eq3A_70 : i1 to i32
      %cond3A = arith.constant 0 : i32
      %cond3A_71 = arith.cmpi ne, %convert_element_type3A, %cond3A : i32
      scf.if %cond3A_71 {
        %scan3A_586 = arith.constant 0 : i32
        %scan3A_587 = arith.constant 0 : i32
        %scan3A_588 = arith.constant 8 : i32
        %scan3A_589 = arith.addi %scan3A_587, %scan3A_588 : i32
        %scan3A_590 = arith.constant 1 : i32
        %scan3A_591 = scf.for %scan3A_593 = %scan3A_587 to %scan3A_589 step %scan3A_590 iter_args(%scan3A_594 = %scan3A_586) -> (i32)  : i32 {
          %mul3A_595 = arith.constant 1024 : i32
          %mul3A_596 = arith.muli %arg1, %mul3A_595 : i32
          %add3A_597 = arith.constant 0 : i32
          %add3A_598 = arith.addi %mul3A_596, %add3A_597 : i32
          %mul3A_599 = arith.constant 16 : i32
          %mul3A_600 = arith.muli %scan3A_593, %mul3A_599 : i32
          %add3A_601 = arith.addi %add3A_598, %mul3A_600 : i32
          %mul3A_602 = arith.constant 8 : i32
          %mul3A_603 = arith.muli %add3A_601, %mul3A_602 : i32
          %add3A_604 = arith.addi %mul3A_603, %scan3A_68 : i32
          %broadcast_in_dim3A_605 = vector.broadcast %add3A_604 : i32 to vector<16xi32>
          %add3A_606 = arith.addi %mul3A_26, %broadcast_in_dim3A_605 : vector<16xi32>
          %mul3A_607 = arith.constant 16 : i32
          %mul3A_608 = arith.muli %scan3A_593, %mul3A_607 : i32
          %dma_start3A_609 = arith.constant 0 : i32
          %dma_start3A_610 = tpu.memref_slice %arg7[%mul3A_608, %dma_start3A_609] : memref<128x128xf32, #tpu.memory_space<vmem>> -> memref<16x128xf32, #tpu.memory_space<vmem>>
          %dma_start3A_611 = arith.constant 0 : i32
          %dma_start3A_612 = arith.constant 0 : i32
          %dma_start3A_613 = tpu.memref_slice %arg3[%dma_start3A_611, %dma_start3A_612] : memref<131072x128xf32, #tpu.memory_space<hbm>> -> memref<131072x128xf32, #tpu.memory_space<hbm>>
          tpu.enqueue_indirect_dma source(%dma_start3A_613 : memref<131072x128xf32, #tpu.memory_space<hbm>>) target(%dma_start3A_610 : memref<16x128xf32, #tpu.memory_space<vmem>>) offsets(%add3A_606 : vector<16xi32>) semaphore(%arg12 : memref<!tpu.dma_semaphore, #tpu.memory_space<semaphore_mem>>)
          %scan3A_614 = arith.constant 0 : i32
          scf.yield %scan3A_614 : i32
        }
        %scan3A_592 = arith.constant 8 : i32
      } else {
      }
      %dma_wait3A = arith.constant 0 : i32
      %dma_wait3A_72 = arith.constant 0 : i32
      %dma_wait3A_73 = tpu.memref_slice %arg3[%dma_wait3A, %dma_wait3A_72] : memref<131072x128xf32, #tpu.memory_space<hbm>> -> memref<128x128xf32, #tpu.memory_space<hbm>>
      %dma_wait3A_74 = arith.constant 0 : i32
      %dma_wait3A_75 = arith.constant 0 : i32
      %dma_wait3A_76 = tpu.memref_slice %arg3[%dma_wait3A_74, %dma_wait3A_75] : memref<131072x128xf32, #tpu.memory_space<hbm>> -> memref<128x128xf32, #tpu.memory_space<hbm>>
      tpu.wait_dma2 semaphore(%arg12 : memref<!tpu.dma_semaphore, #tpu.memory_space<semaphore_mem>>) src(%dma_wait3A_76 : memref<128x128xf32, #tpu.memory_space<hbm>>) dst(%arg7 : memref<128x128xf32, #tpu.memory_space<vmem>>)
      %scan3A_77 = arith.constant 0 : i32
      %scan3A_78 = arith.constant 0 : i32
      %scan3A_79 = arith.constant 8 : i32
      %scan3A_80 = arith.addi %scan3A_78, %scan3A_79 : i32
      %scan3A_81 = arith.constant 1 : i32
      %scan3A_82 = scf.for %scan3A_586 = %scan3A_78 to %scan3A_80 step %scan3A_81 iter_args(%scan3A_587 = %scan3A_77) -> (i32)  : i32 {
        %mul3A_588 = arith.constant 16 : i32
        %mul3A_589 = arith.muli %scan3A_586, %mul3A_588 : i32
        %add3A_590 = arith.constant 0 : i32
        %add3A_591 = arith.addi %add3A_590, %mul3A_589 : i32
        %get3A = arith.index_cast %add3A_591 : i32 to index
        %get3A_592 = tpu.vector_load %arg6[%get3A] {strides = array<i32>} : memref<1024xi32, #tpu.memory_space<vmem>>, vector<16xi32>,
        %get3A_593 = vector.shape_cast %get3A_592 : vector<16xi32> to vector<16xi32>
        %ge3A = arith.cmpi sge, %get3A_593, %broadcast_in_dim3A_19 : vector<16xi32>
        %lt3A_594 = arith.cmpi slt, %get3A_593, %broadcast_in_dim3A_21 : vector<16xi32>
        %and3A = arith.andi %ge3A, %lt3A_594 : vector<16xi1>
        %sub3A = arith.subi %get3A_593, %broadcast_in_dim3A_19 : vector<16xi32>
        %select_n3A = arith.select %and3A, %sub3A, %broadcast_in_dim3A_23 : vector<16xi1>, vector<16xi32>
        %mul3A_595 = arith.constant 16 : i32
        %mul3A_596 = arith.muli %scan3A_586, %mul3A_595 : i32
        %dma_start3A_597 = arith.constant 0 : i32
        %dma_start3A_598 = tpu.memref_slice %arg7[%mul3A_596, %dma_start3A_597] : memref<128x128xf32, #tpu.memory_space<vmem>> -> memref<16x128xf32, #tpu.memory_space<vmem>>
        %dma_start3A_599 = arith.constant 0 : i32
        %dma_start3A_600 = arith.constant 0 : i32
        %dma_start3A_601 = tpu.memref_slice %arg11[%dma_start3A_599, %dma_start3A_600] : memref<8208x128xf32, #tpu.memory_space<vmem_shared>> -> memref<8208x128xf32, #tpu.memory_space<vmem_shared>>
        tpu.enqueue_indirect_dma source(%dma_start3A_598 : memref<16x128xf32, #tpu.memory_space<vmem>>) target(%dma_start3A_601 : memref<8208x128xf32, #tpu.memory_space<vmem_shared>>) offsets(%select_n3A : vector<16xi32>) semaphore(%arg14 : memref<!tpu.dma_semaphore, #tpu.memory_space<semaphore_mem>>) {add = true}
        %scan3A_602 = arith.constant 0 : i32
        scf.yield %scan3A_602 : i32
      }
      %scan3A_83 = arith.constant 8 : i32
      %scan3A_84 = arith.constant 0 : i32
      %scan3A_85 = arith.constant 0 : i32
      %scan3A_86 = arith.constant 8 : i32
      %scan3A_87 = arith.addi %scan3A_85, %scan3A_86 : i32
      %scan3A_88 = arith.constant 1 : i32
      %scan3A_89 = scf.for %scan3A_586 = %scan3A_85 to %scan3A_87 step %scan3A_88 iter_args(%scan3A_587 = %scan3A_84) -> (i32)  : i32 {
        %mul3A_588 = arith.constant 1024 : i32
        %mul3A_589 = arith.muli %arg1, %mul3A_588 : i32
        %add3A_590 = arith.constant 128 : i32
        %add3A_591 = arith.addi %mul3A_589, %add3A_590 : i32
        %mul3A_592 = arith.constant 16 : i32
        %mul3A_593 = arith.muli %scan3A_586, %mul3A_592 : i32
        %add3A_594 = arith.addi %add3A_591, %mul3A_593 : i32
        %mul3A_595 = arith.constant 8 : i32
        %mul3A_596 = arith.muli %add3A_594, %mul3A_595 : i32
        %add3A_597 = arith.addi %mul3A_596, %scan3A_68 : i32
        %broadcast_in_dim3A_598 = vector.broadcast %add3A_597 : i32 to vector<16xi32>
        %add3A_599 = arith.addi %mul3A_26, %broadcast_in_dim3A_598 : vector<16xi32>
        %mul3A_600 = arith.constant 16 : i32
        %mul3A_601 = arith.muli %scan3A_586, %mul3A_600 : i32
        %dma_start3A_602 = arith.constant 0 : i32
        %dma_start3A_603 = tpu.memref_slice %arg8[%mul3A_601, %dma_start3A_602] : memref<128x128xf32, #tpu.memory_space<vmem>> -> memref<16x128xf32, #tpu.memory_space<vmem>>
        %dma_start3A_604 = arith.constant 0 : i32
        %dma_start3A_605 = arith.constant 0 : i32
        %dma_start3A_606 = tpu.memref_slice %arg3[%dma_start3A_604, %dma_start3A_605] : memref<131072x128xf32, #tpu.memory_space<hbm>> -> memref<131072x128xf32, #tpu.memory_space<hbm>>
        tpu.enqueue_indirect_dma source(%dma_start3A_606 : memref<131072x128xf32, #tpu.memory_space<hbm>>) target(%dma_start3A_603 : memref<16x128xf32, #tpu.memory_space<vmem>>) offsets(%add3A_599 : vector<16xi32>) semaphore(%arg13 : memref<!tpu.dma_semaphore, #tpu.memory_space<semaphore_mem>>)
        %scan3A_607 = arith.constant 0 : i32
        scf.yield %scan3A_607 : i32
      }
      %scan3A_90 = arith.constant 8 : i32
      %dma_wait3A_91 = arith.constant 0 : i32
      %dma_wait3A_92 = arith.constant 0 : i32
      %dma_wait3A_93 = tpu.memref_slice %arg3[%dma_wait3A_91, %dma_wait3A_92] : memref<131072x128xf32, #tpu.memory_space<hbm>> -> memref<128x128xf32, #tpu.memory_space<hbm>>
      %dma_wait3A_94 = arith.constant 0 : i32
      %dma_wait3A_95 = arith.constant 0 : i32
      %dma_wait3A_96 = tpu.memref_slice %arg3[%dma_wait3A_94, %dma_wait3A_95] : memref<131072x128xf32, #tpu.memory_space<hbm>> -> memref<128x128xf32, #tpu.memory_space<hbm>>
      tpu.wait_dma2 semaphore(%arg13 : memref<!tpu.dma_semaphore, #tpu.memory_space<semaphore_mem>>) src(%dma_wait3A_96 : memref<128x128xf32, #tpu.memory_space<hbm>>) dst(%arg8 : memref<128x128xf32, #tpu.memory_space<vmem>>)
      %scan3A_97 = arith.constant 0 : i32
      %scan3A_98 = arith.constant 0 : i32
      %scan3A_99 = arith.constant 8 : i32
      %scan3A_100 = arith.addi %scan3A_98, %scan3A_99 : i32
      %scan3A_101 = arith.constant 1 : i32
      %scan3A_102 = scf.for %scan3A_586 = %scan3A_98 to %scan3A_100 step %scan3A_101 iter_args(%scan3A_587 = %scan3A_97) -> (i32)  : i32 {
        %mul3A_588 = arith.constant 16 : i32
        %mul3A_589 = arith.muli %scan3A_586, %mul3A_588 : i32
        %add3A_590 = arith.constant 128 : i32
        %add3A_591 = arith.addi %add3A_590, %mul3A_589 : i32
        %get3A = arith.index_cast %add3A_591 : i32 to index
        %get3A_592 = tpu.vector_load %arg6[%get3A] {strides = array<i32>} : memref<1024xi32, #tpu.memory_space<vmem>>, vector<16xi32>,
        %get3A_593 = vector.shape_cast %get3A_592 : vector<16xi32> to vector<16xi32>
        %ge3A = arith.cmpi sge, %get3A_593, %broadcast_in_dim3A_19 : vector<16xi32>
        %lt3A_594 = arith.cmpi slt, %get3A_593, %broadcast_in_dim3A_21 : vector<16xi32>
        %and3A = arith.andi %ge3A, %lt3A_594 : vector<16xi1>
        %sub3A = arith.subi %get3A_593, %broadcast_in_dim3A_19 : vector<16xi32>
        %select_n3A = arith.select %and3A, %sub3A, %broadcast_in_dim3A_23 : vector<16xi1>, vector<16xi32>
        %mul3A_595 = arith.constant 16 : i32
        %mul3A_596 = arith.muli %scan3A_586, %mul3A_595 : i32
        %dma_start3A_597 = arith.constant 0 : i32
        %dma_start3A_598 = tpu.memref_slice %arg8[%mul3A_596, %dma_start3A_597] : memref<128x128xf32, #tpu.memory_space<vmem>> -> memref<16x128xf32, #tpu.memory_space<vmem>>
        %dma_start3A_599 = arith.constant 0 : i32
        %dma_start3A_600 = arith.constant 0 : i32
        %dma_start3A_601 = tpu.memref_slice %arg11[%dma_start3A_599, %dma_start3A_600] : memref<8208x128xf32, #tpu.memory_space<vmem_shared>> -> memref<8208x128xf32, #tpu.memory_space<vmem_shared>>
        tpu.enqueue_indirect_dma source(%dma_start3A_598 : memref<16x128xf32, #tpu.memory_space<vmem>>) target(%dma_start3A_601 : memref<8208x128xf32, #tpu.memory_space<vmem_shared>>) offsets(%select_n3A : vector<16xi32>) semaphore(%arg15 : memref<!tpu.dma_semaphore, #tpu.memory_space<semaphore_mem>>) {add = true}
        %scan3A_602 = arith.constant 0 : i32
        scf.yield %scan3A_602 : i32
      }
      %scan3A_103 = arith.constant 8 : i32
      %dma_wait3A_104 = arith.constant 0 : i32
      %dma_wait3A_105 = arith.constant 0 : i32
      %dma_wait3A_106 = tpu.memref_slice %arg3[%dma_wait3A_104, %dma_wait3A_105] : memref<131072x128xf32, #tpu.memory_space<hbm>> -> memref<128x128xf32, #tpu.memory_space<hbm>>
      %dma_wait3A_107 = arith.constant 0 : i32
      %dma_wait3A_108 = arith.constant 0 : i32
      %dma_wait3A_109 = tpu.memref_slice %arg3[%dma_wait3A_107, %dma_wait3A_108] : memref<131072x128xf32, #tpu.memory_space<hbm>> -> memref<128x128xf32, #tpu.memory_space<hbm>>
      tpu.wait_dma2 semaphore(%arg14 : memref<!tpu.dma_semaphore, #tpu.memory_space<semaphore_mem>>) src(%dma_wait3A_109 : memref<128x128xf32, #tpu.memory_space<hbm>>) dst(%arg7 : memref<128x128xf32, #tpu.memory_space<vmem>>)
      %scan3A_110 = arith.constant 0 : i32
      %scan3A_111 = arith.constant 0 : i32
      %scan3A_112 = arith.constant 8 : i32
      %scan3A_113 = arith.addi %scan3A_111, %scan3A_112 : i32
      %scan3A_114 = arith.constant 1 : i32
      %scan3A_115 = scf.for %scan3A_586 = %scan3A_111 to %scan3A_113 step %scan3A_114 iter_args(%scan3A_587 = %scan3A_110) -> (i32)  : i32 {
        %mul3A_588 = arith.constant 1024 : i32
        %mul3A_589 = arith.muli %arg1, %mul3A_588 : i32
        %add3A_590 = arith.constant 256 : i32
        %add3A_591 = arith.addi %mul3A_589, %add3A_590 : i32
        %mul3A_592 = arith.constant 16 : i32
        %mul3A_593 = arith.muli %scan3A_586, %mul3A_592 : i32
        %add3A_594 = arith.addi %add3A_591, %mul3A_593 : i32
        %mul3A_595 = arith.constant 8 : i32
        %mul3A_596 = arith.muli %add3A_594, %mul3A_595 : i32
        %add3A_597 = arith.addi %mul3A_596, %scan3A_68 : i32
        %broadcast_in_dim3A_598 = vector.broadcast %add3A_597 : i32 to vector<16xi32>
        %add3A_599 = arith.addi %mul3A_26, %broadcast_in_dim3A_598 : vector<16xi32>
        %mul3A_600 = arith.constant 16 : i32
        %mul3A_601 = arith.muli %scan3A_586, %mul3A_600 : i32
        %dma_start3A_602 = arith.constant 0 : i32
        %dma_start3A_603 = tpu.memref_slice %arg7[%mul3A_601, %dma_start3A_602] : memref<128x128xf32, #tpu.memory_space<vmem>> -> memref<16x128xf32, #tpu.memory_space<vmem>>
        %dma_start3A_604 = arith.constant 0 : i32
        %dma_start3A_605 = arith.constant 0 : i32
        %dma_start3A_606 = tpu.memref_slice %arg3[%dma_start3A_604, %dma_start3A_605] : memref<131072x128xf32, #tpu.memory_space<hbm>> -> memref<131072x128xf32, #tpu.memory_space<hbm>>
        tpu.enqueue_indirect_dma source(%dma_start3A_606 : memref<131072x128xf32, #tpu.memory_space<hbm>>) target(%dma_start3A_603 : memref<16x128xf32, #tpu.memory_space<vmem>>) offsets(%add3A_599 : vector<16xi32>) semaphore(%arg12 : memref<!tpu.dma_semaphore, #tpu.memory_space<semaphore_mem>>)
        %scan3A_607 = arith.constant 0 : i32
        scf.yield %scan3A_607 : i32
      }
      %scan3A_116 = arith.constant 8 : i32
      %dma_wait3A_117 = arith.constant 0 : i32
      %dma_wait3A_118 = arith.constant 0 : i32
      %dma_wait3A_119 = tpu.memref_slice %arg3[%dma_wait3A_117, %dma_wait3A_118] : memref<131072x128xf32, #tpu.memory_space<hbm>> -> memref<128x128xf32, #tpu.memory_space<hbm>>
      %dma_wait3A_120 = arith.constant 0 : i32
      %dma_wait3A_121 = arith.constant 0 : i32
      %dma_wait3A_122 = tpu.memref_slice %arg3[%dma_wait3A_120, %dma_wait3A_121] : memref<131072x128xf32, #tpu.memory_space<hbm>> -> memref<128x128xf32, #tpu.memory_space<hbm>>
      tpu.wait_dma2 semaphore(%arg12 : memref<!tpu.dma_semaphore, #tpu.memory_space<semaphore_mem>>) src(%dma_wait3A_122 : memref<128x128xf32, #tpu.memory_space<hbm>>) dst(%arg7 : memref<128x128xf32, #tpu.memory_space<vmem>>)
      %scan3A_123 = arith.constant 0 : i32
      %scan3A_124 = arith.constant 0 : i32
      %scan3A_125 = arith.constant 8 : i32
      %scan3A_126 = arith.addi %scan3A_124, %scan3A_125 : i32
      %scan3A_127 = arith.constant 1 : i32
      %scan3A_128 = scf.for %scan3A_586 = %scan3A_124 to %scan3A_126 step %scan3A_127 iter_args(%scan3A_587 = %scan3A_123) -> (i32)  : i32 {
        %mul3A_588 = arith.constant 16 : i32
        %mul3A_589 = arith.muli %scan3A_586, %mul3A_588 : i32
        %add3A_590 = arith.constant 256 : i32
        %add3A_591 = arith.addi %add3A_590, %mul3A_589 : i32
        %get3A = arith.index_cast %add3A_591 : i32 to index
        %get3A_592 = tpu.vector_load %arg6[%get3A] {strides = array<i32>} : memref<1024xi32, #tpu.memory_space<vmem>>, vector<16xi32>,
        %get3A_593 = vector.shape_cast %get3A_592 : vector<16xi32> to vector<16xi32>
        %ge3A = arith.cmpi sge, %get3A_593, %broadcast_in_dim3A_19 : vector<16xi32>
        %lt3A_594 = arith.cmpi slt, %get3A_593, %broadcast_in_dim3A_21 : vector<16xi32>
        %and3A = arith.andi %ge3A, %lt3A_594 : vector<16xi1>
        %sub3A = arith.subi %get3A_593, %broadcast_in_dim3A_19 : vector<16xi32>
        %select_n3A = arith.select %and3A, %sub3A, %broadcast_in_dim3A_23 : vector<16xi1>, vector<16xi32>
        %mul3A_595 = arith.constant 16 : i32
        %mul3A_596 = arith.muli %scan3A_586, %mul3A_595 : i32
        %dma_start3A_597 = arith.constant 0 : i32
        %dma_start3A_598 = tpu.memref_slice %arg7[%mul3A_596, %dma_start3A_597] : memref<128x128xf32, #tpu.memory_space<vmem>> -> memref<16x128xf32, #tpu.memory_space<vmem>>
        %dma_start3A_599 = arith.constant 0 : i32
        %dma_start3A_600 = arith.constant 0 : i32
        %dma_start3A_601 = tpu.memref_slice %arg11[%dma_start3A_599, %dma_start3A_600] : memref<8208x128xf32, #tpu.memory_space<vmem_shared>> -> memref<8208x128xf32, #tpu.memory_space<vmem_shared>>
        tpu.enqueue_indirect_dma source(%dma_start3A_598 : memref<16x128xf32, #tpu.memory_space<vmem>>) target(%dma_start3A_601 : memref<8208x128xf32, #tpu.memory_space<vmem_shared>>) offsets(%select_n3A : vector<16xi32>) semaphore(%arg14 : memref<!tpu.dma_semaphore, #tpu.memory_space<semaphore_mem>>) {add = true}
        %scan3A_602 = arith.constant 0 : i32
        scf.yield %scan3A_602 : i32
      }
      %scan3A_129 = arith.constant 8 : i32
      %dma_wait3A_130 = arith.constant 0 : i32
      %dma_wait3A_131 = arith.constant 0 : i32
      %dma_wait3A_132 = tpu.memref_slice %arg3[%dma_wait3A_130, %dma_wait3A_131] : memref<131072x128xf32, #tpu.memory_space<hbm>> -> memref<128x128xf32, #tpu.memory_space<hbm>>
      %dma_wait3A_133 = arith.constant 0 : i32
      %dma_wait3A_134 = arith.constant 0 : i32
      %dma_wait3A_135 = tpu.memref_slice %arg3[%dma_wait3A_133, %dma_wait3A_134] : memref<131072x128xf32, #tpu.memory_space<hbm>> -> memref<128x128xf32, #tpu.memory_space<hbm>>
      tpu.wait_dma2 semaphore(%arg15 : memref<!tpu.dma_semaphore, #tpu.memory_space<semaphore_mem>>) src(%dma_wait3A_135 : memref<128x128xf32, #tpu.memory_space<hbm>>) dst(%arg8 : memref<128x128xf32, #tpu.memory_space<vmem>>)
      %scan3A_136 = arith.constant 0 : i32
      %scan3A_137 = arith.constant 0 : i32
      %scan3A_138 = arith.constant 8 : i32
      %scan3A_139 = arith.addi %scan3A_137, %scan3A_138 : i32
      %scan3A_140 = arith.constant 1 : i32
      %scan3A_141 = scf.for %scan3A_586 = %scan3A_137 to %scan3A_139 step %scan3A_140 iter_args(%scan3A_587 = %scan3A_136) -> (i32)  : i32 {
        %mul3A_588 = arith.constant 1024 : i32
        %mul3A_589 = arith.muli %arg1, %mul3A_588 : i32
        %add3A_590 = arith.constant 384 : i32
        %add3A_591 = arith.addi %mul3A_589, %add3A_590 : i32
        %mul3A_592 = arith.constant 16 : i32
        %mul3A_593 = arith.muli %scan3A_586, %mul3A_592 : i32
        %add3A_594 = arith.addi %add3A_591, %mul3A_593 : i32
        %mul3A_595 = arith.constant 8 : i32
        %mul3A_596 = arith.muli %add3A_594, %mul3A_595 : i32
        %add3A_597 = arith.addi %mul3A_596, %scan3A_68 : i32
        %broadcast_in_dim3A_598 = vector.broadcast %add3A_597 : i32 to vector<16xi32>
        %add3A_599 = arith.addi %mul3A_26, %broadcast_in_dim3A_598 : vector<16xi32>
        %mul3A_600 = arith.constant 16 : i32
        %mul3A_601 = arith.muli %scan3A_586, %mul3A_600 : i32
        %dma_start3A_602 = arith.constant 0 : i32
        %dma_start3A_603 = tpu.memref_slice %arg8[%mul3A_601, %dma_start3A_602] : memref<128x128xf32, #tpu.memory_space<vmem>> -> memref<16x128xf32, #tpu.memory_space<vmem>>
        %dma_start3A_604 = arith.constant 0 : i32
        %dma_start3A_605 = arith.constant 0 : i32
        %dma_start3A_606 = tpu.memref_slice %arg3[%dma_start3A_604, %dma_start3A_605] : memref<131072x128xf32, #tpu.memory_space<hbm>> -> memref<131072x128xf32, #tpu.memory_space<hbm>>
        tpu.enqueue_indirect_dma source(%dma_start3A_606 : memref<131072x128xf32, #tpu.memory_space<hbm>>) target(%dma_start3A_603 : memref<16x128xf32, #tpu.memory_space<vmem>>) offsets(%add3A_599 : vector<16xi32>) semaphore(%arg13 : memref<!tpu.dma_semaphore, #tpu.memory_space<semaphore_mem>>)
        %scan3A_607 = arith.constant 0 : i32
        scf.yield %scan3A_607 : i32
      }
      %scan3A_142 = arith.constant 8 : i32
      %dma_wait3A_143 = arith.constant 0 : i32
      %dma_wait3A_144 = arith.constant 0 : i32
      %dma_wait3A_145 = tpu.memref_slice %arg3[%dma_wait3A_143, %dma_wait3A_144] : memref<131072x128xf32, #tpu.memory_space<hbm>> -> memref<128x128xf32, #tpu.memory_space<hbm>>
      %dma_wait3A_146 = arith.constant 0 : i32
      %dma_wait3A_147 = arith.constant 0 : i32
      %dma_wait3A_148 = tpu.memref_slice %arg3[%dma_wait3A_146, %dma_wait3A_147] : memref<131072x128xf32, #tpu.memory_space<hbm>> -> memref<128x128xf32, #tpu.memory_space<hbm>>
      tpu.wait_dma2 semaphore(%arg13 : memref<!tpu.dma_semaphore, #tpu.memory_space<semaphore_mem>>) src(%dma_wait3A_148 : memref<128x128xf32, #tpu.memory_space<hbm>>) dst(%arg8 : memref<128x128xf32, #tpu.memory_space<vmem>>)
      %scan3A_149 = arith.constant 0 : i32
      %scan3A_150 = arith.constant 0 : i32
      %scan3A_151 = arith.constant 8 : i32
      %scan3A_152 = arith.addi %scan3A_150, %scan3A_151 : i32
      %scan3A_153 = arith.constant 1 : i32
      %scan3A_154 = scf.for %scan3A_586 = %scan3A_150 to %scan3A_152 step %scan3A_153 iter_args(%scan3A_587 = %scan3A_149) -> (i32)  : i32 {
        %mul3A_588 = arith.constant 16 : i32
        %mul3A_589 = arith.muli %scan3A_586, %mul3A_588 : i32
        %add3A_590 = arith.constant 384 : i32
        %add3A_591 = arith.addi %add3A_590, %mul3A_589 : i32
        %get3A = arith.index_cast %add3A_591 : i32 to index
        %get3A_592 = tpu.vector_load %arg6[%get3A] {strides = array<i32>} : memref<1024xi32, #tpu.memory_space<vmem>>, vector<16xi32>,
        %get3A_593 = vector.shape_cast %get3A_592 : vector<16xi32> to vector<16xi32>
        %ge3A = arith.cmpi sge, %get3A_593, %broadcast_in_dim3A_19 : vector<16xi32>
        %lt3A_594 = arith.cmpi slt, %get3A_593, %broadcast_in_dim3A_21 : vector<16xi32>
        %and3A = arith.andi %ge3A, %lt3A_594 : vector<16xi1>
        %sub3A = arith.subi %get3A_593, %broadcast_in_dim3A_19 : vector<16xi32>
        %select_n3A = arith.select %and3A, %sub3A, %broadcast_in_dim3A_23 : vector<16xi1>, vector<16xi32>
        %mul3A_595 = arith.constant 16 : i32
        %mul3A_596 = arith.muli %scan3A_586, %mul3A_595 : i32
        %dma_start3A_597 = arith.constant 0 : i32
        %dma_start3A_598 = tpu.memref_slice %arg8[%mul3A_596, %dma_start3A_597] : memref<128x128xf32, #tpu.memory_space<vmem>> -> memref<16x128xf32, #tpu.memory_space<vmem>>
        %dma_start3A_599 = arith.constant 0 : i32
        %dma_start3A_600 = arith.constant 0 : i32
        %dma_start3A_601 = tpu.memref_slice %arg11[%dma_start3A_599, %dma_start3A_600] : memref<8208x128xf32, #tpu.memory_space<vmem_shared>> -> memref<8208x128xf32, #tpu.memory_space<vmem_shared>>
        tpu.enqueue_indirect_dma source(%dma_start3A_598 : memref<16x128xf32, #tpu.memory_space<vmem>>) target(%dma_start3A_601 : memref<8208x128xf32, #tpu.memory_space<vmem_shared>>) offsets(%select_n3A : vector<16xi32>) semaphore(%arg15 : memref<!tpu.dma_semaphore, #tpu.memory_space<semaphore_mem>>) {add = true}
        %scan3A_602 = arith.constant 0 : i32
        scf.yield %scan3A_602 : i32
      }
      %scan3A_155 = arith.constant 8 : i32
      %dma_wait3A_156 = arith.constant 0 : i32
      %dma_wait3A_157 = arith.constant 0 : i32
      %dma_wait3A_158 = tpu.memref_slice %arg3[%dma_wait3A_156, %dma_wait3A_157] : memref<131072x128xf32, #tpu.memory_space<hbm>> -> memref<128x128xf32, #tpu.memory_space<hbm>>
      %dma_wait3A_159 = arith.constant 0 : i32
      %dma_wait3A_160 = arith.constant 0 : i32
      %dma_wait3A_161 = tpu.memref_slice %arg3[%dma_wait3A_159, %dma_wait3A_160] : memref<131072x128xf32, #tpu.memory_space<hbm>> -> memref<128x128xf32, #tpu.memory_space<hbm>>
      tpu.wait_dma2 semaphore(%arg14 : memref<!tpu.dma_semaphore, #tpu.memory_space<semaphore_mem>>) src(%dma_wait3A_161 : memref<128x128xf32, #tpu.memory_space<hbm>>) dst(%arg7 : memref<128x128xf32, #tpu.memory_space<vmem>>)
      %scan3A_162 = arith.constant 0 : i32
      %scan3A_163 = arith.constant 0 : i32
      %scan3A_164 = arith.constant 8 : i32
      %scan3A_165 = arith.addi %scan3A_163, %scan3A_164 : i32
      %scan3A_166 = arith.constant 1 : i32
      %scan3A_167 = scf.for %scan3A_586 = %scan3A_163 to %scan3A_165 step %scan3A_166 iter_args(%scan3A_587 = %scan3A_162) -> (i32)  : i32 {
        %mul3A_588 = arith.constant 1024 : i32
        %mul3A_589 = arith.muli %arg1, %mul3A_588 : i32
        %add3A_590 = arith.constant 512 : i32
        %add3A_591 = arith.addi %mul3A_589, %add3A_590 : i32
        %mul3A_592 = arith.constant 16 : i32
        %mul3A_593 = arith.muli %scan3A_586, %mul3A_592 : i32
        %add3A_594 = arith.addi %add3A_591, %mul3A_593 : i32
        %mul3A_595 = arith.constant 8 : i32
        %mul3A_596 = arith.muli %add3A_594, %mul3A_595 : i32
        %add3A_597 = arith.addi %mul3A_596, %scan3A_68 : i32
        %broadcast_in_dim3A_598 = vector.broadcast %add3A_597 : i32 to vector<16xi32>
        %add3A_599 = arith.addi %mul3A_26, %broadcast_in_dim3A_598 : vector<16xi32>
        %mul3A_600 = arith.constant 16 : i32
        %mul3A_601 = arith.muli %scan3A_586, %mul3A_600 : i32
        %dma_start3A_602 = arith.constant 0 : i32
        %dma_start3A_603 = tpu.memref_slice %arg7[%mul3A_601, %dma_start3A_602] : memref<128x128xf32, #tpu.memory_space<vmem>> -> memref<16x128xf32, #tpu.memory_space<vmem>>
        %dma_start3A_604 = arith.constant 0 : i32
        %dma_start3A_605 = arith.constant 0 : i32
        %dma_start3A_606 = tpu.memref_slice %arg3[%dma_start3A_604, %dma_start3A_605] : memref<131072x128xf32, #tpu.memory_space<hbm>> -> memref<131072x128xf32, #tpu.memory_space<hbm>>
        tpu.enqueue_indirect_dma source(%dma_start3A_606 : memref<131072x128xf32, #tpu.memory_space<hbm>>) target(%dma_start3A_603 : memref<16x128xf32, #tpu.memory_space<vmem>>) offsets(%add3A_599 : vector<16xi32>) semaphore(%arg12 : memref<!tpu.dma_semaphore, #tpu.memory_space<semaphore_mem>>)
        %scan3A_607 = arith.constant 0 : i32
        scf.yield %scan3A_607 : i32
      }
      %scan3A_168 = arith.constant 8 : i32
      %dma_wait3A_169 = arith.constant 0 : i32
      %dma_wait3A_170 = arith.constant 0 : i32
      %dma_wait3A_171 = tpu.memref_slice %arg3[%dma_wait3A_169, %dma_wait3A_170] : memref<131072x128xf32, #tpu.memory_space<hbm>> -> memref<128x128xf32, #tpu.memory_space<hbm>>
      %dma_wait3A_172 = arith.constant 0 : i32
      %dma_wait3A_173 = arith.constant 0 : i32
      %dma_wait3A_174 = tpu.memref_slice %arg3[%dma_wait3A_172, %dma_wait3A_173] : memref<131072x128xf32, #tpu.memory_space<hbm>> -> memref<128x128xf32, #tpu.memory_space<hbm>>
      tpu.wait_dma2 semaphore(%arg12 : memref<!tpu.dma_semaphore, #tpu.memory_space<semaphore_mem>>) src(%dma_wait3A_174 : memref<128x128xf32, #tpu.memory_space<hbm>>) dst(%arg7 : memref<128x128xf32, #tpu.memory_space<vmem>>)
      %scan3A_175 = arith.constant 0 : i32
      %scan3A_176 = arith.constant 0 : i32
      %scan3A_177 = arith.constant 8 : i32
      %scan3A_178 = arith.addi %scan3A_176, %scan3A_177 : i32
      %scan3A_179 = arith.constant 1 : i32
      %scan3A_180 = scf.for %scan3A_586 = %scan3A_176 to %scan3A_178 step %scan3A_179 iter_args(%scan3A_587 = %scan3A_175) -> (i32)  : i32 {
        %mul3A_588 = arith.constant 16 : i32
        %mul3A_589 = arith.muli %scan3A_586, %mul3A_588 : i32
        %add3A_590 = arith.constant 512 : i32
        %add3A_591 = arith.addi %add3A_590, %mul3A_589 : i32
        %get3A = arith.index_cast %add3A_591 : i32 to index
        %get3A_592 = tpu.vector_load %arg6[%get3A] {strides = array<i32>} : memref<1024xi32, #tpu.memory_space<vmem>>, vector<16xi32>,
        %get3A_593 = vector.shape_cast %get3A_592 : vector<16xi32> to vector<16xi32>
        %ge3A = arith.cmpi sge, %get3A_593, %broadcast_in_dim3A_19 : vector<16xi32>
        %lt3A_594 = arith.cmpi slt, %get3A_593, %broadcast_in_dim3A_21 : vector<16xi32>
        %and3A = arith.andi %ge3A, %lt3A_594 : vector<16xi1>
        %sub3A = arith.subi %get3A_593, %broadcast_in_dim3A_19 : vector<16xi32>
        %select_n3A = arith.select %and3A, %sub3A, %broadcast_in_dim3A_23 : vector<16xi1>, vector<16xi32>
        %mul3A_595 = arith.constant 16 : i32
        %mul3A_596 = arith.muli %scan3A_586, %mul3A_595 : i32
        %dma_start3A_597 = arith.constant 0 : i32
        %dma_start3A_598 = tpu.memref_slice %arg7[%mul3A_596, %dma_start3A_597] : memref<128x128xf32, #tpu.memory_space<vmem>> -> memref<16x128xf32, #tpu.memory_space<vmem>>
        %dma_start3A_599 = arith.constant 0 : i32
        %dma_start3A_600 = arith.constant 0 : i32
        %dma_start3A_601 = tpu.memref_slice %arg11[%dma_start3A_599, %dma_start3A_600] : memref<8208x128xf32, #tpu.memory_space<vmem_shared>> -> memref<8208x128xf32, #tpu.memory_space<vmem_shared>>
        tpu.enqueue_indirect_dma source(%dma_start3A_598 : memref<16x128xf32, #tpu.memory_space<vmem>>) target(%dma_start3A_601 : memref<8208x128xf32, #tpu.memory_space<vmem_shared>>) offsets(%select_n3A : vector<16xi32>) semaphore(%arg14 : memref<!tpu.dma_semaphore, #tpu.memory_space<semaphore_mem>>) {add = true}
        %scan3A_602 = arith.constant 0 : i32
        scf.yield %scan3A_602 : i32
      }
      %scan3A_181 = arith.constant 8 : i32
      %dma_wait3A_182 = arith.constant 0 : i32
      %dma_wait3A_183 = arith.constant 0 : i32
      %dma_wait3A_184 = tpu.memref_slice %arg3[%dma_wait3A_182, %dma_wait3A_183] : memref<131072x128xf32, #tpu.memory_space<hbm>> -> memref<128x128xf32, #tpu.memory_space<hbm>>
      %dma_wait3A_185 = arith.constant 0 : i32
      %dma_wait3A_186 = arith.constant 0 : i32
      %dma_wait3A_187 = tpu.memref_slice %arg3[%dma_wait3A_185, %dma_wait3A_186] : memref<131072x128xf32, #tpu.memory_space<hbm>> -> memref<128x128xf32, #tpu.memory_space<hbm>>
      tpu.wait_dma2 semaphore(%arg15 : memref<!tpu.dma_semaphore, #tpu.memory_space<semaphore_mem>>) src(%dma_wait3A_187 : memref<128x128xf32, #tpu.memory_space<hbm>>) dst(%arg8 : memref<128x128xf32, #tpu.memory_space<vmem>>)
      %scan3A_188 = arith.constant 0 : i32
      %scan3A_189 = arith.constant 0 : i32
      %scan3A_190 = arith.constant 8 : i32
      %scan3A_191 = arith.addi %scan3A_189, %scan3A_190 : i32
      %scan3A_192 = arith.constant 1 : i32
      %scan3A_193 = scf.for %scan3A_586 = %scan3A_189 to %scan3A_191 step %scan3A_192 iter_args(%scan3A_587 = %scan3A_188) -> (i32)  : i32 {
        %mul3A_588 = arith.constant 1024 : i32
        %mul3A_589 = arith.muli %arg1, %mul3A_588 : i32
        %add3A_590 = arith.constant 640 : i32
        %add3A_591 = arith.addi %mul3A_589, %add3A_590 : i32
        %mul3A_592 = arith.constant 16 : i32
        %mul3A_593 = arith.muli %scan3A_586, %mul3A_592 : i32
        %add3A_594 = arith.addi %add3A_591, %mul3A_593 : i32
        %mul3A_595 = arith.constant 8 : i32
        %mul3A_596 = arith.muli %add3A_594, %mul3A_595 : i32
        %add3A_597 = arith.addi %mul3A_596, %scan3A_68 : i32
        %broadcast_in_dim3A_598 = vector.broadcast %add3A_597 : i32 to vector<16xi32>
        %add3A_599 = arith.addi %mul3A_26, %broadcast_in_dim3A_598 : vector<16xi32>
        %mul3A_600 = arith.constant 16 : i32
        %mul3A_601 = arith.muli %scan3A_586, %mul3A_600 : i32
        %dma_start3A_602 = arith.constant 0 : i32
        %dma_start3A_603 = tpu.memref_slice %arg8[%mul3A_601, %dma_start3A_602] : memref<128x128xf32, #tpu.memory_space<vmem>> -> memref<16x128xf32, #tpu.memory_space<vmem>>
        %dma_start3A_604 = arith.constant 0 : i32
        %dma_start3A_605 = arith.constant 0 : i32
        %dma_start3A_606 = tpu.memref_slice %arg3[%dma_start3A_604, %dma_start3A_605] : memref<131072x128xf32, #tpu.memory_space<hbm>> -> memref<131072x128xf32, #tpu.memory_space<hbm>>
        tpu.enqueue_indirect_dma source(%dma_start3A_606 : memref<131072x128xf32, #tpu.memory_space<hbm>>) target(%dma_start3A_603 : memref<16x128xf32, #tpu.memory_space<vmem>>) offsets(%add3A_599 : vector<16xi32>) semaphore(%arg13 : memref<!tpu.dma_semaphore, #tpu.memory_space<semaphore_mem>>)
        %scan3A_607 = arith.constant 0 : i32
        scf.yield %scan3A_607 : i32
      }
      %scan3A_194 = arith.constant 8 : i32
      %dma_wait3A_195 = arith.constant 0 : i32
      %dma_wait3A_196 = arith.constant 0 : i32
      %dma_wait3A_197 = tpu.memref_slice %arg3[%dma_wait3A_195, %dma_wait3A_196] : memref<131072x128xf32, #tpu.memory_space<hbm>> -> memref<128x128xf32, #tpu.memory_space<hbm>>
      %dma_wait3A_198 = arith.constant 0 : i32
      %dma_wait3A_199 = arith.constant 0 : i32
      %dma_wait3A_200 = tpu.memref_slice %arg3[%dma_wait3A_198, %dma_wait3A_199] : memref<131072x128xf32, #tpu.memory_space<hbm>> -> memref<128x128xf32, #tpu.memory_space<hbm>>
      tpu.wait_dma2 semaphore(%arg13 : memref<!tpu.dma_semaphore, #tpu.memory_space<semaphore_mem>>) src(%dma_wait3A_200 : memref<128x128xf32, #tpu.memory_space<hbm>>) dst(%arg8 : memref<128x128xf32, #tpu.memory_space<vmem>>)
      %scan3A_201 = arith.constant 0 : i32
      %scan3A_202 = arith.constant 0 : i32
      %scan3A_203 = arith.constant 8 : i32
      %scan3A_204 = arith.addi %scan3A_202, %scan3A_203 : i32
      %scan3A_205 = arith.constant 1 : i32
      %scan3A_206 = scf.for %scan3A_586 = %scan3A_202 to %scan3A_204 step %scan3A_205 iter_args(%scan3A_587 = %scan3A_201) -> (i32)  : i32 {
        %mul3A_588 = arith.constant 16 : i32
        %mul3A_589 = arith.muli %scan3A_586, %mul3A_588 : i32
        %add3A_590 = arith.constant 640 : i32
        %add3A_591 = arith.addi %add3A_590, %mul3A_589 : i32
        %get3A = arith.index_cast %add3A_591 : i32 to index
        %get3A_592 = tpu.vector_load %arg6[%get3A] {strides = array<i32>} : memref<1024xi32, #tpu.memory_space<vmem>>, vector<16xi32>,
        %get3A_593 = vector.shape_cast %get3A_592 : vector<16xi32> to vector<16xi32>
        %ge3A = arith.cmpi sge, %get3A_593, %broadcast_in_dim3A_19 : vector<16xi32>
        %lt3A_594 = arith.cmpi slt, %get3A_593, %broadcast_in_dim3A_21 : vector<16xi32>
        %and3A = arith.andi %ge3A, %lt3A_594 : vector<16xi1>
        %sub3A = arith.subi %get3A_593, %broadcast_in_dim3A_19 : vector<16xi32>
        %select_n3A = arith.select %and3A, %sub3A, %broadcast_in_dim3A_23 : vector<16xi1>, vector<16xi32>
        %mul3A_595 = arith.constant 16 : i32
        %mul3A_596 = arith.muli %scan3A_586, %mul3A_595 : i32
        %dma_start3A_597 = arith.constant 0 : i32
        %dma_start3A_598 = tpu.memref_slice %arg8[%mul3A_596, %dma_start3A_597] : memref<128x128xf32, #tpu.memory_space<vmem>> -> memref<16x128xf32, #tpu.memory_space<vmem>>
        %dma_start3A_599 = arith.constant 0 : i32
        %dma_start3A_600 = arith.constant 0 : i32
        %dma_start3A_601 = tpu.memref_slice %arg11[%dma_start3A_599, %dma_start3A_600] : memref<8208x128xf32, #tpu.memory_space<vmem_shared>> -> memref<8208x128xf32, #tpu.memory_space<vmem_shared>>
        tpu.enqueue_indirect_dma source(%dma_start3A_598 : memref<16x128xf32, #tpu.memory_space<vmem>>) target(%dma_start3A_601 : memref<8208x128xf32, #tpu.memory_space<vmem_shared>>) offsets(%select_n3A : vector<16xi32>) semaphore(%arg15 : memref<!tpu.dma_semaphore, #tpu.memory_space<semaphore_mem>>) {add = true}
        %scan3A_602 = arith.constant 0 : i32
        scf.yield %scan3A_602 : i32
      }
      %scan3A_207 = arith.constant 8 : i32
      %dma_wait3A_208 = arith.constant 0 : i32
      %dma_wait3A_209 = arith.constant 0 : i32
      %dma_wait3A_210 = tpu.memref_slice %arg3[%dma_wait3A_208, %dma_wait3A_209] : memref<131072x128xf32, #tpu.memory_space<hbm>> -> memref<128x128xf32, #tpu.memory_space<hbm>>
      %dma_wait3A_211 = arith.constant 0 : i32
      %dma_wait3A_212 = arith.constant 0 : i32
      %dma_wait3A_213 = tpu.memref_slice %arg3[%dma_wait3A_211, %dma_wait3A_212] : memref<131072x128xf32, #tpu.memory_space<hbm>> -> memref<128x128xf32, #tpu.memory_space<hbm>>
      tpu.wait_dma2 semaphore(%arg14 : memref<!tpu.dma_semaphore, #tpu.memory_space<semaphore_mem>>) src(%dma_wait3A_213 : memref<128x128xf32, #tpu.memory_space<hbm>>) dst(%arg7 : memref<128x128xf32, #tpu.memory_space<vmem>>)
      %scan3A_214 = arith.constant 0 : i32
      %scan3A_215 = arith.constant 0 : i32
      %scan3A_216 = arith.constant 8 : i32
      %scan3A_217 = arith.addi %scan3A_215, %scan3A_216 : i32
      %scan3A_218 = arith.constant 1 : i32
      %scan3A_219 = scf.for %scan3A_586 = %scan3A_215 to %scan3A_217 step %scan3A_218 iter_args(%scan3A_587 = %scan3A_214) -> (i32)  : i32 {
        %mul3A_588 = arith.constant 1024 : i32
        %mul3A_589 = arith.muli %arg1, %mul3A_588 : i32
        %add3A_590 = arith.constant 768 : i32
        %add3A_591 = arith.addi %mul3A_589, %add3A_590 : i32
        %mul3A_592 = arith.constant 16 : i32
        %mul3A_593 = arith.muli %scan3A_586, %mul3A_592 : i32
        %add3A_594 = arith.addi %add3A_591, %mul3A_593 : i32
        %mul3A_595 = arith.constant 8 : i32
        %mul3A_596 = arith.muli %add3A_594, %mul3A_595 : i32
        %add3A_597 = arith.addi %mul3A_596, %scan3A_68 : i32
        %broadcast_in_dim3A_598 = vector.broadcast %add3A_597 : i32 to vector<16xi32>
        %add3A_599 = arith.addi %mul3A_26, %broadcast_in_dim3A_598 : vector<16xi32>
        %mul3A_600 = arith.constant 16 : i32
        %mul3A_601 = arith.muli %scan3A_586, %mul3A_600 : i32
        %dma_start3A_602 = arith.constant 0 : i32
        %dma_start3A_603 = tpu.memref_slice %arg7[%mul3A_601, %dma_start3A_602] : memref<128x128xf32, #tpu.memory_space<vmem>> -> memref<16x128xf32, #tpu.memory_space<vmem>>
        %dma_start3A_604 = arith.constant 0 : i32
        %dma_start3A_605 = arith.constant 0 : i32
        %dma_start3A_606 = tpu.memref_slice %arg3[%dma_start3A_604, %dma_start3A_605] : memref<131072x128xf32, #tpu.memory_space<hbm>> -> memref<131072x128xf32, #tpu.memory_space<hbm>>
        tpu.enqueue_indirect_dma source(%dma_start3A_606 : memref<131072x128xf32, #tpu.memory_space<hbm>>) target(%dma_start3A_603 : memref<16x128xf32, #tpu.memory_space<vmem>>) offsets(%add3A_599 : vector<16xi32>) semaphore(%arg12 : memref<!tpu.dma_semaphore, #tpu.memory_space<semaphore_mem>>)
        %scan3A_607 = arith.constant 0 : i32
        scf.yield %scan3A_607 : i32
      }
      %scan3A_220 = arith.constant 8 : i32
      %dma_wait3A_221 = arith.constant 0 : i32
      %dma_wait3A_222 = arith.constant 0 : i32
      %dma_wait3A_223 = tpu.memref_slice %arg3[%dma_wait3A_221, %dma_wait3A_222] : memref<131072x128xf32, #tpu.memory_space<hbm>> -> memref<128x128xf32, #tpu.memory_space<hbm>>
      %dma_wait3A_224 = arith.constant 0 : i32
      %dma_wait3A_225 = arith.constant 0 : i32
      %dma_wait3A_226 = tpu.memref_slice %arg3[%dma_wait3A_224, %dma_wait3A_225] : memref<131072x128xf32, #tpu.memory_space<hbm>> -> memref<128x128xf32, #tpu.memory_space<hbm>>
      tpu.wait_dma2 semaphore(%arg12 : memref<!tpu.dma_semaphore, #tpu.memory_space<semaphore_mem>>) src(%dma_wait3A_226 : memref<128x128xf32, #tpu.memory_space<hbm>>) dst(%arg7 : memref<128x128xf32, #tpu.memory_space<vmem>>)
      %scan3A_227 = arith.constant 0 : i32
      %scan3A_228 = arith.constant 0 : i32
      %scan3A_229 = arith.constant 8 : i32
      %scan3A_230 = arith.addi %scan3A_228, %scan3A_229 : i32
      %scan3A_231 = arith.constant 1 : i32
      %scan3A_232 = scf.for %scan3A_586 = %scan3A_228 to %scan3A_230 step %scan3A_231 iter_args(%scan3A_587 = %scan3A_227) -> (i32)  : i32 {
        %mul3A_588 = arith.constant 16 : i32
        %mul3A_589 = arith.muli %scan3A_586, %mul3A_588 : i32
        %add3A_590 = arith.constant 768 : i32
        %add3A_591 = arith.addi %add3A_590, %mul3A_589 : i32
        %get3A = arith.index_cast %add3A_591 : i32 to index
        %get3A_592 = tpu.vector_load %arg6[%get3A] {strides = array<i32>} : memref<1024xi32, #tpu.memory_space<vmem>>, vector<16xi32>,
        %get3A_593 = vector.shape_cast %get3A_592 : vector<16xi32> to vector<16xi32>
        %ge3A = arith.cmpi sge, %get3A_593, %broadcast_in_dim3A_19 : vector<16xi32>
        %lt3A_594 = arith.cmpi slt, %get3A_593, %broadcast_in_dim3A_21 : vector<16xi32>
        %and3A = arith.andi %ge3A, %lt3A_594 : vector<16xi1>
        %sub3A = arith.subi %get3A_593, %broadcast_in_dim3A_19 : vector<16xi32>
        %select_n3A = arith.select %and3A, %sub3A, %broadcast_in_dim3A_23 : vector<16xi1>, vector<16xi32>
        %mul3A_595 = arith.constant 16 : i32
        %mul3A_596 = arith.muli %scan3A_586, %mul3A_595 : i32
        %dma_start3A_597 = arith.constant 0 : i32
        %dma_start3A_598 = tpu.memref_slice %arg7[%mul3A_596, %dma_start3A_597] : memref<128x128xf32, #tpu.memory_space<vmem>> -> memref<16x128xf32, #tpu.memory_space<vmem>>
        %dma_start3A_599 = arith.constant 0 : i32
        %dma_start3A_600 = arith.constant 0 : i32
        %dma_start3A_601 = tpu.memref_slice %arg11[%dma_start3A_599, %dma_start3A_600] : memref<8208x128xf32, #tpu.memory_space<vmem_shared>> -> memref<8208x128xf32, #tpu.memory_space<vmem_shared>>
        tpu.enqueue_indirect_dma source(%dma_start3A_598 : memref<16x128xf32, #tpu.memory_space<vmem>>) target(%dma_start3A_601 : memref<8208x128xf32, #tpu.memory_space<vmem_shared>>) offsets(%select_n3A : vector<16xi32>) semaphore(%arg14 : memref<!tpu.dma_semaphore, #tpu.memory_space<semaphore_mem>>) {add = true}
        %scan3A_602 = arith.constant 0 : i32
        scf.yield %scan3A_602 : i32
      }
      %scan3A_233 = arith.constant 8 : i32
      %dma_wait3A_234 = arith.constant 0 : i32
      %dma_wait3A_235 = arith.constant 0 : i32
      %dma_wait3A_236 = tpu.memref_slice %arg3[%dma_wait3A_234, %dma_wait3A_235] : memref<131072x128xf32, #tpu.memory_space<hbm>> -> memref<128x128xf32, #tpu.memory_space<hbm>>
      %dma_wait3A_237 = arith.constant 0 : i32
      %dma_wait3A_238 = arith.constant 0 : i32
      %dma_wait3A_239 = tpu.memref_slice %arg3[%dma_wait3A_237, %dma_wait3A_238] : memref<131072x128xf32, #tpu.memory_space<hbm>> -> memref<128x128xf32, #tpu.memory_space<hbm>>
      tpu.wait_dma2 semaphore(%arg15 : memref<!tpu.dma_semaphore, #tpu.memory_space<semaphore_mem>>) src(%dma_wait3A_239 : memref<128x128xf32, #tpu.memory_space<hbm>>) dst(%arg8 : memref<128x128xf32, #tpu.memory_space<vmem>>)
      %scan3A_240 = arith.constant 0 : i32
      %scan3A_241 = arith.constant 0 : i32
      %scan3A_242 = arith.constant 8 : i32
      %scan3A_243 = arith.addi %scan3A_241, %scan3A_242 : i32
      %scan3A_244 = arith.constant 1 : i32
      %scan3A_245 = scf.for %scan3A_586 = %scan3A_241 to %scan3A_243 step %scan3A_244 iter_args(%scan3A_587 = %scan3A_240) -> (i32)  : i32 {
        %mul3A_588 = arith.constant 1024 : i32
        %mul3A_589 = arith.muli %arg1, %mul3A_588 : i32
        %add3A_590 = arith.constant 896 : i32
        %add3A_591 = arith.addi %mul3A_589, %add3A_590 : i32
        %mul3A_592 = arith.constant 16 : i32
        %mul3A_593 = arith.muli %scan3A_586, %mul3A_592 : i32
        %add3A_594 = arith.addi %add3A_591, %mul3A_593 : i32
        %mul3A_595 = arith.constant 8 : i32
        %mul3A_596 = arith.muli %add3A_594, %mul3A_595 : i32
        %add3A_597 = arith.addi %mul3A_596, %scan3A_68 : i32
        %broadcast_in_dim3A_598 = vector.broadcast %add3A_597 : i32 to vector<16xi32>
        %add3A_599 = arith.addi %mul3A_26, %broadcast_in_dim3A_598 : vector<16xi32>
        %mul3A_600 = arith.constant 16 : i32
        %mul3A_601 = arith.muli %scan3A_586, %mul3A_600 : i32
        %dma_start3A_602 = arith.constant 0 : i32
        %dma_start3A_603 = tpu.memref_slice %arg8[%mul3A_601, %dma_start3A_602] : memref<128x128xf32, #tpu.memory_space<vmem>> -> memref<16x128xf32, #tpu.memory_space<vmem>>
        %dma_start3A_604 = arith.constant 0 : i32
        %dma_start3A_605 = arith.constant 0 : i32
        %dma_start3A_606 = tpu.memref_slice %arg3[%dma_start3A_604, %dma_start3A_605] : memref<131072x128xf32, #tpu.memory_space<hbm>> -> memref<131072x128xf32, #tpu.memory_space<hbm>>
        tpu.enqueue_indirect_dma source(%dma_start3A_606 : memref<131072x128xf32, #tpu.memory_space<hbm>>) target(%dma_start3A_603 : memref<16x128xf32, #tpu.memory_space<vmem>>) offsets(%add3A_599 : vector<16xi32>) semaphore(%arg13 : memref<!tpu.dma_semaphore, #tpu.memory_space<semaphore_mem>>)
        %scan3A_607 = arith.constant 0 : i32
        scf.yield %scan3A_607 : i32
      }
      %scan3A_246 = arith.constant 8 : i32
      %dma_wait3A_247 = arith.constant 0 : i32
      %dma_wait3A_248 = arith.constant 0 : i32
      %dma_wait3A_249 = tpu.memref_slice %arg3[%dma_wait3A_247, %dma_wait3A_248] : memref<131072x128xf32, #tpu.memory_space<hbm>> -> memref<128x128xf32, #tpu.memory_space<hbm>>
      %dma_wait3A_250 = arith.constant 0 : i32
      %dma_wait3A_251 = arith.constant 0 : i32
      %dma_wait3A_252 = tpu.memref_slice %arg3[%dma_wait3A_250, %dma_wait3A_251] : memref<131072x128xf32, #tpu.memory_space<hbm>> -> memref<128x128xf32, #tpu.memory_space<hbm>>
      tpu.wait_dma2 semaphore(%arg13 : memref<!tpu.dma_semaphore, #tpu.memory_space<semaphore_mem>>) src(%dma_wait3A_252 : memref<128x128xf32, #tpu.memory_space<hbm>>) dst(%arg8 : memref<128x128xf32, #tpu.memory_space<vmem>>)
      %scan3A_253 = arith.constant 0 : i32
      %scan3A_254 = arith.constant 0 : i32
      %scan3A_255 = arith.constant 8 : i32
      %scan3A_256 = arith.addi %scan3A_254, %scan3A_255 : i32
      %scan3A_257 = arith.constant 1 : i32
      %scan3A_258 = scf.for %scan3A_586 = %scan3A_254 to %scan3A_256 step %scan3A_257 iter_args(%scan3A_587 = %scan3A_253) -> (i32)  : i32 {
        %mul3A_588 = arith.constant 16 : i32
        %mul3A_589 = arith.muli %scan3A_586, %mul3A_588 : i32
        %add3A_590 = arith.constant 896 : i32
        %add3A_591 = arith.addi %add3A_590, %mul3A_589 : i32
        %get3A = arith.index_cast %add3A_591 : i32 to index
        %get3A_592 = tpu.vector_load %arg6[%get3A] {strides = array<i32>} : memref<1024xi32, #tpu.memory_space<vmem>>, vector<16xi32>,
        %get3A_593 = vector.shape_cast %get3A_592 : vector<16xi32> to vector<16xi32>
        %ge3A = arith.cmpi sge, %get3A_593, %broadcast_in_dim3A_19 : vector<16xi32>
        %lt3A_594 = arith.cmpi slt, %get3A_593, %broadcast_in_dim3A_21 : vector<16xi32>
        %and3A = arith.andi %ge3A, %lt3A_594 : vector<16xi1>
        %sub3A = arith.subi %get3A_593, %broadcast_in_dim3A_19 : vector<16xi32>
        %select_n3A = arith.select %and3A, %sub3A, %broadcast_in_dim3A_23 : vector<16xi1>, vector<16xi32>
        %mul3A_595 = arith.constant 16 : i32
        %mul3A_596 = arith.muli %scan3A_586, %mul3A_595 : i32
        %dma_start3A_597 = arith.constant 0 : i32
        %dma_start3A_598 = tpu.memref_slice %arg8[%mul3A_596, %dma_start3A_597] : memref<128x128xf32, #tpu.memory_space<vmem>> -> memref<16x128xf32, #tpu.memory_space<vmem>>
        %dma_start3A_599 = arith.constant 0 : i32
        %dma_start3A_600 = arith.constant 0 : i32
        %dma_start3A_601 = tpu.memref_slice %arg11[%dma_start3A_599, %dma_start3A_600] : memref<8208x128xf32, #tpu.memory_space<vmem_shared>> -> memref<8208x128xf32, #tpu.memory_space<vmem_shared>>
        tpu.enqueue_indirect_dma source(%dma_start3A_598 : memref<16x128xf32, #tpu.memory_space<vmem>>) target(%dma_start3A_601 : memref<8208x128xf32, #tpu.memory_space<vmem_shared>>) offsets(%select_n3A : vector<16xi32>) semaphore(%arg15 : memref<!tpu.dma_semaphore, #tpu.memory_space<semaphore_mem>>) {add = true}
        %scan3A_602 = arith.constant 0 : i32
        scf.yield %scan3A_602 : i32
      }
      %scan3A_259 = arith.constant 8 : i32
      %dma_wait3A_260 = arith.constant 0 : i32
      %dma_wait3A_261 = arith.constant 0 : i32
      %dma_wait3A_262 = tpu.memref_slice %arg3[%dma_wait3A_260, %dma_wait3A_261] : memref<131072x128xf32, #tpu.memory_space<hbm>> -> memref<128x128xf32, #tpu.memory_space<hbm>>
      %dma_wait3A_263 = arith.constant 0 : i32
      %dma_wait3A_264 = arith.constant 0 : i32
      %dma_wait3A_265 = tpu.memref_slice %arg3[%dma_wait3A_263, %dma_wait3A_264] : memref<131072x128xf32, #tpu.memory_space<hbm>> -> memref<128x128xf32, #tpu.memory_space<hbm>>
      tpu.wait_dma2 semaphore(%arg14 : memref<!tpu.dma_semaphore, #tpu.memory_space<semaphore_mem>>) src(%dma_wait3A_265 : memref<128x128xf32, #tpu.memory_space<hbm>>) dst(%arg7 : memref<128x128xf32, #tpu.memory_space<vmem>>)
      %dma_wait3A_266 = arith.constant 0 : i32
      %dma_wait3A_267 = arith.constant 0 : i32
      %dma_wait3A_268 = tpu.memref_slice %arg3[%dma_wait3A_266, %dma_wait3A_267] : memref<131072x128xf32, #tpu.memory_space<hbm>> -> memref<128x128xf32, #tpu.memory_space<hbm>>
      %dma_wait3A_269 = arith.constant 0 : i32
      %dma_wait3A_270 = arith.constant 0 : i32
      %dma_wait3A_271 = tpu.memref_slice %arg3[%dma_wait3A_269, %dma_wait3A_270] : memref<131072x128xf32, #tpu.memory_space<hbm>> -> memref<128x128xf32, #tpu.memory_space<hbm>>
      tpu.wait_dma2 semaphore(%arg15 : memref<!tpu.dma_semaphore, #tpu.memory_space<semaphore_mem>>) src(%dma_wait3A_271 : memref<128x128xf32, #tpu.memory_space<hbm>>) dst(%arg8 : memref<128x128xf32, #tpu.memory_space<vmem>>)
      %add3A_272 = arith.constant 1 : i32
      %add3A_273 = arith.addi %scan3A_68, %add3A_272 : i32
      %lt3A = arith.constant 8 : i32
      %lt3A_274 = arith.cmpi slt, %add3A_273, %lt3A : i32
      %convert_element_type3A_275 = arith.extui %lt3A_274 : i1 to i32
      %cond3A_276 = arith.constant 0 : i32
      %cond3A_277 = arith.cmpi ne, %convert_element_type3A_275, %cond3A_276 : i32
      scf.if %cond3A_277 {
        %add3A_586 = arith.constant 1 : i32
        %add3A_587 = arith.addi %scan3A_68, %add3A_586 : i32
        %scan3A_588 = arith.constant 0 : i32
        %scan3A_589 = arith.constant 0 : i32
        %scan3A_590 = arith.constant 8 : i32
        %scan3A_591 = arith.addi %scan3A_589, %scan3A_590 : i32
        %scan3A_592 = arith.constant 1 : i32
        %scan3A_593 = scf.for %scan3A_595 = %scan3A_589 to %scan3A_591 step %scan3A_592 iter_args(%scan3A_596 = %scan3A_588) -> (i32)  : i32 {
          %mul3A_597 = arith.constant 1024 : i32
          %mul3A_598 = arith.muli %arg1, %mul3A_597 : i32
          %add3A_599 = arith.constant 0 : i32
          %add3A_600 = arith.addi %mul3A_598, %add3A_599 : i32
          %mul3A_601 = arith.constant 16 : i32
          %mul3A_602 = arith.muli %scan3A_595, %mul3A_601 : i32
          %add3A_603 = arith.addi %add3A_600, %mul3A_602 : i32
          %mul3A_604 = arith.constant 8 : i32
          %mul3A_605 = arith.muli %add3A_603, %mul3A_604 : i32
          %add3A_606 = arith.addi %mul3A_605, %add3A_587 : i32
          %broadcast_in_dim3A_607 = vector.broadcast %add3A_606 : i32 to vector<16xi32>
          %add3A_608 = arith.addi %mul3A_26, %broadcast_in_dim3A_607 : vector<16xi32>
          %mul3A_609 = arith.constant 16 : i32
          %mul3A_610 = arith.muli %scan3A_595, %mul3A_609 : i32
          %dma_start3A_611 = arith.constant 0 : i32
          %dma_start3A_612 = tpu.memref_slice %arg7[%mul3A_610, %dma_start3A_611] : memref<128x128xf32, #tpu.memory_space<vmem>> -> memref<16x128xf32, #tpu.memory_space<vmem>>
          %dma_start3A_613 = arith.constant 0 : i32
          %dma_start3A_614 = arith.constant 0 : i32
          %dma_start3A_615 = tpu.memref_slice %arg3[%dma_start3A_613, %dma_start3A_614] : memref<131072x128xf32, #tpu.memory_space<hbm>> -> memref<131072x128xf32, #tpu.memory_space<hbm>>
          tpu.enqueue_indirect_dma source(%dma_start3A_615 : memref<131072x128xf32, #tpu.memory_space<hbm>>) target(%dma_start3A_612 : memref<16x128xf32, #tpu.memory_space<vmem>>) offsets(%add3A_608 : vector<16xi32>) semaphore(%arg12 : memref<!tpu.dma_semaphore, #tpu.memory_space<semaphore_mem>>)
          %scan3A_616 = arith.constant 0 : i32
          scf.yield %scan3A_616 : i32
        }
        %scan3A_594 = arith.constant 8 : i32
      } else {
      }
      %barrier3A_278 = arith.constant 0 : index
      tpu.barrier barrier_id(%barrier3A_278)
      %mul3A_279 = arith.constant 128 : i32
      %mul3A_280 = arith.muli %scan3A_68, %mul3A_279 : i32
      %multiple_of3A = tpu.assume_multiple %mul3A_280, 128 : i32
      %mul3A_281 = arith.constant 512 : i32
      %mul3A_282 = arith.muli %arg1, %mul3A_281 : i32
      %add3A_283 = arith.constant 0 : i32
      %add3A_284 = arith.addi %mul3A_282, %add3A_283 : i32
      %mul3A_285 = arith.constant 512 : i32
      %mul3A_286 = arith.muli %arg1, %mul3A_285 : i32
      %add3A_287 = arith.addi %mul3A_18, %mul3A_286 : i32
      %add3A_288 = arith.constant 0 : i32
      %add3A_289 = arith.addi %add3A_287, %add3A_288 : i32
      %dma_start3A = tpu.memref_slice %arg4[%add3A_289, %multiple_of3A] : memref<16384x1024xf32, #tpu.memory_space<hbm>> -> memref<64x128xf32, #tpu.memory_space<hbm>>
      %dma_start3A_290 = arith.constant 0 : i32
      %dma_start3A_291 = tpu.memref_slice %arg11[%add3A_284, %dma_start3A_290] : memref<8208x128xf32, #tpu.memory_space<vmem_shared>> -> memref<64x128xf32, #tpu.memory_space<vmem_shared>>
      tpu.enqueue_dma source(%dma_start3A_291 : memref<64x128xf32, #tpu.memory_space<vmem_shared>>) target(%dma_start3A : memref<64x128xf32, #tpu.memory_space<hbm>>) target_semaphore(%arg16 : memref<!tpu.dma_semaphore, #tpu.memory_space<semaphore_mem>>)
      %mul3A_292 = arith.constant 512 : i32
      %mul3A_293 = arith.muli %arg1, %mul3A_292 : i32
      %add3A_294 = arith.constant 64 : i32
      %add3A_295 = arith.addi %mul3A_293, %add3A_294 : i32
      %mul3A_296 = arith.constant 512 : i32
      %mul3A_297 = arith.muli %arg1, %mul3A_296 : i32
      %add3A_298 = arith.addi %mul3A_18, %mul3A_297 : i32
      %add3A_299 = arith.constant 64 : i32
      %add3A_300 = arith.addi %add3A_298, %add3A_299 : i32
      %dma_start3A_301 = tpu.memref_slice %arg4[%add3A_300, %multiple_of3A] : memref<16384x1024xf32, #tpu.memory_space<hbm>> -> memref<64x128xf32, #tpu.memory_space<hbm>>
      %dma_start3A_302 = arith.constant 0 : i32
      %dma_start3A_303 = tpu.memref_slice %arg11[%add3A_295, %dma_start3A_302] : memref<8208x128xf32, #tpu.memory_space<vmem_shared>> -> memref<64x128xf32, #tpu.memory_space<vmem_shared>>
      tpu.enqueue_dma source(%dma_start3A_303 : memref<64x128xf32, #tpu.memory_space<vmem_shared>>) target(%dma_start3A_301 : memref<64x128xf32, #tpu.memory_space<hbm>>) target_semaphore(%arg16 : memref<!tpu.dma_semaphore, #tpu.memory_space<semaphore_mem>>)
      %mul3A_304 = arith.constant 512 : i32
      %mul3A_305 = arith.muli %arg1, %mul3A_304 : i32
      %add3A_306 = arith.constant 128 : i32
      %add3A_307 = arith.addi %mul3A_305, %add3A_306 : i32
      %mul3A_308 = arith.constant 512 : i32
      %mul3A_309 = arith.muli %arg1, %mul3A_308 : i32
      %add3A_310 = arith.addi %mul3A_18, %mul3A_309 : i32
      %add3A_311 = arith.constant 128 : i32
      %add3A_312 = arith.addi %add3A_310, %add3A_311 : i32
      %dma_start3A_313 = tpu.memref_slice %arg4[%add3A_312, %multiple_of3A] : memref<16384x1024xf32, #tpu.memory_space<hbm>> -> memref<64x128xf32, #tpu.memory_space<hbm>>
      %dma_start3A_314 = arith.constant 0 : i32
      %dma_start3A_315 = tpu.memref_slice %arg11[%add3A_307, %dma_start3A_314] : memref<8208x128xf32, #tpu.memory_space<vmem_shared>> -> memref<64x128xf32, #tpu.memory_space<vmem_shared>>
      tpu.enqueue_dma source(%dma_start3A_315 : memref<64x128xf32, #tpu.memory_space<vmem_shared>>) target(%dma_start3A_313 : memref<64x128xf32, #tpu.memory_space<hbm>>) target_semaphore(%arg16 : memref<!tpu.dma_semaphore, #tpu.memory_space<semaphore_mem>>)
      %mul3A_316 = arith.constant 512 : i32
      %mul3A_317 = arith.muli %arg1, %mul3A_316 : i32
      %add3A_318 = arith.constant 192 : i32
      %add3A_319 = arith.addi %mul3A_317, %add3A_318 : i32
      %mul3A_320 = arith.constant 512 : i32
      %mul3A_321 = arith.muli %arg1, %mul3A_320 : i32
      %add3A_322 = arith.addi %mul3A_18, %mul3A_321 : i32
      %add3A_323 = arith.constant 192 : i32
      %add3A_324 = arith.addi %add3A_322, %add3A_323 : i32
      %dma_start3A_325 = tpu.memref_slice %arg4[%add3A_324, %multiple_of3A] : memref<16384x1024xf32, #tpu.memory_space<hbm>> -> memref<64x128xf32, #tpu.memory_space<hbm>>
      %dma_start3A_326 = arith.constant 0 : i32
      %dma_start3A_327 = tpu.memref_slice %arg11[%add3A_319, %dma_start3A_326] : memref<8208x128xf32, #tpu.memory_space<vmem_shared>> -> memref<64x128xf32, #tpu.memory_space<vmem_shared>>
      tpu.enqueue_dma source(%dma_start3A_327 : memref<64x128xf32, #tpu.memory_space<vmem_shared>>) target(%dma_start3A_325 : memref<64x128xf32, #tpu.memory_space<hbm>>) target_semaphore(%arg16 : memref<!tpu.dma_semaphore, #tpu.memory_space<semaphore_mem>>)
      %mul3A_328 = arith.constant 512 : i32
      %mul3A_329 = arith.muli %arg1, %mul3A_328 : i32
      %add3A_330 = arith.constant 256 : i32
      %add3A_331 = arith.addi %mul3A_329, %add3A_330 : i32
      %mul3A_332 = arith.constant 512 : i32
      %mul3A_333 = arith.muli %arg1, %mul3A_332 : i32
      %add3A_334 = arith.addi %mul3A_18, %mul3A_333 : i32
      %add3A_335 = arith.constant 256 : i32
      %add3A_336 = arith.addi %add3A_334, %add3A_335 : i32
      %dma_start3A_337 = tpu.memref_slice %arg4[%add3A_336, %multiple_of3A] : memref<16384x1024xf32, #tpu.memory_space<hbm>> -> memref<64x128xf32, #tpu.memory_space<hbm>>
      %dma_start3A_338 = arith.constant 0 : i32
      %dma_start3A_339 = tpu.memref_slice %arg11[%add3A_331, %dma_start3A_338] : memref<8208x128xf32, #tpu.memory_space<vmem_shared>> -> memref<64x128xf32, #tpu.memory_space<vmem_shared>>
      tpu.enqueue_dma source(%dma_start3A_339 : memref<64x128xf32, #tpu.memory_space<vmem_shared>>) target(%dma_start3A_337 : memref<64x128xf32, #tpu.memory_space<hbm>>) target_semaphore(%arg16 : memref<!tpu.dma_semaphore, #tpu.memory_space<semaphore_mem>>)
      %mul3A_340 = arith.constant 512 : i32
      %mul3A_341 = arith.muli %arg1, %mul3A_340 : i32
      %add3A_342 = arith.constant 320 : i32
      %add3A_343 = arith.addi %mul3A_341, %add3A_342 : i32
      %mul3A_344 = arith.constant 512 : i32
      %mul3A_345 = arith.muli %arg1, %mul3A_344 : i32
      %add3A_346 = arith.addi %mul3A_18, %mul3A_345 : i32
      %add3A_347 = arith.constant 320 : i32
      %add3A_348 = arith.addi %add3A_346, %add3A_347 : i32
      %dma_start3A_349 = tpu.memref_slice %arg4[%add3A_348, %multiple_of3A] : memref<16384x1024xf32, #tpu.memory_space<hbm>> -> memref<64x128xf32, #tpu.memory_space<hbm>>
      %dma_start3A_350 = arith.constant 0 : i32
      %dma_start3A_351 = tpu.memref_slice %arg11[%add3A_343, %dma_start3A_350] : memref<8208x128xf32, #tpu.memory_space<vmem_shared>> -> memref<64x128xf32, #tpu.memory_space<vmem_shared>>
      tpu.enqueue_dma source(%dma_start3A_351 : memref<64x128xf32, #tpu.memory_space<vmem_shared>>) target(%dma_start3A_349 : memref<64x128xf32, #tpu.memory_space<hbm>>) target_semaphore(%arg16 : memref<!tpu.dma_semaphore, #tpu.memory_space<semaphore_mem>>)
      %mul3A_352 = arith.constant 512 : i32
      %mul3A_353 = arith.muli %arg1, %mul3A_352 : i32
      %add3A_354 = arith.constant 384 : i32
      %add3A_355 = arith.addi %mul3A_353, %add3A_354 : i32
      %mul3A_356 = arith.constant 512 : i32
      %mul3A_357 = arith.muli %arg1, %mul3A_356 : i32
      %add3A_358 = arith.addi %mul3A_18, %mul3A_357 : i32
      %add3A_359 = arith.constant 384 : i32
      %add3A_360 = arith.addi %add3A_358, %add3A_359 : i32
      %dma_start3A_361 = tpu.memref_slice %arg4[%add3A_360, %multiple_of3A] : memref<16384x1024xf32, #tpu.memory_space<hbm>> -> memref<64x128xf32, #tpu.memory_space<hbm>>
      %dma_start3A_362 = arith.constant 0 : i32
      %dma_start3A_363 = tpu.memref_slice %arg11[%add3A_355, %dma_start3A_362] : memref<8208x128xf32, #tpu.memory_space<vmem_shared>> -> memref<64x128xf32, #tpu.memory_space<vmem_shared>>
      tpu.enqueue_dma source(%dma_start3A_363 : memref<64x128xf32, #tpu.memory_space<vmem_shared>>) target(%dma_start3A_361 : memref<64x128xf32, #tpu.memory_space<hbm>>) target_semaphore(%arg16 : memref<!tpu.dma_semaphore, #tpu.memory_space<semaphore_mem>>)
      %mul3A_364 = arith.constant 512 : i32
      %mul3A_365 = arith.muli %arg1, %mul3A_364 : i32
      %add3A_366 = arith.constant 448 : i32
      %add3A_367 = arith.addi %mul3A_365, %add3A_366 : i32
      %mul3A_368 = arith.constant 512 : i32
      %mul3A_369 = arith.muli %arg1, %mul3A_368 : i32
      %add3A_370 = arith.addi %mul3A_18, %mul3A_369 : i32
      %add3A_371 = arith.constant 448 : i32
      %add3A_372 = arith.addi %add3A_370, %add3A_371 : i32
      %dma_start3A_373 = tpu.memref_slice %arg4[%add3A_372, %multiple_of3A] : memref<16384x1024xf32, #tpu.memory_space<hbm>> -> memref<64x128xf32, #tpu.memory_space<hbm>>
      %dma_start3A_374 = arith.constant 0 : i32
      %dma_start3A_375 = tpu.memref_slice %arg11[%add3A_367, %dma_start3A_374] : memref<8208x128xf32, #tpu.memory_space<vmem_shared>> -> memref<64x128xf32, #tpu.memory_space<vmem_shared>>
      tpu.enqueue_dma source(%dma_start3A_375 : memref<64x128xf32, #tpu.memory_space<vmem_shared>>) target(%dma_start3A_373 : memref<64x128xf32, #tpu.memory_space<hbm>>) target_semaphore(%arg16 : memref<!tpu.dma_semaphore, #tpu.memory_space<semaphore_mem>>)
      %mul3A_376 = arith.constant 512 : i32
      %mul3A_377 = arith.muli %arg1, %mul3A_376 : i32
      %add3A_378 = arith.constant 0 : i32
      %add3A_379 = arith.addi %mul3A_377, %add3A_378 : i32
      %mul3A_380 = arith.constant 512 : i32
      %mul3A_381 = arith.muli %arg1, %mul3A_380 : i32
      %add3A_382 = arith.addi %mul3A_18, %mul3A_381 : i32
      %add3A_383 = arith.constant 0 : i32
      %add3A_384 = arith.addi %add3A_382, %add3A_383 : i32
      %dma_wait3A_385 = tpu.memref_slice %arg4[%add3A_384, %multiple_of3A] : memref<16384x1024xf32, #tpu.memory_space<hbm>> -> memref<64x128xf32, #tpu.memory_space<hbm>>
      %dma_wait3A_386 = arith.constant 0 : i32
      %dma_wait3A_387 = tpu.memref_slice %arg11[%add3A_379, %dma_wait3A_386] : memref<8208x128xf32, #tpu.memory_space<vmem_shared>> -> memref<64x128xf32, #tpu.memory_space<vmem_shared>>
      tpu.wait_dma2 semaphore(%arg16 : memref<!tpu.dma_semaphore, #tpu.memory_space<semaphore_mem>>) src(%dma_wait3A_387 : memref<64x128xf32, #tpu.memory_space<vmem_shared>>) dst(%dma_wait3A_385 : memref<64x128xf32, #tpu.memory_space<hbm>>)
      %mul3A_388 = arith.constant 512 : i32
      %mul3A_389 = arith.muli %arg1, %mul3A_388 : i32
      %add3A_390 = arith.constant 0 : i32
      %add3A_391 = arith.addi %mul3A_389, %add3A_390 : i32
      %dma_start3A_392 = arith.constant 0 : i32
      %dma_start3A_393 = tpu.memref_slice %arg11[%add3A_391, %dma_start3A_392] : memref<8208x128xf32, #tpu.memory_space<vmem_shared>> -> memref<64x128xf32, #tpu.memory_space<vmem_shared>>
      %dma_start3A_394 = arith.constant 0 : i32
      %dma_start3A_395 = tpu.memref_slice %arg11[%add3A_391, %dma_start3A_394] : memref<8208x128xf32, #tpu.memory_space<vmem_shared>> -> memref<64x128xf32, #tpu.memory_space<vmem_shared>>
      tpu.enqueue_dma source(%arg10 : memref<64x128xf32, #tpu.memory_space<vmem>>) target(%dma_start3A_395 : memref<64x128xf32, #tpu.memory_space<vmem_shared>>) target_semaphore(%arg17 : memref<!tpu.dma_semaphore, #tpu.memory_space<semaphore_mem>>)
      %mul3A_396 = arith.constant 512 : i32
      %mul3A_397 = arith.muli %arg1, %mul3A_396 : i32
      %add3A_398 = arith.constant 64 : i32
      %add3A_399 = arith.addi %mul3A_397, %add3A_398 : i32
      %mul3A_400 = arith.constant 512 : i32
      %mul3A_401 = arith.muli %arg1, %mul3A_400 : i32
      %add3A_402 = arith.addi %mul3A_18, %mul3A_401 : i32
      %add3A_403 = arith.constant 64 : i32
      %add3A_404 = arith.addi %add3A_402, %add3A_403 : i32
      %dma_wait3A_405 = tpu.memref_slice %arg4[%add3A_404, %multiple_of3A] : memref<16384x1024xf32, #tpu.memory_space<hbm>> -> memref<64x128xf32, #tpu.memory_space<hbm>>
      %dma_wait3A_406 = arith.constant 0 : i32
      %dma_wait3A_407 = tpu.memref_slice %arg11[%add3A_399, %dma_wait3A_406] : memref<8208x128xf32, #tpu.memory_space<vmem_shared>> -> memref<64x128xf32, #tpu.memory_space<vmem_shared>>
      tpu.wait_dma2 semaphore(%arg16 : memref<!tpu.dma_semaphore, #tpu.memory_space<semaphore_mem>>) src(%dma_wait3A_407 : memref<64x128xf32, #tpu.memory_space<vmem_shared>>) dst(%dma_wait3A_405 : memref<64x128xf32, #tpu.memory_space<hbm>>)
      %mul3A_408 = arith.constant 512 : i32
      %mul3A_409 = arith.muli %arg1, %mul3A_408 : i32
      %add3A_410 = arith.constant 64 : i32
      %add3A_411 = arith.addi %mul3A_409, %add3A_410 : i32
      %dma_start3A_412 = arith.constant 0 : i32
      %dma_start3A_413 = tpu.memref_slice %arg11[%add3A_411, %dma_start3A_412] : memref<8208x128xf32, #tpu.memory_space<vmem_shared>> -> memref<64x128xf32, #tpu.memory_space<vmem_shared>>
      %dma_start3A_414 = arith.constant 0 : i32
      %dma_start3A_415 = tpu.memref_slice %arg11[%add3A_411, %dma_start3A_414] : memref<8208x128xf32, #tpu.memory_space<vmem_shared>> -> memref<64x128xf32, #tpu.memory_space<vmem_shared>>
      tpu.enqueue_dma source(%arg10 : memref<64x128xf32, #tpu.memory_space<vmem>>) target(%dma_start3A_415 : memref<64x128xf32, #tpu.memory_space<vmem_shared>>) target_semaphore(%arg17 : memref<!tpu.dma_semaphore, #tpu.memory_space<semaphore_mem>>)
      %mul3A_416 = arith.constant 512 : i32
      %mul3A_417 = arith.muli %arg1, %mul3A_416 : i32
      %add3A_418 = arith.constant 128 : i32
      %add3A_419 = arith.addi %mul3A_417, %add3A_418 : i32
      %mul3A_420 = arith.constant 512 : i32
      %mul3A_421 = arith.muli %arg1, %mul3A_420 : i32
      %add3A_422 = arith.addi %mul3A_18, %mul3A_421 : i32
      %add3A_423 = arith.constant 128 : i32
      %add3A_424 = arith.addi %add3A_422, %add3A_423 : i32
      %dma_wait3A_425 = tpu.memref_slice %arg4[%add3A_424, %multiple_of3A] : memref<16384x1024xf32, #tpu.memory_space<hbm>> -> memref<64x128xf32, #tpu.memory_space<hbm>>
      %dma_wait3A_426 = arith.constant 0 : i32
      %dma_wait3A_427 = tpu.memref_slice %arg11[%add3A_419, %dma_wait3A_426] : memref<8208x128xf32, #tpu.memory_space<vmem_shared>> -> memref<64x128xf32, #tpu.memory_space<vmem_shared>>
      tpu.wait_dma2 semaphore(%arg16 : memref<!tpu.dma_semaphore, #tpu.memory_space<semaphore_mem>>) src(%dma_wait3A_427 : memref<64x128xf32, #tpu.memory_space<vmem_shared>>) dst(%dma_wait3A_425 : memref<64x128xf32, #tpu.memory_space<hbm>>)
      %mul3A_428 = arith.constant 512 : i32
      %mul3A_429 = arith.muli %arg1, %mul3A_428 : i32
      %add3A_430 = arith.constant 128 : i32
      %add3A_431 = arith.addi %mul3A_429, %add3A_430 : i32
      %dma_start3A_432 = arith.constant 0 : i32
      %dma_start3A_433 = tpu.memref_slice %arg11[%add3A_431, %dma_start3A_432] : memref<8208x128xf32, #tpu.memory_space<vmem_shared>> -> memref<64x128xf32, #tpu.memory_space<vmem_shared>>
      %dma_start3A_434 = arith.constant 0 : i32
      %dma_start3A_435 = tpu.memref_slice %arg11[%add3A_431, %dma_start3A_434] : memref<8208x128xf32, #tpu.memory_space<vmem_shared>> -> memref<64x128xf32, #tpu.memory_space<vmem_shared>>
      tpu.enqueue_dma source(%arg10 : memref<64x128xf32, #tpu.memory_space<vmem>>) target(%dma_start3A_435 : memref<64x128xf32, #tpu.memory_space<vmem_shared>>) target_semaphore(%arg17 : memref<!tpu.dma_semaphore, #tpu.memory_space<semaphore_mem>>)
      %mul3A_436 = arith.constant 512 : i32
      %mul3A_437 = arith.muli %arg1, %mul3A_436 : i32
      %add3A_438 = arith.constant 192 : i32
      %add3A_439 = arith.addi %mul3A_437, %add3A_438 : i32
      %mul3A_440 = arith.constant 512 : i32
      %mul3A_441 = arith.muli %arg1, %mul3A_440 : i32
      %add3A_442 = arith.addi %mul3A_18, %mul3A_441 : i32
      %add3A_443 = arith.constant 192 : i32
      %add3A_444 = arith.addi %add3A_442, %add3A_443 : i32
      %dma_wait3A_445 = tpu.memref_slice %arg4[%add3A_444, %multiple_of3A] : memref<16384x1024xf32, #tpu.memory_space<hbm>> -> memref<64x128xf32, #tpu.memory_space<hbm>>
      %dma_wait3A_446 = arith.constant 0 : i32
      %dma_wait3A_447 = tpu.memref_slice %arg11[%add3A_439, %dma_wait3A_446] : memref<8208x128xf32, #tpu.memory_space<vmem_shared>> -> memref<64x128xf32, #tpu.memory_space<vmem_shared>>
      tpu.wait_dma2 semaphore(%arg16 : memref<!tpu.dma_semaphore, #tpu.memory_space<semaphore_mem>>) src(%dma_wait3A_447 : memref<64x128xf32, #tpu.memory_space<vmem_shared>>) dst(%dma_wait3A_445 : memref<64x128xf32, #tpu.memory_space<hbm>>)
      %mul3A_448 = arith.constant 512 : i32
      %mul3A_449 = arith.muli %arg1, %mul3A_448 : i32
      %add3A_450 = arith.constant 192 : i32
      %add3A_451 = arith.addi %mul3A_449, %add3A_450 : i32
      %dma_start3A_452 = arith.constant 0 : i32
      %dma_start3A_453 = tpu.memref_slice %arg11[%add3A_451, %dma_start3A_452] : memref<8208x128xf32, #tpu.memory_space<vmem_shared>> -> memref<64x128xf32, #tpu.memory_space<vmem_shared>>
      %dma_start3A_454 = arith.constant 0 : i32
      %dma_start3A_455 = tpu.memref_slice %arg11[%add3A_451, %dma_start3A_454] : memref<8208x128xf32, #tpu.memory_space<vmem_shared>> -> memref<64x128xf32, #tpu.memory_space<vmem_shared>>
      tpu.enqueue_dma source(%arg10 : memref<64x128xf32, #tpu.memory_space<vmem>>) target(%dma_start3A_455 : memref<64x128xf32, #tpu.memory_space<vmem_shared>>) target_semaphore(%arg17 : memref<!tpu.dma_semaphore, #tpu.memory_space<semaphore_mem>>)
      %mul3A_456 = arith.constant 512 : i32
      %mul3A_457 = arith.muli %arg1, %mul3A_456 : i32
      %add3A_458 = arith.constant 256 : i32
      %add3A_459 = arith.addi %mul3A_457, %add3A_458 : i32
      %mul3A_460 = arith.constant 512 : i32
      %mul3A_461 = arith.muli %arg1, %mul3A_460 : i32
      %add3A_462 = arith.addi %mul3A_18, %mul3A_461 : i32
      %add3A_463 = arith.constant 256 : i32
      %add3A_464 = arith.addi %add3A_462, %add3A_463 : i32
      %dma_wait3A_465 = tpu.memref_slice %arg4[%add3A_464, %multiple_of3A] : memref<16384x1024xf32, #tpu.memory_space<hbm>> -> memref<64x128xf32, #tpu.memory_space<hbm>>
      %dma_wait3A_466 = arith.constant 0 : i32
      %dma_wait3A_467 = tpu.memref_slice %arg11[%add3A_459, %dma_wait3A_466] : memref<8208x128xf32, #tpu.memory_space<vmem_shared>> -> memref<64x128xf32, #tpu.memory_space<vmem_shared>>
      tpu.wait_dma2 semaphore(%arg16 : memref<!tpu.dma_semaphore, #tpu.memory_space<semaphore_mem>>) src(%dma_wait3A_467 : memref<64x128xf32, #tpu.memory_space<vmem_shared>>) dst(%dma_wait3A_465 : memref<64x128xf32, #tpu.memory_space<hbm>>)
      %mul3A_468 = arith.constant 512 : i32
      %mul3A_469 = arith.muli %arg1, %mul3A_468 : i32
      %add3A_470 = arith.constant 256 : i32
      %add3A_471 = arith.addi %mul3A_469, %add3A_470 : i32
      %dma_start3A_472 = arith.constant 0 : i32
      %dma_start3A_473 = tpu.memref_slice %arg11[%add3A_471, %dma_start3A_472] : memref<8208x128xf32, #tpu.memory_space<vmem_shared>> -> memref<64x128xf32, #tpu.memory_space<vmem_shared>>
      %dma_start3A_474 = arith.constant 0 : i32
      %dma_start3A_475 = tpu.memref_slice %arg11[%add3A_471, %dma_start3A_474] : memref<8208x128xf32, #tpu.memory_space<vmem_shared>> -> memref<64x128xf32, #tpu.memory_space<vmem_shared>>
      tpu.enqueue_dma source(%arg10 : memref<64x128xf32, #tpu.memory_space<vmem>>) target(%dma_start3A_475 : memref<64x128xf32, #tpu.memory_space<vmem_shared>>) target_semaphore(%arg17 : memref<!tpu.dma_semaphore, #tpu.memory_space<semaphore_mem>>)
      %mul3A_476 = arith.constant 512 : i32
      %mul3A_477 = arith.muli %arg1, %mul3A_476 : i32
      %add3A_478 = arith.constant 320 : i32
      %add3A_479 = arith.addi %mul3A_477, %add3A_478 : i32
      %mul3A_480 = arith.constant 512 : i32
      %mul3A_481 = arith.muli %arg1, %mul3A_480 : i32
      %add3A_482 = arith.addi %mul3A_18, %mul3A_481 : i32
      %add3A_483 = arith.constant 320 : i32
      %add3A_484 = arith.addi %add3A_482, %add3A_483 : i32
      %dma_wait3A_485 = tpu.memref_slice %arg4[%add3A_484, %multiple_of3A] : memref<16384x1024xf32, #tpu.memory_space<hbm>> -> memref<64x128xf32, #tpu.memory_space<hbm>>
      %dma_wait3A_486 = arith.constant 0 : i32
      %dma_wait3A_487 = tpu.memref_slice %arg11[%add3A_479, %dma_wait3A_486] : memref<8208x128xf32, #tpu.memory_space<vmem_shared>> -> memref<64x128xf32, #tpu.memory_space<vmem_shared>>
      tpu.wait_dma2 semaphore(%arg16 : memref<!tpu.dma_semaphore, #tpu.memory_space<semaphore_mem>>) src(%dma_wait3A_487 : memref<64x128xf32, #tpu.memory_space<vmem_shared>>) dst(%dma_wait3A_485 : memref<64x128xf32, #tpu.memory_space<hbm>>)
      %mul3A_488 = arith.constant 512 : i32
      %mul3A_489 = arith.muli %arg1, %mul3A_488 : i32
      %add3A_490 = arith.constant 320 : i32
      %add3A_491 = arith.addi %mul3A_489, %add3A_490 : i32
      %dma_start3A_492 = arith.constant 0 : i32
      %dma_start3A_493 = tpu.memref_slice %arg11[%add3A_491, %dma_start3A_492] : memref<8208x128xf32, #tpu.memory_space<vmem_shared>> -> memref<64x128xf32, #tpu.memory_space<vmem_shared>>
      %dma_start3A_494 = arith.constant 0 : i32
      %dma_start3A_495 = tpu.memref_slice %arg11[%add3A_491, %dma_start3A_494] : memref<8208x128xf32, #tpu.memory_space<vmem_shared>> -> memref<64x128xf32, #tpu.memory_space<vmem_shared>>
      tpu.enqueue_dma source(%arg10 : memref<64x128xf32, #tpu.memory_space<vmem>>) target(%dma_start3A_495 : memref<64x128xf32, #tpu.memory_space<vmem_shared>>) target_semaphore(%arg17 : memref<!tpu.dma_semaphore, #tpu.memory_space<semaphore_mem>>)
      %mul3A_496 = arith.constant 512 : i32
      %mul3A_497 = arith.muli %arg1, %mul3A_496 : i32
      %add3A_498 = arith.constant 384 : i32
      %add3A_499 = arith.addi %mul3A_497, %add3A_498 : i32
      %mul3A_500 = arith.constant 512 : i32
      %mul3A_501 = arith.muli %arg1, %mul3A_500 : i32
      %add3A_502 = arith.addi %mul3A_18, %mul3A_501 : i32
      %add3A_503 = arith.constant 384 : i32
      %add3A_504 = arith.addi %add3A_502, %add3A_503 : i32
      %dma_wait3A_505 = tpu.memref_slice %arg4[%add3A_504, %multiple_of3A] : memref<16384x1024xf32, #tpu.memory_space<hbm>> -> memref<64x128xf32, #tpu.memory_space<hbm>>
      %dma_wait3A_506 = arith.constant 0 : i32
      %dma_wait3A_507 = tpu.memref_slice %arg11[%add3A_499, %dma_wait3A_506] : memref<8208x128xf32, #tpu.memory_space<vmem_shared>> -> memref<64x128xf32, #tpu.memory_space<vmem_shared>>
      tpu.wait_dma2 semaphore(%arg16 : memref<!tpu.dma_semaphore, #tpu.memory_space<semaphore_mem>>) src(%dma_wait3A_507 : memref<64x128xf32, #tpu.memory_space<vmem_shared>>) dst(%dma_wait3A_505 : memref<64x128xf32, #tpu.memory_space<hbm>>)
      %mul3A_508 = arith.constant 512 : i32
      %mul3A_509 = arith.muli %arg1, %mul3A_508 : i32
      %add3A_510 = arith.constant 384 : i32
      %add3A_511 = arith.addi %mul3A_509, %add3A_510 : i32
      %dma_start3A_512 = arith.constant 0 : i32
      %dma_start3A_513 = tpu.memref_slice %arg11[%add3A_511, %dma_start3A_512] : memref<8208x128xf32, #tpu.memory_space<vmem_shared>> -> memref<64x128xf32, #tpu.memory_space<vmem_shared>>
      %dma_start3A_514 = arith.constant 0 : i32
      %dma_start3A_515 = tpu.memref_slice %arg11[%add3A_511, %dma_start3A_514] : memref<8208x128xf32, #tpu.memory_space<vmem_shared>> -> memref<64x128xf32, #tpu.memory_space<vmem_shared>>
      tpu.enqueue_dma source(%arg10 : memref<64x128xf32, #tpu.memory_space<vmem>>) target(%dma_start3A_515 : memref<64x128xf32, #tpu.memory_space<vmem_shared>>) target_semaphore(%arg17 : memref<!tpu.dma_semaphore, #tpu.memory_space<semaphore_mem>>)
      %mul3A_516 = arith.constant 512 : i32
      %mul3A_517 = arith.muli %arg1, %mul3A_516 : i32
      %add3A_518 = arith.constant 448 : i32
      %add3A_519 = arith.addi %mul3A_517, %add3A_518 : i32
      %mul3A_520 = arith.constant 512 : i32
      %mul3A_521 = arith.muli %arg1, %mul3A_520 : i32
      %add3A_522 = arith.addi %mul3A_18, %mul3A_521 : i32
      %add3A_523 = arith.constant 448 : i32
      %add3A_524 = arith.addi %add3A_522, %add3A_523 : i32
      %dma_wait3A_525 = tpu.memref_slice %arg4[%add3A_524, %multiple_of3A] : memref<16384x1024xf32, #tpu.memory_space<hbm>> -> memref<64x128xf32, #tpu.memory_space<hbm>>
      %dma_wait3A_526 = arith.constant 0 : i32
      %dma_wait3A_527 = tpu.memref_slice %arg11[%add3A_519, %dma_wait3A_526] : memref<8208x128xf32, #tpu.memory_space<vmem_shared>> -> memref<64x128xf32, #tpu.memory_space<vmem_shared>>
      tpu.wait_dma2 semaphore(%arg16 : memref<!tpu.dma_semaphore, #tpu.memory_space<semaphore_mem>>) src(%dma_wait3A_527 : memref<64x128xf32, #tpu.memory_space<vmem_shared>>) dst(%dma_wait3A_525 : memref<64x128xf32, #tpu.memory_space<hbm>>)
      %mul3A_528 = arith.constant 512 : i32
      %mul3A_529 = arith.muli %arg1, %mul3A_528 : i32
      %add3A_530 = arith.constant 448 : i32
      %add3A_531 = arith.addi %mul3A_529, %add3A_530 : i32
      %dma_start3A_532 = arith.constant 0 : i32
      %dma_start3A_533 = tpu.memref_slice %arg11[%add3A_531, %dma_start3A_532] : memref<8208x128xf32, #tpu.memory_space<vmem_shared>> -> memref<64x128xf32, #tpu.memory_space<vmem_shared>>
      %dma_start3A_534 = arith.constant 0 : i32
      %dma_start3A_535 = tpu.memref_slice %arg11[%add3A_531, %dma_start3A_534] : memref<8208x128xf32, #tpu.memory_space<vmem_shared>> -> memref<64x128xf32, #tpu.memory_space<vmem_shared>>
      tpu.enqueue_dma source(%arg10 : memref<64x128xf32, #tpu.memory_space<vmem>>) target(%dma_start3A_535 : memref<64x128xf32, #tpu.memory_space<vmem_shared>>) target_semaphore(%arg17 : memref<!tpu.dma_semaphore, #tpu.memory_space<semaphore_mem>>)
      %mul3A_536 = arith.constant 512 : i32
      %mul3A_537 = arith.muli %arg1, %mul3A_536 : i32
      %dma_wait3A_538 = arith.constant 0 : i32
      %dma_wait3A_539 = tpu.memref_slice %arg11[%mul3A_537, %dma_wait3A_538] : memref<8208x128xf32, #tpu.memory_space<vmem_shared>> -> memref<64x128xf32, #tpu.memory_space<vmem_shared>>
      %dma_wait3A_540 = arith.constant 0 : i32
      %dma_wait3A_541 = tpu.memref_slice %arg11[%mul3A_537, %dma_wait3A_540] : memref<8208x128xf32, #tpu.memory_space<vmem_shared>> -> memref<64x128xf32, #tpu.memory_space<vmem_shared>>
      tpu.wait_dma2 semaphore(%arg17 : memref<!tpu.dma_semaphore, #tpu.memory_space<semaphore_mem>>) src(%arg10 : memref<64x128xf32, #tpu.memory_space<vmem>>) dst(%dma_wait3A_541 : memref<64x128xf32, #tpu.memory_space<vmem_shared>>)
      %mul3A_542 = arith.constant 512 : i32
      %mul3A_543 = arith.muli %arg1, %mul3A_542 : i32
      %dma_wait3A_544 = arith.constant 0 : i32
      %dma_wait3A_545 = tpu.memref_slice %arg11[%mul3A_543, %dma_wait3A_544] : memref<8208x128xf32, #tpu.memory_space<vmem_shared>> -> memref<64x128xf32, #tpu.memory_space<vmem_shared>>
      %dma_wait3A_546 = arith.constant 0 : i32
      %dma_wait3A_547 = tpu.memref_slice %arg11[%mul3A_543, %dma_wait3A_546] : memref<8208x128xf32, #tpu.memory_space<vmem_shared>> -> memref<64x128xf32, #tpu.memory_space<vmem_shared>>
      tpu.wait_dma2 semaphore(%arg17 : memref<!tpu.dma_semaphore, #tpu.memory_space<semaphore_mem>>) src(%arg10 : memref<64x128xf32, #tpu.memory_space<vmem>>) dst(%dma_wait3A_547 : memref<64x128xf32, #tpu.memory_space<vmem_shared>>)
      %mul3A_548 = arith.constant 512 : i32
      %mul3A_549 = arith.muli %arg1, %mul3A_548 : i32
      %dma_wait3A_550 = arith.constant 0 : i32
      %dma_wait3A_551 = tpu.memref_slice %arg11[%mul3A_549, %dma_wait3A_550] : memref<8208x128xf32, #tpu.memory_space<vmem_shared>> -> memref<64x128xf32, #tpu.memory_space<vmem_shared>>
      %dma_wait3A_552 = arith.constant 0 : i32
      %dma_wait3A_553 = tpu.memref_slice %arg11[%mul3A_549, %dma_wait3A_552] : memref<8208x128xf32, #tpu.memory_space<vmem_shared>> -> memref<64x128xf32, #tpu.memory_space<vmem_shared>>
      tpu.wait_dma2 semaphore(%arg17 : memref<!tpu.dma_semaphore, #tpu.memory_space<semaphore_mem>>) src(%arg10 : memref<64x128xf32, #tpu.memory_space<vmem>>) dst(%dma_wait3A_553 : memref<64x128xf32, #tpu.memory_space<vmem_shared>>)
      %mul3A_554 = arith.constant 512 : i32
      %mul3A_555 = arith.muli %arg1, %mul3A_554 : i32
      %dma_wait3A_556 = arith.constant 0 : i32
      %dma_wait3A_557 = tpu.memref_slice %arg11[%mul3A_555, %dma_wait3A_556] : memref<8208x128xf32, #tpu.memory_space<vmem_shared>> -> memref<64x128xf32, #tpu.memory_space<vmem_shared>>
      %dma_wait3A_558 = arith.constant 0 : i32
      %dma_wait3A_559 = tpu.memref_slice %arg11[%mul3A_555, %dma_wait3A_558] : memref<8208x128xf32, #tpu.memory_space<vmem_shared>> -> memref<64x128xf32, #tpu.memory_space<vmem_shared>>
      tpu.wait_dma2 semaphore(%arg17 : memref<!tpu.dma_semaphore, #tpu.memory_space<semaphore_mem>>) src(%arg10 : memref<64x128xf32, #tpu.memory_space<vmem>>) dst(%dma_wait3A_559 : memref<64x128xf32, #tpu.memory_space<vmem_shared>>)
      %mul3A_560 = arith.constant 512 : i32
      %mul3A_561 = arith.muli %arg1, %mul3A_560 : i32
      %dma_wait3A_562 = arith.constant 0 : i32
      %dma_wait3A_563 = tpu.memref_slice %arg11[%mul3A_561, %dma_wait3A_562] : memref<8208x128xf32, #tpu.memory_space<vmem_shared>> -> memref<64x128xf32, #tpu.memory_space<vmem_shared>>
      %dma_wait3A_564 = arith.constant 0 : i32
      %dma_wait3A_565 = tpu.memref_slice %arg11[%mul3A_561, %dma_wait3A_564] : memref<8208x128xf32, #tpu.memory_space<vmem_shared>> -> memref<64x128xf32, #tpu.memory_space<vmem_shared>>
      tpu.wait_dma2 semaphore(%arg17 : memref<!tpu.dma_semaphore, #tpu.memory_space<semaphore_mem>>) src(%arg10 : memref<64x128xf32, #tpu.memory_space<vmem>>) dst(%dma_wait3A_565 : memref<64x128xf32, #tpu.memory_space<vmem_shared>>)
      %mul3A_566 = arith.constant 512 : i32
      %mul3A_567 = arith.muli %arg1, %mul3A_566 : i32
      %dma_wait3A_568 = arith.constant 0 : i32
      %dma_wait3A_569 = tpu.memref_slice %arg11[%mul3A_567, %dma_wait3A_568] : memref<8208x128xf32, #tpu.memory_space<vmem_shared>> -> memref<64x128xf32, #tpu.memory_space<vmem_shared>>
      %dma_wait3A_570 = arith.constant 0 : i32
      %dma_wait3A_571 = tpu.memref_slice %arg11[%mul3A_567, %dma_wait3A_570] : memref<8208x128xf32, #tpu.memory_space<vmem_shared>> -> memref<64x128xf32, #tpu.memory_space<vmem_shared>>
      tpu.wait_dma2 semaphore(%arg17 : memref<!tpu.dma_semaphore, #tpu.memory_space<semaphore_mem>>) src(%arg10 : memref<64x128xf32, #tpu.memory_space<vmem>>) dst(%dma_wait3A_571 : memref<64x128xf32, #tpu.memory_space<vmem_shared>>)
      %mul3A_572 = arith.constant 512 : i32
      %mul3A_573 = arith.muli %arg1, %mul3A_572 : i32
      %dma_wait3A_574 = arith.constant 0 : i32
      %dma_wait3A_575 = tpu.memref_slice %arg11[%mul3A_573, %dma_wait3A_574] : memref<8208x128xf32, #tpu.memory_space<vmem_shared>> -> memref<64x128xf32, #tpu.memory_space<vmem_shared>>
      %dma_wait3A_576 = arith.constant 0 : i32
      %dma_wait3A_577 = tpu.memref_slice %arg11[%mul3A_573, %dma_wait3A_576] : memref<8208x128xf32, #tpu.memory_space<vmem_shared>> -> memref<64x128xf32, #tpu.memory_space<vmem_shared>>
      tpu.wait_dma2 semaphore(%arg17 : memref<!tpu.dma_semaphore, #tpu.memory_space<semaphore_mem>>) src(%arg10 : memref<64x128xf32, #tpu.memory_space<vmem>>) dst(%dma_wait3A_577 : memref<64x128xf32, #tpu.memory_space<vmem_shared>>)
      %mul3A_578 = arith.constant 512 : i32
      %mul3A_579 = arith.muli %arg1, %mul3A_578 : i32
      %dma_wait3A_580 = arith.constant 0 : i32
      %dma_wait3A_581 = tpu.memref_slice %arg11[%mul3A_579, %dma_wait3A_580] : memref<8208x128xf32, #tpu.memory_space<vmem_shared>> -> memref<64x128xf32, #tpu.memory_space<vmem_shared>>
      %dma_wait3A_582 = arith.constant 0 : i32
      %dma_wait3A_583 = tpu.memref_slice %arg11[%mul3A_579, %dma_wait3A_582] : memref<8208x128xf32, #tpu.memory_space<vmem_shared>> -> memref<64x128xf32, #tpu.memory_space<vmem_shared>>
      tpu.wait_dma2 semaphore(%arg17 : memref<!tpu.dma_semaphore, #tpu.memory_space<semaphore_mem>>) src(%arg10 : memref<64x128xf32, #tpu.memory_space<vmem>>) dst(%dma_wait3A_583 : memref<64x128xf32, #tpu.memory_space<vmem_shared>>)
      %barrier3A_584 = arith.constant 0 : index
      tpu.barrier barrier_id(%barrier3A_584)
      %scan3A_585 = arith.constant 0 : i32
      scf.yield %scan3A_585 : i32
    }
    %scan3A_47 = arith.constant 8 : i32
    %scan3A_48 = arith.constant 0 : i32
    %scan3A_49 = arith.constant 0 : i32
    %scan3A_50 = arith.constant 64 : i32
    %scan3A_51 = arith.addi %scan3A_49, %scan3A_50 : i32
    %scan3A_52 = arith.constant 1 : i32
    %scan3A_53 = scf.for %scan3A_68 = %scan3A_49 to %scan3A_51 step %scan3A_52 iter_args(%scan3A_69 = %scan3A_48) -> (i32)  : i32 {
      %mul3A_70 = arith.constant 16 : i32
      %mul3A_71 = arith.muli %scan3A_68, %mul3A_70 : i32
      %get3A = arith.index_cast %mul3A_71 : i32 to index
      %get3A_72 = tpu.vector_load %arg6[%get3A] {strides = array<i32>} : memref<1024xi32, #tpu.memory_space<vmem>>, vector<16xi32>,
      %get3A_73 = vector.shape_cast %get3A_72 : vector<16xi32> to vector<16xi32>
      %ge3A = arith.cmpi sge, %get3A_73, %broadcast_in_dim3A_19 : vector<16xi32>
      %lt3A = arith.cmpi slt, %get3A_73, %broadcast_in_dim3A_21 : vector<16xi32>
      %and3A = arith.andi %ge3A, %lt3A : vector<16xi1>
      %sub3A = arith.subi %get3A_73, %broadcast_in_dim3A_19 : vector<16xi32>
      %select_n3A = arith.select %and3A, %sub3A, %broadcast_in_dim3A_23 : vector<16xi1>, vector<16xi32>
      %dma_start3A = arith.constant 0 : i32
      %dma_start3A_74 = arith.constant 0 : i32
      %dma_start3A_75 = tpu.memref_slice %arg11[%dma_start3A, %dma_start3A_74] : memref<8208x128xf32, #tpu.memory_space<vmem_shared>> -> memref<8208x128xf32, #tpu.memory_space<vmem_shared>>
      tpu.enqueue_indirect_dma source(%arg9 : memref<16x128xf32, #tpu.memory_space<vmem>>) target(%dma_start3A_75 : memref<8208x128xf32, #tpu.memory_space<vmem_shared>>) offsets(%select_n3A : vector<16xi32>) semaphore(%arg14 : memref<!tpu.dma_semaphore, #tpu.memory_space<semaphore_mem>>) {add = true}
      %scan3A_76 = arith.constant 0 : i32
      scf.yield %scan3A_76 : i32
    }
    %scan3A_54 = arith.constant 64 : i32
    %scan3A_55 = arith.constant 0 : i32
    %scan3A_56 = arith.constant 0 : i32
    %scan3A_57 = arith.constant 8 : i32
    %scan3A_58 = arith.addi %scan3A_56, %scan3A_57 : i32
    %scan3A_59 = arith.constant 1 : i32
    %scan3A_60 = scf.for %scan3A_68 = %scan3A_56 to %scan3A_58 step %scan3A_59 iter_args(%scan3A_69 = %scan3A_55) -> (i32)  : i32 {
      %dma_wait3A = arith.constant 0 : i32
      %dma_wait3A_70 = arith.constant 0 : i32
      %dma_wait3A_71 = tpu.memref_slice %arg3[%dma_wait3A, %dma_wait3A_70] : memref<131072x128xf32, #tpu.memory_space<hbm>> -> memref<128x128xf32, #tpu.memory_space<hbm>>
      %dma_wait3A_72 = arith.constant 0 : i32
      %dma_wait3A_73 = arith.constant 0 : i32
      %dma_wait3A_74 = tpu.memref_slice %arg3[%dma_wait3A_72, %dma_wait3A_73] : memref<131072x128xf32, #tpu.memory_space<hbm>> -> memref<128x128xf32, #tpu.memory_space<hbm>>
      tpu.wait_dma2 semaphore(%arg14 : memref<!tpu.dma_semaphore, #tpu.memory_space<semaphore_mem>>) src(%dma_wait3A_74 : memref<128x128xf32, #tpu.memory_space<hbm>>) dst(%arg7 : memref<128x128xf32, #tpu.memory_space<vmem>>)
      %scan3A_75 = arith.constant 0 : i32
      scf.yield %scan3A_75 : i32
    }
    %scan3A_61 = arith.constant 8 : i32
    %barrier3A_62 = arith.constant 0 : index
    tpu.barrier barrier_id(%barrier3A_62)
    %mul3A_63 = arith.constant 512 : i32
    %mul3A_64 = arith.muli %arg1, %mul3A_63 : i32
    %mul3A_65 = arith.constant 512 : i32
    %mul3A_66 = arith.muli %arg1, %mul3A_65 : i32
    %add3A_67 = arith.addi %mul3A_18, %mul3A_66 : i32
    "tpu.region"() ({
      %run_scoped3A = tpu.sem_alloc : memref<!tpu.dma_semaphore, #tpu.memory_space<semaphore_mem>>
      %dma_start3A = arith.constant 0 : i32
      %dma_start3A_68 = tpu.memref_slice %arg5[%add3A_67, %dma_start3A] : memref<16384x128xf32, #tpu.memory_space<hbm>> -> memref<512x128xf32, #tpu.memory_space<hbm>>
      %dma_start3A_69 = arith.constant 0 : i32
      %dma_start3A_70 = tpu.memref_slice %arg11[%mul3A_64, %dma_start3A_69] : memref<8208x128xf32, #tpu.memory_space<vmem_shared>> -> memref<512x128xf32, #tpu.memory_space<vmem_shared>>
      tpu.enqueue_dma source(%dma_start3A_70 : memref<512x128xf32, #tpu.memory_space<vmem_shared>>) target(%dma_start3A_68 : memref<512x128xf32, #tpu.memory_space<hbm>>) target_semaphore(%run_scoped3A : memref<!tpu.dma_semaphore, #tpu.memory_space<semaphore_mem>>)
      %dma_wait3A = arith.constant 0 : i32
      %dma_wait3A_71 = tpu.memref_slice %arg5[%add3A_67, %dma_wait3A] : memref<16384x128xf32, #tpu.memory_space<hbm>> -> memref<512x128xf32, #tpu.memory_space<hbm>>
      %dma_wait3A_72 = arith.constant 0 : i32
      %dma_wait3A_73 = tpu.memref_slice %arg11[%mul3A_64, %dma_wait3A_72] : memref<8208x128xf32, #tpu.memory_space<vmem_shared>> -> memref<512x128xf32, #tpu.memory_space<vmem_shared>>
      tpu.wait_dma2 semaphore(%run_scoped3A : memref<!tpu.dma_semaphore, #tpu.memory_space<semaphore_mem>>) src(%dma_wait3A_73 : memref<512x128xf32, #tpu.memory_space<vmem_shared>>) dst(%dma_wait3A_71 : memref<512x128xf32, #tpu.memory_space<hbm>>)
      tpu.yield
    }) : () -> ()
    return
  }
}

#map = affine_map<(d0, d1) -> (0)>
#map1 = affine_map<(d0, d1) -> (0, 0)>
module attributes {stable_mosaic.version = 14 : i64} {
  func.func @k(%arg0: i32, %arg1: i32, %arg2: memref<16384xi32, #tpu.memory_space<hbm>>, %arg3: memref<131072x128xf32, #tpu.memory_space<hbm>>, %arg4: memref<16384x1024xf32, #tpu.memory_space<hbm>>, %arg5: memref<1024xi32, #tpu.memory_space<vmem>>, %arg6: memref<128x128xf32, #tpu.memory_space<vmem>>, %arg7: memref<128x128xf32, #tpu.memory_space<vmem>>, %arg8: memref<16x128xf32, #tpu.memory_space<vmem>>, %arg9: memref<64x128xf32, #tpu.memory_space<vmem>>, %arg10: memref<8208x128xf32, #tpu.memory_space<vmem_shared>>, %arg11: memref<!tpu.dma_semaphore, #tpu.memory_space<semaphore_mem>>, %arg12: memref<!tpu.dma_semaphore, #tpu.memory_space<semaphore_mem>>, %arg13: memref<!tpu.dma_semaphore, #tpu.memory_space<semaphore_mem>>, %arg14: memref<!tpu.dma_semaphore, #tpu.memory_space<semaphore_mem>>, %arg15: memref<!tpu.dma_semaphore, #tpu.memory_space<semaphore_mem>>, %arg16: memref<!tpu.dma_semaphore, #tpu.memory_space<semaphore_mem>>) attributes {dimension_semantics = [#tpu.dimension_semantics<core_parallel>, #tpu.dimension_semantics<subcore_parallel>], iteration_bounds = array<i64: 2, 16>, scalar_prefetch = 0 : i64, scratch_operands = 12 : i64, tpu.core_type = #tpu.core_type<sc_vector_subcore>, window_params = [{transform_indices = #map}, {transform_indices = #map1}, {transform_indices = #map1}]} {
    %broadcast_in_dim3A = arith.constant 0.000000e+00 : f32
    %broadcast_in_dim3A_0 = vector.broadcast %broadcast_in_dim3A : f32 to vector<16xf32>
    %broadcast_in_dim3A_1 = arith.constant 1.000000e+00 : f32
    %broadcast_in_dim3A_2 = vector.broadcast %broadcast_in_dim3A_1 : f32 to vector<16xf32>
    %scan3A = arith.constant 0 : i32
    %scan3A_3 = arith.constant 0 : i32
    %scan3A_4 = arith.constant 64 : i32
    %scan3A_5 = arith.addi %scan3A_3, %scan3A_4 : i32
    %scan3A_6 = arith.constant 1 : i32
    %scan3A_7 = scf.for %scan3A_41 = %scan3A_3 to %scan3A_5 step %scan3A_6 iter_args(%scan3A_42 = %scan3A) -> (i32)  : i32 {
      %scan3A_43 = arith.constant 0 : i32
      %scan3A_44 = arith.constant 0 : i32
      %scan3A_45 = arith.constant 8 : i32
      %scan3A_46 = arith.addi %scan3A_44, %scan3A_45 : i32
      %scan3A_47 = arith.constant 1 : i32
      %scan3A_48 = scf.for %scan3A_50 = %scan3A_44 to %scan3A_46 step %scan3A_47 iter_args(%scan3A_51 = %scan3A_43) -> (i32)  : i32 {
        %mul3A_52 = arith.constant 16 : i32
        %mul3A_53 = arith.muli %scan3A_50, %mul3A_52 : i32
        %swap3A = arith.index_cast %scan3A_41 : i32 to index
        %swap3A_54 = arith.index_cast %mul3A_53 : i32 to index
        %swap3A_55 = tpu.vector_load %arg9[%swap3A, %swap3A_54] {strides = array<i32>} : memref<64x128xf32, #tpu.memory_space<vmem>>, vector<1x16xf32>,
        %swap3A_56 = vector.shape_cast %swap3A_55 : vector<1x16xf32> to vector<16xf32>
        %swap3A_57 = vector.shape_cast %broadcast_in_dim3A_0 : vector<16xf32> to vector<1x16xf32>
        tpu.vector_store %arg9[%swap3A, %swap3A_54], %swap3A_57 {strides = array<i32>} : memref<64x128xf32, #tpu.memory_space<vmem>>, vector<1x16xf32>,
        %scan3A_58 = arith.constant 0 : i32
        scf.yield %scan3A_58 : i32
      }
      %scan3A_49 = arith.constant 8 : i32
      scf.yield %scan3A_48 : i32
    }
    %scan3A_8 = arith.constant 64 : i32
    %mul3A = arith.constant 1024 : i32
    %mul3A_9 = arith.muli %arg1, %mul3A : i32
    "tpu.region"() ({
      %run_scoped3A = tpu.sem_alloc : memref<!tpu.dma_semaphore, #tpu.memory_space<semaphore_mem>>
      %dma_start3A = tpu.memref_slice %arg2[%mul3A_9] : memref<16384xi32, #tpu.memory_space<hbm>> -> memref<1024xi32, #tpu.memory_space<hbm>>
      %dma_start3A_41 = tpu.memref_slice %arg2[%mul3A_9] : memref<16384xi32, #tpu.memory_space<hbm>> -> memref<1024xi32, #tpu.memory_space<hbm>>
      tpu.enqueue_dma source(%dma_start3A_41 : memref<1024xi32, #tpu.memory_space<hbm>>) target(%arg5 : memref<1024xi32, #tpu.memory_space<vmem>>) target_semaphore(%run_scoped3A : memref<!tpu.dma_semaphore, #tpu.memory_space<semaphore_mem>>)
      %dma_wait3A = tpu.memref_slice %arg2[%mul3A_9] : memref<16384xi32, #tpu.memory_space<hbm>> -> memref<1024xi32, #tpu.memory_space<hbm>>
      %dma_wait3A_42 = tpu.memref_slice %arg2[%mul3A_9] : memref<16384xi32, #tpu.memory_space<hbm>> -> memref<1024xi32, #tpu.memory_space<hbm>>
      tpu.wait_dma2 semaphore(%run_scoped3A : memref<!tpu.dma_semaphore, #tpu.memory_space<semaphore_mem>>) src(%dma_wait3A_42 : memref<1024xi32, #tpu.memory_space<hbm>>) dst(%arg5 : memref<1024xi32, #tpu.memory_space<vmem>>)
      tpu.yield
    }) : () -> ()
    %mul3A_10 = arith.constant 8192 : i32
    %mul3A_11 = arith.muli %arg0, %mul3A_10 : i32
    %broadcast_in_dim3A_12 = vector.broadcast %mul3A_11 : i32 to vector<16xi32>
    %add3A = arith.constant 8192 : i32
    %add3A_13 = arith.addi %mul3A_11, %add3A : i32
    %broadcast_in_dim3A_14 = vector.broadcast %add3A_13 : i32 to vector<16xi32>
    %broadcast_in_dim3A_15 = arith.constant 8192 : i32
    %broadcast_in_dim3A_16 = vector.broadcast %broadcast_in_dim3A_15 : i32 to vector<16xi32>
    %iota3A = tpu.iota {dimensions = array<i32: 0>} : vector<16xi32>
    %mul3A_17 = arith.constant 8 : i32
    %mul3A_18 = vector.broadcast %mul3A_17 : i32 to vector<16xi32>
    %mul3A_19 = arith.muli %iota3A, %mul3A_18 : vector<16xi32>
    %scan3A_20 = arith.constant 0 : i32
    %scan3A_21 = arith.constant 0 : i32
    %scan3A_22 = arith.constant 8 : i32
    %scan3A_23 = arith.addi %scan3A_21, %scan3A_22 : i32
    %scan3A_24 = arith.constant 1 : i32
    %scan3A_25 = scf.for %scan3A_41 = %scan3A_21 to %scan3A_23 step %scan3A_24 iter_args(%scan3A_42 = %scan3A_20) -> (i32)  : i32 {
      %mul3A_43 = arith.constant 512 : i32
      %mul3A_44 = arith.muli %arg1, %mul3A_43 : i32
      %mul3A_45 = arith.constant 64 : i32
      %mul3A_46 = arith.muli %scan3A_41, %mul3A_45 : i32
      %add3A_47 = arith.addi %mul3A_44, %mul3A_46 : i32
      %dma_start3A = arith.constant 0 : i32
      %dma_start3A_48 = tpu.memref_slice %arg10[%add3A_47, %dma_start3A] : memref<8208x128xf32, #tpu.memory_space<vmem_shared>> -> memref<64x128xf32, #tpu.memory_space<vmem_shared>>
      %dma_start3A_49 = arith.constant 0 : i32
      %dma_start3A_50 = tpu.memref_slice %arg10[%add3A_47, %dma_start3A_49] : memref<8208x128xf32, #tpu.memory_space<vmem_shared>> -> memref<64x128xf32, #tpu.memory_space<vmem_shared>>
      tpu.enqueue_dma source(%arg9 : memref<64x128xf32, #tpu.memory_space<vmem>>) target(%dma_start3A_50 : memref<64x128xf32, #tpu.memory_space<vmem_shared>>) target_semaphore(%arg16 : memref<!tpu.dma_semaphore, #tpu.memory_space<semaphore_mem>>)
      %scan3A_51 = arith.constant 0 : i32
      scf.yield %scan3A_51 : i32
    }
    %scan3A_26 = arith.constant 8 : i32
    %scan3A_27 = arith.constant 0 : i32
    %scan3A_28 = arith.constant 0 : i32
    %scan3A_29 = arith.constant 8 : i32
    %scan3A_30 = arith.addi %scan3A_28, %scan3A_29 : i32
    %scan3A_31 = arith.constant 1 : i32
    %scan3A_32 = scf.for %scan3A_41 = %scan3A_28 to %scan3A_30 step %scan3A_31 iter_args(%scan3A_42 = %scan3A_27) -> (i32)  : i32 {
      %mul3A_43 = arith.constant 512 : i32
      %mul3A_44 = arith.muli %arg1, %mul3A_43 : i32
      %dma_wait3A = arith.constant 0 : i32
      %dma_wait3A_45 = tpu.memref_slice %arg10[%mul3A_44, %dma_wait3A] : memref<8208x128xf32, #tpu.memory_space<vmem_shared>> -> memref<64x128xf32, #tpu.memory_space<vmem_shared>>
      %dma_wait3A_46 = arith.constant 0 : i32
      %dma_wait3A_47 = tpu.memref_slice %arg10[%mul3A_44, %dma_wait3A_46] : memref<8208x128xf32, #tpu.memory_space<vmem_shared>> -> memref<64x128xf32, #tpu.memory_space<vmem_shared>>
      tpu.wait_dma2 semaphore(%arg16 : memref<!tpu.dma_semaphore, #tpu.memory_space<semaphore_mem>>) src(%arg9 : memref<64x128xf32, #tpu.memory_space<vmem>>) dst(%dma_wait3A_47 : memref<64x128xf32, #tpu.memory_space<vmem_shared>>)
      %scan3A_48 = arith.constant 0 : i32
      scf.yield %scan3A_48 : i32
    }
    %scan3A_33 = arith.constant 8 : i32
    %barrier3A = arith.constant 0 : index
    tpu.barrier barrier_id(%barrier3A)
    %scan3A_34 = arith.constant 0 : i32
    %scan3A_35 = arith.constant 0 : i32
    %scan3A_36 = arith.constant 8 : i32
    %scan3A_37 = arith.addi %scan3A_35, %scan3A_36 : i32
    %scan3A_38 = arith.constant 1 : i32
    %scan3A_39 = scf.for %scan3A_41 = %scan3A_35 to %scan3A_37 step %scan3A_38 iter_args(%scan3A_42 = %scan3A_34) -> (i32)  : i32 {
      %eq3A = arith.constant 0 : i32
      %eq3A_43 = arith.cmpi eq, %scan3A_41, %eq3A : i32
      %convert_element_type3A = arith.extui %eq3A_43 : i1 to i32
      %cond3A = arith.constant 0 : i32
      %cond3A_44 = arith.cmpi ne, %convert_element_type3A, %cond3A : i32
      scf.if %cond3A_44 {
        %scan3A_559 = arith.constant 0 : i32
        %scan3A_560 = arith.constant 0 : i32
        %scan3A_561 = arith.constant 8 : i32
        %scan3A_562 = arith.addi %scan3A_560, %scan3A_561 : i32
        %scan3A_563 = arith.constant 1 : i32
        %scan3A_564 = scf.for %scan3A_566 = %scan3A_560 to %scan3A_562 step %scan3A_563 iter_args(%scan3A_567 = %scan3A_559) -> (i32)  : i32 {
          %mul3A_568 = arith.constant 1024 : i32
          %mul3A_569 = arith.muli %arg1, %mul3A_568 : i32
          %add3A_570 = arith.constant 0 : i32
          %add3A_571 = arith.addi %mul3A_569, %add3A_570 : i32
          %mul3A_572 = arith.constant 16 : i32
          %mul3A_573 = arith.muli %scan3A_566, %mul3A_572 : i32
          %add3A_574 = arith.addi %add3A_571, %mul3A_573 : i32
          %mul3A_575 = arith.constant 8 : i32
          %mul3A_576 = arith.muli %add3A_574, %mul3A_575 : i32
          %add3A_577 = arith.addi %mul3A_576, %scan3A_41 : i32
          %broadcast_in_dim3A_578 = vector.broadcast %add3A_577 : i32 to vector<16xi32>
          %add3A_579 = arith.addi %mul3A_19, %broadcast_in_dim3A_578 : vector<16xi32>
          %mul3A_580 = arith.constant 16 : i32
          %mul3A_581 = arith.muli %scan3A_566, %mul3A_580 : i32
          %dma_start3A_582 = arith.constant 0 : i32
          %dma_start3A_583 = tpu.memref_slice %arg6[%mul3A_581, %dma_start3A_582] : memref<128x128xf32, #tpu.memory_space<vmem>> -> memref<16x128xf32, #tpu.memory_space<vmem>>
          %dma_start3A_584 = arith.constant 0 : i32
          %dma_start3A_585 = arith.constant 0 : i32
          %dma_start3A_586 = tpu.memref_slice %arg3[%dma_start3A_584, %dma_start3A_585] : memref<131072x128xf32, #tpu.memory_space<hbm>> -> memref<131072x128xf32, #tpu.memory_space<hbm>>
          tpu.enqueue_indirect_dma source(%dma_start3A_586 : memref<131072x128xf32, #tpu.memory_space<hbm>>) target(%dma_start3A_583 : memref<16x128xf32, #tpu.memory_space<vmem>>) offsets(%add3A_579 : vector<16xi32>) semaphore(%arg11 : memref<!tpu.dma_semaphore, #tpu.memory_space<semaphore_mem>>)
          %scan3A_587 = arith.constant 0 : i32
          scf.yield %scan3A_587 : i32
        }
        %scan3A_565 = arith.constant 8 : i32
      } else {
      }
      %dma_wait3A = arith.constant 0 : i32
      %dma_wait3A_45 = arith.constant 0 : i32
      %dma_wait3A_46 = tpu.memref_slice %arg3[%dma_wait3A, %dma_wait3A_45] : memref<131072x128xf32, #tpu.memory_space<hbm>> -> memref<128x128xf32, #tpu.memory_space<hbm>>
      %dma_wait3A_47 = arith.constant 0 : i32
      %dma_wait3A_48 = arith.constant 0 : i32
      %dma_wait3A_49 = tpu.memref_slice %arg3[%dma_wait3A_47, %dma_wait3A_48] : memref<131072x128xf32, #tpu.memory_space<hbm>> -> memref<128x128xf32, #tpu.memory_space<hbm>>
      tpu.wait_dma2 semaphore(%arg11 : memref<!tpu.dma_semaphore, #tpu.memory_space<semaphore_mem>>) src(%dma_wait3A_49 : memref<128x128xf32, #tpu.memory_space<hbm>>) dst(%arg6 : memref<128x128xf32, #tpu.memory_space<vmem>>)
      %scan3A_50 = arith.constant 0 : i32
      %scan3A_51 = arith.constant 0 : i32
      %scan3A_52 = arith.constant 8 : i32
      %scan3A_53 = arith.addi %scan3A_51, %scan3A_52 : i32
      %scan3A_54 = arith.constant 1 : i32
      %scan3A_55 = scf.for %scan3A_559 = %scan3A_51 to %scan3A_53 step %scan3A_54 iter_args(%scan3A_560 = %scan3A_50) -> (i32)  : i32 {
        %mul3A_561 = arith.constant 16 : i32
        %mul3A_562 = arith.muli %scan3A_559, %mul3A_561 : i32
        %add3A_563 = arith.constant 0 : i32
        %add3A_564 = arith.addi %add3A_563, %mul3A_562 : i32
        %get3A = arith.index_cast %add3A_564 : i32 to index
        %get3A_565 = tpu.vector_load %arg5[%get3A] {strides = array<i32>} : memref<1024xi32, #tpu.memory_space<vmem>>, vector<16xi32>,
        %get3A_566 = vector.shape_cast %get3A_565 : vector<16xi32> to vector<16xi32>
        %ge3A = arith.cmpi sge, %get3A_566, %broadcast_in_dim3A_12 : vector<16xi32>
        %lt3A_567 = arith.cmpi slt, %get3A_566, %broadcast_in_dim3A_14 : vector<16xi32>
        %and3A = arith.andi %ge3A, %lt3A_567 : vector<16xi1>
        %sub3A = arith.subi %get3A_566, %broadcast_in_dim3A_12 : vector<16xi32>
        %select_n3A = arith.select %and3A, %sub3A, %broadcast_in_dim3A_16 : vector<16xi1>, vector<16xi32>
        %mul3A_568 = arith.constant 16 : i32
        %mul3A_569 = arith.muli %scan3A_559, %mul3A_568 : i32
        %dma_start3A_570 = arith.constant 0 : i32
        %dma_start3A_571 = tpu.memref_slice %arg6[%mul3A_569, %dma_start3A_570] : memref<128x128xf32, #tpu.memory_space<vmem>> -> memref<16x128xf32, #tpu.memory_space<vmem>>
        %dma_start3A_572 = arith.constant 0 : i32
        %dma_start3A_573 = arith.constant 0 : i32
        %dma_start3A_574 = tpu.memref_slice %arg10[%dma_start3A_572, %dma_start3A_573] : memref<8208x128xf32, #tpu.memory_space<vmem_shared>> -> memref<8208x128xf32, #tpu.memory_space<vmem_shared>>
        tpu.enqueue_indirect_dma source(%dma_start3A_571 : memref<16x128xf32, #tpu.memory_space<vmem>>) target(%dma_start3A_574 : memref<8208x128xf32, #tpu.memory_space<vmem_shared>>) offsets(%select_n3A : vector<16xi32>) semaphore(%arg13 : memref<!tpu.dma_semaphore, #tpu.memory_space<semaphore_mem>>) {add = true}
        %scan3A_575 = arith.constant 0 : i32
        scf.yield %scan3A_575 : i32
      }
      %scan3A_56 = arith.constant 8 : i32
      %scan3A_57 = arith.constant 0 : i32
      %scan3A_58 = arith.constant 0 : i32
      %scan3A_59 = arith.constant 8 : i32
      %scan3A_60 = arith.addi %scan3A_58, %scan3A_59 : i32
      %scan3A_61 = arith.constant 1 : i32
      %scan3A_62 = scf.for %scan3A_559 = %scan3A_58 to %scan3A_60 step %scan3A_61 iter_args(%scan3A_560 = %scan3A_57) -> (i32)  : i32 {
        %mul3A_561 = arith.constant 1024 : i32
        %mul3A_562 = arith.muli %arg1, %mul3A_561 : i32
        %add3A_563 = arith.constant 128 : i32
        %add3A_564 = arith.addi %mul3A_562, %add3A_563 : i32
        %mul3A_565 = arith.constant 16 : i32
        %mul3A_566 = arith.muli %scan3A_559, %mul3A_565 : i32
        %add3A_567 = arith.addi %add3A_564, %mul3A_566 : i32
        %mul3A_568 = arith.constant 8 : i32
        %mul3A_569 = arith.muli %add3A_567, %mul3A_568 : i32
        %add3A_570 = arith.addi %mul3A_569, %scan3A_41 : i32
        %broadcast_in_dim3A_571 = vector.broadcast %add3A_570 : i32 to vector<16xi32>
        %add3A_572 = arith.addi %mul3A_19, %broadcast_in_dim3A_571 : vector<16xi32>
        %mul3A_573 = arith.constant 16 : i32
        %mul3A_574 = arith.muli %scan3A_559, %mul3A_573 : i32
        %dma_start3A_575 = arith.constant 0 : i32
        %dma_start3A_576 = tpu.memref_slice %arg7[%mul3A_574, %dma_start3A_575] : memref<128x128xf32, #tpu.memory_space<vmem>> -> memref<16x128xf32, #tpu.memory_space<vmem>>
        %dma_start3A_577 = arith.constant 0 : i32
        %dma_start3A_578 = arith.constant 0 : i32
        %dma_start3A_579 = tpu.memref_slice %arg3[%dma_start3A_577, %dma_start3A_578] : memref<131072x128xf32, #tpu.memory_space<hbm>> -> memref<131072x128xf32, #tpu.memory_space<hbm>>
        tpu.enqueue_indirect_dma source(%dma_start3A_579 : memref<131072x128xf32, #tpu.memory_space<hbm>>) target(%dma_start3A_576 : memref<16x128xf32, #tpu.memory_space<vmem>>) offsets(%add3A_572 : vector<16xi32>) semaphore(%arg12 : memref<!tpu.dma_semaphore, #tpu.memory_space<semaphore_mem>>)
        %scan3A_580 = arith.constant 0 : i32
        scf.yield %scan3A_580 : i32
      }
      %scan3A_63 = arith.constant 8 : i32
      %dma_wait3A_64 = arith.constant 0 : i32
      %dma_wait3A_65 = arith.constant 0 : i32
      %dma_wait3A_66 = tpu.memref_slice %arg3[%dma_wait3A_64, %dma_wait3A_65] : memref<131072x128xf32, #tpu.memory_space<hbm>> -> memref<128x128xf32, #tpu.memory_space<hbm>>
      %dma_wait3A_67 = arith.constant 0 : i32
      %dma_wait3A_68 = arith.constant 0 : i32
      %dma_wait3A_69 = tpu.memref_slice %arg3[%dma_wait3A_67, %dma_wait3A_68] : memref<131072x128xf32, #tpu.memory_space<hbm>> -> memref<128x128xf32, #tpu.memory_space<hbm>>
      tpu.wait_dma2 semaphore(%arg12 : memref<!tpu.dma_semaphore, #tpu.memory_space<semaphore_mem>>) src(%dma_wait3A_69 : memref<128x128xf32, #tpu.memory_space<hbm>>) dst(%arg7 : memref<128x128xf32, #tpu.memory_space<vmem>>)
      %scan3A_70 = arith.constant 0 : i32
      %scan3A_71 = arith.constant 0 : i32
      %scan3A_72 = arith.constant 8 : i32
      %scan3A_73 = arith.addi %scan3A_71, %scan3A_72 : i32
      %scan3A_74 = arith.constant 1 : i32
      %scan3A_75 = scf.for %scan3A_559 = %scan3A_71 to %scan3A_73 step %scan3A_74 iter_args(%scan3A_560 = %scan3A_70) -> (i32)  : i32 {
        %mul3A_561 = arith.constant 16 : i32
        %mul3A_562 = arith.muli %scan3A_559, %mul3A_561 : i32
        %add3A_563 = arith.constant 128 : i32
        %add3A_564 = arith.addi %add3A_563, %mul3A_562 : i32
        %get3A = arith.index_cast %add3A_564 : i32 to index
        %get3A_565 = tpu.vector_load %arg5[%get3A] {strides = array<i32>} : memref<1024xi32, #tpu.memory_space<vmem>>, vector<16xi32>,
        %get3A_566 = vector.shape_cast %get3A_565 : vector<16xi32> to vector<16xi32>
        %ge3A = arith.cmpi sge, %get3A_566, %broadcast_in_dim3A_12 : vector<16xi32>
        %lt3A_567 = arith.cmpi slt, %get3A_566, %broadcast_in_dim3A_14 : vector<16xi32>
        %and3A = arith.andi %ge3A, %lt3A_567 : vector<16xi1>
        %sub3A = arith.subi %get3A_566, %broadcast_in_dim3A_12 : vector<16xi32>
        %select_n3A = arith.select %and3A, %sub3A, %broadcast_in_dim3A_16 : vector<16xi1>, vector<16xi32>
        %mul3A_568 = arith.constant 16 : i32
        %mul3A_569 = arith.muli %scan3A_559, %mul3A_568 : i32
        %dma_start3A_570 = arith.constant 0 : i32
        %dma_start3A_571 = tpu.memref_slice %arg7[%mul3A_569, %dma_start3A_570] : memref<128x128xf32, #tpu.memory_space<vmem>> -> memref<16x128xf32, #tpu.memory_space<vmem>>
        %dma_start3A_572 = arith.constant 0 : i32
        %dma_start3A_573 = arith.constant 0 : i32
        %dma_start3A_574 = tpu.memref_slice %arg10[%dma_start3A_572, %dma_start3A_573] : memref<8208x128xf32, #tpu.memory_space<vmem_shared>> -> memref<8208x128xf32, #tpu.memory_space<vmem_shared>>
        tpu.enqueue_indirect_dma source(%dma_start3A_571 : memref<16x128xf32, #tpu.memory_space<vmem>>) target(%dma_start3A_574 : memref<8208x128xf32, #tpu.memory_space<vmem_shared>>) offsets(%select_n3A : vector<16xi32>) semaphore(%arg14 : memref<!tpu.dma_semaphore, #tpu.memory_space<semaphore_mem>>) {add = true}
        %scan3A_575 = arith.constant 0 : i32
        scf.yield %scan3A_575 : i32
      }
      %scan3A_76 = arith.constant 8 : i32
      %dma_wait3A_77 = arith.constant 0 : i32
      %dma_wait3A_78 = arith.constant 0 : i32
      %dma_wait3A_79 = tpu.memref_slice %arg3[%dma_wait3A_77, %dma_wait3A_78] : memref<131072x128xf32, #tpu.memory_space<hbm>> -> memref<128x128xf32, #tpu.memory_space<hbm>>
      %dma_wait3A_80 = arith.constant 0 : i32
      %dma_wait3A_81 = arith.constant 0 : i32
      %dma_wait3A_82 = tpu.memref_slice %arg3[%dma_wait3A_80, %dma_wait3A_81] : memref<131072x128xf32, #tpu.memory_space<hbm>> -> memref<128x128xf32, #tpu.memory_space<hbm>>
      tpu.wait_dma2 semaphore(%arg13 : memref<!tpu.dma_semaphore, #tpu.memory_space<semaphore_mem>>) src(%dma_wait3A_82 : memref<128x128xf32, #tpu.memory_space<hbm>>) dst(%arg6 : memref<128x128xf32, #tpu.memory_space<vmem>>)
      %scan3A_83 = arith.constant 0 : i32
      %scan3A_84 = arith.constant 0 : i32
      %scan3A_85 = arith.constant 8 : i32
      %scan3A_86 = arith.addi %scan3A_84, %scan3A_85 : i32
      %scan3A_87 = arith.constant 1 : i32
      %scan3A_88 = scf.for %scan3A_559 = %scan3A_84 to %scan3A_86 step %scan3A_87 iter_args(%scan3A_560 = %scan3A_83) -> (i32)  : i32 {
        %mul3A_561 = arith.constant 1024 : i32
        %mul3A_562 = arith.muli %arg1, %mul3A_561 : i32
        %add3A_563 = arith.constant 256 : i32
        %add3A_564 = arith.addi %mul3A_562, %add3A_563 : i32
        %mul3A_565 = arith.constant 16 : i32
        %mul3A_566 = arith.muli %scan3A_559, %mul3A_565 : i32
        %add3A_567 = arith.addi %add3A_564, %mul3A_566 : i32
        %mul3A_568 = arith.constant 8 : i32
        %mul3A_569 = arith.muli %add3A_567, %mul3A_568 : i32
        %add3A_570 = arith.addi %mul3A_569, %scan3A_41 : i32
        %broadcast_in_dim3A_571 = vector.broadcast %add3A_570 : i32 to vector<16xi32>
        %add3A_572 = arith.addi %mul3A_19, %broadcast_in_dim3A_571 : vector<16xi32>
        %mul3A_573 = arith.constant 16 : i32
        %mul3A_574 = arith.muli %scan3A_559, %mul3A_573 : i32
        %dma_start3A_575 = arith.constant 0 : i32
        %dma_start3A_576 = tpu.memref_slice %arg6[%mul3A_574, %dma_start3A_575] : memref<128x128xf32, #tpu.memory_space<vmem>> -> memref<16x128xf32, #tpu.memory_space<vmem>>
        %dma_start3A_577 = arith.constant 0 : i32
        %dma_start3A_578 = arith.constant 0 : i32
        %dma_start3A_579 = tpu.memref_slice %arg3[%dma_start3A_577, %dma_start3A_578] : memref<131072x128xf32, #tpu.memory_space<hbm>> -> memref<131072x128xf32, #tpu.memory_space<hbm>>
        tpu.enqueue_indirect_dma source(%dma_start3A_579 : memref<131072x128xf32, #tpu.memory_space<hbm>>) target(%dma_start3A_576 : memref<16x128xf32, #tpu.memory_space<vmem>>) offsets(%add3A_572 : vector<16xi32>) semaphore(%arg11 : memref<!tpu.dma_semaphore, #tpu.memory_space<semaphore_mem>>)
        %scan3A_580 = arith.constant 0 : i32
        scf.yield %scan3A_580 : i32
      }
      %scan3A_89 = arith.constant 8 : i32
      %dma_wait3A_90 = arith.constant 0 : i32
      %dma_wait3A_91 = arith.constant 0 : i32
      %dma_wait3A_92 = tpu.memref_slice %arg3[%dma_wait3A_90, %dma_wait3A_91] : memref<131072x128xf32, #tpu.memory_space<hbm>> -> memref<128x128xf32, #tpu.memory_space<hbm>>
      %dma_wait3A_93 = arith.constant 0 : i32
      %dma_wait3A_94 = arith.constant 0 : i32
      %dma_wait3A_95 = tpu.memref_slice %arg3[%dma_wait3A_93, %dma_wait3A_94] : memref<131072x128xf32, #tpu.memory_space<hbm>> -> memref<128x128xf32, #tpu.memory_space<hbm>>
      tpu.wait_dma2 semaphore(%arg11 : memref<!tpu.dma_semaphore, #tpu.memory_space<semaphore_mem>>) src(%dma_wait3A_95 : memref<128x128xf32, #tpu.memory_space<hbm>>) dst(%arg6 : memref<128x128xf32, #tpu.memory_space<vmem>>)
      %scan3A_96 = arith.constant 0 : i32
      %scan3A_97 = arith.constant 0 : i32
      %scan3A_98 = arith.constant 8 : i32
      %scan3A_99 = arith.addi %scan3A_97, %scan3A_98 : i32
      %scan3A_100 = arith.constant 1 : i32
      %scan3A_101 = scf.for %scan3A_559 = %scan3A_97 to %scan3A_99 step %scan3A_100 iter_args(%scan3A_560 = %scan3A_96) -> (i32)  : i32 {
        %mul3A_561 = arith.constant 16 : i32
        %mul3A_562 = arith.muli %scan3A_559, %mul3A_561 : i32
        %add3A_563 = arith.constant 256 : i32
        %add3A_564 = arith.addi %add3A_563, %mul3A_562 : i32
        %get3A = arith.index_cast %add3A_564 : i32 to index
        %get3A_565 = tpu.vector_load %arg5[%get3A] {strides = array<i32>} : memref<1024xi32, #tpu.memory_space<vmem>>, vector<16xi32>,
        %get3A_566 = vector.shape_cast %get3A_565 : vector<16xi32> to vector<16xi32>
        %ge3A = arith.cmpi sge, %get3A_566, %broadcast_in_dim3A_12 : vector<16xi32>
        %lt3A_567 = arith.cmpi slt, %get3A_566, %broadcast_in_dim3A_14 : vector<16xi32>
        %and3A = arith.andi %ge3A, %lt3A_567 : vector<16xi1>
        %sub3A = arith.subi %get3A_566, %broadcast_in_dim3A_12 : vector<16xi32>
        %select_n3A = arith.select %and3A, %sub3A, %broadcast_in_dim3A_16 : vector<16xi1>, vector<16xi32>
        %mul3A_568 = arith.constant 16 : i32
        %mul3A_569 = arith.muli %scan3A_559, %mul3A_568 : i32
        %dma_start3A_570 = arith.constant 0 : i32
        %dma_start3A_571 = tpu.memref_slice %arg6[%mul3A_569, %dma_start3A_570] : memref<128x128xf32, #tpu.memory_space<vmem>> -> memref<16x128xf32, #tpu.memory_space<vmem>>
        %dma_start3A_572 = arith.constant 0 : i32
        %dma_start3A_573 = arith.constant 0 : i32
        %dma_start3A_574 = tpu.memref_slice %arg10[%dma_start3A_572, %dma_start3A_573] : memref<8208x128xf32, #tpu.memory_space<vmem_shared>> -> memref<8208x128xf32, #tpu.memory_space<vmem_shared>>
        tpu.enqueue_indirect_dma source(%dma_start3A_571 : memref<16x128xf32, #tpu.memory_space<vmem>>) target(%dma_start3A_574 : memref<8208x128xf32, #tpu.memory_space<vmem_shared>>) offsets(%select_n3A : vector<16xi32>) semaphore(%arg13 : memref<!tpu.dma_semaphore, #tpu.memory_space<semaphore_mem>>) {add = true}
        %scan3A_575 = arith.constant 0 : i32
        scf.yield %scan3A_575 : i32
      }
      %scan3A_102 = arith.constant 8 : i32
      %dma_wait3A_103 = arith.constant 0 : i32
      %dma_wait3A_104 = arith.constant 0 : i32
      %dma_wait3A_105 = tpu.memref_slice %arg3[%dma_wait3A_103, %dma_wait3A_104] : memref<131072x128xf32, #tpu.memory_space<hbm>> -> memref<128x128xf32, #tpu.memory_space<hbm>>
      %dma_wait3A_106 = arith.constant 0 : i32
      %dma_wait3A_107 = arith.constant 0 : i32
      %dma_wait3A_108 = tpu.memref_slice %arg3[%dma_wait3A_106, %dma_wait3A_107] : memref<131072x128xf32, #tpu.memory_space<hbm>> -> memref<128x128xf32, #tpu.memory_space<hbm>>
      tpu.wait_dma2 semaphore(%arg14 : memref<!tpu.dma_semaphore, #tpu.memory_space<semaphore_mem>>) src(%dma_wait3A_108 : memref<128x128xf32, #tpu.memory_space<hbm>>) dst(%arg7 : memref<128x128xf32, #tpu.memory_space<vmem>>)
      %scan3A_109 = arith.constant 0 : i32
      %scan3A_110 = arith.constant 0 : i32
      %scan3A_111 = arith.constant 8 : i32
      %scan3A_112 = arith.addi %scan3A_110, %scan3A_111 : i32
      %scan3A_113 = arith.constant 1 : i32
      %scan3A_114 = scf.for %scan3A_559 = %scan3A_110 to %scan3A_112 step %scan3A_113 iter_args(%scan3A_560 = %scan3A_109) -> (i32)  : i32 {
        %mul3A_561 = arith.constant 1024 : i32
        %mul3A_562 = arith.muli %arg1, %mul3A_561 : i32
        %add3A_563 = arith.constant 384 : i32
        %add3A_564 = arith.addi %mul3A_562, %add3A_563 : i32
        %mul3A_565 = arith.constant 16 : i32
        %mul3A_566 = arith.muli %scan3A_559, %mul3A_565 : i32
        %add3A_567 = arith.addi %add3A_564, %mul3A_566 : i32
        %mul3A_568 = arith.constant 8 : i32
        %mul3A_569 = arith.muli %add3A_567, %mul3A_568 : i32
        %add3A_570 = arith.addi %mul3A_569, %scan3A_41 : i32
        %broadcast_in_dim3A_571 = vector.broadcast %add3A_570 : i32 to vector<16xi32>
        %add3A_572 = arith.addi %mul3A_19, %broadcast_in_dim3A_571 : vector<16xi32>
        %mul3A_573 = arith.constant 16 : i32
        %mul3A_574 = arith.muli %scan3A_559, %mul3A_573 : i32
        %dma_start3A_575 = arith.constant 0 : i32
        %dma_start3A_576 = tpu.memref_slice %arg7[%mul3A_574, %dma_start3A_575] : memref<128x128xf32, #tpu.memory_space<vmem>> -> memref<16x128xf32, #tpu.memory_space<vmem>>
        %dma_start3A_577 = arith.constant 0 : i32
        %dma_start3A_578 = arith.constant 0 : i32
        %dma_start3A_579 = tpu.memref_slice %arg3[%dma_start3A_577, %dma_start3A_578] : memref<131072x128xf32, #tpu.memory_space<hbm>> -> memref<131072x128xf32, #tpu.memory_space<hbm>>
        tpu.enqueue_indirect_dma source(%dma_start3A_579 : memref<131072x128xf32, #tpu.memory_space<hbm>>) target(%dma_start3A_576 : memref<16x128xf32, #tpu.memory_space<vmem>>) offsets(%add3A_572 : vector<16xi32>) semaphore(%arg12 : memref<!tpu.dma_semaphore, #tpu.memory_space<semaphore_mem>>)
        %scan3A_580 = arith.constant 0 : i32
        scf.yield %scan3A_580 : i32
      }
      %scan3A_115 = arith.constant 8 : i32
      %dma_wait3A_116 = arith.constant 0 : i32
      %dma_wait3A_117 = arith.constant 0 : i32
      %dma_wait3A_118 = tpu.memref_slice %arg3[%dma_wait3A_116, %dma_wait3A_117] : memref<131072x128xf32, #tpu.memory_space<hbm>> -> memref<128x128xf32, #tpu.memory_space<hbm>>
      %dma_wait3A_119 = arith.constant 0 : i32
      %dma_wait3A_120 = arith.constant 0 : i32
      %dma_wait3A_121 = tpu.memref_slice %arg3[%dma_wait3A_119, %dma_wait3A_120] : memref<131072x128xf32, #tpu.memory_space<hbm>> -> memref<128x128xf32, #tpu.memory_space<hbm>>
      tpu.wait_dma2 semaphore(%arg12 : memref<!tpu.dma_semaphore, #tpu.memory_space<semaphore_mem>>) src(%dma_wait3A_121 : memref<128x128xf32, #tpu.memory_space<hbm>>) dst(%arg7 : memref<128x128xf32, #tpu.memory_space<vmem>>)
      %scan3A_122 = arith.constant 0 : i32
      %scan3A_123 = arith.constant 0 : i32
      %scan3A_124 = arith.constant 8 : i32
      %scan3A_125 = arith.addi %scan3A_123, %scan3A_124 : i32
      %scan3A_126 = arith.constant 1 : i32
      %scan3A_127 = scf.for %scan3A_559 = %scan3A_123 to %scan3A_125 step %scan3A_126 iter_args(%scan3A_560 = %scan3A_122) -> (i32)  : i32 {
        %mul3A_561 = arith.constant 16 : i32
        %mul3A_562 = arith.muli %scan3A_559, %mul3A_561 : i32
        %add3A_563 = arith.constant 384 : i32
        %add3A_564 = arith.addi %add3A_563, %mul3A_562 : i32
        %get3A = arith.index_cast %add3A_564 : i32 to index
        %get3A_565 = tpu.vector_load %arg5[%get3A] {strides = array<i32>} : memref<1024xi32, #tpu.memory_space<vmem>>, vector<16xi32>,
        %get3A_566 = vector.shape_cast %get3A_565 : vector<16xi32> to vector<16xi32>
        %ge3A = arith.cmpi sge, %get3A_566, %broadcast_in_dim3A_12 : vector<16xi32>
        %lt3A_567 = arith.cmpi slt, %get3A_566, %broadcast_in_dim3A_14 : vector<16xi32>
        %and3A = arith.andi %ge3A, %lt3A_567 : vector<16xi1>
        %sub3A = arith.subi %get3A_566, %broadcast_in_dim3A_12 : vector<16xi32>
        %select_n3A = arith.select %and3A, %sub3A, %broadcast_in_dim3A_16 : vector<16xi1>, vector<16xi32>
        %mul3A_568 = arith.constant 16 : i32
        %mul3A_569 = arith.muli %scan3A_559, %mul3A_568 : i32
        %dma_start3A_570 = arith.constant 0 : i32
        %dma_start3A_571 = tpu.memref_slice %arg7[%mul3A_569, %dma_start3A_570] : memref<128x128xf32, #tpu.memory_space<vmem>> -> memref<16x128xf32, #tpu.memory_space<vmem>>
        %dma_start3A_572 = arith.constant 0 : i32
        %dma_start3A_573 = arith.constant 0 : i32
        %dma_start3A_574 = tpu.memref_slice %arg10[%dma_start3A_572, %dma_start3A_573] : memref<8208x128xf32, #tpu.memory_space<vmem_shared>> -> memref<8208x128xf32, #tpu.memory_space<vmem_shared>>
        tpu.enqueue_indirect_dma source(%dma_start3A_571 : memref<16x128xf32, #tpu.memory_space<vmem>>) target(%dma_start3A_574 : memref<8208x128xf32, #tpu.memory_space<vmem_shared>>) offsets(%select_n3A : vector<16xi32>) semaphore(%arg14 : memref<!tpu.dma_semaphore, #tpu.memory_space<semaphore_mem>>) {add = true}
        %scan3A_575 = arith.constant 0 : i32
        scf.yield %scan3A_575 : i32
      }
      %scan3A_128 = arith.constant 8 : i32
      %dma_wait3A_129 = arith.constant 0 : i32
      %dma_wait3A_130 = arith.constant 0 : i32
      %dma_wait3A_131 = tpu.memref_slice %arg3[%dma_wait3A_129, %dma_wait3A_130] : memref<131072x128xf32, #tpu.memory_space<hbm>> -> memref<128x128xf32, #tpu.memory_space<hbm>>
      %dma_wait3A_132 = arith.constant 0 : i32
      %dma_wait3A_133 = arith.constant 0 : i32
      %dma_wait3A_134 = tpu.memref_slice %arg3[%dma_wait3A_132, %dma_wait3A_133] : memref<131072x128xf32, #tpu.memory_space<hbm>> -> memref<128x128xf32, #tpu.memory_space<hbm>>
      tpu.wait_dma2 semaphore(%arg13 : memref<!tpu.dma_semaphore, #tpu.memory_space<semaphore_mem>>) src(%dma_wait3A_134 : memref<128x128xf32, #tpu.memory_space<hbm>>) dst(%arg6 : memref<128x128xf32, #tpu.memory_space<vmem>>)
      %scan3A_135 = arith.constant 0 : i32
      %scan3A_136 = arith.constant 0 : i32
      %scan3A_137 = arith.constant 8 : i32
      %scan3A_138 = arith.addi %scan3A_136, %scan3A_137 : i32
      %scan3A_139 = arith.constant 1 : i32
      %scan3A_140 = scf.for %scan3A_559 = %scan3A_136 to %scan3A_138 step %scan3A_139 iter_args(%scan3A_560 = %scan3A_135) -> (i32)  : i32 {
        %mul3A_561 = arith.constant 1024 : i32
        %mul3A_562 = arith.muli %arg1, %mul3A_561 : i32
        %add3A_563 = arith.constant 512 : i32
        %add3A_564 = arith.addi %mul3A_562, %add3A_563 : i32
        %mul3A_565 = arith.constant 16 : i32
        %mul3A_566 = arith.muli %scan3A_559, %mul3A_565 : i32
        %add3A_567 = arith.addi %add3A_564, %mul3A_566 : i32
        %mul3A_568 = arith.constant 8 : i32
        %mul3A_569 = arith.muli %add3A_567, %mul3A_568 : i32
        %add3A_570 = arith.addi %mul3A_569, %scan3A_41 : i32
        %broadcast_in_dim3A_571 = vector.broadcast %add3A_570 : i32 to vector<16xi32>
        %add3A_572 = arith.addi %mul3A_19, %broadcast_in_dim3A_571 : vector<16xi32>
        %mul3A_573 = arith.constant 16 : i32
        %mul3A_574 = arith.muli %scan3A_559, %mul3A_573 : i32
        %dma_start3A_575 = arith.constant 0 : i32
        %dma_start3A_576 = tpu.memref_slice %arg6[%mul3A_574, %dma_start3A_575] : memref<128x128xf32, #tpu.memory_space<vmem>> -> memref<16x128xf32, #tpu.memory_space<vmem>>
        %dma_start3A_577 = arith.constant 0 : i32
        %dma_start3A_578 = arith.constant 0 : i32
        %dma_start3A_579 = tpu.memref_slice %arg3[%dma_start3A_577, %dma_start3A_578] : memref<131072x128xf32, #tpu.memory_space<hbm>> -> memref<131072x128xf32, #tpu.memory_space<hbm>>
        tpu.enqueue_indirect_dma source(%dma_start3A_579 : memref<131072x128xf32, #tpu.memory_space<hbm>>) target(%dma_start3A_576 : memref<16x128xf32, #tpu.memory_space<vmem>>) offsets(%add3A_572 : vector<16xi32>) semaphore(%arg11 : memref<!tpu.dma_semaphore, #tpu.memory_space<semaphore_mem>>)
        %scan3A_580 = arith.constant 0 : i32
        scf.yield %scan3A_580 : i32
      }
      %scan3A_141 = arith.constant 8 : i32
      %dma_wait3A_142 = arith.constant 0 : i32
      %dma_wait3A_143 = arith.constant 0 : i32
      %dma_wait3A_144 = tpu.memref_slice %arg3[%dma_wait3A_142, %dma_wait3A_143] : memref<131072x128xf32, #tpu.memory_space<hbm>> -> memref<128x128xf32, #tpu.memory_space<hbm>>
      %dma_wait3A_145 = arith.constant 0 : i32
      %dma_wait3A_146 = arith.constant 0 : i32
      %dma_wait3A_147 = tpu.memref_slice %arg3[%dma_wait3A_145, %dma_wait3A_146] : memref<131072x128xf32, #tpu.memory_space<hbm>> -> memref<128x128xf32, #tpu.memory_space<hbm>>
      tpu.wait_dma2 semaphore(%arg11 : memref<!tpu.dma_semaphore, #tpu.memory_space<semaphore_mem>>) src(%dma_wait3A_147 : memref<128x128xf32, #tpu.memory_space<hbm>>) dst(%arg6 : memref<128x128xf32, #tpu.memory_space<vmem>>)
      %scan3A_148 = arith.constant 0 : i32
      %scan3A_149 = arith.constant 0 : i32
      %scan3A_150 = arith.constant 8 : i32
      %scan3A_151 = arith.addi %scan3A_149, %scan3A_150 : i32
      %scan3A_152 = arith.constant 1 : i32
      %scan3A_153 = scf.for %scan3A_559 = %scan3A_149 to %scan3A_151 step %scan3A_152 iter_args(%scan3A_560 = %scan3A_148) -> (i32)  : i32 {
        %mul3A_561 = arith.constant 16 : i32
        %mul3A_562 = arith.muli %scan3A_559, %mul3A_561 : i32
        %add3A_563 = arith.constant 512 : i32
        %add3A_564 = arith.addi %add3A_563, %mul3A_562 : i32
        %get3A = arith.index_cast %add3A_564 : i32 to index
        %get3A_565 = tpu.vector_load %arg5[%get3A] {strides = array<i32>} : memref<1024xi32, #tpu.memory_space<vmem>>, vector<16xi32>,
        %get3A_566 = vector.shape_cast %get3A_565 : vector<16xi32> to vector<16xi32>
        %ge3A = arith.cmpi sge, %get3A_566, %broadcast_in_dim3A_12 : vector<16xi32>
        %lt3A_567 = arith.cmpi slt, %get3A_566, %broadcast_in_dim3A_14 : vector<16xi32>
        %and3A = arith.andi %ge3A, %lt3A_567 : vector<16xi1>
        %sub3A = arith.subi %get3A_566, %broadcast_in_dim3A_12 : vector<16xi32>
        %select_n3A = arith.select %and3A, %sub3A, %broadcast_in_dim3A_16 : vector<16xi1>, vector<16xi32>
        %mul3A_568 = arith.constant 16 : i32
        %mul3A_569 = arith.muli %scan3A_559, %mul3A_568 : i32
        %dma_start3A_570 = arith.constant 0 : i32
        %dma_start3A_571 = tpu.memref_slice %arg6[%mul3A_569, %dma_start3A_570] : memref<128x128xf32, #tpu.memory_space<vmem>> -> memref<16x128xf32, #tpu.memory_space<vmem>>
        %dma_start3A_572 = arith.constant 0 : i32
        %dma_start3A_573 = arith.constant 0 : i32
        %dma_start3A_574 = tpu.memref_slice %arg10[%dma_start3A_572, %dma_start3A_573] : memref<8208x128xf32, #tpu.memory_space<vmem_shared>> -> memref<8208x128xf32, #tpu.memory_space<vmem_shared>>
        tpu.enqueue_indirect_dma source(%dma_start3A_571 : memref<16x128xf32, #tpu.memory_space<vmem>>) target(%dma_start3A_574 : memref<8208x128xf32, #tpu.memory_space<vmem_shared>>) offsets(%select_n3A : vector<16xi32>) semaphore(%arg13 : memref<!tpu.dma_semaphore, #tpu.memory_space<semaphore_mem>>) {add = true}
        %scan3A_575 = arith.constant 0 : i32
        scf.yield %scan3A_575 : i32
      }
      %scan3A_154 = arith.constant 8 : i32
      %dma_wait3A_155 = arith.constant 0 : i32
      %dma_wait3A_156 = arith.constant 0 : i32
      %dma_wait3A_157 = tpu.memref_slice %arg3[%dma_wait3A_155, %dma_wait3A_156] : memref<131072x128xf32, #tpu.memory_space<hbm>> -> memref<128x128xf32, #tpu.memory_space<hbm>>
      %dma_wait3A_158 = arith.constant 0 : i32
      %dma_wait3A_159 = arith.constant 0 : i32
      %dma_wait3A_160 = tpu.memref_slice %arg3[%dma_wait3A_158, %dma_wait3A_159] : memref<131072x128xf32, #tpu.memory_space<hbm>> -> memref<128x128xf32, #tpu.memory_space<hbm>>
      tpu.wait_dma2 semaphore(%arg14 : memref<!tpu.dma_semaphore, #tpu.memory_space<semaphore_mem>>) src(%dma_wait3A_160 : memref<128x128xf32, #tpu.memory_space<hbm>>) dst(%arg7 : memref<128x128xf32, #tpu.memory_space<vmem>>)
      %scan3A_161 = arith.constant 0 : i32
      %scan3A_162 = arith.constant 0 : i32
      %scan3A_163 = arith.constant 8 : i32
      %scan3A_164 = arith.addi %scan3A_162, %scan3A_163 : i32
      %scan3A_165 = arith.constant 1 : i32
      %scan3A_166 = scf.for %scan3A_559 = %scan3A_162 to %scan3A_164 step %scan3A_165 iter_args(%scan3A_560 = %scan3A_161) -> (i32)  : i32 {
        %mul3A_561 = arith.constant 1024 : i32
        %mul3A_562 = arith.muli %arg1, %mul3A_561 : i32
        %add3A_563 = arith.constant 640 : i32
        %add3A_564 = arith.addi %mul3A_562, %add3A_563 : i32
        %mul3A_565 = arith.constant 16 : i32
        %mul3A_566 = arith.muli %scan3A_559, %mul3A_565 : i32
        %add3A_567 = arith.addi %add3A_564, %mul3A_566 : i32
        %mul3A_568 = arith.constant 8 : i32
        %mul3A_569 = arith.muli %add3A_567, %mul3A_568 : i32
        %add3A_570 = arith.addi %mul3A_569, %scan3A_41 : i32
        %broadcast_in_dim3A_571 = vector.broadcast %add3A_570 : i32 to vector<16xi32>
        %add3A_572 = arith.addi %mul3A_19, %broadcast_in_dim3A_571 : vector<16xi32>
        %mul3A_573 = arith.constant 16 : i32
        %mul3A_574 = arith.muli %scan3A_559, %mul3A_573 : i32
        %dma_start3A_575 = arith.constant 0 : i32
        %dma_start3A_576 = tpu.memref_slice %arg7[%mul3A_574, %dma_start3A_575] : memref<128x128xf32, #tpu.memory_space<vmem>> -> memref<16x128xf32, #tpu.memory_space<vmem>>
        %dma_start3A_577 = arith.constant 0 : i32
        %dma_start3A_578 = arith.constant 0 : i32
        %dma_start3A_579 = tpu.memref_slice %arg3[%dma_start3A_577, %dma_start3A_578] : memref<131072x128xf32, #tpu.memory_space<hbm>> -> memref<131072x128xf32, #tpu.memory_space<hbm>>
        tpu.enqueue_indirect_dma source(%dma_start3A_579 : memref<131072x128xf32, #tpu.memory_space<hbm>>) target(%dma_start3A_576 : memref<16x128xf32, #tpu.memory_space<vmem>>) offsets(%add3A_572 : vector<16xi32>) semaphore(%arg12 : memref<!tpu.dma_semaphore, #tpu.memory_space<semaphore_mem>>)
        %scan3A_580 = arith.constant 0 : i32
        scf.yield %scan3A_580 : i32
      }
      %scan3A_167 = arith.constant 8 : i32
      %dma_wait3A_168 = arith.constant 0 : i32
      %dma_wait3A_169 = arith.constant 0 : i32
      %dma_wait3A_170 = tpu.memref_slice %arg3[%dma_wait3A_168, %dma_wait3A_169] : memref<131072x128xf32, #tpu.memory_space<hbm>> -> memref<128x128xf32, #tpu.memory_space<hbm>>
      %dma_wait3A_171 = arith.constant 0 : i32
      %dma_wait3A_172 = arith.constant 0 : i32
      %dma_wait3A_173 = tpu.memref_slice %arg3[%dma_wait3A_171, %dma_wait3A_172] : memref<131072x128xf32, #tpu.memory_space<hbm>> -> memref<128x128xf32, #tpu.memory_space<hbm>>
      tpu.wait_dma2 semaphore(%arg12 : memref<!tpu.dma_semaphore, #tpu.memory_space<semaphore_mem>>) src(%dma_wait3A_173 : memref<128x128xf32, #tpu.memory_space<hbm>>) dst(%arg7 : memref<128x128xf32, #tpu.memory_space<vmem>>)
      %scan3A_174 = arith.constant 0 : i32
      %scan3A_175 = arith.constant 0 : i32
      %scan3A_176 = arith.constant 8 : i32
      %scan3A_177 = arith.addi %scan3A_175, %scan3A_176 : i32
      %scan3A_178 = arith.constant 1 : i32
      %scan3A_179 = scf.for %scan3A_559 = %scan3A_175 to %scan3A_177 step %scan3A_178 iter_args(%scan3A_560 = %scan3A_174) -> (i32)  : i32 {
        %mul3A_561 = arith.constant 16 : i32
        %mul3A_562 = arith.muli %scan3A_559, %mul3A_561 : i32
        %add3A_563 = arith.constant 640 : i32
        %add3A_564 = arith.addi %add3A_563, %mul3A_562 : i32
        %get3A = arith.index_cast %add3A_564 : i32 to index
        %get3A_565 = tpu.vector_load %arg5[%get3A] {strides = array<i32>} : memref<1024xi32, #tpu.memory_space<vmem>>, vector<16xi32>,
        %get3A_566 = vector.shape_cast %get3A_565 : vector<16xi32> to vector<16xi32>
        %ge3A = arith.cmpi sge, %get3A_566, %broadcast_in_dim3A_12 : vector<16xi32>
        %lt3A_567 = arith.cmpi slt, %get3A_566, %broadcast_in_dim3A_14 : vector<16xi32>
        %and3A = arith.andi %ge3A, %lt3A_567 : vector<16xi1>
        %sub3A = arith.subi %get3A_566, %broadcast_in_dim3A_12 : vector<16xi32>
        %select_n3A = arith.select %and3A, %sub3A, %broadcast_in_dim3A_16 : vector<16xi1>, vector<16xi32>
        %mul3A_568 = arith.constant 16 : i32
        %mul3A_569 = arith.muli %scan3A_559, %mul3A_568 : i32
        %dma_start3A_570 = arith.constant 0 : i32
        %dma_start3A_571 = tpu.memref_slice %arg7[%mul3A_569, %dma_start3A_570] : memref<128x128xf32, #tpu.memory_space<vmem>> -> memref<16x128xf32, #tpu.memory_space<vmem>>
        %dma_start3A_572 = arith.constant 0 : i32
        %dma_start3A_573 = arith.constant 0 : i32
        %dma_start3A_574 = tpu.memref_slice %arg10[%dma_start3A_572, %dma_start3A_573] : memref<8208x128xf32, #tpu.memory_space<vmem_shared>> -> memref<8208x128xf32, #tpu.memory_space<vmem_shared>>
        tpu.enqueue_indirect_dma source(%dma_start3A_571 : memref<16x128xf32, #tpu.memory_space<vmem>>) target(%dma_start3A_574 : memref<8208x128xf32, #tpu.memory_space<vmem_shared>>) offsets(%select_n3A : vector<16xi32>) semaphore(%arg14 : memref<!tpu.dma_semaphore, #tpu.memory_space<semaphore_mem>>) {add = true}
        %scan3A_575 = arith.constant 0 : i32
        scf.yield %scan3A_575 : i32
      }
      %scan3A_180 = arith.constant 8 : i32
      %dma_wait3A_181 = arith.constant 0 : i32
      %dma_wait3A_182 = arith.constant 0 : i32
      %dma_wait3A_183 = tpu.memref_slice %arg3[%dma_wait3A_181, %dma_wait3A_182] : memref<131072x128xf32, #tpu.memory_space<hbm>> -> memref<128x128xf32, #tpu.memory_space<hbm>>
      %dma_wait3A_184 = arith.constant 0 : i32
      %dma_wait3A_185 = arith.constant 0 : i32
      %dma_wait3A_186 = tpu.memref_slice %arg3[%dma_wait3A_184, %dma_wait3A_185] : memref<131072x128xf32, #tpu.memory_space<hbm>> -> memref<128x128xf32, #tpu.memory_space<hbm>>
      tpu.wait_dma2 semaphore(%arg13 : memref<!tpu.dma_semaphore, #tpu.memory_space<semaphore_mem>>) src(%dma_wait3A_186 : memref<128x128xf32, #tpu.memory_space<hbm>>) dst(%arg6 : memref<128x128xf32, #tpu.memory_space<vmem>>)
      %scan3A_187 = arith.constant 0 : i32
      %scan3A_188 = arith.constant 0 : i32
      %scan3A_189 = arith.constant 8 : i32
      %scan3A_190 = arith.addi %scan3A_188, %scan3A_189 : i32
      %scan3A_191 = arith.constant 1 : i32
      %scan3A_192 = scf.for %scan3A_559 = %scan3A_188 to %scan3A_190 step %scan3A_191 iter_args(%scan3A_560 = %scan3A_187) -> (i32)  : i32 {
        %mul3A_561 = arith.constant 1024 : i32
        %mul3A_562 = arith.muli %arg1, %mul3A_561 : i32
        %add3A_563 = arith.constant 768 : i32
        %add3A_564 = arith.addi %mul3A_562, %add3A_563 : i32
        %mul3A_565 = arith.constant 16 : i32
        %mul3A_566 = arith.muli %scan3A_559, %mul3A_565 : i32
        %add3A_567 = arith.addi %add3A_564, %mul3A_566 : i32
        %mul3A_568 = arith.constant 8 : i32
        %mul3A_569 = arith.muli %add3A_567, %mul3A_568 : i32
        %add3A_570 = arith.addi %mul3A_569, %scan3A_41 : i32
        %broadcast_in_dim3A_571 = vector.broadcast %add3A_570 : i32 to vector<16xi32>
        %add3A_572 = arith.addi %mul3A_19, %broadcast_in_dim3A_571 : vector<16xi32>
        %mul3A_573 = arith.constant 16 : i32
        %mul3A_574 = arith.muli %scan3A_559, %mul3A_573 : i32
        %dma_start3A_575 = arith.constant 0 : i32
        %dma_start3A_576 = tpu.memref_slice %arg6[%mul3A_574, %dma_start3A_575] : memref<128x128xf32, #tpu.memory_space<vmem>> -> memref<16x128xf32, #tpu.memory_space<vmem>>
        %dma_start3A_577 = arith.constant 0 : i32
        %dma_start3A_578 = arith.constant 0 : i32
        %dma_start3A_579 = tpu.memref_slice %arg3[%dma_start3A_577, %dma_start3A_578] : memref<131072x128xf32, #tpu.memory_space<hbm>> -> memref<131072x128xf32, #tpu.memory_space<hbm>>
        tpu.enqueue_indirect_dma source(%dma_start3A_579 : memref<131072x128xf32, #tpu.memory_space<hbm>>) target(%dma_start3A_576 : memref<16x128xf32, #tpu.memory_space<vmem>>) offsets(%add3A_572 : vector<16xi32>) semaphore(%arg11 : memref<!tpu.dma_semaphore, #tpu.memory_space<semaphore_mem>>)
        %scan3A_580 = arith.constant 0 : i32
        scf.yield %scan3A_580 : i32
      }
      %scan3A_193 = arith.constant 8 : i32
      %dma_wait3A_194 = arith.constant 0 : i32
      %dma_wait3A_195 = arith.constant 0 : i32
      %dma_wait3A_196 = tpu.memref_slice %arg3[%dma_wait3A_194, %dma_wait3A_195] : memref<131072x128xf32, #tpu.memory_space<hbm>> -> memref<128x128xf32, #tpu.memory_space<hbm>>
      %dma_wait3A_197 = arith.constant 0 : i32
      %dma_wait3A_198 = arith.constant 0 : i32
      %dma_wait3A_199 = tpu.memref_slice %arg3[%dma_wait3A_197, %dma_wait3A_198] : memref<131072x128xf32, #tpu.memory_space<hbm>> -> memref<128x128xf32, #tpu.memory_space<hbm>>
      tpu.wait_dma2 semaphore(%arg11 : memref<!tpu.dma_semaphore, #tpu.memory_space<semaphore_mem>>) src(%dma_wait3A_199 : memref<128x128xf32, #tpu.memory_space<hbm>>) dst(%arg6 : memref<128x128xf32, #tpu.memory_space<vmem>>)
      %scan3A_200 = arith.constant 0 : i32
      %scan3A_201 = arith.constant 0 : i32
      %scan3A_202 = arith.constant 8 : i32
      %scan3A_203 = arith.addi %scan3A_201, %scan3A_202 : i32
      %scan3A_204 = arith.constant 1 : i32
      %scan3A_205 = scf.for %scan3A_559 = %scan3A_201 to %scan3A_203 step %scan3A_204 iter_args(%scan3A_560 = %scan3A_200) -> (i32)  : i32 {
        %mul3A_561 = arith.constant 16 : i32
        %mul3A_562 = arith.muli %scan3A_559, %mul3A_561 : i32
        %add3A_563 = arith.constant 768 : i32
        %add3A_564 = arith.addi %add3A_563, %mul3A_562 : i32
        %get3A = arith.index_cast %add3A_564 : i32 to index
        %get3A_565 = tpu.vector_load %arg5[%get3A] {strides = array<i32>} : memref<1024xi32, #tpu.memory_space<vmem>>, vector<16xi32>,
        %get3A_566 = vector.shape_cast %get3A_565 : vector<16xi32> to vector<16xi32>
        %ge3A = arith.cmpi sge, %get3A_566, %broadcast_in_dim3A_12 : vector<16xi32>
        %lt3A_567 = arith.cmpi slt, %get3A_566, %broadcast_in_dim3A_14 : vector<16xi32>
        %and3A = arith.andi %ge3A, %lt3A_567 : vector<16xi1>
        %sub3A = arith.subi %get3A_566, %broadcast_in_dim3A_12 : vector<16xi32>
        %select_n3A = arith.select %and3A, %sub3A, %broadcast_in_dim3A_16 : vector<16xi1>, vector<16xi32>
        %mul3A_568 = arith.constant 16 : i32
        %mul3A_569 = arith.muli %scan3A_559, %mul3A_568 : i32
        %dma_start3A_570 = arith.constant 0 : i32
        %dma_start3A_571 = tpu.memref_slice %arg6[%mul3A_569, %dma_start3A_570] : memref<128x128xf32, #tpu.memory_space<vmem>> -> memref<16x128xf32, #tpu.memory_space<vmem>>
        %dma_start3A_572 = arith.constant 0 : i32
        %dma_start3A_573 = arith.constant 0 : i32
        %dma_start3A_574 = tpu.memref_slice %arg10[%dma_start3A_572, %dma_start3A_573] : memref<8208x128xf32, #tpu.memory_space<vmem_shared>> -> memref<8208x128xf32, #tpu.memory_space<vmem_shared>>
        tpu.enqueue_indirect_dma source(%dma_start3A_571 : memref<16x128xf32, #tpu.memory_space<vmem>>) target(%dma_start3A_574 : memref<8208x128xf32, #tpu.memory_space<vmem_shared>>) offsets(%select_n3A : vector<16xi32>) semaphore(%arg13 : memref<!tpu.dma_semaphore, #tpu.memory_space<semaphore_mem>>) {add = true}
        %scan3A_575 = arith.constant 0 : i32
        scf.yield %scan3A_575 : i32
      }
      %scan3A_206 = arith.constant 8 : i32
      %dma_wait3A_207 = arith.constant 0 : i32
      %dma_wait3A_208 = arith.constant 0 : i32
      %dma_wait3A_209 = tpu.memref_slice %arg3[%dma_wait3A_207, %dma_wait3A_208] : memref<131072x128xf32, #tpu.memory_space<hbm>> -> memref<128x128xf32, #tpu.memory_space<hbm>>
      %dma_wait3A_210 = arith.constant 0 : i32
      %dma_wait3A_211 = arith.constant 0 : i32
      %dma_wait3A_212 = tpu.memref_slice %arg3[%dma_wait3A_210, %dma_wait3A_211] : memref<131072x128xf32, #tpu.memory_space<hbm>> -> memref<128x128xf32, #tpu.memory_space<hbm>>
      tpu.wait_dma2 semaphore(%arg14 : memref<!tpu.dma_semaphore, #tpu.memory_space<semaphore_mem>>) src(%dma_wait3A_212 : memref<128x128xf32, #tpu.memory_space<hbm>>) dst(%arg7 : memref<128x128xf32, #tpu.memory_space<vmem>>)
      %scan3A_213 = arith.constant 0 : i32
      %scan3A_214 = arith.constant 0 : i32
      %scan3A_215 = arith.constant 8 : i32
      %scan3A_216 = arith.addi %scan3A_214, %scan3A_215 : i32
      %scan3A_217 = arith.constant 1 : i32
      %scan3A_218 = scf.for %scan3A_559 = %scan3A_214 to %scan3A_216 step %scan3A_217 iter_args(%scan3A_560 = %scan3A_213) -> (i32)  : i32 {
        %mul3A_561 = arith.constant 1024 : i32
        %mul3A_562 = arith.muli %arg1, %mul3A_561 : i32
        %add3A_563 = arith.constant 896 : i32
        %add3A_564 = arith.addi %mul3A_562, %add3A_563 : i32
        %mul3A_565 = arith.constant 16 : i32
        %mul3A_566 = arith.muli %scan3A_559, %mul3A_565 : i32
        %add3A_567 = arith.addi %add3A_564, %mul3A_566 : i32
        %mul3A_568 = arith.constant 8 : i32
        %mul3A_569 = arith.muli %add3A_567, %mul3A_568 : i32
        %add3A_570 = arith.addi %mul3A_569, %scan3A_41 : i32
        %broadcast_in_dim3A_571 = vector.broadcast %add3A_570 : i32 to vector<16xi32>
        %add3A_572 = arith.addi %mul3A_19, %broadcast_in_dim3A_571 : vector<16xi32>
        %mul3A_573 = arith.constant 16 : i32
        %mul3A_574 = arith.muli %scan3A_559, %mul3A_573 : i32
        %dma_start3A_575 = arith.constant 0 : i32
        %dma_start3A_576 = tpu.memref_slice %arg7[%mul3A_574, %dma_start3A_575] : memref<128x128xf32, #tpu.memory_space<vmem>> -> memref<16x128xf32, #tpu.memory_space<vmem>>
        %dma_start3A_577 = arith.constant 0 : i32
        %dma_start3A_578 = arith.constant 0 : i32
        %dma_start3A_579 = tpu.memref_slice %arg3[%dma_start3A_577, %dma_start3A_578] : memref<131072x128xf32, #tpu.memory_space<hbm>> -> memref<131072x128xf32, #tpu.memory_space<hbm>>
        tpu.enqueue_indirect_dma source(%dma_start3A_579 : memref<131072x128xf32, #tpu.memory_space<hbm>>) target(%dma_start3A_576 : memref<16x128xf32, #tpu.memory_space<vmem>>) offsets(%add3A_572 : vector<16xi32>) semaphore(%arg12 : memref<!tpu.dma_semaphore, #tpu.memory_space<semaphore_mem>>)
        %scan3A_580 = arith.constant 0 : i32
        scf.yield %scan3A_580 : i32
      }
      %scan3A_219 = arith.constant 8 : i32
      %dma_wait3A_220 = arith.constant 0 : i32
      %dma_wait3A_221 = arith.constant 0 : i32
      %dma_wait3A_222 = tpu.memref_slice %arg3[%dma_wait3A_220, %dma_wait3A_221] : memref<131072x128xf32, #tpu.memory_space<hbm>> -> memref<128x128xf32, #tpu.memory_space<hbm>>
      %dma_wait3A_223 = arith.constant 0 : i32
      %dma_wait3A_224 = arith.constant 0 : i32
      %dma_wait3A_225 = tpu.memref_slice %arg3[%dma_wait3A_223, %dma_wait3A_224] : memref<131072x128xf32, #tpu.memory_space<hbm>> -> memref<128x128xf32, #tpu.memory_space<hbm>>
      tpu.wait_dma2 semaphore(%arg12 : memref<!tpu.dma_semaphore, #tpu.memory_space<semaphore_mem>>) src(%dma_wait3A_225 : memref<128x128xf32, #tpu.memory_space<hbm>>) dst(%arg7 : memref<128x128xf32, #tpu.memory_space<vmem>>)
      %scan3A_226 = arith.constant 0 : i32
      %scan3A_227 = arith.constant 0 : i32
      %scan3A_228 = arith.constant 8 : i32
      %scan3A_229 = arith.addi %scan3A_227, %scan3A_228 : i32
      %scan3A_230 = arith.constant 1 : i32
      %scan3A_231 = scf.for %scan3A_559 = %scan3A_227 to %scan3A_229 step %scan3A_230 iter_args(%scan3A_560 = %scan3A_226) -> (i32)  : i32 {
        %mul3A_561 = arith.constant 16 : i32
        %mul3A_562 = arith.muli %scan3A_559, %mul3A_561 : i32
        %add3A_563 = arith.constant 896 : i32
        %add3A_564 = arith.addi %add3A_563, %mul3A_562 : i32
        %get3A = arith.index_cast %add3A_564 : i32 to index
        %get3A_565 = tpu.vector_load %arg5[%get3A] {strides = array<i32>} : memref<1024xi32, #tpu.memory_space<vmem>>, vector<16xi32>,
        %get3A_566 = vector.shape_cast %get3A_565 : vector<16xi32> to vector<16xi32>
        %ge3A = arith.cmpi sge, %get3A_566, %broadcast_in_dim3A_12 : vector<16xi32>
        %lt3A_567 = arith.cmpi slt, %get3A_566, %broadcast_in_dim3A_14 : vector<16xi32>
        %and3A = arith.andi %ge3A, %lt3A_567 : vector<16xi1>
        %sub3A = arith.subi %get3A_566, %broadcast_in_dim3A_12 : vector<16xi32>
        %select_n3A = arith.select %and3A, %sub3A, %broadcast_in_dim3A_16 : vector<16xi1>, vector<16xi32>
        %mul3A_568 = arith.constant 16 : i32
        %mul3A_569 = arith.muli %scan3A_559, %mul3A_568 : i32
        %dma_start3A_570 = arith.constant 0 : i32
        %dma_start3A_571 = tpu.memref_slice %arg7[%mul3A_569, %dma_start3A_570] : memref<128x128xf32, #tpu.memory_space<vmem>> -> memref<16x128xf32, #tpu.memory_space<vmem>>
        %dma_start3A_572 = arith.constant 0 : i32
        %dma_start3A_573 = arith.constant 0 : i32
        %dma_start3A_574 = tpu.memref_slice %arg10[%dma_start3A_572, %dma_start3A_573] : memref<8208x128xf32, #tpu.memory_space<vmem_shared>> -> memref<8208x128xf32, #tpu.memory_space<vmem_shared>>
        tpu.enqueue_indirect_dma source(%dma_start3A_571 : memref<16x128xf32, #tpu.memory_space<vmem>>) target(%dma_start3A_574 : memref<8208x128xf32, #tpu.memory_space<vmem_shared>>) offsets(%select_n3A : vector<16xi32>) semaphore(%arg14 : memref<!tpu.dma_semaphore, #tpu.memory_space<semaphore_mem>>) {add = true}
        %scan3A_575 = arith.constant 0 : i32
        scf.yield %scan3A_575 : i32
      }
      %scan3A_232 = arith.constant 8 : i32
      %dma_wait3A_233 = arith.constant 0 : i32
      %dma_wait3A_234 = arith.constant 0 : i32
      %dma_wait3A_235 = tpu.memref_slice %arg3[%dma_wait3A_233, %dma_wait3A_234] : memref<131072x128xf32, #tpu.memory_space<hbm>> -> memref<128x128xf32, #tpu.memory_space<hbm>>
      %dma_wait3A_236 = arith.constant 0 : i32
      %dma_wait3A_237 = arith.constant 0 : i32
      %dma_wait3A_238 = tpu.memref_slice %arg3[%dma_wait3A_236, %dma_wait3A_237] : memref<131072x128xf32, #tpu.memory_space<hbm>> -> memref<128x128xf32, #tpu.memory_space<hbm>>
      tpu.wait_dma2 semaphore(%arg13 : memref<!tpu.dma_semaphore, #tpu.memory_space<semaphore_mem>>) src(%dma_wait3A_238 : memref<128x128xf32, #tpu.memory_space<hbm>>) dst(%arg6 : memref<128x128xf32, #tpu.memory_space<vmem>>)
      %dma_wait3A_239 = arith.constant 0 : i32
      %dma_wait3A_240 = arith.constant 0 : i32
      %dma_wait3A_241 = tpu.memref_slice %arg3[%dma_wait3A_239, %dma_wait3A_240] : memref<131072x128xf32, #tpu.memory_space<hbm>> -> memref<128x128xf32, #tpu.memory_space<hbm>>
      %dma_wait3A_242 = arith.constant 0 : i32
      %dma_wait3A_243 = arith.constant 0 : i32
      %dma_wait3A_244 = tpu.memref_slice %arg3[%dma_wait3A_242, %dma_wait3A_243] : memref<131072x128xf32, #tpu.memory_space<hbm>> -> memref<128x128xf32, #tpu.memory_space<hbm>>
      tpu.wait_dma2 semaphore(%arg14 : memref<!tpu.dma_semaphore, #tpu.memory_space<semaphore_mem>>) src(%dma_wait3A_244 : memref<128x128xf32, #tpu.memory_space<hbm>>) dst(%arg7 : memref<128x128xf32, #tpu.memory_space<vmem>>)
      %add3A_245 = arith.constant 1 : i32
      %add3A_246 = arith.addi %scan3A_41, %add3A_245 : i32
      %lt3A = arith.constant 8 : i32
      %lt3A_247 = arith.cmpi slt, %add3A_246, %lt3A : i32
      %convert_element_type3A_248 = arith.extui %lt3A_247 : i1 to i32
      %cond3A_249 = arith.constant 0 : i32
      %cond3A_250 = arith.cmpi ne, %convert_element_type3A_248, %cond3A_249 : i32
      scf.if %cond3A_250 {
        %add3A_559 = arith.constant 1 : i32
        %add3A_560 = arith.addi %scan3A_41, %add3A_559 : i32
        %scan3A_561 = arith.constant 0 : i32
        %scan3A_562 = arith.constant 0 : i32
        %scan3A_563 = arith.constant 8 : i32
        %scan3A_564 = arith.addi %scan3A_562, %scan3A_563 : i32
        %scan3A_565 = arith.constant 1 : i32
        %scan3A_566 = scf.for %scan3A_568 = %scan3A_562 to %scan3A_564 step %scan3A_565 iter_args(%scan3A_569 = %scan3A_561) -> (i32)  : i32 {
          %mul3A_570 = arith.constant 1024 : i32
          %mul3A_571 = arith.muli %arg1, %mul3A_570 : i32
          %add3A_572 = arith.constant 0 : i32
          %add3A_573 = arith.addi %mul3A_571, %add3A_572 : i32
          %mul3A_574 = arith.constant 16 : i32
          %mul3A_575 = arith.muli %scan3A_568, %mul3A_574 : i32
          %add3A_576 = arith.addi %add3A_573, %mul3A_575 : i32
          %mul3A_577 = arith.constant 8 : i32
          %mul3A_578 = arith.muli %add3A_576, %mul3A_577 : i32
          %add3A_579 = arith.addi %mul3A_578, %add3A_560 : i32
          %broadcast_in_dim3A_580 = vector.broadcast %add3A_579 : i32 to vector<16xi32>
          %add3A_581 = arith.addi %mul3A_19, %broadcast_in_dim3A_580 : vector<16xi32>
          %mul3A_582 = arith.constant 16 : i32
          %mul3A_583 = arith.muli %scan3A_568, %mul3A_582 : i32
          %dma_start3A_584 = arith.constant 0 : i32
          %dma_start3A_585 = tpu.memref_slice %arg6[%mul3A_583, %dma_start3A_584] : memref<128x128xf32, #tpu.memory_space<vmem>> -> memref<16x128xf32, #tpu.memory_space<vmem>>
          %dma_start3A_586 = arith.constant 0 : i32
          %dma_start3A_587 = arith.constant 0 : i32
          %dma_start3A_588 = tpu.memref_slice %arg3[%dma_start3A_586, %dma_start3A_587] : memref<131072x128xf32, #tpu.memory_space<hbm>> -> memref<131072x128xf32, #tpu.memory_space<hbm>>
          tpu.enqueue_indirect_dma source(%dma_start3A_588 : memref<131072x128xf32, #tpu.memory_space<hbm>>) target(%dma_start3A_585 : memref<16x128xf32, #tpu.memory_space<vmem>>) offsets(%add3A_581 : vector<16xi32>) semaphore(%arg11 : memref<!tpu.dma_semaphore, #tpu.memory_space<semaphore_mem>>)
          %scan3A_589 = arith.constant 0 : i32
          scf.yield %scan3A_589 : i32
        }
        %scan3A_567 = arith.constant 8 : i32
      } else {
      }
      %barrier3A_251 = arith.constant 0 : index
      tpu.barrier barrier_id(%barrier3A_251)
      %mul3A_252 = arith.constant 128 : i32
      %mul3A_253 = arith.muli %scan3A_41, %mul3A_252 : i32
      %multiple_of3A = tpu.assume_multiple %mul3A_253, 128 : i32
      %mul3A_254 = arith.constant 512 : i32
      %mul3A_255 = arith.muli %arg1, %mul3A_254 : i32
      %add3A_256 = arith.constant 0 : i32
      %add3A_257 = arith.addi %mul3A_255, %add3A_256 : i32
      %mul3A_258 = arith.constant 512 : i32
      %mul3A_259 = arith.muli %arg1, %mul3A_258 : i32
      %add3A_260 = arith.addi %mul3A_11, %mul3A_259 : i32
      %add3A_261 = arith.constant 0 : i32
      %add3A_262 = arith.addi %add3A_260, %add3A_261 : i32
      %dma_start3A = tpu.memref_slice %arg4[%add3A_262, %multiple_of3A] : memref<16384x1024xf32, #tpu.memory_space<hbm>> -> memref<64x128xf32, #tpu.memory_space<hbm>>
      %dma_start3A_263 = arith.constant 0 : i32
      %dma_start3A_264 = tpu.memref_slice %arg10[%add3A_257, %dma_start3A_263] : memref<8208x128xf32, #tpu.memory_space<vmem_shared>> -> memref<64x128xf32, #tpu.memory_space<vmem_shared>>
      tpu.enqueue_dma source(%dma_start3A_264 : memref<64x128xf32, #tpu.memory_space<vmem_shared>>) target(%dma_start3A : memref<64x128xf32, #tpu.memory_space<hbm>>) target_semaphore(%arg15 : memref<!tpu.dma_semaphore, #tpu.memory_space<semaphore_mem>>)
      %mul3A_265 = arith.constant 512 : i32
      %mul3A_266 = arith.muli %arg1, %mul3A_265 : i32
      %add3A_267 = arith.constant 64 : i32
      %add3A_268 = arith.addi %mul3A_266, %add3A_267 : i32
      %mul3A_269 = arith.constant 512 : i32
      %mul3A_270 = arith.muli %arg1, %mul3A_269 : i32
      %add3A_271 = arith.addi %mul3A_11, %mul3A_270 : i32
      %add3A_272 = arith.constant 64 : i32
      %add3A_273 = arith.addi %add3A_271, %add3A_272 : i32
      %dma_start3A_274 = tpu.memref_slice %arg4[%add3A_273, %multiple_of3A] : memref<16384x1024xf32, #tpu.memory_space<hbm>> -> memref<64x128xf32, #tpu.memory_space<hbm>>
      %dma_start3A_275 = arith.constant 0 : i32
      %dma_start3A_276 = tpu.memref_slice %arg10[%add3A_268, %dma_start3A_275] : memref<8208x128xf32, #tpu.memory_space<vmem_shared>> -> memref<64x128xf32, #tpu.memory_space<vmem_shared>>
      tpu.enqueue_dma source(%dma_start3A_276 : memref<64x128xf32, #tpu.memory_space<vmem_shared>>) target(%dma_start3A_274 : memref<64x128xf32, #tpu.memory_space<hbm>>) target_semaphore(%arg15 : memref<!tpu.dma_semaphore, #tpu.memory_space<semaphore_mem>>)
      %mul3A_277 = arith.constant 512 : i32
      %mul3A_278 = arith.muli %arg1, %mul3A_277 : i32
      %add3A_279 = arith.constant 128 : i32
      %add3A_280 = arith.addi %mul3A_278, %add3A_279 : i32
      %mul3A_281 = arith.constant 512 : i32
      %mul3A_282 = arith.muli %arg1, %mul3A_281 : i32
      %add3A_283 = arith.addi %mul3A_11, %mul3A_282 : i32
      %add3A_284 = arith.constant 128 : i32
      %add3A_285 = arith.addi %add3A_283, %add3A_284 : i32
      %dma_start3A_286 = tpu.memref_slice %arg4[%add3A_285, %multiple_of3A] : memref<16384x1024xf32, #tpu.memory_space<hbm>> -> memref<64x128xf32, #tpu.memory_space<hbm>>
      %dma_start3A_287 = arith.constant 0 : i32
      %dma_start3A_288 = tpu.memref_slice %arg10[%add3A_280, %dma_start3A_287] : memref<8208x128xf32, #tpu.memory_space<vmem_shared>> -> memref<64x128xf32, #tpu.memory_space<vmem_shared>>
      tpu.enqueue_dma source(%dma_start3A_288 : memref<64x128xf32, #tpu.memory_space<vmem_shared>>) target(%dma_start3A_286 : memref<64x128xf32, #tpu.memory_space<hbm>>) target_semaphore(%arg15 : memref<!tpu.dma_semaphore, #tpu.memory_space<semaphore_mem>>)
      %mul3A_289 = arith.constant 512 : i32
      %mul3A_290 = arith.muli %arg1, %mul3A_289 : i32
      %add3A_291 = arith.constant 192 : i32
      %add3A_292 = arith.addi %mul3A_290, %add3A_291 : i32
      %mul3A_293 = arith.constant 512 : i32
      %mul3A_294 = arith.muli %arg1, %mul3A_293 : i32
      %add3A_295 = arith.addi %mul3A_11, %mul3A_294 : i32
      %add3A_296 = arith.constant 192 : i32
      %add3A_297 = arith.addi %add3A_295, %add3A_296 : i32
      %dma_start3A_298 = tpu.memref_slice %arg4[%add3A_297, %multiple_of3A] : memref<16384x1024xf32, #tpu.memory_space<hbm>> -> memref<64x128xf32, #tpu.memory_space<hbm>>
      %dma_start3A_299 = arith.constant 0 : i32
      %dma_start3A_300 = tpu.memref_slice %arg10[%add3A_292, %dma_start3A_299] : memref<8208x128xf32, #tpu.memory_space<vmem_shared>> -> memref<64x128xf32, #tpu.memory_space<vmem_shared>>
      tpu.enqueue_dma source(%dma_start3A_300 : memref<64x128xf32, #tpu.memory_space<vmem_shared>>) target(%dma_start3A_298 : memref<64x128xf32, #tpu.memory_space<hbm>>) target_semaphore(%arg15 : memref<!tpu.dma_semaphore, #tpu.memory_space<semaphore_mem>>)
      %mul3A_301 = arith.constant 512 : i32
      %mul3A_302 = arith.muli %arg1, %mul3A_301 : i32
      %add3A_303 = arith.constant 256 : i32
      %add3A_304 = arith.addi %mul3A_302, %add3A_303 : i32
      %mul3A_305 = arith.constant 512 : i32
      %mul3A_306 = arith.muli %arg1, %mul3A_305 : i32
      %add3A_307 = arith.addi %mul3A_11, %mul3A_306 : i32
      %add3A_308 = arith.constant 256 : i32
      %add3A_309 = arith.addi %add3A_307, %add3A_308 : i32
      %dma_start3A_310 = tpu.memref_slice %arg4[%add3A_309, %multiple_of3A] : memref<16384x1024xf32, #tpu.memory_space<hbm>> -> memref<64x128xf32, #tpu.memory_space<hbm>>
      %dma_start3A_311 = arith.constant 0 : i32
      %dma_start3A_312 = tpu.memref_slice %arg10[%add3A_304, %dma_start3A_311] : memref<8208x128xf32, #tpu.memory_space<vmem_shared>> -> memref<64x128xf32, #tpu.memory_space<vmem_shared>>
      tpu.enqueue_dma source(%dma_start3A_312 : memref<64x128xf32, #tpu.memory_space<vmem_shared>>) target(%dma_start3A_310 : memref<64x128xf32, #tpu.memory_space<hbm>>) target_semaphore(%arg15 : memref<!tpu.dma_semaphore, #tpu.memory_space<semaphore_mem>>)
      %mul3A_313 = arith.constant 512 : i32
      %mul3A_314 = arith.muli %arg1, %mul3A_313 : i32
      %add3A_315 = arith.constant 320 : i32
      %add3A_316 = arith.addi %mul3A_314, %add3A_315 : i32
      %mul3A_317 = arith.constant 512 : i32
      %mul3A_318 = arith.muli %arg1, %mul3A_317 : i32
      %add3A_319 = arith.addi %mul3A_11, %mul3A_318 : i32
      %add3A_320 = arith.constant 320 : i32
      %add3A_321 = arith.addi %add3A_319, %add3A_320 : i32
      %dma_start3A_322 = tpu.memref_slice %arg4[%add3A_321, %multiple_of3A] : memref<16384x1024xf32, #tpu.memory_space<hbm>> -> memref<64x128xf32, #tpu.memory_space<hbm>>
      %dma_start3A_323 = arith.constant 0 : i32
      %dma_start3A_324 = tpu.memref_slice %arg10[%add3A_316, %dma_start3A_323] : memref<8208x128xf32, #tpu.memory_space<vmem_shared>> -> memref<64x128xf32, #tpu.memory_space<vmem_shared>>
      tpu.enqueue_dma source(%dma_start3A_324 : memref<64x128xf32, #tpu.memory_space<vmem_shared>>) target(%dma_start3A_322 : memref<64x128xf32, #tpu.memory_space<hbm>>) target_semaphore(%arg15 : memref<!tpu.dma_semaphore, #tpu.memory_space<semaphore_mem>>)
      %mul3A_325 = arith.constant 512 : i32
      %mul3A_326 = arith.muli %arg1, %mul3A_325 : i32
      %add3A_327 = arith.constant 384 : i32
      %add3A_328 = arith.addi %mul3A_326, %add3A_327 : i32
      %mul3A_329 = arith.constant 512 : i32
      %mul3A_330 = arith.muli %arg1, %mul3A_329 : i32
      %add3A_331 = arith.addi %mul3A_11, %mul3A_330 : i32
      %add3A_332 = arith.constant 384 : i32
      %add3A_333 = arith.addi %add3A_331, %add3A_332 : i32
      %dma_start3A_334 = tpu.memref_slice %arg4[%add3A_333, %multiple_of3A] : memref<16384x1024xf32, #tpu.memory_space<hbm>> -> memref<64x128xf32, #tpu.memory_space<hbm>>
      %dma_start3A_335 = arith.constant 0 : i32
      %dma_start3A_336 = tpu.memref_slice %arg10[%add3A_328, %dma_start3A_335] : memref<8208x128xf32, #tpu.memory_space<vmem_shared>> -> memref<64x128xf32, #tpu.memory_space<vmem_shared>>
      tpu.enqueue_dma source(%dma_start3A_336 : memref<64x128xf32, #tpu.memory_space<vmem_shared>>) target(%dma_start3A_334 : memref<64x128xf32, #tpu.memory_space<hbm>>) target_semaphore(%arg15 : memref<!tpu.dma_semaphore, #tpu.memory_space<semaphore_mem>>)
      %mul3A_337 = arith.constant 512 : i32
      %mul3A_338 = arith.muli %arg1, %mul3A_337 : i32
      %add3A_339 = arith.constant 448 : i32
      %add3A_340 = arith.addi %mul3A_338, %add3A_339 : i32
      %mul3A_341 = arith.constant 512 : i32
      %mul3A_342 = arith.muli %arg1, %mul3A_341 : i32
      %add3A_343 = arith.addi %mul3A_11, %mul3A_342 : i32
      %add3A_344 = arith.constant 448 : i32
      %add3A_345 = arith.addi %add3A_343, %add3A_344 : i32
      %dma_start3A_346 = tpu.memref_slice %arg4[%add3A_345, %multiple_of3A] : memref<16384x1024xf32, #tpu.memory_space<hbm>> -> memref<64x128xf32, #tpu.memory_space<hbm>>
      %dma_start3A_347 = arith.constant 0 : i32
      %dma_start3A_348 = tpu.memref_slice %arg10[%add3A_340, %dma_start3A_347] : memref<8208x128xf32, #tpu.memory_space<vmem_shared>> -> memref<64x128xf32, #tpu.memory_space<vmem_shared>>
      tpu.enqueue_dma source(%dma_start3A_348 : memref<64x128xf32, #tpu.memory_space<vmem_shared>>) target(%dma_start3A_346 : memref<64x128xf32, #tpu.memory_space<hbm>>) target_semaphore(%arg15 : memref<!tpu.dma_semaphore, #tpu.memory_space<semaphore_mem>>)
      %mul3A_349 = arith.constant 512 : i32
      %mul3A_350 = arith.muli %arg1, %mul3A_349 : i32
      %add3A_351 = arith.constant 0 : i32
      %add3A_352 = arith.addi %mul3A_350, %add3A_351 : i32
      %mul3A_353 = arith.constant 512 : i32
      %mul3A_354 = arith.muli %arg1, %mul3A_353 : i32
      %add3A_355 = arith.addi %mul3A_11, %mul3A_354 : i32
      %add3A_356 = arith.constant 0 : i32
      %add3A_357 = arith.addi %add3A_355, %add3A_356 : i32
      %dma_wait3A_358 = tpu.memref_slice %arg4[%add3A_357, %multiple_of3A] : memref<16384x1024xf32, #tpu.memory_space<hbm>> -> memref<64x128xf32, #tpu.memory_space<hbm>>
      %dma_wait3A_359 = arith.constant 0 : i32
      %dma_wait3A_360 = tpu.memref_slice %arg10[%add3A_352, %dma_wait3A_359] : memref<8208x128xf32, #tpu.memory_space<vmem_shared>> -> memref<64x128xf32, #tpu.memory_space<vmem_shared>>
      tpu.wait_dma2 semaphore(%arg15 : memref<!tpu.dma_semaphore, #tpu.memory_space<semaphore_mem>>) src(%dma_wait3A_360 : memref<64x128xf32, #tpu.memory_space<vmem_shared>>) dst(%dma_wait3A_358 : memref<64x128xf32, #tpu.memory_space<hbm>>)
      %mul3A_361 = arith.constant 512 : i32
      %mul3A_362 = arith.muli %arg1, %mul3A_361 : i32
      %add3A_363 = arith.constant 0 : i32
      %add3A_364 = arith.addi %mul3A_362, %add3A_363 : i32
      %dma_start3A_365 = arith.constant 0 : i32
      %dma_start3A_366 = tpu.memref_slice %arg10[%add3A_364, %dma_start3A_365] : memref<8208x128xf32, #tpu.memory_space<vmem_shared>> -> memref<64x128xf32, #tpu.memory_space<vmem_shared>>
      %dma_start3A_367 = arith.constant 0 : i32
      %dma_start3A_368 = tpu.memref_slice %arg10[%add3A_364, %dma_start3A_367] : memref<8208x128xf32, #tpu.memory_space<vmem_shared>> -> memref<64x128xf32, #tpu.memory_space<vmem_shared>>
      tpu.enqueue_dma source(%arg9 : memref<64x128xf32, #tpu.memory_space<vmem>>) target(%dma_start3A_368 : memref<64x128xf32, #tpu.memory_space<vmem_shared>>) target_semaphore(%arg16 : memref<!tpu.dma_semaphore, #tpu.memory_space<semaphore_mem>>)
      %mul3A_369 = arith.constant 512 : i32
      %mul3A_370 = arith.muli %arg1, %mul3A_369 : i32
      %add3A_371 = arith.constant 64 : i32
      %add3A_372 = arith.addi %mul3A_370, %add3A_371 : i32
      %mul3A_373 = arith.constant 512 : i32
      %mul3A_374 = arith.muli %arg1, %mul3A_373 : i32
      %add3A_375 = arith.addi %mul3A_11, %mul3A_374 : i32
      %add3A_376 = arith.constant 64 : i32
      %add3A_377 = arith.addi %add3A_375, %add3A_376 : i32
      %dma_wait3A_378 = tpu.memref_slice %arg4[%add3A_377, %multiple_of3A] : memref<16384x1024xf32, #tpu.memory_space<hbm>> -> memref<64x128xf32, #tpu.memory_space<hbm>>
      %dma_wait3A_379 = arith.constant 0 : i32
      %dma_wait3A_380 = tpu.memref_slice %arg10[%add3A_372, %dma_wait3A_379] : memref<8208x128xf32, #tpu.memory_space<vmem_shared>> -> memref<64x128xf32, #tpu.memory_space<vmem_shared>>
      tpu.wait_dma2 semaphore(%arg15 : memref<!tpu.dma_semaphore, #tpu.memory_space<semaphore_mem>>) src(%dma_wait3A_380 : memref<64x128xf32, #tpu.memory_space<vmem_shared>>) dst(%dma_wait3A_378 : memref<64x128xf32, #tpu.memory_space<hbm>>)
      %mul3A_381 = arith.constant 512 : i32
      %mul3A_382 = arith.muli %arg1, %mul3A_381 : i32
      %add3A_383 = arith.constant 64 : i32
      %add3A_384 = arith.addi %mul3A_382, %add3A_383 : i32
      %dma_start3A_385 = arith.constant 0 : i32
      %dma_start3A_386 = tpu.memref_slice %arg10[%add3A_384, %dma_start3A_385] : memref<8208x128xf32, #tpu.memory_space<vmem_shared>> -> memref<64x128xf32, #tpu.memory_space<vmem_shared>>
      %dma_start3A_387 = arith.constant 0 : i32
      %dma_start3A_388 = tpu.memref_slice %arg10[%add3A_384, %dma_start3A_387] : memref<8208x128xf32, #tpu.memory_space<vmem_shared>> -> memref<64x128xf32, #tpu.memory_space<vmem_shared>>
      tpu.enqueue_dma source(%arg9 : memref<64x128xf32, #tpu.memory_space<vmem>>) target(%dma_start3A_388 : memref<64x128xf32, #tpu.memory_space<vmem_shared>>) target_semaphore(%arg16 : memref<!tpu.dma_semaphore, #tpu.memory_space<semaphore_mem>>)
      %mul3A_389 = arith.constant 512 : i32
      %mul3A_390 = arith.muli %arg1, %mul3A_389 : i32
      %add3A_391 = arith.constant 128 : i32
      %add3A_392 = arith.addi %mul3A_390, %add3A_391 : i32
      %mul3A_393 = arith.constant 512 : i32
      %mul3A_394 = arith.muli %arg1, %mul3A_393 : i32
      %add3A_395 = arith.addi %mul3A_11, %mul3A_394 : i32
      %add3A_396 = arith.constant 128 : i32
      %add3A_397 = arith.addi %add3A_395, %add3A_396 : i32
      %dma_wait3A_398 = tpu.memref_slice %arg4[%add3A_397, %multiple_of3A] : memref<16384x1024xf32, #tpu.memory_space<hbm>> -> memref<64x128xf32, #tpu.memory_space<hbm>>
      %dma_wait3A_399 = arith.constant 0 : i32
      %dma_wait3A_400 = tpu.memref_slice %arg10[%add3A_392, %dma_wait3A_399] : memref<8208x128xf32, #tpu.memory_space<vmem_shared>> -> memref<64x128xf32, #tpu.memory_space<vmem_shared>>
      tpu.wait_dma2 semaphore(%arg15 : memref<!tpu.dma_semaphore, #tpu.memory_space<semaphore_mem>>) src(%dma_wait3A_400 : memref<64x128xf32, #tpu.memory_space<vmem_shared>>) dst(%dma_wait3A_398 : memref<64x128xf32, #tpu.memory_space<hbm>>)
      %mul3A_401 = arith.constant 512 : i32
      %mul3A_402 = arith.muli %arg1, %mul3A_401 : i32
      %add3A_403 = arith.constant 128 : i32
      %add3A_404 = arith.addi %mul3A_402, %add3A_403 : i32
      %dma_start3A_405 = arith.constant 0 : i32
      %dma_start3A_406 = tpu.memref_slice %arg10[%add3A_404, %dma_start3A_405] : memref<8208x128xf32, #tpu.memory_space<vmem_shared>> -> memref<64x128xf32, #tpu.memory_space<vmem_shared>>
      %dma_start3A_407 = arith.constant 0 : i32
      %dma_start3A_408 = tpu.memref_slice %arg10[%add3A_404, %dma_start3A_407] : memref<8208x128xf32, #tpu.memory_space<vmem_shared>> -> memref<64x128xf32, #tpu.memory_space<vmem_shared>>
      tpu.enqueue_dma source(%arg9 : memref<64x128xf32, #tpu.memory_space<vmem>>) target(%dma_start3A_408 : memref<64x128xf32, #tpu.memory_space<vmem_shared>>) target_semaphore(%arg16 : memref<!tpu.dma_semaphore, #tpu.memory_space<semaphore_mem>>)
      %mul3A_409 = arith.constant 512 : i32
      %mul3A_410 = arith.muli %arg1, %mul3A_409 : i32
      %add3A_411 = arith.constant 192 : i32
      %add3A_412 = arith.addi %mul3A_410, %add3A_411 : i32
      %mul3A_413 = arith.constant 512 : i32
      %mul3A_414 = arith.muli %arg1, %mul3A_413 : i32
      %add3A_415 = arith.addi %mul3A_11, %mul3A_414 : i32
      %add3A_416 = arith.constant 192 : i32
      %add3A_417 = arith.addi %add3A_415, %add3A_416 : i32
      %dma_wait3A_418 = tpu.memref_slice %arg4[%add3A_417, %multiple_of3A] : memref<16384x1024xf32, #tpu.memory_space<hbm>> -> memref<64x128xf32, #tpu.memory_space<hbm>>
      %dma_wait3A_419 = arith.constant 0 : i32
      %dma_wait3A_420 = tpu.memref_slice %arg10[%add3A_412, %dma_wait3A_419] : memref<8208x128xf32, #tpu.memory_space<vmem_shared>> -> memref<64x128xf32, #tpu.memory_space<vmem_shared>>
      tpu.wait_dma2 semaphore(%arg15 : memref<!tpu.dma_semaphore, #tpu.memory_space<semaphore_mem>>) src(%dma_wait3A_420 : memref<64x128xf32, #tpu.memory_space<vmem_shared>>) dst(%dma_wait3A_418 : memref<64x128xf32, #tpu.memory_space<hbm>>)
      %mul3A_421 = arith.constant 512 : i32
      %mul3A_422 = arith.muli %arg1, %mul3A_421 : i32
      %add3A_423 = arith.constant 192 : i32
      %add3A_424 = arith.addi %mul3A_422, %add3A_423 : i32
      %dma_start3A_425 = arith.constant 0 : i32
      %dma_start3A_426 = tpu.memref_slice %arg10[%add3A_424, %dma_start3A_425] : memref<8208x128xf32, #tpu.memory_space<vmem_shared>> -> memref<64x128xf32, #tpu.memory_space<vmem_shared>>
      %dma_start3A_427 = arith.constant 0 : i32
      %dma_start3A_428 = tpu.memref_slice %arg10[%add3A_424, %dma_start3A_427] : memref<8208x128xf32, #tpu.memory_space<vmem_shared>> -> memref<64x128xf32, #tpu.memory_space<vmem_shared>>
      tpu.enqueue_dma source(%arg9 : memref<64x128xf32, #tpu.memory_space<vmem>>) target(%dma_start3A_428 : memref<64x128xf32, #tpu.memory_space<vmem_shared>>) target_semaphore(%arg16 : memref<!tpu.dma_semaphore, #tpu.memory_space<semaphore_mem>>)
      %mul3A_429 = arith.constant 512 : i32
      %mul3A_430 = arith.muli %arg1, %mul3A_429 : i32
      %add3A_431 = arith.constant 256 : i32
      %add3A_432 = arith.addi %mul3A_430, %add3A_431 : i32
      %mul3A_433 = arith.constant 512 : i32
      %mul3A_434 = arith.muli %arg1, %mul3A_433 : i32
      %add3A_435 = arith.addi %mul3A_11, %mul3A_434 : i32
      %add3A_436 = arith.constant 256 : i32
      %add3A_437 = arith.addi %add3A_435, %add3A_436 : i32
      %dma_wait3A_438 = tpu.memref_slice %arg4[%add3A_437, %multiple_of3A] : memref<16384x1024xf32, #tpu.memory_space<hbm>> -> memref<64x128xf32, #tpu.memory_space<hbm>>
      %dma_wait3A_439 = arith.constant 0 : i32
      %dma_wait3A_440 = tpu.memref_slice %arg10[%add3A_432, %dma_wait3A_439] : memref<8208x128xf32, #tpu.memory_space<vmem_shared>> -> memref<64x128xf32, #tpu.memory_space<vmem_shared>>
      tpu.wait_dma2 semaphore(%arg15 : memref<!tpu.dma_semaphore, #tpu.memory_space<semaphore_mem>>) src(%dma_wait3A_440 : memref<64x128xf32, #tpu.memory_space<vmem_shared>>) dst(%dma_wait3A_438 : memref<64x128xf32, #tpu.memory_space<hbm>>)
      %mul3A_441 = arith.constant 512 : i32
      %mul3A_442 = arith.muli %arg1, %mul3A_441 : i32
      %add3A_443 = arith.constant 256 : i32
      %add3A_444 = arith.addi %mul3A_442, %add3A_443 : i32
      %dma_start3A_445 = arith.constant 0 : i32
      %dma_start3A_446 = tpu.memref_slice %arg10[%add3A_444, %dma_start3A_445] : memref<8208x128xf32, #tpu.memory_space<vmem_shared>> -> memref<64x128xf32, #tpu.memory_space<vmem_shared>>
      %dma_start3A_447 = arith.constant 0 : i32
      %dma_start3A_448 = tpu.memref_slice %arg10[%add3A_444, %dma_start3A_447] : memref<8208x128xf32, #tpu.memory_space<vmem_shared>> -> memref<64x128xf32, #tpu.memory_space<vmem_shared>>
      tpu.enqueue_dma source(%arg9 : memref<64x128xf32, #tpu.memory_space<vmem>>) target(%dma_start3A_448 : memref<64x128xf32, #tpu.memory_space<vmem_shared>>) target_semaphore(%arg16 : memref<!tpu.dma_semaphore, #tpu.memory_space<semaphore_mem>>)
      %mul3A_449 = arith.constant 512 : i32
      %mul3A_450 = arith.muli %arg1, %mul3A_449 : i32
      %add3A_451 = arith.constant 320 : i32
      %add3A_452 = arith.addi %mul3A_450, %add3A_451 : i32
      %mul3A_453 = arith.constant 512 : i32
      %mul3A_454 = arith.muli %arg1, %mul3A_453 : i32
      %add3A_455 = arith.addi %mul3A_11, %mul3A_454 : i32
      %add3A_456 = arith.constant 320 : i32
      %add3A_457 = arith.addi %add3A_455, %add3A_456 : i32
      %dma_wait3A_458 = tpu.memref_slice %arg4[%add3A_457, %multiple_of3A] : memref<16384x1024xf32, #tpu.memory_space<hbm>> -> memref<64x128xf32, #tpu.memory_space<hbm>>
      %dma_wait3A_459 = arith.constant 0 : i32
      %dma_wait3A_460 = tpu.memref_slice %arg10[%add3A_452, %dma_wait3A_459] : memref<8208x128xf32, #tpu.memory_space<vmem_shared>> -> memref<64x128xf32, #tpu.memory_space<vmem_shared>>
      tpu.wait_dma2 semaphore(%arg15 : memref<!tpu.dma_semaphore, #tpu.memory_space<semaphore_mem>>) src(%dma_wait3A_460 : memref<64x128xf32, #tpu.memory_space<vmem_shared>>) dst(%dma_wait3A_458 : memref<64x128xf32, #tpu.memory_space<hbm>>)
      %mul3A_461 = arith.constant 512 : i32
      %mul3A_462 = arith.muli %arg1, %mul3A_461 : i32
      %add3A_463 = arith.constant 320 : i32
      %add3A_464 = arith.addi %mul3A_462, %add3A_463 : i32
      %dma_start3A_465 = arith.constant 0 : i32
      %dma_start3A_466 = tpu.memref_slice %arg10[%add3A_464, %dma_start3A_465] : memref<8208x128xf32, #tpu.memory_space<vmem_shared>> -> memref<64x128xf32, #tpu.memory_space<vmem_shared>>
      %dma_start3A_467 = arith.constant 0 : i32
      %dma_start3A_468 = tpu.memref_slice %arg10[%add3A_464, %dma_start3A_467] : memref<8208x128xf32, #tpu.memory_space<vmem_shared>> -> memref<64x128xf32, #tpu.memory_space<vmem_shared>>
      tpu.enqueue_dma source(%arg9 : memref<64x128xf32, #tpu.memory_space<vmem>>) target(%dma_start3A_468 : memref<64x128xf32, #tpu.memory_space<vmem_shared>>) target_semaphore(%arg16 : memref<!tpu.dma_semaphore, #tpu.memory_space<semaphore_mem>>)
      %mul3A_469 = arith.constant 512 : i32
      %mul3A_470 = arith.muli %arg1, %mul3A_469 : i32
      %add3A_471 = arith.constant 384 : i32
      %add3A_472 = arith.addi %mul3A_470, %add3A_471 : i32
      %mul3A_473 = arith.constant 512 : i32
      %mul3A_474 = arith.muli %arg1, %mul3A_473 : i32
      %add3A_475 = arith.addi %mul3A_11, %mul3A_474 : i32
      %add3A_476 = arith.constant 384 : i32
      %add3A_477 = arith.addi %add3A_475, %add3A_476 : i32
      %dma_wait3A_478 = tpu.memref_slice %arg4[%add3A_477, %multiple_of3A] : memref<16384x1024xf32, #tpu.memory_space<hbm>> -> memref<64x128xf32, #tpu.memory_space<hbm>>
      %dma_wait3A_479 = arith.constant 0 : i32
      %dma_wait3A_480 = tpu.memref_slice %arg10[%add3A_472, %dma_wait3A_479] : memref<8208x128xf32, #tpu.memory_space<vmem_shared>> -> memref<64x128xf32, #tpu.memory_space<vmem_shared>>
      tpu.wait_dma2 semaphore(%arg15 : memref<!tpu.dma_semaphore, #tpu.memory_space<semaphore_mem>>) src(%dma_wait3A_480 : memref<64x128xf32, #tpu.memory_space<vmem_shared>>) dst(%dma_wait3A_478 : memref<64x128xf32, #tpu.memory_space<hbm>>)
      %mul3A_481 = arith.constant 512 : i32
      %mul3A_482 = arith.muli %arg1, %mul3A_481 : i32
      %add3A_483 = arith.constant 384 : i32
      %add3A_484 = arith.addi %mul3A_482, %add3A_483 : i32
      %dma_start3A_485 = arith.constant 0 : i32
      %dma_start3A_486 = tpu.memref_slice %arg10[%add3A_484, %dma_start3A_485] : memref<8208x128xf32, #tpu.memory_space<vmem_shared>> -> memref<64x128xf32, #tpu.memory_space<vmem_shared>>
      %dma_start3A_487 = arith.constant 0 : i32
      %dma_start3A_488 = tpu.memref_slice %arg10[%add3A_484, %dma_start3A_487] : memref<8208x128xf32, #tpu.memory_space<vmem_shared>> -> memref<64x128xf32, #tpu.memory_space<vmem_shared>>
      tpu.enqueue_dma source(%arg9 : memref<64x128xf32, #tpu.memory_space<vmem>>) target(%dma_start3A_488 : memref<64x128xf32, #tpu.memory_space<vmem_shared>>) target_semaphore(%arg16 : memref<!tpu.dma_semaphore, #tpu.memory_space<semaphore_mem>>)
      %mul3A_489 = arith.constant 512 : i32
      %mul3A_490 = arith.muli %arg1, %mul3A_489 : i32
      %add3A_491 = arith.constant 448 : i32
      %add3A_492 = arith.addi %mul3A_490, %add3A_491 : i32
      %mul3A_493 = arith.constant 512 : i32
      %mul3A_494 = arith.muli %arg1, %mul3A_493 : i32
      %add3A_495 = arith.addi %mul3A_11, %mul3A_494 : i32
      %add3A_496 = arith.constant 448 : i32
      %add3A_497 = arith.addi %add3A_495, %add3A_496 : i32
      %dma_wait3A_498 = tpu.memref_slice %arg4[%add3A_497, %multiple_of3A] : memref<16384x1024xf32, #tpu.memory_space<hbm>> -> memref<64x128xf32, #tpu.memory_space<hbm>>
      %dma_wait3A_499 = arith.constant 0 : i32
      %dma_wait3A_500 = tpu.memref_slice %arg10[%add3A_492, %dma_wait3A_499] : memref<8208x128xf32, #tpu.memory_space<vmem_shared>> -> memref<64x128xf32, #tpu.memory_space<vmem_shared>>
      tpu.wait_dma2 semaphore(%arg15 : memref<!tpu.dma_semaphore, #tpu.memory_space<semaphore_mem>>) src(%dma_wait3A_500 : memref<64x128xf32, #tpu.memory_space<vmem_shared>>) dst(%dma_wait3A_498 : memref<64x128xf32, #tpu.memory_space<hbm>>)
      %mul3A_501 = arith.constant 512 : i32
      %mul3A_502 = arith.muli %arg1, %mul3A_501 : i32
      %add3A_503 = arith.constant 448 : i32
      %add3A_504 = arith.addi %mul3A_502, %add3A_503 : i32
      %dma_start3A_505 = arith.constant 0 : i32
      %dma_start3A_506 = tpu.memref_slice %arg10[%add3A_504, %dma_start3A_505] : memref<8208x128xf32, #tpu.memory_space<vmem_shared>> -> memref<64x128xf32, #tpu.memory_space<vmem_shared>>
      %dma_start3A_507 = arith.constant 0 : i32
      %dma_start3A_508 = tpu.memref_slice %arg10[%add3A_504, %dma_start3A_507] : memref<8208x128xf32, #tpu.memory_space<vmem_shared>> -> memref<64x128xf32, #tpu.memory_space<vmem_shared>>
      tpu.enqueue_dma source(%arg9 : memref<64x128xf32, #tpu.memory_space<vmem>>) target(%dma_start3A_508 : memref<64x128xf32, #tpu.memory_space<vmem_shared>>) target_semaphore(%arg16 : memref<!tpu.dma_semaphore, #tpu.memory_space<semaphore_mem>>)
      %mul3A_509 = arith.constant 512 : i32
      %mul3A_510 = arith.muli %arg1, %mul3A_509 : i32
      %dma_wait3A_511 = arith.constant 0 : i32
      %dma_wait3A_512 = tpu.memref_slice %arg10[%mul3A_510, %dma_wait3A_511] : memref<8208x128xf32, #tpu.memory_space<vmem_shared>> -> memref<64x128xf32, #tpu.memory_space<vmem_shared>>
      %dma_wait3A_513 = arith.constant 0 : i32
      %dma_wait3A_514 = tpu.memref_slice %arg10[%mul3A_510, %dma_wait3A_513] : memref<8208x128xf32, #tpu.memory_space<vmem_shared>> -> memref<64x128xf32, #tpu.memory_space<vmem_shared>>
      tpu.wait_dma2 semaphore(%arg16 : memref<!tpu.dma_semaphore, #tpu.memory_space<semaphore_mem>>) src(%arg9 : memref<64x128xf32, #tpu.memory_space<vmem>>) dst(%dma_wait3A_514 : memref<64x128xf32, #tpu.memory_space<vmem_shared>>)
      %mul3A_515 = arith.constant 512 : i32
      %mul3A_516 = arith.muli %arg1, %mul3A_515 : i32
      %dma_wait3A_517 = arith.constant 0 : i32
      %dma_wait3A_518 = tpu.memref_slice %arg10[%mul3A_516, %dma_wait3A_517] : memref<8208x128xf32, #tpu.memory_space<vmem_shared>> -> memref<64x128xf32, #tpu.memory_space<vmem_shared>>
      %dma_wait3A_519 = arith.constant 0 : i32
      %dma_wait3A_520 = tpu.memref_slice %arg10[%mul3A_516, %dma_wait3A_519] : memref<8208x128xf32, #tpu.memory_space<vmem_shared>> -> memref<64x128xf32, #tpu.memory_space<vmem_shared>>
      tpu.wait_dma2 semaphore(%arg16 : memref<!tpu.dma_semaphore, #tpu.memory_space<semaphore_mem>>) src(%arg9 : memref<64x128xf32, #tpu.memory_space<vmem>>) dst(%dma_wait3A_520 : memref<64x128xf32, #tpu.memory_space<vmem_shared>>)
      %mul3A_521 = arith.constant 512 : i32
      %mul3A_522 = arith.muli %arg1, %mul3A_521 : i32
      %dma_wait3A_523 = arith.constant 0 : i32
      %dma_wait3A_524 = tpu.memref_slice %arg10[%mul3A_522, %dma_wait3A_523] : memref<8208x128xf32, #tpu.memory_space<vmem_shared>> -> memref<64x128xf32, #tpu.memory_space<vmem_shared>>
      %dma_wait3A_525 = arith.constant 0 : i32
      %dma_wait3A_526 = tpu.memref_slice %arg10[%mul3A_522, %dma_wait3A_525] : memref<8208x128xf32, #tpu.memory_space<vmem_shared>> -> memref<64x128xf32, #tpu.memory_space<vmem_shared>>
      tpu.wait_dma2 semaphore(%arg16 : memref<!tpu.dma_semaphore, #tpu.memory_space<semaphore_mem>>) src(%arg9 : memref<64x128xf32, #tpu.memory_space<vmem>>) dst(%dma_wait3A_526 : memref<64x128xf32, #tpu.memory_space<vmem_shared>>)
      %mul3A_527 = arith.constant 512 : i32
      %mul3A_528 = arith.muli %arg1, %mul3A_527 : i32
      %dma_wait3A_529 = arith.constant 0 : i32
      %dma_wait3A_530 = tpu.memref_slice %arg10[%mul3A_528, %dma_wait3A_529] : memref<8208x128xf32, #tpu.memory_space<vmem_shared>> -> memref<64x128xf32, #tpu.memory_space<vmem_shared>>
      %dma_wait3A_531 = arith.constant 0 : i32
      %dma_wait3A_532 = tpu.memref_slice %arg10[%mul3A_528, %dma_wait3A_531] : memref<8208x128xf32, #tpu.memory_space<vmem_shared>> -> memref<64x128xf32, #tpu.memory_space<vmem_shared>>
      tpu.wait_dma2 semaphore(%arg16 : memref<!tpu.dma_semaphore, #tpu.memory_space<semaphore_mem>>) src(%arg9 : memref<64x128xf32, #tpu.memory_space<vmem>>) dst(%dma_wait3A_532 : memref<64x128xf32, #tpu.memory_space<vmem_shared>>)
      %mul3A_533 = arith.constant 512 : i32
      %mul3A_534 = arith.muli %arg1, %mul3A_533 : i32
      %dma_wait3A_535 = arith.constant 0 : i32
      %dma_wait3A_536 = tpu.memref_slice %arg10[%mul3A_534, %dma_wait3A_535] : memref<8208x128xf32, #tpu.memory_space<vmem_shared>> -> memref<64x128xf32, #tpu.memory_space<vmem_shared>>
      %dma_wait3A_537 = arith.constant 0 : i32
      %dma_wait3A_538 = tpu.memref_slice %arg10[%mul3A_534, %dma_wait3A_537] : memref<8208x128xf32, #tpu.memory_space<vmem_shared>> -> memref<64x128xf32, #tpu.memory_space<vmem_shared>>
      tpu.wait_dma2 semaphore(%arg16 : memref<!tpu.dma_semaphore, #tpu.memory_space<semaphore_mem>>) src(%arg9 : memref<64x128xf32, #tpu.memory_space<vmem>>) dst(%dma_wait3A_538 : memref<64x128xf32, #tpu.memory_space<vmem_shared>>)
      %mul3A_539 = arith.constant 512 : i32
      %mul3A_540 = arith.muli %arg1, %mul3A_539 : i32
      %dma_wait3A_541 = arith.constant 0 : i32
      %dma_wait3A_542 = tpu.memref_slice %arg10[%mul3A_540, %dma_wait3A_541] : memref<8208x128xf32, #tpu.memory_space<vmem_shared>> -> memref<64x128xf32, #tpu.memory_space<vmem_shared>>
      %dma_wait3A_543 = arith.constant 0 : i32
      %dma_wait3A_544 = tpu.memref_slice %arg10[%mul3A_540, %dma_wait3A_543] : memref<8208x128xf32, #tpu.memory_space<vmem_shared>> -> memref<64x128xf32, #tpu.memory_space<vmem_shared>>
      tpu.wait_dma2 semaphore(%arg16 : memref<!tpu.dma_semaphore, #tpu.memory_space<semaphore_mem>>) src(%arg9 : memref<64x128xf32, #tpu.memory_space<vmem>>) dst(%dma_wait3A_544 : memref<64x128xf32, #tpu.memory_space<vmem_shared>>)
      %mul3A_545 = arith.constant 512 : i32
      %mul3A_546 = arith.muli %arg1, %mul3A_545 : i32
      %dma_wait3A_547 = arith.constant 0 : i32
      %dma_wait3A_548 = tpu.memref_slice %arg10[%mul3A_546, %dma_wait3A_547] : memref<8208x128xf32, #tpu.memory_space<vmem_shared>> -> memref<64x128xf32, #tpu.memory_space<vmem_shared>>
      %dma_wait3A_549 = arith.constant 0 : i32
      %dma_wait3A_550 = tpu.memref_slice %arg10[%mul3A_546, %dma_wait3A_549] : memref<8208x128xf32, #tpu.memory_space<vmem_shared>> -> memref<64x128xf32, #tpu.memory_space<vmem_shared>>
      tpu.wait_dma2 semaphore(%arg16 : memref<!tpu.dma_semaphore, #tpu.memory_space<semaphore_mem>>) src(%arg9 : memref<64x128xf32, #tpu.memory_space<vmem>>) dst(%dma_wait3A_550 : memref<64x128xf32, #tpu.memory_space<vmem_shared>>)
      %mul3A_551 = arith.constant 512 : i32
      %mul3A_552 = arith.muli %arg1, %mul3A_551 : i32
      %dma_wait3A_553 = arith.constant 0 : i32
      %dma_wait3A_554 = tpu.memref_slice %arg10[%mul3A_552, %dma_wait3A_553] : memref<8208x128xf32, #tpu.memory_space<vmem_shared>> -> memref<64x128xf32, #tpu.memory_space<vmem_shared>>
      %dma_wait3A_555 = arith.constant 0 : i32
      %dma_wait3A_556 = tpu.memref_slice %arg10[%mul3A_552, %dma_wait3A_555] : memref<8208x128xf32, #tpu.memory_space<vmem_shared>> -> memref<64x128xf32, #tpu.memory_space<vmem_shared>>
      tpu.wait_dma2 semaphore(%arg16 : memref<!tpu.dma_semaphore, #tpu.memory_space<semaphore_mem>>) src(%arg9 : memref<64x128xf32, #tpu.memory_space<vmem>>) dst(%dma_wait3A_556 : memref<64x128xf32, #tpu.memory_space<vmem_shared>>)
      %barrier3A_557 = arith.constant 0 : index
      tpu.barrier barrier_id(%barrier3A_557)
      %scan3A_558 = arith.constant 0 : i32
      scf.yield %scan3A_558 : i32
    }
    %scan3A_40 = arith.constant 8 : i32
    return
  }
}

module attributes {stable_mosaic.version = 14 : i64} {
  func.func @body(%arg0: i32, %arg1: memref<1x1xf32, #tpu.memory_space<smem>>, %arg2: memref<1x1xi32, #tpu.memory_space<smem>>, %arg3: memref<512x1024xf32, #tpu.memory_space<vmem>>, %arg4: memref<512x128xf32, #tpu.memory_space<vmem>>, %arg5: memref<512x1024xf32, #tpu.memory_space<vmem>>, %arg6: memref<512x1xi32, #tpu.memory_space<vmem>>, %arg7: memref<512x1024xf32, #tpu.memory_space<vmem>>, %arg8: memref<512x1xi32, #tpu.memory_space<vmem>>) attributes {dimension_semantics = [#tpu.dimension_semantics<arbitrary>], iteration_bounds = array<i64: 32>, scalar_prefetch = 0 : i64, scratch_operands = 0 : i64, tpu.core_type = #tpu.core_type<tc>, window_params = [{transform_indices = @transform_0, window_bounds = array<i64: 1, 1>}, {transform_indices = @transform_1, window_bounds = array<i64: 1, 1>}, {transform_indices = @transform_2, window_bounds = array<i64: 512, 1024>}, {transform_indices = @transform_3, window_bounds = array<i64: 512, 128>}, {transform_indices = @transform_4, window_bounds = array<i64: 512, 1024>}, {transform_indices = @transform_5, window_bounds = array<i64: 512, 1>}, {transform_indices = @transform_6, window_bounds = array<i64: 512, 1024>}, {transform_indices = @transform_7, window_bounds = array<i64: 512, 1>}]} {
    %get3A = arith.constant 0 : index
    %get3A_0 = arith.constant 0 : index
    %get3A_1 = memref.load %arg1[%get3A, %get3A_0] : memref<1x1xf32, #tpu.memory_space<smem>>
    %logistic3A = arith.negf %get3A_1 : f32
    %logistic3A_2 = math.exp %logistic3A : f32
    %logistic3A_3 = arith.constant 1.000000e+00 : f32
    %logistic3A_4 = arith.addf %logistic3A_3, %logistic3A_2 : f32
    %logistic3A_5 = arith.divf %logistic3A_3, %logistic3A_4 : f32
    %get3A_6 = arith.constant 0 : index
    %get3A_7 = arith.constant 0 : index
    %get3A_8 = memref.load %arg2[%get3A_6, %get3A_7] : memref<1x1xi32, #tpu.memory_space<smem>>
    %ne3A = arith.constant 0 : i32
    %ne3A_9 = arith.cmpi ne, %get3A_8, %ne3A : i32
    %get3A_10 = arith.constant 0 : index
    %get3A_11 = arith.constant 0 : index
    %get3A_12 = vector.load %arg4[%get3A_10, %get3A_11] : memref<512x128xf32, #tpu.memory_space<vmem>>, vector<512x1xf32>
    %gt3A = arith.constant 5.000000e-01 : f32
    %gt3A_13 = vector.broadcast %gt3A : f32 to vector<512x1xf32>
    %gt3A_14 = arith.cmpf ogt, %get3A_12, %gt3A_13 : vector<512x1xf32>
    %and3A = vector.broadcast %ne3A_9 : i1 to vector<512x1xi1>
    %and3A_15 = arith.andi %gt3A_14, %and3A : vector<512x1xi1>
    %max3A = arith.constant 1.000000e+00 : f32
    %max3A_16 = vector.broadcast %max3A : f32 to vector<512x1xf32>
    %max3A_17 = arith.maximumf %get3A_12, %max3A_16 : vector<512x1xf32>
    %get3A_18 = arith.constant 0 : index
    %get3A_19 = arith.constant 0 : index
    %get3A_20 = vector.load %arg6[%get3A_18, %get3A_19] : memref<512x1xi32, #tpu.memory_space<vmem>>, vector<512x1xi32>
    %eq3A = arith.constant 0 : i32
    %eq3A_21 = vector.broadcast %eq3A : i32 to vector<512x1xi32>
    %eq3A_22 = arith.cmpi eq, %get3A_20, %eq3A_21 : vector<512x1xi32>
    %get3A_23 = arith.constant 0 : index
    %get3A_24 = arith.constant 0 : index
    %get3A_25 = vector.load %arg3[%get3A_23, %get3A_24] : memref<512x1024xf32, #tpu.memory_space<vmem>>, vector<512x1024xf32>
    %div3A = vector.broadcast %max3A_17 : vector<512x1xf32> to vector<512x1024xf32>
    %div3A_26 = arith.divf %get3A_25, %div3A : vector<512x1024xf32>
    %get3A_27 = arith.constant 0 : index
    %get3A_28 = arith.constant 0 : index
    %get3A_29 = vector.load %arg5[%get3A_27, %get3A_28] : memref<512x1024xf32, #tpu.memory_space<vmem>>, vector<512x1024xf32>
    %mul3A = vector.broadcast %logistic3A_5 : f32 to vector<512x1024xf32>
    %mul3A_30 = arith.mulf %mul3A, %get3A_29 : vector<512x1024xf32>
    %sub3A = arith.constant 1.000000e+00 : f32
    %sub3A_31 = arith.subf %sub3A, %logistic3A_5 : f32
    %mul3A_32 = vector.broadcast %sub3A_31 : f32 to vector<512x1024xf32>
    %mul3A_33 = arith.mulf %mul3A_32, %div3A_26 : vector<512x1024xf32>
    %add3A = arith.addf %mul3A_30, %mul3A_33 : vector<512x1024xf32>
    %broadcast_in_dim3A = vector.shape_cast %eq3A_22 : vector<512x1xi1> to vector<512x1xi1>
    %broadcast_in_dim3A_34 = vector.broadcast %broadcast_in_dim3A : vector<512x1xi1> to vector<512x1024xi1>
    %select_n3A = arith.select %broadcast_in_dim3A_34, %div3A_26, %add3A : vector<512x1024xi1>, vector<512x1024xf32>
    %get3A_35 = arith.constant 0 : index
    %get3A_36 = arith.constant 0 : index
    %get3A_37 = vector.load %arg5[%get3A_35, %get3A_36] : memref<512x1024xf32, #tpu.memory_space<vmem>>, vector<512x1024xf32>
    %broadcast_in_dim3A_38 = vector.shape_cast %and3A_15 : vector<512x1xi1> to vector<512x1xi1>
    %broadcast_in_dim3A_39 = vector.broadcast %broadcast_in_dim3A_38 : vector<512x1xi1> to vector<512x1024xi1>
    %select_n3A_40 = arith.select %broadcast_in_dim3A_39, %select_n3A, %get3A_37 : vector<512x1024xi1>, vector<512x1024xf32>
    %swap3A = arith.constant 0 : index
    %swap3A_41 = arith.constant 0 : index
    %swap3A_42 = vector.load %arg7[%swap3A, %swap3A_41] : memref<512x1024xf32, #tpu.memory_space<vmem>>, vector<512x1024xf32>
    tpu.vector_store %arg7[%swap3A, %swap3A_41], %select_n3A_40 {strides = array<i32>} : memref<512x1024xf32, #tpu.memory_space<vmem>>, vector<512x1024xf32>,
    %convert_element_type3A = arith.extui %and3A_15 : vector<512x1xi1> to vector<512x1xi32>
    %add3A_43 = arith.addi %get3A_20, %convert_element_type3A : vector<512x1xi32>
    %swap3A_44 = arith.constant 0 : index
    %swap3A_45 = arith.constant 0 : index
    %swap3A_46 = vector.load %arg8[%swap3A_44, %swap3A_45] : memref<512x1xi32, #tpu.memory_space<vmem>>, vector<512x1xi32>
    tpu.vector_store %arg8[%swap3A_44, %swap3A_45], %add3A_43 {strides = array<i32>} : memref<512x1xi32, #tpu.memory_space<vmem>>, vector<512x1xi32>,
    return
  }
  func.func @transform_0(%arg0: i32) -> (i32, i32) {
    %c0_i32 = arith.constant 0 : i32
    %c0_i32_0 = arith.constant 0 : i32
    %c0_i32_1 = arith.constant 0 : i32
    return %c0_i32, %c0_i32_0 : i32, i32
  }
  func.func @transform_1(%arg0: i32) -> (i32, i32) {
    %c0_i32 = arith.constant 0 : i32
    %c0_i32_0 = arith.constant 0 : i32
    %c0_i32_1 = arith.constant 0 : i32
    return %c0_i32, %c0_i32_0 : i32, i32
  }
  func.func @transform_2(%arg0: i32) -> (i32, i32) {
    %c0_i32 = arith.constant 0 : i32
    %c0_i32_0 = arith.constant 0 : i32
    return %arg0, %c0_i32 : i32, i32
  }
  func.func @transform_3(%arg0: i32) -> (i32, i32) {
    %c0_i32 = arith.constant 0 : i32
    %c0_i32_0 = arith.constant 0 : i32
    return %arg0, %c0_i32 : i32, i32
  }
  func.func @transform_4(%arg0: i32) -> (i32, i32) {
    %c0_i32 = arith.constant 0 : i32
    %c0_i32_0 = arith.constant 0 : i32
    return %arg0, %c0_i32 : i32, i32
  }
  func.func @transform_5(%arg0: i32) -> (i32, i32) {
    %c0_i32 = arith.constant 0 : i32
    %c0_i32_0 = arith.constant 0 : i32
    return %arg0, %c0_i32 : i32, i32
  }
  func.func @transform_6(%arg0: i32) -> (i32, i32) {
    %c0_i32 = arith.constant 0 : i32
    %c0_i32_0 = arith.constant 0 : i32
    return %arg0, %c0_i32 : i32, i32
  }
  func.func @transform_7(%arg0: i32) -> (i32, i32) {
    %c0_i32 = arith.constant 0 : i32
    %c0_i32_0 = arith.constant 0 : i32
    return %arg0, %c0_i32 : i32, i32
  }
}

module attributes {stable_mosaic.version = 14 : i64} {
  func.func @body(%arg0: i32, %arg1: memref<1x1xf32, #tpu.memory_space<smem>>, %arg2: memref<1x1xi32, #tpu.memory_space<smem>>, %arg3: memref<512x1024xf32, #tpu.memory_space<vmem>>, %arg4: memref<512x128xf32, #tpu.memory_space<vmem>>, %arg5: memref<512x1024xf32, #tpu.memory_space<vmem>>, %arg6: memref<512x1xi32, #tpu.memory_space<vmem>>, %arg7: memref<512x1024xf32, #tpu.memory_space<vmem>>) attributes {dimension_semantics = [#tpu.dimension_semantics<arbitrary>], iteration_bounds = array<i64: 32>, scalar_prefetch = 0 : i64, scratch_operands = 0 : i64, tpu.core_type = #tpu.core_type<tc>, window_params = [{transform_indices = @transform_0, window_bounds = array<i64: 1, 1>}, {transform_indices = @transform_1, window_bounds = array<i64: 1, 1>}, {transform_indices = @transform_2, window_bounds = array<i64: 512, 1024>}, {transform_indices = @transform_3, window_bounds = array<i64: 512, 128>}, {transform_indices = @transform_4, window_bounds = array<i64: 512, 1024>}, {transform_indices = @transform_5, window_bounds = array<i64: 512, 1>}, {transform_indices = @transform_6, window_bounds = array<i64: 512, 1024>}]} {
    %get3A = arith.constant 0 : index
    %get3A_0 = arith.constant 0 : index
    %get3A_1 = memref.load %arg1[%get3A, %get3A_0] : memref<1x1xf32, #tpu.memory_space<smem>>
    %logistic3A = arith.negf %get3A_1 : f32
    %logistic3A_2 = math.exp %logistic3A : f32
    %logistic3A_3 = arith.constant 1.000000e+00 : f32
    %logistic3A_4 = arith.addf %logistic3A_3, %logistic3A_2 : f32
    %logistic3A_5 = arith.divf %logistic3A_3, %logistic3A_4 : f32
    %get3A_6 = arith.constant 0 : index
    %get3A_7 = arith.constant 0 : index
    %get3A_8 = memref.load %arg2[%get3A_6, %get3A_7] : memref<1x1xi32, #tpu.memory_space<smem>>
    %ne3A = arith.constant 0 : i32
    %ne3A_9 = arith.cmpi ne, %get3A_8, %ne3A : i32
    %get3A_10 = arith.constant 0 : index
    %get3A_11 = arith.constant 0 : index
    %get3A_12 = vector.load %arg4[%get3A_10, %get3A_11] : memref<512x128xf32, #tpu.memory_space<vmem>>, vector<512x1xf32>
    %gt3A = arith.constant 5.000000e-01 : f32
    %gt3A_13 = vector.broadcast %gt3A : f32 to vector<512x1xf32>
    %gt3A_14 = arith.cmpf ogt, %get3A_12, %gt3A_13 : vector<512x1xf32>
    %and3A = vector.broadcast %ne3A_9 : i1 to vector<512x1xi1>
    %and3A_15 = arith.andi %gt3A_14, %and3A : vector<512x1xi1>
    %max3A = arith.constant 1.000000e+00 : f32
    %max3A_16 = vector.broadcast %max3A : f32 to vector<512x1xf32>
    %max3A_17 = arith.maximumf %get3A_12, %max3A_16 : vector<512x1xf32>
    %get3A_18 = arith.constant 0 : index
    %get3A_19 = arith.constant 0 : index
    %get3A_20 = vector.load %arg6[%get3A_18, %get3A_19] : memref<512x1xi32, #tpu.memory_space<vmem>>, vector<512x1xi32>
    %eq3A = arith.constant 0 : i32
    %eq3A_21 = vector.broadcast %eq3A : i32 to vector<512x1xi32>
    %eq3A_22 = arith.cmpi eq, %get3A_20, %eq3A_21 : vector<512x1xi32>
    %get3A_23 = arith.constant 0 : index
    %get3A_24 = arith.constant 0 : index
    %get3A_25 = vector.load %arg3[%get3A_23, %get3A_24] : memref<512x1024xf32, #tpu.memory_space<vmem>>, vector<512x1024xf32>
    %div3A = vector.broadcast %max3A_17 : vector<512x1xf32> to vector<512x1024xf32>
    %div3A_26 = arith.divf %get3A_25, %div3A : vector<512x1024xf32>
    %get3A_27 = arith.constant 0 : index
    %get3A_28 = arith.constant 0 : index
    %get3A_29 = vector.load %arg5[%get3A_27, %get3A_28] : memref<512x1024xf32, #tpu.memory_space<vmem>>, vector<512x1024xf32>
    %mul3A = vector.broadcast %logistic3A_5 : f32 to vector<512x1024xf32>
    %mul3A_30 = arith.mulf %mul3A, %get3A_29 : vector<512x1024xf32>
    %sub3A = arith.constant 1.000000e+00 : f32
    %sub3A_31 = arith.subf %sub3A, %logistic3A_5 : f32
    %mul3A_32 = vector.broadcast %sub3A_31 : f32 to vector<512x1024xf32>
    %mul3A_33 = arith.mulf %mul3A_32, %div3A_26 : vector<512x1024xf32>
    %add3A = arith.addf %mul3A_30, %mul3A_33 : vector<512x1024xf32>
    %broadcast_in_dim3A = vector.shape_cast %eq3A_22 : vector<512x1xi1> to vector<512x1xi1>
    %broadcast_in_dim3A_34 = vector.broadcast %broadcast_in_dim3A : vector<512x1xi1> to vector<512x1024xi1>
    %select_n3A = arith.select %broadcast_in_dim3A_34, %div3A_26, %add3A : vector<512x1024xi1>, vector<512x1024xf32>
    %get3A_35 = arith.constant 0 : index
    %get3A_36 = arith.constant 0 : index
    %get3A_37 = vector.load %arg5[%get3A_35, %get3A_36] : memref<512x1024xf32, #tpu.memory_space<vmem>>, vector<512x1024xf32>
    %broadcast_in_dim3A_38 = vector.shape_cast %and3A_15 : vector<512x1xi1> to vector<512x1xi1>
    %broadcast_in_dim3A_39 = vector.broadcast %broadcast_in_dim3A_38 : vector<512x1xi1> to vector<512x1024xi1>
    %select_n3A_40 = arith.select %broadcast_in_dim3A_39, %select_n3A, %get3A_37 : vector<512x1024xi1>, vector<512x1024xf32>
    %swap3A = arith.constant 0 : index
    %swap3A_41 = arith.constant 0 : index
    %swap3A_42 = vector.load %arg7[%swap3A, %swap3A_41] : memref<512x1024xf32, #tpu.memory_space<vmem>>, vector<512x1024xf32>
    tpu.vector_store %arg7[%swap3A, %swap3A_41], %select_n3A_40 {strides = array<i32>} : memref<512x1024xf32, #tpu.memory_space<vmem>>, vector<512x1024xf32>,
    return
  }
  func.func @transform_0(%arg0: i32) -> (i32, i32) {
    %c0_i32 = arith.constant 0 : i32
    %c0_i32_0 = arith.constant 0 : i32
    %c0_i32_1 = arith.constant 0 : i32
    return %c0_i32, %c0_i32_0 : i32, i32
  }
  func.func @transform_1(%arg0: i32) -> (i32, i32) {
    %c0_i32 = arith.constant 0 : i32
    %c0_i32_0 = arith.constant 0 : i32
    %c0_i32_1 = arith.constant 0 : i32
    return %c0_i32, %c0_i32_0 : i32, i32
  }
  func.func @transform_2(%arg0: i32) -> (i32, i32) {
    %c0_i32 = arith.constant 0 : i32
    %c0_i32_0 = arith.constant 0 : i32
    return %arg0, %c0_i32 : i32, i32
  }
  func.func @transform_3(%arg0: i32) -> (i32, i32) {
    %c0_i32 = arith.constant 0 : i32
    %c0_i32_0 = arith.constant 0 : i32
    return %arg0, %c0_i32 : i32, i32
  }
  func.func @transform_4(%arg0: i32) -> (i32, i32) {
    %c0_i32 = arith.constant 0 : i32
    %c0_i32_0 = arith.constant 0 : i32
    return %arg0, %c0_i32 : i32, i32
  }
  func.func @transform_5(%arg0: i32) -> (i32, i32) {
    %c0_i32 = arith.constant 0 : i32
    %c0_i32_0 = arith.constant 0 : i32
    return %arg0, %c0_i32 : i32, i32
  }
  func.func @transform_6(%arg0: i32) -> (i32, i32) {
    %c0_i32 = arith.constant 0 : i32
    %c0_i32_0 = arith.constant 0 : i32
    return %arg0, %c0_i32 : i32, i32
  }
}

</mosaic_0001>

<sc_bundles>
// kernel: kernel.6.cloned.1.call-start
scs
__scs_entry_jumppad:
0x0: {  	(pc) =	sbr.rel $0x88, $3  }
0x1: {  	(tag) =	ssettag $0x0;
	lr =	simm.s32 $0x1  }
0x2: {  	[smem:$0x3F99] =	sst lr;
	_ =	strace $0xD0000000  }
0x3: {  	_ = 	snop  }
0x4: {  	_ = 	snop  }
0x5: {  	_ = 	snop  }
0x6: {  	_ = 	snop  }
0x7: {  	_ = 	snop  }
__scs_overlays_trampoline_lowered:
0x8: {  	[smem:$0x3FA8] =	sst s0  }
0x9: {  	[smem:$0x3FA9] =	sst s1  }
0xa: {  	[smem:$0x3FAA] =	sst s2  }
0xb: {  	[smem:$0x3FAB] =	sst s3  }
0xc: {  	[smem:$0x3FAC] =	sst s4  }
0xd: {  	[smem:$0x3FAD] =	sst s5  }
0xe: {  	[smem:$0x3FAE] =	sst s6  }
0xf: {  	[smem:$0x3FAF] =	sst s7  }
0x10: {  	[smem:$0x3FB0] =	sst s8  }
0x11: {  	[smem:$0x3FB1] =	sst s9;
	s0 =	simm.s32 @!p0 $0x0  }
0x12: {  	s1 =	sld [smem:$0x3F97];
	s0 =	simm.s32 @p0 $0x1  }
0x13: {  	[smem:$0x3FB2] =	sst s0;
	s0 =	simm.s32 @!p1 $0x0  }
0x14: {  	s2 =	sld [smem:$0x3F96];
	s0 =	simm.s32 @p1 $0x1  }
0x15: {  	[smem:$0x3FB3] =	sst s0;
	s0 =	simm.s32 @!p2 $0x0  }
0x16: {  	s3 =	sld [smem:$0x3FDB];
	s0 =	simm.s32 @p2 $0x1  }
0x17: {  	s4 =	simm.s32 $0x1BF5;
	[smem:$0x3FB5] =	sst s0  }
0x18: {  	s0 =	sld [smem:$0x3F98];
	_ =	swait.ge [sflag:s4], $0x0  }
0x19: {  	s7 =	sld [smem:$0x3F99]  }
0x1a: {  	s8 =	sadd.s32 $0xFFFFE003, lr  }
0x1b: {  	s9 =	sadd.s32 $0xFFFFFEF7, lr;
	s5 =	simm.s32 $0xFFFFFFFF;
	p2 =	slt.u32 s8, $0xFFFFF086  }
0x1c: {  	p1 =	slt.u32 s9, $0xF7A;
	s5 =	simm.s32 @!p2 $0x0  }
0x1d: {  	s5 =	simm.s32 @p1 $0x1;
	p0 =	seq.s32 s7, s2  }
0x1e: {  	s7 =	smul.u32 @!p0 $0xF7A, s2;
	p2 =	seq.s32 @!p0 s5, $0x0  }
0x1f: {  	s9 =	smul.u32 $0xF7A, s1;
	s8 =	simm.s32 @!p0 $0x1BF5;
	p2 =	por !p2, p0  }
0x20: {  	[sflag:s8] =	ssyncset.s32 @!p0 $0xFFFFF086;
	s6 =	sadd.s32 @!p0 s3, s7;
	s7 =	simm.s32 @!p0 $0x108  }
0x21: {  	s3 =	sadd.s32 s3, s9;
	s6 =	sadd.s32 @!p0 $0x88, s6;
	s7 =	simm.s32 @p2 $0x1082  }
0x22: {  	[simem:s7], [sflag:s8] =	dma.local @!p0 [hbm:s6], $0xF7A  }
0x23: {  	s9 =	sor.u32 $0xD0000000, s2;
	s6 =	simm.s32 $0x108;
	_ =	swait.ge @!p0 [sflag:s8], $0x0  }
0x24: {  	s3 =	sadd.s32 $0x88, s3;
	s6 =	simm.s32 @!p1 $0x1082;
	[sflag:s4] =	ssyncset.s32 $0xFFFFF086  }
0x25: {  	[simem:s6], [sflag:s4] =	dma.local [hbm:s3], $0xF7A  }
0x26: {  	[smem:$0x3F99] =	sst s1;
	(tag) =	ssettag s2;
	_ =	strace s9  }
0x27: {  	s1 =	sld [smem:$0x3FA9]  }
0x28: {  	s2 =	sld [smem:$0x3FAA]  }
0x29: {  	s4 =	sld [smem:$0x3FAC]  }
0x2a: {  	p0 =	seq.s32 s5, $0x0;
	s5 =	sld [smem:$0x3FAD]  }
0x2b: {  	s6 =	sld [smem:$0x3FAE]  }
0x2c: {  	s7 =	sld [smem:$0x3FAF]  }
0x2d: {  	s3 =	simm.s32 $0x108;
	s8 =	sld [smem:$0x3FB0]  }
0x2e: {  	s3 =	simm.s32 @!p0 $0x1082;
	s9 =	sld [smem:$0x3FB1]  }
0x2f: {  	lr =	sadd.s32 s0, s3;
	s0 =	sld [smem:$0x3FA8]  }
0x30: {  	s3 =	sld [smem:$0x3FAB]  }
0x31: {  	[smem:$0x3FB4] =	sst s10  }
0x32: {  	s10 =	sld [smem:$0x3FB2];
	_ =	sdelay $0x3  }
0x33: {  	p0 =	seq.s32 s10, $0x1;
	s10 =	sld [smem:$0x3FB4];
	_ =	sdelay $0x3  }
0x34: {  	[smem:$0x3FB4] =	sst s10  }
0x35: {  	s10 =	sld [smem:$0x3FB3];
	_ =	sdelay $0x3  }
0x36: {  	p1 =	seq.s32 s10, $0x1;
	s10 =	sld [smem:$0x3FB4];
	_ =	sdelay $0x3  }
0x37: {  	[smem:$0x3FB4] =	sst s10  }
0x38: {  	s10 =	sld [smem:$0x3FB5]  }
0x39: {  	_ = 	snop;
	(pc) =	sbr.ind lr, $3  }
0x3a: {  	_ = 	snop  }
0x3b: {  	_ = 	snop  }
0x3c: {  	p2 =	seq.s32 s10, $0x1;
	s10 =	sld [smem:$0x3FB4]  }
0x3d: {  	_ =	shalt  }
0x3e: {  	_ =	shalt  }
0x3f: {  	_ =	shalt  }
0x40: {  	_ =	shalt  }
0x41: {  	_ =	shalt  }
0x42: {  	_ =	shalt  }
0x43: {  	_ =	shalt  }
0x44: {  	_ =	shalt  }
0x45: {  	_ =	shalt  }
0x46: {  	_ =	shalt  }
0x47: {  	_ =	shalt  }
0x48: {  	_ =	shalt  }
0x49: {  	_ =	shalt  }
0x4a: {  	_ =	shalt  }
0x4b: {  	_ =	shalt  }
0x4c: {  	_ =	shalt  }
0x4d: {  	_ =	shalt  }
0x4e: {  	_ =	shalt  }
0x4f: {  	_ =	shalt  }
0x50: {  	_ =	shalt  }
0x51: {  	_ =	shalt  }
0x52: {  	_ =	shalt  }
0x53: {  	_ =	shalt  }
0x54: {  	_ =	shalt  }
0x55: {  	_ =	shalt  }
0x56: {  	_ =	shalt  }
0x57: {  	_ =	shalt  }
0x58: {  	_ =	shalt  }
0x59: {  	_ =	shalt  }
0x5a: {  	_ =	shalt  }
0x5b: {  	_ =	shalt  }
0x5c: {  	_ =	shalt  }
0x5d: {  	_ =	shalt  }
0x5e: {  	_ =	shalt  }
0x5f: {  	_ =	shalt  }
0x60: {  	_ =	shalt  }
0x61: {  	_ =	shalt  }
0x62: {  	_ =	shalt  }
0x63: {  	_ =	shalt  }
0x64: {  	_ =	shalt  }
0x65: {  	_ =	shalt  }
0x66: {  	_ =	shalt  }
0x67: {  	_ =	shalt  }
0x68: {  	_ =	shalt  }
0x69: {  	_ =	shalt  }
0x6a: {  	_ =	shalt  }
0x6b: {  	_ =	shalt  }
0x6c: {  	_ =	shalt  }
0x6d: {  	_ =	shalt  }
0x6e: {  	_ =	shalt  }
0x6f: {  	_ =	shalt  }
0x70: {  	_ =	shalt  }
0x71: {  	_ =	shalt  }
0x72: {  	_ =	shalt  }
0x73: {  	_ =	shalt  }
0x74: {  	_ =	shalt  }
0x75: {  	_ =	shalt  }
0x76: {  	_ =	shalt  }
0x77: {  	_ =	shalt  }
0x78: {  	_ =	shalt  }
0x79: {  	_ =	shalt  }
0x7a: {  	_ =	shalt  }
0x7b: {  	_ =	shalt  }
0x7c: {  	_ =	shalt  }
0x7d: {  	_ =	shalt  }
0x7e: {  	_ =	shalt  }
0x7f: {  	_ =	shalt  }
0x80: {  	_ =	shalt  }
0x81: {  	_ =	shalt  }
0x82: {  	_ =	shalt  }
0x83: {  	_ =	shalt  }
0x84: {  	_ =	shalt  }
0x85: {  	_ =	shalt  }
0x86: {  	_ =	shalt  }
0x87: {  	_ =	shalt  }
.Lfunc_end0:
.L_simem_size_0:
called_computation_lowered:
.L_overlay_start_0:
0x88: {  	s2 =	sld [smem:$0x3FD9]  }
0x89: {  	s3 =	sld [smem:$0x3FFE];
	_ =	sdelay $0x1  }
0x8a: {  	s1 =	srdreg.scid  }
0x8b: {  	s0 =	sand.u32 $0x1, s1  }
0x8c: {  	s15 =	sshll.u32 s0, $0xA;
	s2 =	sadd.s32 s3, s2  }
0x8d: {  	s2 =	sadd.s32 s2, s15  }
0x8e: {  	[smem:$0x3FC0] =	sst s2  }
0x8f: {  	_ = 	snop  }
0x90: {  	s2 =	sld [smem:$0x3FD0];
	_ =	sdelay $0x1  }
0x91: {  	s16 =	sld [smem:$0x3FC9]  }
0x92: {  	s5 =	simm.s32 $0xB;
	s6 =	simm.s32 $0x10;
	s4 =	sld [smem:$0x3FC7]  }
0x93: {  	[smem:s6], [sflag:s5] =	dma.local [hbm:s2], $0x1  }
0x94: {  	_ =	swait.eq [sflag:s5], $0x1  }
0x95: {  	[sflag:s5] =	ssyncset.done $0x0  }
0x96: {  	s17 =	sld [smem:$0x10];
	[sflag:s5] =	ssyncadd.s32 $0xFFFFFFFF  }
0x97: {  	s18 =	sld [smem:$0x11];
	(tm) =	ssettm $0x1  }
0x98: {  	s19 =	sld [smem:$0x3FFB];
	_ =	sdelay $0x3  }
0x99: {  	_ =	strace s19  }
0x9a: {  	s6 =	sld [smem:$0x3FFC];
	_ =	sdelay $0x3  }
0x9b: {  	_ =	strace s6  }
0x9c: {  	s6 =	sld [smem:$0x3FFD];
	_ =	sdelay $0x3  }
0x9d: {  	_ =	strace s6  }
0x9e: {  	_ =	strace $0x8FFFFFFF  }
0x9f: {  	s20 =	sld [smem:$0x3FDB];
	_ =	sdelay $0x1  }
0xa0: {  	s7 =	simm.s32 $_scs_section_size  }
0xa1: {  	s8 =	simm.s32 $_size__tile_overlayer_lowered;
	s9 =	simm.s32 $_tile_overlayer_lowered  }
0xa2: {  	s23 =	simm.s32 $0x1BFF;
	s22 =	sshll.u32 s9, $0x1;
	s6 =	sadd.s32 s7, s20  }
0xa3: {  	s10 =	simm.s32 $0x0;
	s21 =	sshll.u32 s8, $0x1;
	s8 =	sadd.s32 s22, s6  }
0xa4: {  	[timem:s10], [sflag:s23] =	dma.local [hbm:s8], s21  }
0xa5: {  	_ =	swait.ge [sflag:s23], s21  }
0xa6: {  	s7 =	ssub.s32 $0x0, s21;
	[sflag:s23] =	ssyncset.done $0x0  }
0xa7: {  	[sflag:s23] =	ssyncadd.s32 s7;
	_ =	sdelay $0x1  }
0xa8: {  	s24 =	simm.s32 $0x1B8B  }
0xa9: {  	_ =	swait.ge [sflag:s24], $0x1  }
0xaa: {  	[sflag:s24] =	ssyncset.done $0x0  }
0xab: {  	s25 =	simm.s32 $0x1B8E;
	[sflag:s24] =	ssyncadd.s32 $0xFFFFFFFF  }
0xac: {  	s26 =	simm.s32 $execute0_lowered;
	[smem:$0x3FD2] =	sst s25  }
0xad: {  	s7 =	sshll.u32 s26, $0x1;
	_ =	strace $0x80000046;
	[dreg:$0x1] =	wrdreg $0xFFFFFFFF  }
0xae: {  	s28 =	simm.s32 $_size_execute0_lowered;
	s6 =	sadd.s32 s6, s7;
	[dreg:$0x0] =	wrdreg $0x0  }
0xaf: {  	s7 =	sshll.u32 s28, $0x1;
	[dreg:$0x2] =	wrdreg s6  }
0xb0: {  	[dreg:$0x3] =	wrdreg s7  }
0xb1: {  	[dreg:$0x4] =	wrdreg $0xC0  }
0xb2: {  	_ =	task [dreg:s10], $0x5FFFF  }
0xb3: {  	[dreg:$0x1] =	wrdreg $0xFFFFFFFF  }
0xb4: {  	[dreg:$0x0] =	wrdreg $0x60  }
0xb5: {  	[dreg:$0x2] =	wrdreg s16  }
0xb6: {  	[dreg:$0x3] =	wrdreg s4  }
0xb7: {  	[dreg:$0x4] =	wrdreg s18  }
0xb8: {  	[dreg:$0x5] =	wrdreg s17  }
0xb9: {  	[dreg:$0x6] =	wrdreg $0xAC000  }
0xba: {  	[dreg:$0x7] =	wrdreg $0x9  }
0xbb: {  	_ =	task.clear_ibuf [dreg:s10], $0x8FFFF;
	_ =	strace $0x90000046  }
0xbc: {  	s29 =	simm.s32 $0x9;
	_ =	strace $0x80000048  }
0xbd: {  	_ =	swait.ge [sflag:s29], $0x1  }
0xbe: {  	[sflag:s29] =	ssyncadd.s32 $0xFFFFFFFF  }
0xbf: {  	_ =	strace $0x90000048  }
0xc0: {  	_ =	sfence  }
0xc1: {  	s30 =	sld [smem:$0x0];
	_ =	sdelay $0x2  }
0xc2: {  	s31 =	sshll.u32 s1, $0xD;
	s1 =	sshrl.u32 s1, $0x2  }
0xc3: {  	s3 =	sand.u32 $0x4000, s31;
	s1 =	sadd.s32 s1, s30  }
0xc4: {  	s0 =	sor.u32 s3, s0;
	s1 =	sshll.u32 s1, $0x11  }
0xc5: {  	s0 =	sor.u32 s1, s0  }
0xc6: {  	s0 =	sadd.s32 $0x8F2B, s0  }
0xc7: {  	[sflag:s0] =	ssyncadd.remote.s32 $0x1  }
0xc8: {  	_ =	sfence.sel $0xFFFF  }
0xc9: {  	[dreg:$0x0] =	wrdreg $0xFFFFFFFF;
	(pc) =	sbr.abs _section_cstart, $3  }
0xca: {  	[dreg:$0x1] =	wrdreg $0xFFFFFFFF  }
0xcb: {  	_ =	task.clear_ibuf [dreg:s10], $0x2FFFF;
	_ =	strace $0x9FFFFFFF  }
0xcc: {  	(tm) =	ssettm $0x7FFFFFFF  }
0xcd: {  	_ =	shalt  }
tec
execute0_lowered:
.L_overlay_start_1:
0x0: {  	(tag) =	ssettag $0x1  }
0x1: {  	s0 =	rddreg [dreg:$0x0]  }
0x2: {  	s1 =	rddreg [dreg:$0x1]  }
0x3: {  	s4 =	rddreg [dreg:$0x2]  }
0x4: {  	s5 =	rddreg [dreg:$0x3];
	s3 =	srdreg.scid  }
0x5: {  	s2 =	rddreg [dreg:$0x4];
	s9 =	stileid.u32  }
0x6: {  	s20 =	simm.s32 $0x6;
	s21 =	simm.s32 $0x1;
	s22 =	simm.s32 $0x400  }
0x7: {  	s6 =	sand.u32 $0x1, s3;
	s3 =	simm.s32 $0x0;
	s25 =	sshll.u32 s9, $0xD  }
0x8: {  	s13 =	sshll.u32 s9, $0x7;
	s9 =	sshll.u32 s9, $0x10;
	s7 =	ssub.s32 $0x2, s6  }
0x9: {  	[smem:$0x7FF] =	sst s3;
	s0 =	sadd.s32 s0, s13;
	s23 =	sadd.s32 s9, s2  }
0xa: {  	s14 =	sshll.u32 s6, $0x11;
	s18 =	sor.u32 $0x80, s25;
	s19 =	sor.u32 $0x100, s25  }
0xb: {  	s28 =	sor.u32 $0x180, s25;
	s30 =	sor.u32 $0x200, s25;
	s12 =	sor.u32 $0x280, s25  }
0xc: {  	s31 =	sor.u32 $0x300, s25;
	s13 =	sor.u32 $0x380, s25;
	s8 =	sshrl.u32 s7, $0x1  }
0xd: {  	_ =	strace $0x80000047;
	[dreg:$0x6] =	wrdreg s0;
	s0 =	sshll.u32 s6, $0xD  }
0xe: {  	s24 =	sadd.s32 $0x2000, s23;
	s10 =	sadd.s32 $0x8000, s23;
	[dreg:$0x11] =	wrdreg s23  }
0xf: {  	v0 =	vlaneseq.u32;
	s26 =	sadd.s32 $0x4000, s23;
	s11 =	sadd.s32 $0xA000, s23;
	[dreg:$0x9] =	wrdreg s10  }
0x10: {  	v0 =	vmul.u32 $0x8, v0;
	s29 =	sadd.s32 $0x6000, s23;
	s15 =	sadd.s32 $0xC000, s23;
	[dreg:$0xa] =	wrdreg s11  }
0x11: {  	s5 =	sadd.s32 s5, s14;
	s16 =	sadd.s32 $0xE000, s23;
	[dreg:$0xb] =	wrdreg s15  }
0x12: {  	s6 =	sshll.u32 s6, $0x14;
	v7 =	vor.u32 s12, v0;
	s12 =	simm.s32 $0x8400;
	[dreg:$0xc] =	wrdreg s16  }
0x13: {  	s7 =	ssub.s32 s7, s8;
	s8 =	sadd.s32 $0x2000, s0;
	[dreg:$0x7] =	wrdreg s26  }
0x14: {  	s5 =	sadd.s32 s25, s5;
	s4 =	sadd.s32 s6, s4;
	[dreg:$0x8] =	wrdreg s29  }
0x15: {  	v1 =	vmov s0;
	s11 =	simm.s32 $0x5;
	s0 =	simm.s32 $0x0;
	[dreg:$0x12] =	wrdreg s24  }
0x16: {  	v11 =	vimm.f32 $0.0e+00;
	v12 =	vimm.f32 $1.000000000e+00;
	s15 =	simm.s32 $0x7400;
	s16 =	simm.s32 $0x7C00;
	[dreg:$0xd] =	wrdreg s5  }
0x17: {  	vm0 =	vmmov $0xffff;
	v3 =	vor.u32 s18, v0;
	v10 =	vor.u32 s25, v0;
	s17 =	smax.u32 s7, $0x1;
	s4 =	sadd.s32 s9, s4;
	s5 =	simm.s32 $0x2  }
0x18: {  	v4 =	vor.u32 s19, v0;
	v5 =	vor.u32 s28, v0;
	v2 =	vmov s8;
	s8 =	simm.s32 $0x3;
	[dreg:$0xe] =	wrdreg s17;
	s4 =	sadd.s32 $0x8000, s4  }
0x19: {  	v6 =	vor.u32 s30, v0;
	v8 =	vor.u32 s31, v0;
	v9 =	vor.u32 s13, v0;
	s9 =	simm.s32 $0x4;
	[dreg:$0xf] =	wrdreg s4;
	s4 =	simm.s32 $0x8C00  }
.LBB2_1:
0x1a: {  	s13 =	simm.s32 $0x0;
	s14 =	simm.s32 $0x200  }
.LBB2_2:
0x1b: {  	p0 =	sne.s32 s14, $0x7E00;
	[tilespmem:s13+$0x8C70] =	vst v11  }
0x1c: {  	[tilespmem:s13+$0x8C00] =	vst v11  }
0x1d: {  	[tilespmem:s13+$0x8C10] =	vst v11  }
.Ltmp0:
0x1e: {  	[tilespmem:s13+$0x8C20] =	vst v11;
	(pc) =	sbr.rel @p0 .LBB2_2-.Ltmp0, $4  }
0x1f: {  	[tilespmem:s13+$0x8C30] =	vst v11  }
0x20: {  	[tilespmem:s13+$0x8C40] =	vst v11  }
0x21: {  	[tilespmem:s13+$0x8C50] =	vst v11  }
0x22: {  	[tilespmem:s13+$0x8C60] =	vst v11;
	s13 =	sshra.s32 s14, $0x2;
	s14 =	sadd.s32 $0x200, s14  }
0x23: {  	[tilespmem:s13+$0x8C70] =	vst v11  }
0x24: {  	[tilespmem:s13+$0x8C00] =	vst v11  }
0x25: {  	[tilespmem:s13+$0x8C10] =	vst v11  }
0x26: {  	[tilespmem:s13+$0x8C20] =	vst v11  }
0x27: {  	[tilespmem:s13+$0x8C30] =	vst v11  }
0x28: {  	[tilespmem:s13+$0x8C40] =	vst v11  }
0x29: {  	[tilespmem:s13+$0x8C50] =	vst v11  }
0x2a: {  	[dreg:$0x10] =	wrdreg s0;
	[tilespmem:s13+$0x8C60] =	vst v11;
	s13 =	simm.s32 $0x0;
	s14 =	simm.s32 $0x200  }
.LBB2_4:
0x2b: {  	p0 =	sne.s32 s14, $0x1E00;
	[tilespmem:s13+$0x8470] =	vst v12  }
0x2c: {  	[tilespmem:s13+$0x8400] =	vst v12  }
0x2d: {  	[tilespmem:s13+$0x8410] =	vst v12  }
.Ltmp1:
0x2e: {  	[tilespmem:s13+$0x8420] =	vst v12;
	(pc) =	sbr.rel @p0 .LBB2_4-.Ltmp1, $4  }
0x2f: {  	[tilespmem:s13+$0x8430] =	vst v12  }
0x30: {  	[tilespmem:s13+$0x8440] =	vst v12  }
0x31: {  	[tilespmem:s13+$0x8450] =	vst v12  }
0x32: {  	[tilespmem:s13+$0x8460] =	vst v12;
	s13 =	sshra.s32 s14, $0x2;
	s14 =	sadd.s32 $0x200, s14  }
0x33: {  	[tilespmem:s13+$0x8470] =	vst v12  }
0x34: {  	[tilespmem:s13+$0x8400] =	vst v12  }
0x35: {  	[tilespmem:s13+$0x8410] =	vst v12  }
0x36: {  	[tilespmem:s13+$0x8420] =	vst v12  }
0x37: {  	[tilespmem:s13+$0x8430] =	vst v12  }
0x38: {  	[tilespmem:s13+$0x8440] =	vst v12  }
0x39: {  	[tilespmem:s13+$0x8450] =	vst v12  }
0x3a: {  	[tilespmem:s13+$0x8460] =	vst v12;
	s0 =	simm.s32 $0x0;
	s18 =	rddreg [dreg:$0x6];
	s19 =	simm.s32 $0x7  }
0x3b: {  	[tilespmem:s0], [sflag:$0x7] =	stream.linear.gather [hbm4b:s18+s0], $0x400, $0x38;
	[tilespmem:$0x1AC80] =	vst v63  }
0x3c: {  	_ =	swait.ge [sflag:s19], $0x400  }
0x3d: {  	[sflag:s19] =	ssyncset.done $0x0  }
0x3e: {  	[sflag:s19] =	ssyncadd.s32 $0xFFFFFC00  }
0x3f: {  	[spmem:s23] =	stream.linear.scatter [tilespmem:s4], [sflag:$0x6], $0x2000, $0x38;
	[tilespmem:$0x1AC80] =	vst v63  }
0x40: {  	_ = 	snop  }
0x41: {  	[spmem:s24] =	stream.linear.scatter [tilespmem:s4], [sflag:$0x6], $0x2000, $0x38;
	[tilespmem:$0x1AC80] =	vst v63  }
0x42: {  	_ = 	snop  }
0x43: {  	[spmem:s26] =	stream.linear.scatter [tilespmem:s4], [sflag:$0x6], $0x2000, $0x38;
	[tilespmem:$0x1AC80] =	vst v63  }
0x44: {  	_ = 	snop  }
0x45: {  	[spmem:s29] =	stream.linear.scatter [tilespmem:s4], [sflag:$0x6], $0x2000, $0x38;
	[tilespmem:$0x1AC80] =	vst v63  }
0x46: {  	s28 =	rddreg [dreg:$0x9]  }
0x47: {  	[spmem:s28] =	stream.linear.scatter [tilespmem:s4], [sflag:$0x6], $0x2000, $0x38;
	[tilespmem:$0x1AC80] =	vst v63  }
0x48: {  	s29 =	rddreg [dreg:$0xa]  }
0x49: {  	[spmem:s29] =	stream.linear.scatter [tilespmem:s4], [sflag:$0x6], $0x2000, $0x38;
	[tilespmem:$0x1AC80] =	vst v63  }
0x4a: {  	s30 =	rddreg [dreg:$0xb]  }
0x4b: {  	[spmem:s30] =	stream.linear.scatter [tilespmem:s4], [sflag:$0x6], $0x2000, $0x38;
	[tilespmem:$0x1AC80] =	vst v63  }
0x4c: {  	s31 =	rddreg [dreg:$0xc]  }
0x4d: {  	[spmem:s31] =	stream.linear.scatter [tilespmem:s4], [sflag:$0x6], $0x2000, $0x38;
	[tilespmem:$0x1AC80] =	vst v63  }
0x4e: {  	_ =	swait.ge [sflag:s20], $0x2000  }
0x4f: {  	[sflag:s20] =	ssyncset.done $0x0  }
0x50: {  	[sflag:s20] =	ssyncadd.s32 $0xFFFFE000  }
0x51: {  	_ =	swait.ge [sflag:s20], $0x2000  }
0x52: {  	[sflag:s20] =	ssyncset.done $0x0  }
0x53: {  	[sflag:s20] =	ssyncadd.s32 $0xFFFFE000  }
0x54: {  	_ =	swait.ge [sflag:s20], $0x2000  }
0x55: {  	[sflag:s20] =	ssyncset.done $0x0  }
0x56: {  	[sflag:s20] =	ssyncadd.s32 $0xFFFFE000  }
0x57: {  	_ =	swait.ge [sflag:s20], $0x2000  }
0x58: {  	[sflag:s20] =	ssyncset.done $0x0  }
0x59: {  	[sflag:s20] =	ssyncadd.s32 $0xFFFFE000  }
0x5a: {  	_ =	swait.ge [sflag:s20], $0x2000  }
0x5b: {  	[sflag:s20] =	ssyncset.done $0x0  }
0x5c: {  	[sflag:s20] =	ssyncadd.s32 $0xFFFFE000  }
0x5d: {  	_ =	swait.ge [sflag:s20], $0x2000  }
0x5e: {  	[sflag:s20] =	ssyncset.done $0x0  }
0x5f: {  	[sflag:s20] =	ssyncadd.s32 $0xFFFFE000  }
0x60: {  	_ =	swait.ge [sflag:s20], $0x2000  }
0x61: {  	[sflag:s20] =	ssyncset.done $0x0  }
0x62: {  	[sflag:s20] =	ssyncadd.s32 $0xFFFFE000  }
0x63: {  	_ =	swait.ge [sflag:s20], $0x2000  }
0x64: {  	[sflag:s20] =	ssyncset.done $0x0  }
0x65: {  	[sflag:s20] =	ssyncadd.s32 $0xFFFFE000  }
0x66: {  	[bflag:$0x0] =	sbarrier.arrive $0xFFFF  }
0x67: {  	s14 =	simm.s32 $0x0;
	s13 =	rddreg [dreg:$0xf]  }
.LBB2_6:
0x68: {  	p0 =	sne.s32 s14, $0x0  }
0x69: {  	vm1 =	vmmov @!p0 $0xffff;
	s23 =	simm.s32 @!p0 $0x0;
	s24 =	simm.s32 @!p0 $0x400  }
0x6a: {  	[tilespmem:s24], [sflag:$0x1] =	stream.indirect_vreg.gather @!p0 [hbm4b:s1+s23], $0x80, v10, vm1, $0xb8;
	[tilespmem:$0x1AC80] =	vst v63  }
0x6b: {  	s24 =	simm.s32 @!p0 $0xC00  }
0x6c: {  	[tilespmem:s24], [sflag:$0x1] =	stream.indirect_vreg.gather @!p0 [hbm4b:s1+s23], $0x80, v3, vm1, $0xb8;
	[tilespmem:$0x1AC80] =	vst v63  }
0x6d: {  	s24 =	simm.s32 @!p0 $0x1400  }
0x6e: {  	[tilespmem:s24], [sflag:$0x1] =	stream.indirect_vreg.gather @!p0 [hbm4b:s1+s23], $0x80, v4, vm1, $0xb8;
	[tilespmem:$0x1AC80] =	vst v63  }
0x6f: {  	s24 =	simm.s32 @!p0 $0x1C00  }
0x70: {  	[tilespmem:s24], [sflag:$0x1] =	stream.indirect_vreg.gather @!p0 [hbm4b:s1+s23], $0x80, v5, vm1, $0xb8;
	[tilespmem:$0x1AC80] =	vst v63  }
0x71: {  	s24 =	simm.s32 @!p0 $0x2400  }
0x72: {  	[tilespmem:s24], [sflag:$0x1] =	stream.indirect_vreg.gather @!p0 [hbm4b:s1+s23], $0x80, v6, vm1, $0xb8;
	[tilespmem:$0x1AC80] =	vst v63  }
0x73: {  	s24 =	simm.s32 @!p0 $0x2C00  }
0x74: {  	[tilespmem:s24], [sflag:$0x1] =	stream.indirect_vreg.gather @!p0 [hbm4b:s1+s23], $0x80, v7, vm1, $0xb8;
	[tilespmem:$0x1AC80] =	vst v63  }
0x75: {  	s24 =	simm.s32 @!p0 $0x3400  }
0x76: {  	[tilespmem:s24], [sflag:$0x1] =	stream.indirect_vreg.gather @!p0 [hbm4b:s1+s23], $0x80, v8, vm1, $0xb8;
	[tilespmem:$0x1AC80] =	vst v63  }
0x77: {  	s24 =	simm.s32 @!p0 $0x3C00  }
0x78: {  	[tilespmem:s24], [sflag:$0x1] =	stream.indirect_vreg.gather @!p0 [hbm4b:s1+s23], $0x80, v9, vm1, $0xb8;
	[tilespmem:$0x1AC80] =	vst v63  }
0x79: {  	_ =	swait.ge [sflag:s21], $0x4000  }
0x7a: {  	[sflag:s21] =	ssyncset.done $0x0  }
0x7b: {  	[sflag:s21] =	ssyncadd.s32 $0xFFFFC000  }
0x7c: {  	v13 =	vld [tilespmem:$0x0];
	_ =	sdelay $0x4  }
0x7d: {  	vm1 =	vge.s32 v13, v1;
	vm2 =	vlt.s32 v13, v2  }
0x7e: {  	v13 =	vsub.s32 v13, v1;
	vm1 =	vmand vm1, vm2  }
0x7f: {  	v13 =	vnsel vm1, $0x2000, v13;
	_ =	sdelay $0x4  }
0x80: {  	[spmem:s2] =	stream.indirect_vreg.scatter.add.f32 [tilespmem:s22], [sflag:$0x3], $0x80, v13, vm0, $0xb8;
	[tilespmem:$0x1AC80] =	vst v63  }
0x81: {  	v13 =	vld [tilespmem:$0x10];
	_ =	sdelay $0x4  }
0x82: {  	vm1 =	vge.s32 v13, v1;
	vm2 =	vlt.s32 v13, v2  }
0x83: {  	v13 =	vsub.s32 v13, v1;
	vm1 =	vmand vm1, vm2  }
0x84: {  	v13 =	vnsel vm1, $0x2000, v13;
	_ =	sdelay $0x3  }
0x85: {  	s4 =	simm.s32 $0xC00  }
0x86: {  	[spmem:s2] =	stream.indirect_vreg.scatter.add.f32 [tilespmem:s4], [sflag:$0x3], $0x80, v13, vm0, $0xb8;
	[tilespmem:$0x1AC80] =	vst v63  }
0x87: {  	v13 =	vld [tilespmem:$0x20];
	_ =	sdelay $0x4  }
0x88: {  	vm1 =	vge.s32 v13, v1;
	vm2 =	vlt.s32 v13, v2  }
0x89: {  	v13 =	vsub.s32 v13, v1;
	vm1 =	vmand vm1, vm2  }
0x8a: {  	v13 =	vnsel vm1, $0x2000, v13;
	_ =	sdelay $0x3  }
0x8b: {  	s7 =	simm.s32 $0x1400  }
0x8c: {  	[spmem:s2] =	stream.indirect_vreg.scatter.add.f32 [tilespmem:s7], [sflag:$0x3], $0x80, v13, vm0, $0xb8;
	[tilespmem:$0x1AC80] =	vst v63  }
0x8d: {  	v13 =	vld [tilespmem:$0x30];
	_ =	sdelay $0x4  }
0x8e: {  	vm1 =	vge.s32 v13, v1;
	vm2 =	vlt.s32 v13, v2  }
0x8f: {  	v13 =	vsub.s32 v13, v1;
	vm1 =	vmand vm1, vm2  }
0x90: {  	v13 =	vnsel vm1, $0x2000, v13;
	_ =	sdelay $0x3  }
0x91: {  	s10 =	simm.s32 $0x1C00  }
0x92: {  	[spmem:s2] =	stream.indirect_vreg.scatter.add.f32 [tilespmem:s10], [sflag:$0x3], $0x80, v13, vm0, $0xb8;
	[tilespmem:$0x1AC80] =	vst v63  }
0x93: {  	v13 =	vld [tilespmem:$0x40];
	_ =	sdelay $0x4  }
0x94: {  	vm1 =	vge.s32 v13, v1;
	vm2 =	vlt.s32 v13, v2  }
0x95: {  	v13 =	vsub.s32 v13, v1;
	vm1 =	vmand vm1, vm2  }
0x96: {  	v13 =	vnsel vm1, $0x2000, v13;
	_ =	sdelay $0x3  }
0x97: {  	s17 =	simm.s32 $0x2400  }
0x98: {  	[spmem:s2] =	stream.indirect_vreg.scatter.add.f32 [tilespmem:s17], [sflag:$0x3], $0x80, v13, vm0, $0xb8;
	[tilespmem:$0x1AC80] =	vst v63  }
0x99: {  	v13 =	vld [tilespmem:$0x50];
	_ =	sdelay $0x4  }
0x9a: {  	vm1 =	vge.s32 v13, v1;
	vm2 =	vlt.s32 v13, v2  }
0x9b: {  	v13 =	vsub.s32 v13, v1;
	vm1 =	vmand vm1, vm2  }
0x9c: {  	v13 =	vnsel vm1, $0x2000, v13;
	_ =	sdelay $0x3  }
0x9d: {  	s18 =	simm.s32 $0x2C00  }
0x9e: {  	[spmem:s2] =	stream.indirect_vreg.scatter.add.f32 [tilespmem:s18], [sflag:$0x3], $0x80, v13, vm0, $0xb8;
	[tilespmem:$0x1AC80] =	vst v63  }
0x9f: {  	v13 =	vld [tilespmem:$0x60];
	_ =	sdelay $0x4  }
0xa0: {  	vm1 =	vge.s32 v13, v1;
	vm2 =	vlt.s32 v13, v2  }
0xa1: {  	v13 =	vsub.s32 v13, v1;
	vm1 =	vmand vm1, vm2  }
0xa2: {  	v13 =	vnsel vm1, $0x2000, v13;
	_ =	sdelay $0x3  }
0xa3: {  	s19 =	simm.s32 $0x3400  }
0xa4: {  	[spmem:s2] =	stream.indirect_vreg.scatter.add.f32 [tilespmem:s19], [sflag:$0x3], $0x80, v13, vm0, $0xb8;
	[tilespmem:$0x1AC80] =	vst v63  }
0xa5: {  	v13 =	vld [tilespmem:$0x70];
	_ =	sdelay $0x4  }
0xa6: {  	vm1 =	vge.s32 v13, v1;
	vm2 =	vlt.s32 v13, v2  }
0xa7: {  	v13 =	vsub.s32 v13, v1;
	vm1 =	vmand vm1, vm2  }
0xa8: {  	s23 =	sadd.s32 s14, s25;
	v13 =	vnsel vm1, $0x2000, v13  }
0xa9: {  	s31 =	sadd.s32 $0x400, s23  }
0xaa: {  	v14 =	vor.u32 s31, v0  }
0xab: {  	s0 =	sadd.s32 $0x480, s23  }
0xac: {  	s26 =	simm.s32 $0x3C00;
	s6 =	sadd.s32 $0x500, s23;
	v15 =	vor.u32 s0, v0  }
0xad: {  	[spmem:s2] =	stream.indirect_vreg.scatter.add.f32 [tilespmem:s26], [sflag:$0x3], $0x80, v13, vm0, $0xb8;
	[tilespmem:$0x1AC80] =	vst v63  }
0xae: {  	s29 =	simm.s32 $0x4400;
	s28 =	sadd.s32 $0x580, s23;
	v13 =	vor.u32 s6, v0  }
0xaf: {  	[tilespmem:s29], [sflag:$0x2] =	stream.indirect_vreg.gather [hbm4b:s1+s3], $0x80, v14, vm0, $0xb8;
	[tilespmem:$0x1AC80] =	vst v63  }
0xb0: {  	s30 =	simm.s32 $0x4C00;
	s31 =	sadd.s32 $0x600, s23;
	v14 =	vor.u32 s28, v0  }
0xb1: {  	[tilespmem:s30], [sflag:$0x2] =	stream.indirect_vreg.gather [hbm4b:s1+s3], $0x80, v15, vm0, $0xb8;
	[tilespmem:$0x1AC80] =	vst v63  }
0xb2: {  	s0 =	sadd.s32 $0x680, s23;
	v15 =	vor.u32 s31, v0;
	s31 =	simm.s32 $0x5400  }
0xb3: {  	[tilespmem:s31], [sflag:$0x2] =	stream.indirect_vreg.gather [hbm4b:s1+s3], $0x80, v13, vm0, $0xb8;
	[tilespmem:$0x1AC80] =	vst v63  }
0xb4: {  	s6 =	sadd.s32 $0x700, s23;
	s28 =	simm.s32 $0x5C00;
	v13 =	vor.u32 s0, v0  }
0xb5: {  	[tilespmem:s28], [sflag:$0x2] =	stream.indirect_vreg.gather [hbm4b:s1+s3], $0x80, v14, vm0, $0xb8;
	[tilespmem:$0x1AC80] =	vst v63  }
0xb6: {  	s0 =	simm.s32 $0x6400;
	v14 =	vor.u32 s6, v0;
	s6 =	sadd.s32 $0x780, s23  }
0xb7: {  	[tilespmem:s0], [sflag:$0x2] =	stream.indirect_vreg.gather [hbm4b:s1+s3], $0x80, v15, vm0, $0xb8;
	[tilespmem:$0x1AC80] =	vst v63  }
0xb8: {  	v15 =	vor.u32 s6, v0;
	s6 =	simm.s32 $0x6C00  }
0xb9: {  	[tilespmem:s6], [sflag:$0x2] =	stream.indirect_vreg.gather [hbm4b:s1+s3], $0x80, v13, vm0, $0xb8;
	[tilespmem:$0x1AC80] =	vst v63  }
0xba: {  	_ = 	snop  }
0xbb: {  	[tilespmem:s15], [sflag:$0x2] =	stream.indirect_vreg.gather [hbm4b:s1+s3], $0x80, v14, vm0, $0xb8;
	[tilespmem:$0x1AC80] =	vst v63  }
0xbc: {  	_ = 	snop  }
0xbd: {  	[tilespmem:s16], [sflag:$0x2] =	stream.indirect_vreg.gather [hbm4b:s1+s3], $0x80, v15, vm0, $0xb8;
	[tilespmem:$0x1AC80] =	vst v63  }
0xbe: {  	_ =	swait.ge [sflag:s5], $0x4000  }
0xbf: {  	[sflag:s5] =	ssyncset.done $0x0  }
0xc0: {  	[sflag:s5] =	ssyncadd.s32 $0xFFFFC000  }
0xc1: {  	v13 =	vld [tilespmem:$0x80];
	_ =	sdelay $0x4  }
0xc2: {  	vm1 =	vge.s32 v13, v1;
	vm2 =	vlt.s32 v13, v2  }
0xc3: {  	v13 =	vsub.s32 v13, v1;
	vm1 =	vmand vm1, vm2  }
0xc4: {  	v13 =	vnsel vm1, $0x2000, v13;
	_ =	sdelay $0x4  }
0xc5: {  	[spmem:s2] =	stream.indirect_vreg.scatter.add.f32 [tilespmem:s29], [sflag:$0x4], $0x80, v13, vm0, $0xb8;
	[tilespmem:$0x1AC80] =	vst v63  }
0xc6: {  	v13 =	vld [tilespmem:$0x90];
	_ =	sdelay $0x4  }
0xc7: {  	vm1 =	vge.s32 v13, v1;
	vm2 =	vlt.s32 v13, v2  }
0xc8: {  	v13 =	vsub.s32 v13, v1;
	vm1 =	vmand vm1, vm2  }
0xc9: {  	v13 =	vnsel vm1, $0x2000, v13;
	_ =	sdelay $0x4  }
0xca: {  	[spmem:s2] =	stream.indirect_vreg.scatter.add.f32 [tilespmem:s30], [sflag:$0x4], $0x80, v13, vm0, $0xb8;
	[tilespmem:$0x1AC80] =	vst v63  }
0xcb: {  	v13 =	vld [tilespmem:$0xA0];
	_ =	sdelay $0x4  }
0xcc: {  	vm1 =	vge.s32 v13, v1;
	vm2 =	vlt.s32 v13, v2  }
0xcd: {  	v13 =	vsub.s32 v13, v1;
	vm1 =	vmand vm1, vm2  }
0xce: {  	v13 =	vnsel vm1, $0x2000, v13;
	_ =	sdelay $0x4  }
0xcf: {  	[spmem:s2] =	stream.indirect_vreg.scatter.add.f32 [tilespmem:s31], [sflag:$0x4], $0x80, v13, vm0, $0xb8;
	[tilespmem:$0x1AC80] =	vst v63  }
0xd0: {  	v13 =	vld [tilespmem:$0xB0];
	_ =	sdelay $0x4  }
0xd1: {  	vm1 =	vge.s32 v13, v1;
	vm2 =	vlt.s32 v13, v2  }
0xd2: {  	v13 =	vsub.s32 v13, v1;
	vm1 =	vmand vm1, vm2  }
0xd3: {  	v13 =	vnsel vm1, $0x2000, v13;
	_ =	sdelay $0x4  }
0xd4: {  	[spmem:s2] =	stream.indirect_vreg.scatter.add.f32 [tilespmem:s28], [sflag:$0x4], $0x80, v13, vm0, $0xb8;
	[tilespmem:$0x1AC80] =	vst v63  }
0xd5: {  	v13 =	vld [tilespmem:$0xC0];
	_ =	sdelay $0x4  }
0xd6: {  	vm1 =	vge.s32 v13, v1;
	vm2 =	vlt.s32 v13, v2  }
0xd7: {  	v13 =	vsub.s32 v13, v1;
	vm1 =	vmand vm1, vm2  }
0xd8: {  	v13 =	vnsel vm1, $0x2000, v13;
	_ =	sdelay $0x4  }
0xd9: {  	[spmem:s2] =	stream.indirect_vreg.scatter.add.f32 [tilespmem:s0], [sflag:$0x4], $0x80, v13, vm0, $0xb8;
	[tilespmem:$0x1AC80] =	vst v63  }
0xda: {  	v13 =	vld [tilespmem:$0xD0];
	_ =	sdelay $0x4  }
0xdb: {  	vm1 =	vge.s32 v13, v1;
	vm2 =	vlt.s32 v13, v2  }
0xdc: {  	v13 =	vsub.s32 v13, v1;
	vm1 =	vmand vm1, vm2  }
0xdd: {  	v13 =	vnsel vm1, $0x2000, v13;
	_ =	sdelay $0x4  }
0xde: {  	[spmem:s2] =	stream.indirect_vreg.scatter.add.f32 [tilespmem:s6], [sflag:$0x4], $0x80, v13, vm0, $0xb8;
	[tilespmem:$0x1AC80] =	vst v63  }
0xdf: {  	v13 =	vld [tilespmem:$0xE0];
	_ =	sdelay $0x4  }
0xe0: {  	vm1 =	vge.s32 v13, v1;
	vm2 =	vlt.s32 v13, v2  }
0xe1: {  	v13 =	vsub.s32 v13, v1;
	vm1 =	vmand vm1, vm2  }
0xe2: {  	v13 =	vnsel vm1, $0x2000, v13;
	_ =	sdelay $0x4  }
0xe3: {  	[spmem:s2] =	stream.indirect_vreg.scatter.add.f32 [tilespmem:s15], [sflag:$0x4], $0x80, v13, vm0, $0xb8;
	[tilespmem:$0x1AC80] =	vst v63  }
0xe4: {  	v13 =	vld [tilespmem:$0xF0];
	_ =	sdelay $0x4  }
0xe5: {  	vm1 =	vge.s32 v13, v1;
	vm2 =	vlt.s32 v13, v2  }
0xe6: {  	v13 =	vsub.s32 v13, v1;
	vm1 =	vmand vm1, vm2  }
0xe7: {  	v13 =	vnsel vm1, $0x2000, v13;
	_ =	sdelay $0x3  }
0xe8: {  	s24 =	sadd.s32 $0x800, s23  }
0xe9: {  	[spmem:s2] =	stream.indirect_vreg.scatter.add.f32 [tilespmem:s16], [sflag:$0x4], $0x80, v13, vm0, $0xb8;
	v13 =	vor.u32 s24, v0;
	[tilespmem:$0x1AC80] =	vst v63  }
0xea: {  	s24 =	sadd.s32 $0x880, s23  }
0xeb: {  	_ =	swait.ge [sflag:s8], $0x4000;
	v14 =	vor.u32 s24, v0  }
0xec: {  	[sflag:s8] =	ssyncset.done $0x0  }
0xed: {  	s24 =	sadd.s32 $0x900, s23;
	[sflag:s8] =	ssyncadd.s32 $0xFFFFC000  }
0xee: {  	[tilespmem:s22], [sflag:$0x1] =	stream.indirect_vreg.gather [hbm4b:s1+s3], $0x80, v13, vm0, $0xb8;
	v13 =	vor.u32 s24, v0;
	[tilespmem:$0x1AC80] =	vst v63  }
0xef: {  	s24 =	sadd.s32 $0x980, s23  }
0xf0: {  	[tilespmem:s4], [sflag:$0x1] =	stream.indirect_vreg.gather [hbm4b:s1+s3], $0x80, v14, vm0, $0xb8;
	v14 =	vor.u32 s24, v0;
	[tilespmem:$0x1AC80] =	vst v63  }
0xf1: {  	s24 =	sadd.s32 $0xA00, s23  }
0xf2: {  	v15 =	vor.u32 s24, v0;
	s24 =	sadd.s32 $0xA80, s23  }
0xf3: {  	[tilespmem:s7], [sflag:$0x1] =	stream.indirect_vreg.gather [hbm4b:s1+s3], $0x80, v13, vm0, $0xb8;
	[tilespmem:$0x1AC80] =	vst v63  }
0xf4: {  	v13 =	vor.u32 s24, v0;
	s24 =	sadd.s32 $0xB00, s23  }
0xf5: {  	[tilespmem:s10], [sflag:$0x1] =	stream.indirect_vreg.gather [hbm4b:s1+s3], $0x80, v14, vm0, $0xb8;
	[tilespmem:$0x1AC80] =	vst v63  }
0xf6: {  	v14 =	vor.u32 s24, v0;
	s24 =	sadd.s32 $0xB80, s23  }
0xf7: {  	[tilespmem:s17], [sflag:$0x1] =	stream.indirect_vreg.gather [hbm4b:s1+s3], $0x80, v15, vm0, $0xb8;
	[tilespmem:$0x1AC80] =	vst v63  }
0xf8: {  	v15 =	vor.u32 s24, v0  }
0xf9: {  	[tilespmem:s18], [sflag:$0x1] =	stream.indirect_vreg.gather [hbm4b:s1+s3], $0x80, v13, vm0, $0xb8;
	[tilespmem:$0x1AC80] =	vst v63  }
0xfa: {  	_ = 	snop  }
0xfb: {  	[tilespmem:s19], [sflag:$0x1] =	stream.indirect_vreg.gather [hbm4b:s1+s3], $0x80, v14, vm0, $0xb8;
	[tilespmem:$0x1AC80] =	vst v63  }
0xfc: {  	_ = 	snop  }
0xfd: {  	[tilespmem:s26], [sflag:$0x1] =	stream.indirect_vreg.gather [hbm4b:s1+s3], $0x80, v15, vm0, $0xb8;
	[tilespmem:$0x1AC80] =	vst v63  }
0xfe: {  	_ =	swait.ge [sflag:s21], $0x4000  }
0xff: {  	[sflag:s21] =	ssyncset.done $0x0  }
0x100: {  	[sflag:s21] =	ssyncadd.s32 $0xFFFFC000  }
0x101: {  	v13 =	vld [tilespmem:$0x100];
	_ =	sdelay $0x4  }
0x102: {  	vm1 =	vge.s32 v13, v1;
	vm2 =	vlt.s32 v13, v2  }
0x103: {  	v13 =	vsub.s32 v13, v1;
	vm1 =	vmand vm1, vm2  }
0x104: {  	v13 =	vnsel vm1, $0x2000, v13;
	_ =	sdelay $0x4  }
0x105: {  	[spmem:s2] =	stream.indirect_vreg.scatter.add.f32 [tilespmem:s22], [sflag:$0x3], $0x80, v13, vm0, $0xb8;
	[tilespmem:$0x1AC80] =	vst v63  }
0x106: {  	v13 =	vld [tilespmem:$0x110];
	_ =	sdelay $0x4  }
0x107: {  	vm1 =	vge.s32 v13, v1;
	vm2 =	vlt.s32 v13, v2  }
0x108: {  	v13 =	vsub.s32 v13, v1;
	vm1 =	vmand vm1, vm2  }
0x109: {  	v13 =	vnsel vm1, $0x2000, v13;
	_ =	sdelay $0x4  }
0x10a: {  	[spmem:s2] =	stream.indirect_vreg.scatter.add.f32 [tilespmem:s4], [sflag:$0x3], $0x80, v13, vm0, $0xb8;
	[tilespmem:$0x1AC80] =	vst v63  }
0x10b: {  	v13 =	vld [tilespmem:$0x120];
	_ =	sdelay $0x4  }
0x10c: {  	vm1 =	vge.s32 v13, v1;
	vm2 =	vlt.s32 v13, v2  }
0x10d: {  	v13 =	vsub.s32 v13, v1;
	vm1 =	vmand vm1, vm2  }
0x10e: {  	v13 =	vnsel vm1, $0x2000, v13;
	_ =	sdelay $0x4  }
0x10f: {  	[spmem:s2] =	stream.indirect_vreg.scatter.add.f32 [tilespmem:s7], [sflag:$0x3], $0x80, v13, vm0, $0xb8;
	[tilespmem:$0x1AC80] =	vst v63  }
0x110: {  	v13 =	vld [tilespmem:$0x130];
	_ =	sdelay $0x4  }
0x111: {  	vm1 =	vge.s32 v13, v1;
	vm2 =	vlt.s32 v13, v2  }
0x112: {  	v13 =	vsub.s32 v13, v1;
	vm1 =	vmand vm1, vm2  }
0x113: {  	v13 =	vnsel vm1, $0x2000, v13;
	_ =	sdelay $0x4  }
0x114: {  	[spmem:s2] =	stream.indirect_vreg.scatter.add.f32 [tilespmem:s10], [sflag:$0x3], $0x80, v13, vm0, $0xb8;
	[tilespmem:$0x1AC80] =	vst v63  }
0x115: {  	v13 =	vld [tilespmem:$0x140];
	_ =	sdelay $0x4  }
0x116: {  	vm1 =	vge.s32 v13, v1;
	vm2 =	vlt.s32 v13, v2  }
0x117: {  	v13 =	vsub.s32 v13, v1;
	vm1 =	vmand vm1, vm2  }
0x118: {  	v13 =	vnsel vm1, $0x2000, v13;
	_ =	sdelay $0x4  }
0x119: {  	[spmem:s2] =	stream.indirect_vreg.scatter.add.f32 [tilespmem:s17], [sflag:$0x3], $0x80, v13, vm0, $0xb8;
	[tilespmem:$0x1AC80] =	vst v63  }
0x11a: {  	v13 =	vld [tilespmem:$0x150];
	_ =	sdelay $0x4  }
0x11b: {  	vm1 =	vge.s32 v13, v1;
	vm2 =	vlt.s32 v13, v2  }
0x11c: {  	v13 =	vsub.s32 v13, v1;
	vm1 =	vmand vm1, vm2  }
0x11d: {  	v13 =	vnsel vm1, $0x2000, v13;
	_ =	sdelay $0x4  }
0x11e: {  	[spmem:s2] =	stream.indirect_vreg.scatter.add.f32 [tilespmem:s18], [sflag:$0x3], $0x80, v13, vm0, $0xb8;
	[tilespmem:$0x1AC80] =	vst v63  }
0x11f: {  	v13 =	vld [tilespmem:$0x160];
	_ =	sdelay $0x4  }
0x120: {  	vm1 =	vge.s32 v13, v1;
	vm2 =	vlt.s32 v13, v2  }
0x121: {  	v13 =	vsub.s32 v13, v1;
	vm1 =	vmand vm1, vm2  }
0x122: {  	v13 =	vnsel vm1, $0x2000, v13;
	_ =	sdelay $0x4  }
0x123: {  	[spmem:s2] =	stream.indirect_vreg.scatter.add.f32 [tilespmem:s19], [sflag:$0x3], $0x80, v13, vm0, $0xb8;
	[tilespmem:$0x1AC80] =	vst v63  }
0x124: {  	v13 =	vld [tilespmem:$0x170];
	_ =	sdelay $0x4  }
0x125: {  	vm1 =	vge.s32 v13, v1;
	vm2 =	vlt.s32 v13, v2  }
0x126: {  	v13 =	vsub.s32 v13, v1;
	vm1 =	vmand vm1, vm2  }
0x127: {  	v13 =	vnsel vm1, $0x2000, v13;
	_ =	sdelay $0x3  }
0x128: {  	s24 =	sadd.s32 $0xC00, s23  }
0x129: {  	[spmem:s2] =	stream.indirect_vreg.scatter.add.f32 [tilespmem:s26], [sflag:$0x3], $0x80, v13, vm0, $0xb8;
	v13 =	vor.u32 s24, v0;
	[tilespmem:$0x1AC80] =	vst v63  }
0x12a: {  	s24 =	sadd.s32 $0xC80, s23  }
0x12b: {  	_ =	swait.ge [sflag:s9], $0x4000;
	v14 =	vor.u32 s24, v0  }
0x12c: {  	[sflag:s9] =	ssyncset.done $0x0  }
0x12d: {  	s24 =	sadd.s32 $0xD00, s23;
	[sflag:s9] =	ssyncadd.s32 $0xFFFFC000  }
0x12e: {  	[tilespmem:s29], [sflag:$0x2] =	stream.indirect_vreg.gather [hbm4b:s1+s3], $0x80, v13, vm0, $0xb8;
	v13 =	vor.u32 s24, v0;
	[tilespmem:$0x1AC80] =	vst v63  }
0x12f: {  	s24 =	sadd.s32 $0xD80, s23  }
0x130: {  	[tilespmem:s30], [sflag:$0x2] =	stream.indirect_vreg.gather [hbm4b:s1+s3], $0x80, v14, vm0, $0xb8;
	v14 =	vor.u32 s24, v0;
	[tilespmem:$0x1AC80] =	vst v63  }
0x131: {  	s24 =	sadd.s32 $0xE00, s23  }
0x132: {  	v15 =	vor.u32 s24, v0;
	s24 =	sadd.s32 $0xE80, s23  }
0x133: {  	[tilespmem:s31], [sflag:$0x2] =	stream.indirect_vreg.gather [hbm4b:s1+s3], $0x80, v13, vm0, $0xb8;
	[tilespmem:$0x1AC80] =	vst v63  }
0x134: {  	v13 =	vor.u32 s24, v0;
	s24 =	sadd.s32 $0xF00, s23  }
0x135: {  	[tilespmem:s28], [sflag:$0x2] =	stream.indirect_vreg.gather [hbm4b:s1+s3], $0x80, v14, vm0, $0xb8;
	[tilespmem:$0x1AC80] =	vst v63  }
0x136: {  	v14 =	vor.u32 s24, v0;
	s24 =	sadd.s32 $0xF80, s23  }
0x137: {  	[tilespmem:s0], [sflag:$0x2] =	stream.indirect_vreg.gather [hbm4b:s1+s3], $0x80, v15, vm0, $0xb8;
	[tilespmem:$0x1AC80] =	vst v63  }
0x138: {  	v15 =	vor.u32 s24, v0  }
0x139: {  	[tilespmem:s6], [sflag:$0x2] =	stream.indirect_vreg.gather [hbm4b:s1+s3], $0x80, v13, vm0, $0xb8;
	[tilespmem:$0x1AC80] =	vst v63  }
0x13a: {  	_ = 	snop  }
0x13b: {  	[tilespmem:s15], [sflag:$0x2] =	stream.indirect_vreg.gather [hbm4b:s1+s3], $0x80, v14, vm0, $0xb8;
	[tilespmem:$0x1AC80] =	vst v63  }
0x13c: {  	_ = 	snop  }
0x13d: {  	[tilespmem:s16], [sflag:$0x2] =	stream.indirect_vreg.gather [hbm4b:s1+s3], $0x80, v15, vm0, $0xb8;
	[tilespmem:$0x1AC80] =	vst v63  }
0x13e: {  	_ =	swait.ge [sflag:s5], $0x4000  }
0x13f: {  	[sflag:s5] =	ssyncset.done $0x0  }
0x140: {  	[sflag:s5] =	ssyncadd.s32 $0xFFFFC000  }
0x141: {  	v13 =	vld [tilespmem:$0x180];
	_ =	sdelay $0x4  }
0x142: {  	vm1 =	vge.s32 v13, v1;
	vm2 =	vlt.s32 v13, v2  }
0x143: {  	v13 =	vsub.s32 v13, v1;
	vm1 =	vmand vm1, vm2  }
0x144: {  	v13 =	vnsel vm1, $0x2000, v13;
	_ =	sdelay $0x4  }
0x145: {  	[spmem:s2] =	stream.indirect_vreg.scatter.add.f32 [tilespmem:s29], [sflag:$0x4], $0x80, v13, vm0, $0xb8;
	[tilespmem:$0x1AC80] =	vst v63  }
0x146: {  	v13 =	vld [tilespmem:$0x190];
	_ =	sdelay $0x4  }
0x147: {  	vm1 =	vge.s32 v13, v1;
	vm2 =	vlt.s32 v13, v2  }
0x148: {  	v13 =	vsub.s32 v13, v1;
	vm1 =	vmand vm1, vm2  }
0x149: {  	v13 =	vnsel vm1, $0x2000, v13;
	_ =	sdelay $0x4  }
0x14a: {  	[spmem:s2] =	stream.indirect_vreg.scatter.add.f32 [tilespmem:s30], [sflag:$0x4], $0x80, v13, vm0, $0xb8;
	[tilespmem:$0x1AC80] =	vst v63  }
0x14b: {  	v13 =	vld [tilespmem:$0x1A0];
	_ =	sdelay $0x4  }
0x14c: {  	vm1 =	vge.s32 v13, v1;
	vm2 =	vlt.s32 v13, v2  }
0x14d: {  	v13 =	vsub.s32 v13, v1;
	vm1 =	vmand vm1, vm2  }
0x14e: {  	v13 =	vnsel vm1, $0x2000, v13;
	_ =	sdelay $0x4  }
0x14f: {  	[spmem:s2] =	stream.indirect_vreg.scatter.add.f32 [tilespmem:s31], [sflag:$0x4], $0x80, v13, vm0, $0xb8;
	[tilespmem:$0x1AC80] =	vst v63  }
0x150: {  	v13 =	vld [tilespmem:$0x1B0];
	_ =	sdelay $0x4  }
0x151: {  	vm1 =	vge.s32 v13, v1;
	vm2 =	vlt.s32 v13, v2  }
0x152: {  	v13 =	vsub.s32 v13, v1;
	vm1 =	vmand vm1, vm2  }
0x153: {  	v13 =	vnsel vm1, $0x2000, v13;
	_ =	sdelay $0x4  }
0x154: {  	[spmem:s2] =	stream.indirect_vreg.scatter.add.f32 [tilespmem:s28], [sflag:$0x4], $0x80, v13, vm0, $0xb8;
	[tilespmem:$0x1AC80] =	vst v63  }
0x155: {  	v13 =	vld [tilespmem:$0x1C0];
	_ =	sdelay $0x4  }
0x156: {  	vm1 =	vge.s32 v13, v1;
	vm2 =	vlt.s32 v13, v2  }
0x157: {  	v13 =	vsub.s32 v13, v1;
	vm1 =	vmand vm1, vm2  }
0x158: {  	v13 =	vnsel vm1, $0x2000, v13;
	_ =	sdelay $0x4  }
0x159: {  	[spmem:s2] =	stream.indirect_vreg.scatter.add.f32 [tilespmem:s0], [sflag:$0x4], $0x80, v13, vm0, $0xb8;
	[tilespmem:$0x1AC80] =	vst v63  }
0x15a: {  	v13 =	vld [tilespmem:$0x1D0];
	_ =	sdelay $0x4  }
0x15b: {  	vm1 =	vge.s32 v13, v1;
	vm2 =	vlt.s32 v13, v2  }
0x15c: {  	v13 =	vsub.s32 v13, v1;
	vm1 =	vmand vm1, vm2  }
0x15d: {  	v13 =	vnsel vm1, $0x2000, v13;
	_ =	sdelay $0x4  }
0x15e: {  	[spmem:s2] =	stream.indirect_vreg.scatter.add.f32 [tilespmem:s6], [sflag:$0x4], $0x80, v13, vm0, $0xb8;
	[tilespmem:$0x1AC80] =	vst v63  }
0x15f: {  	v13 =	vld [tilespmem:$0x1E0];
	_ =	sdelay $0x4  }
0x160: {  	vm1 =	vge.s32 v13, v1;
	vm2 =	vlt.s32 v13, v2  }
0x161: {  	v13 =	vsub.s32 v13, v1;
	vm1 =	vmand vm1, vm2  }
0x162: {  	v13 =	vnsel vm1, $0x2000, v13;
	_ =	sdelay $0x4  }
0x163: {  	[spmem:s2] =	stream.indirect_vreg.scatter.add.f32 [tilespmem:s15], [sflag:$0x4], $0x80, v13, vm0, $0xb8;
	[tilespmem:$0x1AC80] =	vst v63  }
0x164: {  	v13 =	vld [tilespmem:$0x1F0];
	_ =	sdelay $0x4  }
0x165: {  	vm1 =	vge.s32 v13, v1;
	vm2 =	vlt.s32 v13, v2  }
0x166: {  	v13 =	vsub.s32 v13, v1;
	vm1 =	vmand vm1, vm2  }
0x167: {  	v13 =	vnsel vm1, $0x2000, v13;
	_ =	sdelay $0x3  }
0x168: {  	s24 =	sadd.s32 $0x1000, s23  }
0x169: {  	[spmem:s2] =	stream.indirect_vreg.scatter.add.f32 [tilespmem:s16], [sflag:$0x4], $0x80, v13, vm0, $0xb8;
	v13 =	vor.u32 s24, v0;
	[tilespmem:$0x1AC80] =	vst v63  }
0x16a: {  	s24 =	sadd.s32 $0x1080, s23  }
0x16b: {  	_ =	swait.ge [sflag:s8], $0x4000;
	v14 =	vor.u32 s24, v0  }
0x16c: {  	[sflag:s8] =	ssyncset.done $0x0  }
0x16d: {  	s24 =	sadd.s32 $0x1100, s23;
	[sflag:s8] =	ssyncadd.s32 $0xFFFFC000  }
0x16e: {  	[tilespmem:s22], [sflag:$0x1] =	stream.indirect_vreg.gather [hbm4b:s1+s3], $0x80, v13, vm0, $0xb8;
	v13 =	vor.u32 s24, v0;
	[tilespmem:$0x1AC80] =	vst v63  }
0x16f: {  	s24 =	sadd.s32 $0x1180, s23  }
0x170: {  	[tilespmem:s4], [sflag:$0x1] =	stream.indirect_vreg.gather [hbm4b:s1+s3], $0x80, v14, vm0, $0xb8;
	v14 =	vor.u32 s24, v0;
	[tilespmem:$0x1AC80] =	vst v63  }
0x171: {  	s24 =	sadd.s32 $0x1200, s23  }
0x172: {  	v15 =	vor.u32 s24, v0;
	s24 =	sadd.s32 $0x1280, s23  }
0x173: {  	[tilespmem:s7], [sflag:$0x1] =	stream.indirect_vreg.gather [hbm4b:s1+s3], $0x80, v13, vm0, $0xb8;
	[tilespmem:$0x1AC80] =	vst v63  }
0x174: {  	v13 =	vor.u32 s24, v0;
	s24 =	sadd.s32 $0x1300, s23  }
0x175: {  	[tilespmem:s10], [sflag:$0x1] =	stream.indirect_vreg.gather [hbm4b:s1+s3], $0x80, v14, vm0, $0xb8;
	[tilespmem:$0x1AC80] =	vst v63  }
0x176: {  	v14 =	vor.u32 s24, v0;
	s24 =	sadd.s32 $0x1380, s23  }
0x177: {  	[tilespmem:s17], [sflag:$0x1] =	stream.indirect_vreg.gather [hbm4b:s1+s3], $0x80, v15, vm0, $0xb8;
	[tilespmem:$0x1AC80] =	vst v63  }
0x178: {  	v15 =	vor.u32 s24, v0  }
0x179: {  	[tilespmem:s18], [sflag:$0x1] =	stream.indirect_vreg.gather [hbm4b:s1+s3], $0x80, v13, vm0, $0xb8;
	[tilespmem:$0x1AC80] =	vst v63  }
0x17a: {  	_ = 	snop  }
0x17b: {  	[tilespmem:s19], [sflag:$0x1] =	stream.indirect_vreg.gather [hbm4b:s1+s3], $0x80, v14, vm0, $0xb8;
	[tilespmem:$0x1AC80] =	vst v63  }
0x17c: {  	_ = 	snop  }
0x17d: {  	[tilespmem:s26], [sflag:$0x1] =	stream.indirect_vreg.gather [hbm4b:s1+s3], $0x80, v15, vm0, $0xb8;
	[tilespmem:$0x1AC80] =	vst v63  }
0x17e: {  	_ =	swait.ge [sflag:s21], $0x4000  }
0x17f: {  	[sflag:s21] =	ssyncset.done $0x0  }
0x180: {  	[sflag:s21] =	ssyncadd.s32 $0xFFFFC000  }
0x181: {  	v13 =	vld [tilespmem:$0x200];
	_ =	sdelay $0x4  }
0x182: {  	vm1 =	vge.s32 v13, v1;
	vm2 =	vlt.s32 v13, v2  }
0x183: {  	v13 =	vsub.s32 v13, v1;
	vm1 =	vmand vm1, vm2  }
0x184: {  	v13 =	vnsel vm1, $0x2000, v13;
	_ =	sdelay $0x4  }
0x185: {  	[spmem:s2] =	stream.indirect_vreg.scatter.add.f32 [tilespmem:s22], [sflag:$0x3], $0x80, v13, vm0, $0xb8;
	[tilespmem:$0x1AC80] =	vst v63  }
0x186: {  	v13 =	vld [tilespmem:$0x210];
	_ =	sdelay $0x4  }
0x187: {  	vm1 =	vge.s32 v13, v1;
	vm2 =	vlt.s32 v13, v2  }
0x188: {  	v13 =	vsub.s32 v13, v1;
	vm1 =	vmand vm1, vm2  }
0x189: {  	v13 =	vnsel vm1, $0x2000, v13;
	_ =	sdelay $0x4  }
0x18a: {  	[spmem:s2] =	stream.indirect_vreg.scatter.add.f32 [tilespmem:s4], [sflag:$0x3], $0x80, v13, vm0, $0xb8;
	[tilespmem:$0x1AC80] =	vst v63  }
0x18b: {  	v13 =	vld [tilespmem:$0x220];
	_ =	sdelay $0x4  }
0x18c: {  	vm1 =	vge.s32 v13, v1;
	vm2 =	vlt.s32 v13, v2  }
0x18d: {  	v13 =	vsub.s32 v13, v1;
	vm1 =	vmand vm1, vm2  }
0x18e: {  	v13 =	vnsel vm1, $0x2000, v13;
	_ =	sdelay $0x4  }
0x18f: {  	[spmem:s2] =	stream.indirect_vreg.scatter.add.f32 [tilespmem:s7], [sflag:$0x3], $0x80, v13, vm0, $0xb8;
	[tilespmem:$0x1AC80] =	vst v63  }
0x190: {  	v13 =	vld [tilespmem:$0x230];
	_ =	sdelay $0x4  }
0x191: {  	vm1 =	vge.s32 v13, v1;
	vm2 =	vlt.s32 v13, v2  }
0x192: {  	v13 =	vsub.s32 v13, v1;
	vm1 =	vmand vm1, vm2  }
0x193: {  	v13 =	vnsel vm1, $0x2000, v13;
	_ =	sdelay $0x4  }
0x194: {  	[spmem:s2] =	stream.indirect_vreg.scatter.add.f32 [tilespmem:s10], [sflag:$0x3], $0x80, v13, vm0, $0xb8;
	[tilespmem:$0x1AC80] =	vst v63  }
0x195: {  	v13 =	vld [tilespmem:$0x240];
	_ =	sdelay $0x4  }
0x196: {  	vm1 =	vge.s32 v13, v1;
	vm2 =	vlt.s32 v13, v2  }
0x197: {  	v13 =	vsub.s32 v13, v1;
	vm1 =	vmand vm1, vm2  }
0x198: {  	v13 =	vnsel vm1, $0x2000, v13;
	_ =	sdelay $0x4  }
0x199: {  	[spmem:s2] =	stream.indirect_vreg.scatter.add.f32 [tilespmem:s17], [sflag:$0x3], $0x80, v13, vm0, $0xb8;
	[tilespmem:$0x1AC80] =	vst v63  }
0x19a: {  	v13 =	vld [tilespmem:$0x250];
	_ =	sdelay $0x4  }
0x19b: {  	vm1 =	vge.s32 v13, v1;
	vm2 =	vlt.s32 v13, v2  }
0x19c: {  	v13 =	vsub.s32 v13, v1;
	vm1 =	vmand vm1, vm2  }
0x19d: {  	v13 =	vnsel vm1, $0x2000, v13;
	_ =	sdelay $0x4  }
0x19e: {  	[spmem:s2] =	stream.indirect_vreg.scatter.add.f32 [tilespmem:s18], [sflag:$0x3], $0x80, v13, vm0, $0xb8;
	[tilespmem:$0x1AC80] =	vst v63  }
0x19f: {  	v13 =	vld [tilespmem:$0x260];
	_ =	sdelay $0x4  }
0x1a0: {  	vm1 =	vge.s32 v13, v1;
	vm2 =	vlt.s32 v13, v2  }
0x1a1: {  	v13 =	vsub.s32 v13, v1;
	vm1 =	vmand vm1, vm2  }
0x1a2: {  	v13 =	vnsel vm1, $0x2000, v13;
	_ =	sdelay $0x4  }
0x1a3: {  	[spmem:s2] =	stream.indirect_vreg.scatter.add.f32 [tilespmem:s19], [sflag:$0x3], $0x80, v13, vm0, $0xb8;
	[tilespmem:$0x1AC80] =	vst v63  }
0x1a4: {  	v13 =	vld [tilespmem:$0x270];
	_ =	sdelay $0x4  }
0x1a5: {  	vm1 =	vge.s32 v13, v1;
	vm2 =	vlt.s32 v13, v2  }
0x1a6: {  	v13 =	vsub.s32 v13, v1;
	vm1 =	vmand vm1, vm2  }
0x1a7: {  	v13 =	vnsel vm1, $0x2000, v13;
	_ =	sdelay $0x3  }
0x1a8: {  	s24 =	sadd.s32 $0x1400, s23  }
0x1a9: {  	[spmem:s2] =	stream.indirect_vreg.scatter.add.f32 [tilespmem:s26], [sflag:$0x3], $0x80, v13, vm0, $0xb8;
	v13 =	vor.u32 s24, v0;
	[tilespmem:$0x1AC80] =	vst v63  }
0x1aa: {  	s24 =	sadd.s32 $0x1480, s23  }
0x1ab: {  	_ =	swait.ge [sflag:s9], $0x4000;
	v14 =	vor.u32 s24, v0  }
0x1ac: {  	[sflag:s9] =	ssyncset.done $0x0  }
0x1ad: {  	s24 =	sadd.s32 $0x1500, s23;
	[sflag:s9] =	ssyncadd.s32 $0xFFFFC000  }
0x1ae: {  	[tilespmem:s29], [sflag:$0x2] =	stream.indirect_vreg.gather [hbm4b:s1+s3], $0x80, v13, vm0, $0xb8;
	v13 =	vor.u32 s24, v0;
	[tilespmem:$0x1AC80] =	vst v63  }
0x1af: {  	s24 =	sadd.s32 $0x1580, s23  }
0x1b0: {  	[tilespmem:s30], [sflag:$0x2] =	stream.indirect_vreg.gather [hbm4b:s1+s3], $0x80, v14, vm0, $0xb8;
	v14 =	vor.u32 s24, v0;
	[tilespmem:$0x1AC80] =	vst v63  }
0x1b1: {  	s24 =	sadd.s32 $0x1600, s23  }
0x1b2: {  	v15 =	vor.u32 s24, v0;
	s24 =	sadd.s32 $0x1680, s23  }
0x1b3: {  	[tilespmem:s31], [sflag:$0x2] =	stream.indirect_vreg.gather [hbm4b:s1+s3], $0x80, v13, vm0, $0xb8;
	[tilespmem:$0x1AC80] =	vst v63  }
0x1b4: {  	v13 =	vor.u32 s24, v0;
	s24 =	sadd.s32 $0x1700, s23  }
0x1b5: {  	[tilespmem:s28], [sflag:$0x2] =	stream.indirect_vreg.gather [hbm4b:s1+s3], $0x80, v14, vm0, $0xb8;
	[tilespmem:$0x1AC80] =	vst v63  }
0x1b6: {  	v14 =	vor.u32 s24, v0;
	s24 =	sadd.s32 $0x1780, s23  }
0x1b7: {  	[tilespmem:s0], [sflag:$0x2] =	stream.indirect_vreg.gather [hbm4b:s1+s3], $0x80, v15, vm0, $0xb8;
	[tilespmem:$0x1AC80] =	vst v63  }
0x1b8: {  	v15 =	vor.u32 s24, v0  }
0x1b9: {  	[tilespmem:s6], [sflag:$0x2] =	stream.indirect_vreg.gather [hbm4b:s1+s3], $0x80, v13, vm0, $0xb8;
	[tilespmem:$0x1AC80] =	vst v63  }
0x1ba: {  	_ = 	snop  }
0x1bb: {  	[tilespmem:s15], [sflag:$0x2] =	stream.indirect_vreg.gather [hbm4b:s1+s3], $0x80, v14, vm0, $0xb8;
	[tilespmem:$0x1AC80] =	vst v63  }
0x1bc: {  	_ = 	snop  }
0x1bd: {  	[tilespmem:s16], [sflag:$0x2] =	stream.indirect_vreg.gather [hbm4b:s1+s3], $0x80, v15, vm0, $0xb8;
	[tilespmem:$0x1AC80] =	vst v63  }
0x1be: {  	_ =	swait.ge [sflag:s5], $0x4000  }
0x1bf: {  	[sflag:s5] =	ssyncset.done $0x0  }
0x1c0: {  	[sflag:s5] =	ssyncadd.s32 $0xFFFFC000  }
0x1c1: {  	v13 =	vld [tilespmem:$0x280];
	_ =	sdelay $0x4  }
0x1c2: {  	vm1 =	vge.s32 v13, v1;
	vm2 =	vlt.s32 v13, v2  }
0x1c3: {  	v13 =	vsub.s32 v13, v1;
	vm1 =	vmand vm1, vm2  }
0x1c4: {  	v13 =	vnsel vm1, $0x2000, v13;
	_ =	sdelay $0x4  }
0x1c5: {  	[spmem:s2] =	stream.indirect_vreg.scatter.add.f32 [tilespmem:s29], [sflag:$0x4], $0x80, v13, vm0, $0xb8;
	[tilespmem:$0x1AC80] =	vst v63  }
0x1c6: {  	v13 =	vld [tilespmem:$0x290];
	_ =	sdelay $0x4  }
0x1c7: {  	vm1 =	vge.s32 v13, v1;
	vm2 =	vlt.s32 v13, v2  }
0x1c8: {  	v13 =	vsub.s32 v13, v1;
	vm1 =	vmand vm1, vm2  }
0x1c9: {  	v13 =	vnsel vm1, $0x2000, v13;
	_ =	sdelay $0x4  }
0x1ca: {  	[spmem:s2] =	stream.indirect_vreg.scatter.add.f32 [tilespmem:s30], [sflag:$0x4], $0x80, v13, vm0, $0xb8;
	[tilespmem:$0x1AC80] =	vst v63  }
0x1cb: {  	v13 =	vld [tilespmem:$0x2A0];
	_ =	sdelay $0x4  }
0x1cc: {  	vm1 =	vge.s32 v13, v1;
	vm2 =	vlt.s32 v13, v2  }
0x1cd: {  	v13 =	vsub.s32 v13, v1;
	vm1 =	vmand vm1, vm2  }
0x1ce: {  	v13 =	vnsel vm1, $0x2000, v13;
	_ =	sdelay $0x4  }
0x1cf: {  	[spmem:s2] =	stream.indirect_vreg.scatter.add.f32 [tilespmem:s31], [sflag:$0x4], $0x80, v13, vm0, $0xb8;
	[tilespmem:$0x1AC80] =	vst v63  }
0x1d0: {  	v13 =	vld [tilespmem:$0x2B0];
	_ =	sdelay $0x4  }
0x1d1: {  	vm1 =	vge.s32 v13, v1;
	vm2 =	vlt.s32 v13, v2  }
0x1d2: {  	v13 =	vsub.s32 v13, v1;
	vm1 =	vmand vm1, vm2  }
0x1d3: {  	v13 =	vnsel vm1, $0x2000, v13;
	_ =	sdelay $0x4  }
0x1d4: {  	[spmem:s2] =	stream.indirect_vreg.scatter.add.f32 [tilespmem:s28], [sflag:$0x4], $0x80, v13, vm0, $0xb8;
	[tilespmem:$0x1AC80] =	vst v63  }
0x1d5: {  	v13 =	vld [tilespmem:$0x2C0];
	_ =	sdelay $0x4  }
0x1d6: {  	vm1 =	vge.s32 v13, v1;
	vm2 =	vlt.s32 v13, v2  }
0x1d7: {  	v13 =	vsub.s32 v13, v1;
	vm1 =	vmand vm1, vm2  }
0x1d8: {  	v13 =	vnsel vm1, $0x2000, v13;
	_ =	sdelay $0x4  }
0x1d9: {  	[spmem:s2] =	stream.indirect_vreg.scatter.add.f32 [tilespmem:s0], [sflag:$0x4], $0x80, v13, vm0, $0xb8;
	[tilespmem:$0x1AC80] =	vst v63  }
0x1da: {  	v13 =	vld [tilespmem:$0x2D0];
	_ =	sdelay $0x4  }
0x1db: {  	vm1 =	vge.s32 v13, v1;
	vm2 =	vlt.s32 v13, v2  }
0x1dc: {  	v13 =	vsub.s32 v13, v1;
	vm1 =	vmand vm1, vm2  }
0x1dd: {  	v13 =	vnsel vm1, $0x2000, v13;
	_ =	sdelay $0x4  }
0x1de: {  	[spmem:s2] =	stream.indirect_vreg.scatter.add.f32 [tilespmem:s6], [sflag:$0x4], $0x80, v13, vm0, $0xb8;
	[tilespmem:$0x1AC80] =	vst v63  }
0x1df: {  	v13 =	vld [tilespmem:$0x2E0];
	_ =	sdelay $0x4  }
0x1e0: {  	vm1 =	vge.s32 v13, v1;
	vm2 =	vlt.s32 v13, v2  }
0x1e1: {  	v13 =	vsub.s32 v13, v1;
	vm1 =	vmand vm1, vm2  }
0x1e2: {  	v13 =	vnsel vm1, $0x2000, v13;
	_ =	sdelay $0x4  }
0x1e3: {  	[spmem:s2] =	stream.indirect_vreg.scatter.add.f32 [tilespmem:s15], [sflag:$0x4], $0x80, v13, vm0, $0xb8;
	[tilespmem:$0x1AC80] =	vst v63  }
0x1e4: {  	v13 =	vld [tilespmem:$0x2F0];
	_ =	sdelay $0x4  }
0x1e5: {  	vm1 =	vge.s32 v13, v1;
	vm2 =	vlt.s32 v13, v2  }
0x1e6: {  	v13 =	vsub.s32 v13, v1;
	vm1 =	vmand vm1, vm2  }
0x1e7: {  	v13 =	vnsel vm1, $0x2000, v13;
	_ =	sdelay $0x3  }
0x1e8: {  	s24 =	sadd.s32 $0x1800, s23  }
0x1e9: {  	[spmem:s2] =	stream.indirect_vreg.scatter.add.f32 [tilespmem:s16], [sflag:$0x4], $0x80, v13, vm0, $0xb8;
	v13 =	vor.u32 s24, v0;
	[tilespmem:$0x1AC80] =	vst v63  }
0x1ea: {  	s24 =	sadd.s32 $0x1880, s23  }
0x1eb: {  	_ =	swait.ge [sflag:s8], $0x4000;
	v14 =	vor.u32 s24, v0  }
0x1ec: {  	[sflag:s8] =	ssyncset.done $0x0  }
0x1ed: {  	s24 =	sadd.s32 $0x1900, s23;
	[sflag:s8] =	ssyncadd.s32 $0xFFFFC000  }
0x1ee: {  	[tilespmem:s22], [sflag:$0x1] =	stream.indirect_vreg.gather [hbm4b:s1+s3], $0x80, v13, vm0, $0xb8;
	v13 =	vor.u32 s24, v0;
	[tilespmem:$0x1AC80] =	vst v63  }
0x1ef: {  	s24 =	sadd.s32 $0x1980, s23  }
0x1f0: {  	[tilespmem:s4], [sflag:$0x1] =	stream.indirect_vreg.gather [hbm4b:s1+s3], $0x80, v14, vm0, $0xb8;
	v14 =	vor.u32 s24, v0;
	[tilespmem:$0x1AC80] =	vst v63  }
0x1f1: {  	s24 =	sadd.s32 $0x1A00, s23  }
0x1f2: {  	v15 =	vor.u32 s24, v0;
	s24 =	sadd.s32 $0x1A80, s23  }
0x1f3: {  	[tilespmem:s7], [sflag:$0x1] =	stream.indirect_vreg.gather [hbm4b:s1+s3], $0x80, v13, vm0, $0xb8;
	[tilespmem:$0x1AC80] =	vst v63  }
0x1f4: {  	v13 =	vor.u32 s24, v0;
	s24 =	sadd.s32 $0x1B00, s23  }
0x1f5: {  	[tilespmem:s10], [sflag:$0x1] =	stream.indirect_vreg.gather [hbm4b:s1+s3], $0x80, v14, vm0, $0xb8;
	[tilespmem:$0x1AC80] =	vst v63  }
0x1f6: {  	v14 =	vor.u32 s24, v0;
	s24 =	sadd.s32 $0x1B80, s23  }
0x1f7: {  	[tilespmem:s17], [sflag:$0x1] =	stream.indirect_vreg.gather [hbm4b:s1+s3], $0x80, v15, vm0, $0xb8;
	[tilespmem:$0x1AC80] =	vst v63  }
0x1f8: {  	v15 =	vor.u32 s24, v0  }
0x1f9: {  	[tilespmem:s18], [sflag:$0x1] =	stream.indirect_vreg.gather [hbm4b:s1+s3], $0x80, v13, vm0, $0xb8;
	[tilespmem:$0x1AC80] =	vst v63  }
0x1fa: {  	_ = 	snop  }
0x1fb: {  	[tilespmem:s19], [sflag:$0x1] =	stream.indirect_vreg.gather [hbm4b:s1+s3], $0x80, v14, vm0, $0xb8;
	[tilespmem:$0x1AC80] =	vst v63  }
0x1fc: {  	_ = 	snop  }
0x1fd: {  	[tilespmem:s26], [sflag:$0x1] =	stream.indirect_vreg.gather [hbm4b:s1+s3], $0x80, v15, vm0, $0xb8;
	[tilespmem:$0x1AC80] =	vst v63  }
0x1fe: {  	_ =	swait.ge [sflag:s21], $0x4000  }
0x1ff: {  	[sflag:s21] =	ssyncset.done $0x0  }
0x200: {  	[sflag:s21] =	ssyncadd.s32 $0xFFFFC000  }
0x201: {  	v13 =	vld [tilespmem:$0x300];
	_ =	sdelay $0x4  }
0x202: {  	vm1 =	vge.s32 v13, v1;
	vm2 =	vlt.s32 v13, v2  }
0x203: {  	v13 =	vsub.s32 v13, v1;
	vm1 =	vmand vm1, vm2  }
0x204: {  	v13 =	vnsel vm1, $0x2000, v13;
	_ =	sdelay $0x4  }
0x205: {  	[spmem:s2] =	stream.indirect_vreg.scatter.add.f32 [tilespmem:s22], [sflag:$0x3], $0x80, v13, vm0, $0xb8;
	[tilespmem:$0x1AC80] =	vst v63  }
0x206: {  	v13 =	vld [tilespmem:$0x310];
	_ =	sdelay $0x4  }
0x207: {  	vm1 =	vge.s32 v13, v1;
	vm2 =	vlt.s32 v13, v2  }
0x208: {  	v13 =	vsub.s32 v13, v1;
	vm1 =	vmand vm1, vm2  }
0x209: {  	v13 =	vnsel vm1, $0x2000, v13;
	_ =	sdelay $0x4  }
0x20a: {  	[spmem:s2] =	stream.indirect_vreg.scatter.add.f32 [tilespmem:s4], [sflag:$0x3], $0x80, v13, vm0, $0xb8;
	[tilespmem:$0x1AC80] =	vst v63  }
0x20b: {  	v13 =	vld [tilespmem:$0x320];
	_ =	sdelay $0x4  }
0x20c: {  	vm1 =	vge.s32 v13, v1;
	vm2 =	vlt.s32 v13, v2  }
0x20d: {  	v13 =	vsub.s32 v13, v1;
	vm1 =	vmand vm1, vm2  }
0x20e: {  	v13 =	vnsel vm1, $0x2000, v13;
	_ =	sdelay $0x4  }
0x20f: {  	[spmem:s2] =	stream.indirect_vreg.scatter.add.f32 [tilespmem:s7], [sflag:$0x3], $0x80, v13, vm0, $0xb8;
	[tilespmem:$0x1AC80] =	vst v63  }
0x210: {  	v13 =	vld [tilespmem:$0x330];
	_ =	sdelay $0x4  }
0x211: {  	vm1 =	vge.s32 v13, v1;
	vm2 =	vlt.s32 v13, v2  }
0x212: {  	v13 =	vsub.s32 v13, v1;
	vm1 =	vmand vm1, vm2  }
0x213: {  	v13 =	vnsel vm1, $0x2000, v13;
	_ =	sdelay $0x4  }
0x214: {  	[spmem:s2] =	stream.indirect_vreg.scatter.add.f32 [tilespmem:s10], [sflag:$0x3], $0x80, v13, vm0, $0xb8;
	[tilespmem:$0x1AC80] =	vst v63  }
0x215: {  	v13 =	vld [tilespmem:$0x340];
	_ =	sdelay $0x4  }
0x216: {  	vm1 =	vge.s32 v13, v1;
	vm2 =	vlt.s32 v13, v2  }
0x217: {  	v13 =	vsub.s32 v13, v1;
	vm1 =	vmand vm1, vm2  }
0x218: {  	v13 =	vnsel vm1, $0x2000, v13;
	_ =	sdelay $0x4  }
0x219: {  	[spmem:s2] =	stream.indirect_vreg.scatter.add.f32 [tilespmem:s17], [sflag:$0x3], $0x80, v13, vm0, $0xb8;
	[tilespmem:$0x1AC80] =	vst v63  }
0x21a: {  	v13 =	vld [tilespmem:$0x350];
	_ =	sdelay $0x4  }
0x21b: {  	vm1 =	vge.s32 v13, v1;
	vm2 =	vlt.s32 v13, v2  }
0x21c: {  	v13 =	vsub.s32 v13, v1;
	vm1 =	vmand vm1, vm2  }
0x21d: {  	v13 =	vnsel vm1, $0x2000, v13;
	_ =	sdelay $0x4  }
0x21e: {  	[spmem:s2] =	stream.indirect_vreg.scatter.add.f32 [tilespmem:s18], [sflag:$0x3], $0x80, v13, vm0, $0xb8;
	[tilespmem:$0x1AC80] =	vst v63  }
0x21f: {  	v13 =	vld [tilespmem:$0x360];
	_ =	sdelay $0x4  }
0x220: {  	vm1 =	vge.s32 v13, v1;
	vm2 =	vlt.s32 v13, v2  }
0x221: {  	v13 =	vsub.s32 v13, v1;
	vm1 =	vmand vm1, vm2  }
0x222: {  	v13 =	vnsel vm1, $0x2000, v13;
	_ =	sdelay $0x4  }
0x223: {  	[spmem:s2] =	stream.indirect_vreg.scatter.add.f32 [tilespmem:s19], [sflag:$0x3], $0x80, v13, vm0, $0xb8;
	[tilespmem:$0x1AC80] =	vst v63  }
0x224: {  	v13 =	vld [tilespmem:$0x370];
	_ =	sdelay $0x4  }
0x225: {  	vm1 =	vge.s32 v13, v1;
	vm2 =	vlt.s32 v13, v2  }
0x226: {  	v13 =	vsub.s32 v13, v1;
	vm1 =	vmand vm1, vm2  }
0x227: {  	v13 =	vnsel vm1, $0x2000, v13;
	_ =	sdelay $0x3  }
0x228: {  	s19 =	sadd.s32 $0x1C00, s23  }
0x229: {  	[spmem:s2] =	stream.indirect_vreg.scatter.add.f32 [tilespmem:s26], [sflag:$0x3], $0x80, v13, vm0, $0xb8;
	v13 =	vor.u32 s19, v0;
	[tilespmem:$0x1AC80] =	vst v63  }
0x22a: {  	s4 =	sadd.s32 $0x1C80, s23  }
0x22b: {  	v14 =	vor.u32 s4, v0;
	_ =	swait.ge [sflag:s9], $0x4000  }
0x22c: {  	[sflag:s9] =	ssyncset.done $0x0  }
0x22d: {  	s7 =	sadd.s32 $0x1D00, s23;
	[sflag:s9] =	ssyncadd.s32 $0xFFFFC000  }
0x22e: {  	[tilespmem:s29], [sflag:$0x2] =	stream.indirect_vreg.gather [hbm4b:s1+s3], $0x80, v13, vm0, $0xb8;
	v13 =	vor.u32 s7, v0;
	[tilespmem:$0x1AC80] =	vst v63  }
0x22f: {  	s10 =	sadd.s32 $0x1D80, s23  }
0x230: {  	[tilespmem:s30], [sflag:$0x2] =	stream.indirect_vreg.gather [hbm4b:s1+s3], $0x80, v14, vm0, $0xb8;
	v14 =	vor.u32 s10, v0;
	[tilespmem:$0x1AC80] =	vst v63  }
0x231: {  	s17 =	sadd.s32 $0x1E00, s23  }
0x232: {  	v15 =	vor.u32 s17, v0;
	s18 =	sadd.s32 $0x1E80, s23  }
0x233: {  	[tilespmem:s31], [sflag:$0x2] =	stream.indirect_vreg.gather [hbm4b:s1+s3], $0x80, v13, vm0, $0xb8;
	[tilespmem:$0x1AC80] =	vst v63  }
0x234: {  	s19 =	sadd.s32 $0x1F00, s23;
	v13 =	vor.u32 s18, v0  }
0x235: {  	[tilespmem:s28], [sflag:$0x2] =	stream.indirect_vreg.gather [hbm4b:s1+s3], $0x80, v14, vm0, $0xb8;
	[tilespmem:$0x1AC80] =	vst v63  }
0x236: {  	s23 =	sadd.s32 $0x1F80, s23;
	v14 =	vor.u32 s19, v0  }
0x237: {  	[tilespmem:s0], [sflag:$0x2] =	stream.indirect_vreg.gather [hbm4b:s1+s3], $0x80, v15, vm0, $0xb8;
	[tilespmem:$0x1AC80] =	vst v63  }
0x238: {  	v15 =	vor.u32 s23, v0  }
0x239: {  	[tilespmem:s6], [sflag:$0x2] =	stream.indirect_vreg.gather [hbm4b:s1+s3], $0x80, v13, vm0, $0xb8;
	[tilespmem:$0x1AC80] =	vst v63  }
0x23a: {  	_ = 	snop  }
0x23b: {  	[tilespmem:s15], [sflag:$0x2] =	stream.indirect_vreg.gather [hbm4b:s1+s3], $0x80, v14, vm0, $0xb8;
	[tilespmem:$0x1AC80] =	vst v63  }
0x23c: {  	_ = 	snop  }
0x23d: {  	[tilespmem:s16], [sflag:$0x2] =	stream.indirect_vreg.gather [hbm4b:s1+s3], $0x80, v15, vm0, $0xb8;
	[tilespmem:$0x1AC80] =	vst v63  }
0x23e: {  	_ =	swait.ge [sflag:s5], $0x4000  }
0x23f: {  	[sflag:s5] =	ssyncset.done $0x0  }
0x240: {  	[sflag:s5] =	ssyncadd.s32 $0xFFFFC000  }
0x241: {  	v13 =	vld [tilespmem:$0x380];
	_ =	sdelay $0x4  }
0x242: {  	vm1 =	vge.s32 v13, v1;
	vm2 =	vlt.s32 v13, v2  }
0x243: {  	v13 =	vsub.s32 v13, v1;
	vm1 =	vmand vm1, vm2  }
0x244: {  	v13 =	vnsel vm1, $0x2000, v13;
	_ =	sdelay $0x4  }
0x245: {  	[spmem:s2] =	stream.indirect_vreg.scatter.add.f32 [tilespmem:s29], [sflag:$0x4], $0x80, v13, vm0, $0xb8;
	[tilespmem:$0x1AC80] =	vst v63  }
0x246: {  	v13 =	vld [tilespmem:$0x390];
	_ =	sdelay $0x4  }
0x247: {  	vm1 =	vge.s32 v13, v1;
	vm2 =	vlt.s32 v13, v2  }
0x248: {  	v13 =	vsub.s32 v13, v1;
	vm1 =	vmand vm1, vm2  }
0x249: {  	v13 =	vnsel vm1, $0x2000, v13;
	_ =	sdelay $0x4  }
0x24a: {  	[spmem:s2] =	stream.indirect_vreg.scatter.add.f32 [tilespmem:s30], [sflag:$0x4], $0x80, v13, vm0, $0xb8;
	[tilespmem:$0x1AC80] =	vst v63  }
0x24b: {  	v13 =	vld [tilespmem:$0x3A0];
	_ =	sdelay $0x4  }
0x24c: {  	vm1 =	vge.s32 v13, v1;
	vm2 =	vlt.s32 v13, v2  }
0x24d: {  	v13 =	vsub.s32 v13, v1;
	vm1 =	vmand vm1, vm2  }
0x24e: {  	v13 =	vnsel vm1, $0x2000, v13;
	_ =	sdelay $0x4  }
0x24f: {  	[spmem:s2] =	stream.indirect_vreg.scatter.add.f32 [tilespmem:s31], [sflag:$0x4], $0x80, v13, vm0, $0xb8;
	[tilespmem:$0x1AC80] =	vst v63  }
0x250: {  	v13 =	vld [tilespmem:$0x3B0];
	_ =	sdelay $0x4  }
0x251: {  	vm1 =	vge.s32 v13, v1;
	vm2 =	vlt.s32 v13, v2  }
0x252: {  	v13 =	vsub.s32 v13, v1;
	vm1 =	vmand vm1, vm2  }
0x253: {  	v13 =	vnsel vm1, $0x2000, v13;
	_ =	sdelay $0x4  }
0x254: {  	[spmem:s2] =	stream.indirect_vreg.scatter.add.f32 [tilespmem:s28], [sflag:$0x4], $0x80, v13, vm0, $0xb8;
	[tilespmem:$0x1AC80] =	vst v63  }
0x255: {  	v13 =	vld [tilespmem:$0x3C0];
	_ =	sdelay $0x4  }
0x256: {  	vm1 =	vge.s32 v13, v1;
	vm2 =	vlt.s32 v13, v2  }
0x257: {  	v13 =	vsub.s32 v13, v1;
	vm1 =	vmand vm1, vm2  }
0x258: {  	v13 =	vnsel vm1, $0x2000, v13;
	_ =	sdelay $0x4  }
0x259: {  	[spmem:s2] =	stream.indirect_vreg.scatter.add.f32 [tilespmem:s0], [sflag:$0x4], $0x80, v13, vm0, $0xb8;
	[tilespmem:$0x1AC80] =	vst v63  }
0x25a: {  	v13 =	vld [tilespmem:$0x3D0];
	_ =	sdelay $0x4  }
0x25b: {  	vm1 =	vge.s32 v13, v1;
	vm2 =	vlt.s32 v13, v2  }
0x25c: {  	v13 =	vsub.s32 v13, v1;
	vm1 =	vmand vm1, vm2  }
0x25d: {  	v13 =	vnsel vm1, $0x2000, v13;
	_ =	sdelay $0x4  }
0x25e: {  	[spmem:s2] =	stream.indirect_vreg.scatter.add.f32 [tilespmem:s6], [sflag:$0x4], $0x80, v13, vm0, $0xb8;
	[tilespmem:$0x1AC80] =	vst v63  }
0x25f: {  	v13 =	vld [tilespmem:$0x3E0];
	_ =	sdelay $0x4  }
0x260: {  	vm1 =	vge.s32 v13, v1;
	vm2 =	vlt.s32 v13, v2  }
0x261: {  	v13 =	vsub.s32 v13, v1;
	vm1 =	vmand vm1, vm2  }
0x262: {  	v13 =	vnsel vm1, $0x2000, v13;
	_ =	sdelay $0x4  }
0x263: {  	[spmem:s2] =	stream.indirect_vreg.scatter.add.f32 [tilespmem:s15], [sflag:$0x4], $0x80, v13, vm0, $0xb8;
	[tilespmem:$0x1AC80] =	vst v63  }
0x264: {  	v13 =	vld [tilespmem:$0x3F0];
	_ =	sdelay $0x4  }
0x265: {  	vm1 =	vge.s32 v13, v1;
	vm2 =	vlt.s32 v13, v2  }
0x266: {  	v13 =	vsub.s32 v13, v1;
	vm1 =	vmand vm1, vm2  }
0x267: {  	v13 =	vnsel vm1, $0x2000, v13;
	_ =	sdelay $0x3  }
0x268: {  	p0 =	seq.s32 s14, $0x7  }
0x269: {  	[spmem:s2] =	stream.indirect_vreg.scatter.add.f32 [tilespmem:s16], [sflag:$0x4], $0x80, v13, vm0, $0xb8;
	v13 =	vlaneseq.u32 @!p0;
	[tilespmem:$0x1AC80] =	vst v63  }
0x26a: {  	s23 =	sadd.s32 @!p0 s14, s25;
	v13 =	vmul.u32 @!p0 $0x8, v13  }
0x26b: {  	s24 =	sadd.s32 @!p0 $0x1, s23;
	_ =	swait.ge [sflag:s8], $0x4000  }
0x26c: {  	[sflag:s8] =	ssyncset.done $0x0;
	v14 =	vadd.s32 @!p0 s24, v13  }
0x26d: {  	[sflag:s8] =	ssyncadd.s32 $0xFFFFC000  }
0x26e: {  	s24 =	sadd.s32 @!p0 $0x81, s23;
	_ =	swait.ge [sflag:s9], $0x4000  }
0x26f: {  	s26 =	sadd.s32 @!p0 $0x101, s23;
	s29 =	smov.u32 s25;
	v15 =	vadd.s32 @!p0 s24, v13;
	[sflag:s9] =	ssyncset.done $0x0  }
0x270: {  	s25 =	simm.s32 @!p0 $0x400;
	vm1 =	vmmov @!p0 $0xffff;
	s24 =	simm.s32 @!p0 $0x0;
	[sflag:s9] =	ssyncadd.s32 $0xFFFFC000  }
0x271: {  	[tilespmem:s25], [sflag:$0x1] =	stream.indirect_vreg.gather @!p0 [hbm4b:s1+s24], $0x80, v14, vm1, $0xb8;
	v14 =	vadd.s32 @!p0 s26, v13;
	[tilespmem:$0x1AC80] =	vst v63  }
0x272: {  	_ = 	snop  }
0x273: {  	s25 =	simm.s32 @!p0 $0xC00;
	s26 =	sadd.s32 @!p0 $0x181, s23  }
0x274: {  	[tilespmem:s25], [sflag:$0x1] =	stream.indirect_vreg.gather @!p0 [hbm4b:s1+s24], $0x80, v15, vm1, $0xb8;
	v15 =	vadd.s32 @!p0 s26, v13;
	[tilespmem:$0x1AC80] =	vst v63  }
0x275: {  	s25 =	sadd.s32 @!p0 $0x201, s23;
	s26 =	simm.s32 @!p0 $0x1400  }
0x276: {  	v16 =	vadd.s32 @!p0 s25, v13;
	[tilespmem:s26], [sflag:$0x1] =	stream.indirect_vreg.gather @!p0 [hbm4b:s1+s24], $0x80, v14, vm1, $0xb8;
	[tilespmem:$0x1AC80] =	vst v63  }
0x277: {  	s26 =	sadd.s32 @!p0 $0x281, s23  }
0x278: {  	s25 =	simm.s32 @!p0 $0x1C00;
	v14 =	vadd.s32 @!p0 s26, v13;
	s26 =	sadd.s32 @!p0 $0x301, s23  }
0x279: {  	[tilespmem:s25], [sflag:$0x1] =	stream.indirect_vreg.gather @!p0 [hbm4b:s1+s24], $0x80, v15, vm1, $0xb8;
	[tilespmem:$0x1AC80] =	vst v63  }
0x27a: {  	s23 =	sadd.s32 @!p0 $0x381, s23;
	s25 =	simm.s32 @!p0 $0x2400;
	v15 =	vadd.s32 @!p0 s26, v13  }
0x27b: {  	[tilespmem:s25], [sflag:$0x1] =	stream.indirect_vreg.gather @!p0 [hbm4b:s1+s24], $0x80, v16, vm1, $0xb8;
	[tilespmem:$0x1AC80] =	vst v63  }
0x27c: {  	v13 =	vadd.s32 @!p0 s23, v13;
	s25 =	simm.s32 @!p0 $0x2C00  }
0x27d: {  	[tilespmem:s25], [sflag:$0x1] =	stream.indirect_vreg.gather @!p0 [hbm4b:s1+s24], $0x80, v14, vm1, $0xb8;
	[tilespmem:$0x1AC80] =	vst v63  }
0x27e: {  	s23 =	simm.s32 @!p0 $0x3400  }
0x27f: {  	[tilespmem:s23], [sflag:$0x1] =	stream.indirect_vreg.gather @!p0 [hbm4b:s1+s24], $0x80, v15, vm1, $0xb8;
	[tilespmem:$0x1AC80] =	vst v63  }
0x280: {  	s23 =	simm.s32 @!p0 $0x3C00  }
0x281: {  	[tilespmem:s23], [sflag:$0x1] =	stream.indirect_vreg.gather @!p0 [hbm4b:s1+s24], $0x80, v13, vm1, $0xb8;
	[tilespmem:$0x1AC80] =	vst v63  }
0x282: {  	s28 =	sadd.s32 $0xFFFF8000, s13;
	s26 =	stileid.u32;
	[bflag:$0x0] =	sbarrier.arrive $0xFFFF  }
0x283: {  	s0 =	simm.s32 $0x8;
	s23 =	sshll.u32 s26, $0x6;
	s19 =	rddreg [dreg:$0x11]  }
0x284: {  	s6 =	simm.s32 $0x80;
	s26 =	sor.u32 $0x1C05, s23;
	s24 =	sshrl.u32 s19, $0x3  }
0x285: {  	[hbm:s28@s22], [sflag:s26] =	dma.strided [spmem:s24@s6], $0x400, s0, $0x10   }
0x286: {  	s10 =	rddreg [dreg:$0x12]  }
0x287: {  	s30 =	sadd.s32 $0xFFFFA000, s13;
	s31 =	sshrl.u32 s10, $0x3  }
0x288: {  	[hbm:s30@s22], [sflag:s26] =	dma.strided [spmem:s31@s6], $0x400, s0, $0x10   }
0x289: {  	s30 =	rddreg [dreg:$0x7]  }
0x28a: {  	s4 =	sadd.s32 $0xFFFFC000, s13;
	s7 =	sshrl.u32 s30, $0x3  }
0x28b: {  	[hbm:s4@s22], [sflag:s26] =	dma.strided [spmem:s7@s6], $0x400, s0, $0x10   }
0x28c: {  	s31 =	rddreg [dreg:$0x8]  }
0x28d: {  	s17 =	sadd.s32 $0xFFFFE000, s13;
	s18 =	sshrl.u32 s31, $0x3  }
0x28e: {  	[hbm:s17@s22], [sflag:s26] =	dma.strided [spmem:s18@s6], $0x400, s0, $0x10   }
0x28f: {  	s17 =	rddreg [dreg:$0x9]  }
0x290: {  	s28 =	sshrl.u32 s17, $0x3  }
0x291: {  	[hbm:s13@s22], [sflag:s26] =	dma.strided [spmem:s28@s6], $0x400, s0, $0x10   }
0x292: {  	s18 =	rddreg [dreg:$0xa]  }
0x293: {  	s4 =	sadd.s32 $0x2000, s13;
	s7 =	sshrl.u32 s18, $0x3  }
0x294: {  	[hbm:s4@s22], [sflag:s26] =	dma.strided [spmem:s7@s6], $0x400, s0, $0x10   }
0x295: {  	s7 =	rddreg [dreg:$0xb]  }
0x296: {  	s25 =	sadd.s32 $0x4000, s13;
	s4 =	sshrl.u32 s7, $0x3  }
0x297: {  	[hbm:s25@s22], [sflag:s26] =	dma.strided [spmem:s4@s6], $0x400, s0, $0x10   }
0x298: {  	s4 =	rddreg [dreg:$0xc]  }
0x299: {  	s25 =	sadd.s32 $0x6000, s13;
	s28 =	sshrl.u32 s4, $0x3  }
0x29a: {  	[hbm:s25@s22], [sflag:s26] =	dma.strided [spmem:s28@s6], $0x400, s0, $0x10   }
0x29b: {  	_ =	swait.ge [sflag:s11], $0x400  }
0x29c: {  	[sflag:s11] =	ssyncset.done $0x0  }
0x29d: {  	s25 =	smov.u32 s29;
	s29 =	simm.s32 $0x8C00;
	[sflag:s11] =	ssyncadd.s32 $0xFFFFFC00  }
0x29e: {  	[spmem:s19] =	stream.linear.scatter [tilespmem:s29], [sflag:$0x6], $0x2000, $0x38;
	[tilespmem:$0x1AC80] =	vst v63  }
0x29f: {  	_ =	swait.ge [sflag:s11], $0x400  }
0x2a0: {  	[sflag:s11] =	ssyncset.done $0x0  }
0x2a1: {  	[sflag:s11] =	ssyncadd.s32 $0xFFFFFC00  }
0x2a2: {  	[spmem:s10] =	stream.linear.scatter [tilespmem:s29], [sflag:$0x6], $0x2000, $0x38;
	[tilespmem:$0x1AC80] =	vst v63  }
0x2a3: {  	_ =	swait.ge [sflag:s11], $0x400  }
0x2a4: {  	[sflag:s11] =	ssyncset.done $0x0  }
0x2a5: {  	[sflag:s11] =	ssyncadd.s32 $0xFFFFFC00  }
0x2a6: {  	[spmem:s30] =	stream.linear.scatter [tilespmem:s29], [sflag:$0x6], $0x2000, $0x38;
	[tilespmem:$0x1AC80] =	vst v63  }
0x2a7: {  	_ =	swait.ge [sflag:s11], $0x400  }
0x2a8: {  	[sflag:s11] =	ssyncset.done $0x0  }
0x2a9: {  	[sflag:s11] =	ssyncadd.s32 $0xFFFFFC00  }
0x2aa: {  	[spmem:s31] =	stream.linear.scatter [tilespmem:s29], [sflag:$0x6], $0x2000, $0x38;
	[tilespmem:$0x1AC80] =	vst v63  }
0x2ab: {  	_ =	swait.ge [sflag:s11], $0x400  }
0x2ac: {  	[sflag:s11] =	ssyncset.done $0x0  }
0x2ad: {  	[sflag:s11] =	ssyncadd.s32 $0xFFFFFC00  }
0x2ae: {  	[spmem:s17] =	stream.linear.scatter [tilespmem:s29], [sflag:$0x6], $0x2000, $0x38;
	[tilespmem:$0x1AC80] =	vst v63  }
0x2af: {  	_ =	swait.ge [sflag:s11], $0x400  }
0x2b0: {  	[sflag:s11] =	ssyncset.done $0x0  }
0x2b1: {  	[sflag:s11] =	ssyncadd.s32 $0xFFFFFC00  }
0x2b2: {  	[spmem:s18] =	stream.linear.scatter [tilespmem:s29], [sflag:$0x6], $0x2000, $0x38;
	[tilespmem:$0x1AC80] =	vst v63  }
0x2b3: {  	_ =	swait.ge [sflag:s11], $0x400  }
0x2b4: {  	[sflag:s11] =	ssyncset.done $0x0  }
0x2b5: {  	[sflag:s11] =	ssyncadd.s32 $0xFFFFFC00  }
0x2b6: {  	[spmem:s7] =	stream.linear.scatter [tilespmem:s29], [sflag:$0x6], $0x2000, $0x38;
	[tilespmem:$0x1AC80] =	vst v63  }
0x2b7: {  	_ =	swait.ge [sflag:s11], $0x400  }
0x2b8: {  	[sflag:s11] =	ssyncset.done $0x0  }
0x2b9: {  	[sflag:s11] =	ssyncadd.s32 $0xFFFFFC00  }
0x2ba: {  	[spmem:s4] =	stream.linear.scatter [tilespmem:s29], [sflag:$0x6], $0x2000, $0x38;
	[tilespmem:$0x1AC80] =	vst v63  }
0x2bb: {  	_ =	swait.ge [sflag:s20], $0x2000  }
0x2bc: {  	[sflag:s20] =	ssyncset.done $0x0  }
0x2bd: {  	[sflag:s20] =	ssyncadd.s32 $0xFFFFE000  }
0x2be: {  	_ =	swait.ge [sflag:s20], $0x2000  }
0x2bf: {  	[sflag:s20] =	ssyncset.done $0x0  }
0x2c0: {  	[sflag:s20] =	ssyncadd.s32 $0xFFFFE000  }
0x2c1: {  	_ =	swait.ge [sflag:s20], $0x2000  }
0x2c2: {  	[sflag:s20] =	ssyncset.done $0x0  }
0x2c3: {  	[sflag:s20] =	ssyncadd.s32 $0xFFFFE000  }
0x2c4: {  	_ =	swait.ge [sflag:s20], $0x2000  }
0x2c5: {  	[sflag:s20] =	ssyncset.done $0x0  }
0x2c6: {  	[sflag:s20] =	ssyncadd.s32 $0xFFFFE000  }
0x2c7: {  	_ =	swait.ge [sflag:s20], $0x2000  }
0x2c8: {  	[sflag:s20] =	ssyncset.done $0x0  }
0x2c9: {  	[sflag:s20] =	ssyncadd.s32 $0xFFFFE000  }
0x2ca: {  	_ =	swait.ge [sflag:s20], $0x2000  }
0x2cb: {  	[sflag:s20] =	ssyncset.done $0x0  }
0x2cc: {  	[sflag:s20] =	ssyncadd.s32 $0xFFFFE000  }
0x2cd: {  	_ =	swait.ge [sflag:s20], $0x2000  }
0x2ce: {  	s14 =	sadd.s32 $0x1, s14;
	[sflag:s20] =	ssyncset.done $0x0  }
0x2cf: {  	p0 =	sne.s32 s14, $0x8;
	[sflag:s20] =	ssyncadd.s32 $0xFFFFE000  }
.Ltmp2:
0x2d0: {  	_ =	swait.ge [sflag:s20], $0x2000;
	(pc) =	sbr.rel @p0 .LBB2_6-.Ltmp2, $4  }
0x2d1: {  	[sflag:s20] =	ssyncset.done $0x0  }
0x2d2: {  	[sflag:s20] =	ssyncadd.s32 $0xFFFFE000  }
0x2d3: {  	[bflag:$0x0] =	sbarrier.arrive $0xFFFF  }
0x2d4: {  	s13 =	sadd.s32 $0x80, s13  }
0x2d5: {  	s0 =	simm.s32 $0x0  }
0x2d6: {  	s29 =	rddreg [dreg:$0x12];
	s13 =	sshra.s32 s0, $0x2  }
0x2d7: {  	s26 =	rddreg [dreg:$0x11];
	v13 =	vld [tilespmem:s13+$0x0];
	s13 =	sadd.s32 $0x40, s0  }
.LBB2_8:
0x2d8: {  	p0 =	sne.s32 s13, $0xFC0;
	_ =	sdelay $0x3  }
0x2d9: {  	vm1 =	vge.s32 v13, v1;
	vm2 =	vlt.s32 v13, v2  }
0x2da: {  	v13 =	vsub.s32 v13, v1;
	vm1 =	vmand vm1, vm2  }
0x2db: {  	v13 =	vnsel vm1, $0x2000, v13;
	_ =	sdelay $0x1  }
.Ltmp3:
0x2dc: {  	(pc) =	sbr.rel @p0 .LBB2_8-.Ltmp3, $4  }
0x2dd: {  	_ = 	snop  }
0x2de: {  	s14 =	sshra.s32 s13, $0x2  }
0x2df: {  	[spmem:s2] =	stream.indirect_vreg.scatter.add.f32 [tilespmem:s12], [sflag:$0x3], $0x80, v13, vm0, $0xb8;
	[tilespmem:$0x1AC80] =	vst v63  }
0x2e0: {  	s13 =	sadd.s32 $0x40, s13;
	v13 =	vld [tilespmem:s14+$0x0]  }
0x2e1: {  	_ =	sdelay $0x3  }
0x2e2: {  	vm1 =	vge.s32 v13, v1;
	vm2 =	vlt.s32 v13, v2  }
0x2e3: {  	v13 =	vsub.s32 v13, v1;
	vm1 =	vmand vm1, vm2  }
0x2e4: {  	v13 =	vnsel vm1, $0x2000, v13;
	_ =	sdelay $0x4  }
0x2e5: {  	[spmem:s2] =	stream.indirect_vreg.scatter.add.f32 [tilespmem:s12], [sflag:$0x3], $0x80, v13, vm0, $0xb8;
	[tilespmem:$0x1AC80] =	vst v63  }
0x2e6: {  	_ =	swait.ge [sflag:s8], $0x4000  }
0x2e7: {  	[sflag:s8] =	ssyncset.done $0x0  }
0x2e8: {  	[sflag:s8] =	ssyncadd.s32 $0xFFFFC000  }
0x2e9: {  	_ =	swait.ge [sflag:s8], $0x4000  }
0x2ea: {  	[sflag:s8] =	ssyncset.done $0x0  }
0x2eb: {  	[sflag:s8] =	ssyncadd.s32 $0xFFFFC000  }
0x2ec: {  	_ =	swait.ge [sflag:s8], $0x4000  }
0x2ed: {  	[sflag:s8] =	ssyncset.done $0x0  }
0x2ee: {  	[sflag:s8] =	ssyncadd.s32 $0xFFFFC000  }
0x2ef: {  	_ =	swait.ge [sflag:s8], $0x4000  }
0x2f0: {  	[sflag:s8] =	ssyncset.done $0x0  }
0x2f1: {  	[sflag:s8] =	ssyncadd.s32 $0xFFFFC000  }
0x2f2: {  	_ =	swait.ge [sflag:s8], $0x4000  }
0x2f3: {  	[sflag:s8] =	ssyncset.done $0x0  }
0x2f4: {  	[sflag:s8] =	ssyncadd.s32 $0xFFFFC000  }
0x2f5: {  	_ =	swait.ge [sflag:s8], $0x4000  }
0x2f6: {  	[sflag:s8] =	ssyncset.done $0x0  }
0x2f7: {  	[sflag:s8] =	ssyncadd.s32 $0xFFFFC000  }
0x2f8: {  	_ =	swait.ge [sflag:s8], $0x4000  }
0x2f9: {  	[sflag:s8] =	ssyncset.done $0x0  }
0x2fa: {  	[sflag:s8] =	ssyncadd.s32 $0xFFFFC000  }
0x2fb: {  	_ =	swait.ge [sflag:s8], $0x4000  }
0x2fc: {  	[sflag:s8] =	ssyncset.done $0x0  }
0x2fd: {  	[sflag:s8] =	ssyncadd.s32 $0xFFFFC000  }
0x2fe: {  	[bflag:$0x0] =	sbarrier.arrive $0xFFFF  }
0x2ff: {  	s13 =	sor.u32 $0x1C07, s23;
	s30 =	simm.s32 $0x7;
	s14 =	rddreg [dreg:$0xd]  }
0x300: {  	[hbm:s14], [sflag:s13] =	dma.local [spmem:s24], $0x2000  }
0x301: {  	_ =	swait.ge [sflag:s30], $0x2000  }
0x302: {  	s0 =	rddreg [dreg:$0x10]  }
0x303: {  	s31 =	rddreg [dreg:$0xe];
	s0 =	sadd.s32 $0x1, s0  }
0x304: {  	p0 =	sne.s32 s0, s31  }
.Ltmp4:
0x305: {  	_ = 	snop;
	(pc) =	sbr.rel @p0 .LBB2_1-.Ltmp4, $4  }
0x306: {  	_ = 	snop  }
0x307: {  	s23 =	smov.u32 s26  }
0x308: {  	s4 =	simm.s32 $0x8C00;
	[sflag:s30] =	ssyncset.done $0x0;
	s26 =	rddreg [dreg:$0x7]  }
0x309: {  	s24 =	smov.u32 s29;
	s29 =	rddreg [dreg:$0x8];
	[sflag:s30] =	ssyncadd.s32 $0xFFFFE000  }
0x30a: {  	_ =	sfence.sel $0x180000  }
0x30b: {  	[bflag:$0x0] =	sbarrier.arrive $0xFFFF  }
0x30c: {  	_ =	strace $0x90000047  }
0x30d: {  	s0 =	stileid.u32;
	[bflag:$0x2] =	sbarrier.arrive $0xFFFF  }
0x30e: {  	p0 =	sne.s32 s0, $0x0;
	s0 =	rddreg [dreg:$0x5]  }
0x30f: {  	s0 =	sadd.s32 @!p0 $0x100000, s0  }
0x310: {  	[sflag:s0] =	ssyncadd.tile.s32 @!p0 $0x1;
	_ =	shalt  }
.Lfunc_end2:
_tile_overlayer_lowered:
.L_overlay_start_2:
0x311: {  	(tag) =	ssettag $0x2  }
0x312: {  	s0 =	rddreg [dreg:$0x0];
	s2 =	stileid.u32  }
0x313: {  	s1 =	rddreg [dreg:$0x1];
	p0 =	sne.s32 s2, $0x0  }
0x314: {  	s3 =	rddreg [dreg:$0x2];
	[bflag:$0x3] =	sbarrier.arrive $0xFFFF;
	s2 =	simm.s32 @!p0 $0x1C07  }
0x315: {  	[timem:s3], [sflag:s2] =	dma.local @!p0 [hbm:s0], s1  }
0x316: {  	s0 =	simm.s32 @!p0 $0x7  }
0x317: {  	_ =	swait.ge @!p0 [sflag:s0], s1  }
0x318: {  	s1 =	ssub.s32 @!p0 $0x0, s1;
	[sflag:s0] =	ssyncset.done @!p0 $0x0  }
0x319: {  	[sflag:s0] =	ssyncadd.s32 @!p0 s1  }
0x31a: {  	[bflag:$0x3] =	sbarrier.arrive $0xFFFF  }
0x31b: {  	_ =	shalt  }

// kernel: kernel.9.cloned.1.call-start
scs
__scs_entry_jumppad:
0x0: {  	(pc) =	sbr.rel $0x88, $3  }
0x1: {  	(tag) =	ssettag $0x0;
	lr =	simm.s32 $0x1  }
0x2: {  	[smem:$0x3F99] =	sst lr;
	_ =	strace $0xD0000000  }
0x3: {  	_ = 	snop  }
0x4: {  	_ = 	snop  }
0x5: {  	_ = 	snop  }
0x6: {  	_ = 	snop  }
0x7: {  	_ = 	snop  }
__scs_overlays_trampoline_lowered:
0x8: {  	[smem:$0x3FA8] =	sst s0  }
0x9: {  	[smem:$0x3FA9] =	sst s1  }
0xa: {  	[smem:$0x3FAA] =	sst s2  }
0xb: {  	[smem:$0x3FAB] =	sst s3  }
0xc: {  	[smem:$0x3FAC] =	sst s4  }
0xd: {  	[smem:$0x3FAD] =	sst s5  }
0xe: {  	[smem:$0x3FAE] =	sst s6  }
0xf: {  	[smem:$0x3FAF] =	sst s7  }
0x10: {  	[smem:$0x3FB0] =	sst s8  }
0x11: {  	[smem:$0x3FB1] =	sst s9;
	s0 =	simm.s32 @!p0 $0x0  }
0x12: {  	s1 =	sld [smem:$0x3F97];
	s0 =	simm.s32 @p0 $0x1  }
0x13: {  	[smem:$0x3FB2] =	sst s0;
	s0 =	simm.s32 @!p1 $0x0  }
0x14: {  	s2 =	sld [smem:$0x3F96];
	s0 =	simm.s32 @p1 $0x1  }
0x15: {  	[smem:$0x3FB3] =	sst s0;
	s0 =	simm.s32 @!p2 $0x0  }
0x16: {  	s3 =	sld [smem:$0x3FDB];
	s0 =	simm.s32 @p2 $0x1  }
0x17: {  	s4 =	simm.s32 $0x1BF5;
	[smem:$0x3FB5] =	sst s0  }
0x18: {  	s0 =	sld [smem:$0x3F98];
	_ =	swait.ge [sflag:s4], $0x0  }
0x19: {  	s7 =	sld [smem:$0x3F99]  }
0x1a: {  	s8 =	sadd.s32 $0xFFFFE003, lr  }
0x1b: {  	s9 =	sadd.s32 $0xFFFFFEF7, lr;
	s5 =	simm.s32 $0xFFFFFFFF;
	p2 =	slt.u32 s8, $0xFFFFF086  }
0x1c: {  	p1 =	slt.u32 s9, $0xF7A;
	s5 =	simm.s32 @!p2 $0x0  }
0x1d: {  	s5 =	simm.s32 @p1 $0x1;
	p0 =	seq.s32 s7, s2  }
0x1e: {  	s7 =	smul.u32 @!p0 $0xF7A, s2;
	p2 =	seq.s32 @!p0 s5, $0x0  }
0x1f: {  	s9 =	smul.u32 $0xF7A, s1;
	s8 =	simm.s32 @!p0 $0x1BF5;
	p2 =	por !p2, p0  }
0x20: {  	[sflag:s8] =	ssyncset.s32 @!p0 $0xFFFFF086;
	s6 =	sadd.s32 @!p0 s3, s7;
	s7 =	simm.s32 @!p0 $0x108  }
0x21: {  	s3 =	sadd.s32 s3, s9;
	s6 =	sadd.s32 @!p0 $0x88, s6;
	s7 =	simm.s32 @p2 $0x1082  }
0x22: {  	[simem:s7], [sflag:s8] =	dma.local @!p0 [hbm:s6], $0xF7A  }
0x23: {  	s9 =	sor.u32 $0xD0000000, s2;
	s6 =	simm.s32 $0x108;
	_ =	swait.ge @!p0 [sflag:s8], $0x0  }
0x24: {  	s3 =	sadd.s32 $0x88, s3;
	s6 =	simm.s32 @!p1 $0x1082;
	[sflag:s4] =	ssyncset.s32 $0xFFFFF086  }
0x25: {  	[simem:s6], [sflag:s4] =	dma.local [hbm:s3], $0xF7A  }
0x26: {  	[smem:$0x3F99] =	sst s1;
	(tag) =	ssettag s2;
	_ =	strace s9  }
0x27: {  	s1 =	sld [smem:$0x3FA9]  }
0x28: {  	s2 =	sld [smem:$0x3FAA]  }
0x29: {  	s4 =	sld [smem:$0x3FAC]  }
0x2a: {  	p0 =	seq.s32 s5, $0x0;
	s5 =	sld [smem:$0x3FAD]  }
0x2b: {  	s6 =	sld [smem:$0x3FAE]  }
0x2c: {  	s7 =	sld [smem:$0x3FAF]  }
0x2d: {  	s3 =	simm.s32 $0x108;
	s8 =	sld [smem:$0x3FB0]  }
0x2e: {  	s3 =	simm.s32 @!p0 $0x1082;
	s9 =	sld [smem:$0x3FB1]  }
0x2f: {  	lr =	sadd.s32 s0, s3;
	s0 =	sld [smem:$0x3FA8]  }
0x30: {  	s3 =	sld [smem:$0x3FAB]  }
0x31: {  	[smem:$0x3FB4] =	sst s10  }
0x32: {  	s10 =	sld [smem:$0x3FB2];
	_ =	sdelay $0x3  }
0x33: {  	p0 =	seq.s32 s10, $0x1;
	s10 =	sld [smem:$0x3FB4];
	_ =	sdelay $0x3  }
0x34: {  	[smem:$0x3FB4] =	sst s10  }
0x35: {  	s10 =	sld [smem:$0x3FB3];
	_ =	sdelay $0x3  }
0x36: {  	p1 =	seq.s32 s10, $0x1;
	s10 =	sld [smem:$0x3FB4];
	_ =	sdelay $0x3  }
0x37: {  	[smem:$0x3FB4] =	sst s10  }
0x38: {  	s10 =	sld [smem:$0x3FB5]  }
0x39: {  	_ = 	snop;
	(pc) =	sbr.ind lr, $3  }
0x3a: {  	_ = 	snop  }
0x3b: {  	_ = 	snop  }
0x3c: {  	p2 =	seq.s32 s10, $0x1;
	s10 =	sld [smem:$0x3FB4]  }
0x3d: {  	_ =	shalt  }
0x3e: {  	_ =	shalt  }
0x3f: {  	_ =	shalt  }
0x40: {  	_ =	shalt  }
0x41: {  	_ =	shalt  }
0x42: {  	_ =	shalt  }
0x43: {  	_ =	shalt  }
0x44: {  	_ =	shalt  }
0x45: {  	_ =	shalt  }
0x46: {  	_ =	shalt  }
0x47: {  	_ =	shalt  }
0x48: {  	_ =	shalt  }
0x49: {  	_ =	shalt  }
0x4a: {  	_ =	shalt  }
0x4b: {  	_ =	shalt  }
0x4c: {  	_ =	shalt  }
0x4d: {  	_ =	shalt  }
0x4e: {  	_ =	shalt  }
0x4f: {  	_ =	shalt  }
0x50: {  	_ =	shalt  }
0x51: {  	_ =	shalt  }
0x52: {  	_ =	shalt  }
0x53: {  	_ =	shalt  }
0x54: {  	_ =	shalt  }
0x55: {  	_ =	shalt  }
0x56: {  	_ =	shalt  }
0x57: {  	_ =	shalt  }
0x58: {  	_ =	shalt  }
0x59: {  	_ =	shalt  }
0x5a: {  	_ =	shalt  }
0x5b: {  	_ =	shalt  }
0x5c: {  	_ =	shalt  }
0x5d: {  	_ =	shalt  }
0x5e: {  	_ =	shalt  }
0x5f: {  	_ =	shalt  }
0x60: {  	_ =	shalt  }
0x61: {  	_ =	shalt  }
0x62: {  	_ =	shalt  }
0x63: {  	_ =	shalt  }
0x64: {  	_ =	shalt  }
0x65: {  	_ =	shalt  }
0x66: {  	_ =	shalt  }
0x67: {  	_ =	shalt  }
0x68: {  	_ =	shalt  }
0x69: {  	_ =	shalt  }
0x6a: {  	_ =	shalt  }
0x6b: {  	_ =	shalt  }
0x6c: {  	_ =	shalt  }
0x6d: {  	_ =	shalt  }
0x6e: {  	_ =	shalt  }
0x6f: {  	_ =	shalt  }
0x70: {  	_ =	shalt  }
0x71: {  	_ =	shalt  }
0x72: {  	_ =	shalt  }
0x73: {  	_ =	shalt  }
0x74: {  	_ =	shalt  }
0x75: {  	_ =	shalt  }
0x76: {  	_ =	shalt  }
0x77: {  	_ =	shalt  }
0x78: {  	_ =	shalt  }
0x79: {  	_ =	shalt  }
0x7a: {  	_ =	shalt  }
0x7b: {  	_ =	shalt  }
0x7c: {  	_ =	shalt  }
0x7d: {  	_ =	shalt  }
0x7e: {  	_ =	shalt  }
0x7f: {  	_ =	shalt  }
0x80: {  	_ =	shalt  }
0x81: {  	_ =	shalt  }
0x82: {  	_ =	shalt  }
0x83: {  	_ =	shalt  }
0x84: {  	_ =	shalt  }
0x85: {  	_ =	shalt  }
0x86: {  	_ =	shalt  }
0x87: {  	_ =	shalt  }
.Lfunc_end0:
.L_simem_size_0:
called_computation.1_lowered:
.L_overlay_start_0:
0x88: {  	s2 =	sld [smem:$0x3FD9]  }
0x89: {  	s3 =	sld [smem:$0x3FFE];
	_ =	sdelay $0x1  }
0x8a: {  	s1 =	srdreg.scid  }
0x8b: {  	s0 =	sand.u32 $0x1, s1  }
0x8c: {  	s17 =	sshll.u32 s0, $0xA;
	s2 =	sadd.s32 s3, s2  }
0x8d: {  	s2 =	sadd.s32 s2, s17  }
0x8e: {  	[smem:$0x3FC0] =	sst s2  }
0x8f: {  	_ = 	snop  }
0x90: {  	s18 =	sld [smem:$0x3FC9]  }
0x91: {  	s4 =	sld [smem:$0x3FC6];
	(tm) =	ssettm $0x1  }
0x92: {  	s19 =	sld [smem:$0x3FFB];
	_ =	sdelay $0x3  }
0x93: {  	_ =	strace s19  }
0x94: {  	s2 =	sld [smem:$0x3FFC];
	_ =	sdelay $0x3  }
0x95: {  	_ =	strace s2  }
0x96: {  	s2 =	sld [smem:$0x3FFD];
	_ =	sdelay $0x3  }
0x97: {  	_ =	strace s2  }
0x98: {  	_ =	strace $0x8FFFFFFF  }
0x99: {  	s20 =	sld [smem:$0x3FDB];
	_ =	sdelay $0x1  }
0x9a: {  	s5 =	simm.s32 $_scs_section_size  }
0x9b: {  	s6 =	simm.s32 $_size__tile_overlayer_lowered;
	s7 =	simm.s32 $_tile_overlayer_lowered  }
0x9c: {  	s8 =	simm.s32 $0x1BFF;
	s21 =	sshll.u32 s7, $0x1;
	s5 =	sadd.s32 s5, s20  }
0x9d: {  	s22 =	simm.s32 $0x0;
	s6 =	sshll.u32 s6, $0x1;
	s7 =	sadd.s32 s21, s5  }
0x9e: {  	[timem:s22], [sflag:s8] =	dma.local [hbm:s7], s6  }
0x9f: {  	_ =	swait.ge [sflag:s8], s6  }
0xa0: {  	s6 =	ssub.s32 $0x0, s6;
	[sflag:s8] =	ssyncset.done $0x0  }
0xa1: {  	[sflag:s8] =	ssyncadd.s32 s6;
	_ =	sdelay $0x1  }
0xa2: {  	s23 =	simm.s32 $0x1B8B  }
0xa3: {  	_ =	swait.ge [sflag:s23], $0x1  }
0xa4: {  	[sflag:s23] =	ssyncset.done $0x0  }
0xa5: {  	[sflag:s23] =	ssyncadd.s32 $0xFFFFFFFF  }
0xa6: {  	s6 =	sld [smem:$0x0]  }
0xa7: {  	s7 =	sand.u32 $0xFFFFFFFE, s1  }
0xa8: {  	p0 =	sne.s32 s1, s7  }
0xa9: {  	s7 =	sshll.u32 @p0 s7, $0xE  }
0xaa: {  	s7 =	sadd.s32 @p0 $0x11B8D, s7;
	s8 =	sshll.u32 @p0 s6, $0x11  }
0xab: {  	s7 =	sor.u32 @p0 s8, s7  }
0xac: {  	[sflag:s7] =	ssyncadd.remote.s32 @p0 $0x1;
	_ =	sdelay $0x1  }
0xad: {  	s7 =	simm.s32 @p0 $0x1B8D  }
0xae: {  	_ =	swait.eq @p0 [sflag:s7], $0x1  }
0xaf: {  	[sflag:s7] =	ssyncadd.s32 @p0 $0xFFFFFFFF  }
0xb0: {  	s8 =	sshll.u32 @!p0 s1, $0xE  }
0xb1: {  	s8 =	sor.u32 @!p0 $0x4000, s8;
	s7 =	simm.s32 @!p0 $0x1B8D  }
0xb2: {  	s6 =	sshll.u32 @!p0 s6, $0x11;
	s8 =	sadd.s32 @!p0 $0x11B8D, s8;
	_ =	swait.eq @!p0 [sflag:s7], $0x1  }
0xb3: {  	s6 =	sor.u32 @!p0 s6, s8;
	[sflag:s7] =	ssyncadd.s32 @!p0 $0xFFFFFFFF  }
0xb4: {  	s25 =	simm.s32 $0x1B8E;
	s24 =	sld [smem:$0x3FFE];
	[sflag:s6] =	ssyncadd.remote.s32 @!p0 $0x1  }
0xb5: {  	s26 =	simm.s32 $execute0_lowered;
	[smem:$0x3FD2] =	sst s25  }
0xb6: {  	s7 =	sshll.u32 s26, $0x1;
	_ =	strace $0x80000049;
	[dreg:$0x1] =	wrdreg $0xFFFFFFFF  }
0xb7: {  	s28 =	simm.s32 $_size_execute0_lowered;
	s5 =	sadd.s32 s5, s7;
	[dreg:$0x0] =	wrdreg $0x0  }
0xb8: {  	s7 =	sshll.u32 s28, $0x1;
	[dreg:$0x2] =	wrdreg s5  }
0xb9: {  	[dreg:$0x3] =	wrdreg s7  }
0xba: {  	[dreg:$0x4] =	wrdreg $0xC0  }
0xbb: {  	_ =	task [dreg:s22], $0x5FFFF  }
0xbc: {  	[dreg:$0x1] =	wrdreg $0xFFFFFFFF  }
0xbd: {  	[dreg:$0x0] =	wrdreg $0x60  }
0xbe: {  	[dreg:$0x2] =	wrdreg s18  }
0xbf: {  	[dreg:$0x3] =	wrdreg s4  }
0xc0: {  	[dreg:$0x4] =	wrdreg s24  }
0xc1: {  	[dreg:$0x5] =	wrdreg $0xA4000  }
0xc2: {  	[dreg:$0x6] =	wrdreg $0xA  }
0xc3: {  	_ =	task.clear_ibuf [dreg:s22], $0x7FFFF;
	_ =	strace $0x90000049  }
0xc4: {  	s29 =	simm.s32 $0xA;
	_ =	strace $0x8000004B  }
0xc5: {  	_ =	swait.ge [sflag:s29], $0x1  }
0xc6: {  	[sflag:s29] =	ssyncadd.s32 $0xFFFFFFFF  }
0xc7: {  	_ =	strace $0x9000004B  }
0xc8: {  	_ =	sfence  }
0xc9: {  	s30 =	sld [smem:$0x0];
	_ =	sdelay $0x2  }
0xca: {  	s31 =	sshll.u32 s1, $0xD;
	s1 =	sshrl.u32 s1, $0x2  }
0xcb: {  	s4 =	sand.u32 $0x4000, s31;
	s1 =	sadd.s32 s1, s30  }
0xcc: {  	s0 =	sor.u32 s4, s0;
	s1 =	sshll.u32 s1, $0x11  }
0xcd: {  	s0 =	sor.u32 s1, s0  }
0xce: {  	s0 =	sadd.s32 $0x8F2B, s0  }
0xcf: {  	[sflag:s0] =	ssyncadd.remote.s32 $0x1  }
0xd0: {  	_ =	sfence.sel $0xFFFF  }
0xd1: {  	[dreg:$0x0] =	wrdreg $0xFFFFFFFF;
	(pc) =	sbr.abs _section_cstart, $3  }
0xd2: {  	[dreg:$0x1] =	wrdreg $0xFFFFFFFF  }
0xd3: {  	_ =	task.clear_ibuf [dreg:s22], $0x2FFFF;
	_ =	strace $0x9FFFFFFF  }
0xd4: {  	(tm) =	ssettm $0x7FFFFFFF  }
0xd5: {  	_ =	shalt  }
tec
execute0_lowered:
.L_overlay_start_1:
0x0: {  	(tag) =	ssettag $0x1  }
0x1: {  	s0 =	rddreg [dreg:$0x0]  }
0x2: {  	s1 =	rddreg [dreg:$0x1]  }
0x3: {  	s4 =	rddreg [dreg:$0x2]  }
0x4: {  	s2 =	rddreg [dreg:$0x3]  }
0x5: {  	s5 =	srdreg.scid;
	s3 =	simm.s32 $0x0;
	s9 =	stileid.u32  }
0x6: {  	s21 =	simm.s32 $0x400;
	s28 =	simm.s32 $0x1C00;
	s29 =	simm.s32 $0x7400  }
0x7: {  	s5 =	sand.u32 $0x1, s5;
	[smem:$0x7FF] =	sst s3;
	s17 =	sshll.u32 s9, $0xD  }
0x8: {  	s24 =	sshll.u32 s9, $0x7;
	s25 =	sshll.u32 s9, $0x10;
	s6 =	ssub.s32 $0x2, s5  }
0x9: {  	_ =	strace $0x8000004A;
	s7 =	sshll.u32 s5, $0x14;
	s0 =	sadd.s32 s0, s24  }
0xa: {  	s5 =	sshll.u32 s5, $0xD;
	s14 =	sadd.s32 s25, s2;
	s20 =	sor.u32 $0x80, s17  }
0xb: {  	s23 =	sor.u32 $0x100, s17;
	s10 =	sor.u32 $0x180, s17;
	s11 =	sor.u32 $0x200, s17  }
0xc: {  	s12 =	sor.u32 $0x280, s17;
	s13 =	sor.u32 $0x380, s17;
	s8 =	sshrl.u32 s6, $0x1  }
0xd: {  	s4 =	sadd.s32 s7, s4;
	[dreg:$0x5] =	wrdreg s0;
	s9 =	sadd.s32 $0x2000, s5  }
0xe: {  	v0 =	vlaneseq.u32;
	s22 =	sadd.s32 $0x2000, s14;
	s16 =	sadd.s32 $0x4000, s14;
	s26 =	sadd.s32 $0x6000, s14  }
0xf: {  	v0 =	vmul.u32 $0x8, v0;
	s18 =	sadd.s32 $0x8000, s14;
	s15 =	sadd.s32 $0xA000, s14;
	[dreg:$0x6] =	wrdreg s14  }
0x10: {  	s30 =	sadd.s32 $0xC000, s14;
	s31 =	sadd.s32 $0xE000, s14;
	[dreg:$0xe] =	wrdreg s15  }
0x11: {  	v1 =	vmov s5;
	v6 =	vor.u32 s11, v0;
	s5 =	smov.u32 s17;
	s11 =	simm.s32 $0x5;
	[dreg:$0x7] =	wrdreg s22  }
0x12: {  	v3 =	vor.u32 s20, v0;
	v5 =	vor.u32 s10, v0;
	s10 =	simm.s32 $0x4400;
	s20 =	simm.s32 $0x6400;
	[dreg:$0x8] =	wrdreg s26  }
0x13: {  	s7 =	simm.s32 $0x6C00;
	s6 =	ssub.s32 s6, s8;
	[dreg:$0xc] =	wrdreg s16  }
0x14: {  	s24 =	sadd.s32 s25, s4;
	s25 =	sor.u32 $0x300, s17;
	[dreg:$0xd] =	wrdreg s18  }
0x15: {  	s4 =	simm.s32 $0x8400;
	s15 =	simm.s32 $0x1;
	[dreg:$0xf] =	wrdreg s5  }
0x16: {  	v10 =	vor.u32 s17, v0;
	v2 =	vmov s9;
	s8 =	simm.s32 $0x2;
	s9 =	simm.s32 $0x3;
	s19 =	smax.u32 s6, $0x1  }
0x17: {  	v11 =	vimm.f32 $0.0e+00;
	vm0 =	vmmov $0xffff;
	v4 =	vor.u32 s23, v0;
	s17 =	simm.s32 $0x7C00;
	s0 =	sadd.s32 $0x8A00, s24;
	[dreg:$0x9] =	wrdreg s19  }
0x18: {  	v7 =	vor.u32 s12, v0;
	v9 =	vor.u32 s13, v0;
	v8 =	vor.u32 s25, v0;
	s6 =	simm.s32 $0x0;
	[dreg:$0xa] =	wrdreg s0;
	s19 =	simm.s32 $0x6  }
.LBB2_1:
0x19: {  	[dreg:$0xb] =	wrdreg s6;
	s12 =	simm.s32 $0x0;
	s13 =	simm.s32 $0x200  }
.LBB2_2:
0x1a: {  	p0 =	sne.s32 s13, $0x7E00;
	[tilespmem:s12+$0x8470] =	vst v11  }
0x1b: {  	[tilespmem:s12+$0x8400] =	vst v11  }
0x1c: {  	[tilespmem:s12+$0x8410] =	vst v11  }
.Ltmp0:
0x1d: {  	[tilespmem:s12+$0x8420] =	vst v11;
	(pc) =	sbr.rel @p0 .LBB2_2-.Ltmp0, $4  }
0x1e: {  	[tilespmem:s12+$0x8430] =	vst v11  }
0x1f: {  	[tilespmem:s12+$0x8440] =	vst v11  }
0x20: {  	[tilespmem:s12+$0x8450] =	vst v11  }
0x21: {  	[tilespmem:s12+$0x8460] =	vst v11;
	s12 =	sshra.s32 s13, $0x2;
	s13 =	sadd.s32 $0x200, s13  }
0x22: {  	[tilespmem:s12+$0x8470] =	vst v11  }
0x23: {  	[tilespmem:s12+$0x8400] =	vst v11  }
0x24: {  	[tilespmem:s12+$0x8410] =	vst v11  }
0x25: {  	[tilespmem:s12+$0x8420] =	vst v11  }
0x26: {  	[tilespmem:s12+$0x8430] =	vst v11  }
0x27: {  	[tilespmem:s12+$0x8440] =	vst v11  }
0x28: {  	[tilespmem:s12+$0x8450] =	vst v11  }
0x29: {  	[tilespmem:s12+$0x8460] =	vst v11;
	s12 =	simm.s32 $0x0;
	s13 =	rddreg [dreg:$0x5];
	s0 =	simm.s32 $0x7  }
0x2a: {  	[tilespmem:s12], [sflag:$0x7] =	stream.linear.gather [hbm4b:s13+s12], $0x400, $0x38;
	[tilespmem:$0x1A480] =	vst v63  }
0x2b: {  	_ =	swait.ge [sflag:s0], $0x400  }
0x2c: {  	[sflag:s0] =	ssyncset.done $0x0  }
0x2d: {  	[sflag:s0] =	ssyncadd.s32 $0xFFFFFC00  }
0x2e: {  	[spmem:s14] =	stream.linear.scatter [tilespmem:s4], [sflag:$0x6], $0x2000, $0x38;
	[tilespmem:$0x1A480] =	vst v63  }
0x2f: {  	_ = 	snop  }
0x30: {  	[spmem:s22] =	stream.linear.scatter [tilespmem:s4], [sflag:$0x6], $0x2000, $0x38;
	[tilespmem:$0x1A480] =	vst v63  }
0x31: {  	_ = 	snop  }
0x32: {  	[spmem:s16] =	stream.linear.scatter [tilespmem:s4], [sflag:$0x6], $0x2000, $0x38;
	[tilespmem:$0x1A480] =	vst v63  }
0x33: {  	_ = 	snop  }
0x34: {  	[spmem:s26] =	stream.linear.scatter [tilespmem:s4], [sflag:$0x6], $0x2000, $0x38;
	[tilespmem:$0x1A480] =	vst v63  }
0x35: {  	_ = 	snop  }
0x36: {  	[spmem:s18] =	stream.linear.scatter [tilespmem:s4], [sflag:$0x6], $0x2000, $0x38;
	[tilespmem:$0x1A480] =	vst v63  }
0x37: {  	s26 =	rddreg [dreg:$0xe]  }
0x38: {  	[spmem:s26] =	stream.linear.scatter [tilespmem:s4], [sflag:$0x6], $0x2000, $0x38;
	[tilespmem:$0x1A480] =	vst v63  }
0x39: {  	_ = 	snop  }
0x3a: {  	[spmem:s30] =	stream.linear.scatter [tilespmem:s4], [sflag:$0x6], $0x2000, $0x38;
	[tilespmem:$0x1A480] =	vst v63  }
0x3b: {  	_ = 	snop  }
0x3c: {  	[spmem:s31] =	stream.linear.scatter [tilespmem:s4], [sflag:$0x6], $0x2000, $0x38;
	[tilespmem:$0x1A480] =	vst v63  }
0x3d: {  	_ =	swait.ge [sflag:s19], $0x2000  }
0x3e: {  	[sflag:s19] =	ssyncset.done $0x0  }
0x3f: {  	[sflag:s19] =	ssyncadd.s32 $0xFFFFE000  }
0x40: {  	_ =	swait.ge [sflag:s19], $0x2000  }
0x41: {  	[sflag:s19] =	ssyncset.done $0x0  }
0x42: {  	[sflag:s19] =	ssyncadd.s32 $0xFFFFE000  }
0x43: {  	_ =	swait.ge [sflag:s19], $0x2000  }
0x44: {  	[sflag:s19] =	ssyncset.done $0x0  }
0x45: {  	[sflag:s19] =	ssyncadd.s32 $0xFFFFE000  }
0x46: {  	_ =	swait.ge [sflag:s19], $0x2000  }
0x47: {  	[sflag:s19] =	ssyncset.done $0x0  }
0x48: {  	[sflag:s19] =	ssyncadd.s32 $0xFFFFE000  }
0x49: {  	_ =	swait.ge [sflag:s19], $0x2000  }
0x4a: {  	[sflag:s19] =	ssyncset.done $0x0  }
0x4b: {  	[sflag:s19] =	ssyncadd.s32 $0xFFFFE000  }
0x4c: {  	_ =	swait.ge [sflag:s19], $0x2000  }
0x4d: {  	[sflag:s19] =	ssyncset.done $0x0  }
0x4e: {  	[sflag:s19] =	ssyncadd.s32 $0xFFFFE000  }
0x4f: {  	_ =	swait.ge [sflag:s19], $0x2000  }
0x50: {  	[sflag:s19] =	ssyncset.done $0x0  }
0x51: {  	[sflag:s19] =	ssyncadd.s32 $0xFFFFE000  }
0x52: {  	_ =	swait.ge [sflag:s19], $0x2000  }
0x53: {  	[sflag:s19] =	ssyncset.done $0x0  }
0x54: {  	[sflag:s19] =	ssyncadd.s32 $0xFFFFE000  }
0x55: {  	[bflag:$0x0] =	sbarrier.arrive $0xFFFF  }
0x56: {  	s13 =	rddreg [dreg:$0xa]  }
.LBB2_4:
0x57: {  	p0 =	sne.s32 s12, $0x0  }
0x58: {  	vm1 =	vmmov @!p0 $0xffff;
	s14 =	simm.s32 @!p0 $0x0;
	s22 =	simm.s32 @!p0 $0x400  }
0x59: {  	[tilespmem:s22], [sflag:$0x1] =	stream.indirect_vreg.gather @!p0 [hbm4b:s1+s14], $0x80, v10, vm1, $0xb8;
	[tilespmem:$0x1A480] =	vst v63  }
0x5a: {  	s22 =	simm.s32 @!p0 $0xC00  }
0x5b: {  	[tilespmem:s22], [sflag:$0x1] =	stream.indirect_vreg.gather @!p0 [hbm4b:s1+s14], $0x80, v3, vm1, $0xb8;
	[tilespmem:$0x1A480] =	vst v63  }
0x5c: {  	s22 =	simm.s32 @!p0 $0x1400  }
0x5d: {  	[tilespmem:s22], [sflag:$0x1] =	stream.indirect_vreg.gather @!p0 [hbm4b:s1+s14], $0x80, v4, vm1, $0xb8;
	[tilespmem:$0x1A480] =	vst v63  }
0x5e: {  	s22 =	simm.s32 @!p0 $0x1C00  }
0x5f: {  	[tilespmem:s22], [sflag:$0x1] =	stream.indirect_vreg.gather @!p0 [hbm4b:s1+s14], $0x80, v5, vm1, $0xb8;
	[tilespmem:$0x1A480] =	vst v63  }
0x60: {  	s22 =	simm.s32 @!p0 $0x2400  }
0x61: {  	[tilespmem:s22], [sflag:$0x1] =	stream.indirect_vreg.gather @!p0 [hbm4b:s1+s14], $0x80, v6, vm1, $0xb8;
	[tilespmem:$0x1A480] =	vst v63  }
0x62: {  	s22 =	simm.s32 @!p0 $0x2C00  }
0x63: {  	[tilespmem:s22], [sflag:$0x1] =	stream.indirect_vreg.gather @!p0 [hbm4b:s1+s14], $0x80, v7, vm1, $0xb8;
	[tilespmem:$0x1A480] =	vst v63  }
0x64: {  	s22 =	simm.s32 @!p0 $0x3400  }
0x65: {  	[tilespmem:s22], [sflag:$0x1] =	stream.indirect_vreg.gather @!p0 [hbm4b:s1+s14], $0x80, v8, vm1, $0xb8;
	[tilespmem:$0x1A480] =	vst v63  }
0x66: {  	s22 =	simm.s32 @!p0 $0x3C00  }
0x67: {  	[tilespmem:s22], [sflag:$0x1] =	stream.indirect_vreg.gather @!p0 [hbm4b:s1+s14], $0x80, v9, vm1, $0xb8;
	[tilespmem:$0x1A480] =	vst v63  }
0x68: {  	_ =	swait.ge [sflag:s15], $0x4000  }
0x69: {  	[sflag:s15] =	ssyncset.done $0x0  }
0x6a: {  	[sflag:s15] =	ssyncadd.s32 $0xFFFFC000  }
0x6b: {  	v12 =	vld [tilespmem:$0x0];
	_ =	sdelay $0x4  }
0x6c: {  	vm1 =	vge.s32 v12, v1;
	vm2 =	vlt.s32 v12, v2  }
0x6d: {  	v12 =	vsub.s32 v12, v1;
	vm1 =	vmand vm1, vm2  }
0x6e: {  	v12 =	vnsel vm1, $0x2000, v12;
	_ =	sdelay $0x4  }
0x6f: {  	[spmem:s2] =	stream.indirect_vreg.scatter.add.f32 [tilespmem:s21], [sflag:$0x3], $0x80, v12, vm0, $0xb8;
	[tilespmem:$0x1A480] =	vst v63  }
0x70: {  	v12 =	vld [tilespmem:$0x10];
	_ =	sdelay $0x4  }
0x71: {  	vm1 =	vge.s32 v12, v1;
	vm2 =	vlt.s32 v12, v2  }
0x72: {  	v12 =	vsub.s32 v12, v1;
	vm1 =	vmand vm1, vm2  }
0x73: {  	v12 =	vnsel vm1, $0x2000, v12;
	_ =	sdelay $0x3  }
0x74: {  	s0 =	simm.s32 $0xC00  }
0x75: {  	[spmem:s2] =	stream.indirect_vreg.scatter.add.f32 [tilespmem:s0], [sflag:$0x3], $0x80, v12, vm0, $0xb8;
	[tilespmem:$0x1A480] =	vst v63  }
0x76: {  	v12 =	vld [tilespmem:$0x20];
	_ =	sdelay $0x4  }
0x77: {  	vm1 =	vge.s32 v12, v1;
	vm2 =	vlt.s32 v12, v2  }
0x78: {  	v12 =	vsub.s32 v12, v1;
	vm1 =	vmand vm1, vm2  }
0x79: {  	v12 =	vnsel vm1, $0x2000, v12;
	_ =	sdelay $0x3  }
0x7a: {  	s24 =	simm.s32 $0x1400  }
0x7b: {  	[spmem:s2] =	stream.indirect_vreg.scatter.add.f32 [tilespmem:s24], [sflag:$0x3], $0x80, v12, vm0, $0xb8;
	[tilespmem:$0x1A480] =	vst v63  }
0x7c: {  	v12 =	vld [tilespmem:$0x30];
	_ =	sdelay $0x4  }
0x7d: {  	vm1 =	vge.s32 v12, v1;
	vm2 =	vlt.s32 v12, v2  }
0x7e: {  	v12 =	vsub.s32 v12, v1;
	vm1 =	vmand vm1, vm2  }
0x7f: {  	v12 =	vnsel vm1, $0x2000, v12;
	_ =	sdelay $0x4  }
0x80: {  	[spmem:s2] =	stream.indirect_vreg.scatter.add.f32 [tilespmem:s28], [sflag:$0x3], $0x80, v12, vm0, $0xb8;
	[tilespmem:$0x1A480] =	vst v63  }
0x81: {  	v12 =	vld [tilespmem:$0x40];
	_ =	sdelay $0x4  }
0x82: {  	vm1 =	vge.s32 v12, v1;
	vm2 =	vlt.s32 v12, v2  }
0x83: {  	v12 =	vsub.s32 v12, v1;
	vm1 =	vmand vm1, vm2  }
0x84: {  	v12 =	vnsel vm1, $0x2000, v12;
	_ =	sdelay $0x3  }
0x85: {  	s26 =	simm.s32 $0x2400  }
0x86: {  	[spmem:s2] =	stream.indirect_vreg.scatter.add.f32 [tilespmem:s26], [sflag:$0x3], $0x80, v12, vm0, $0xb8;
	[tilespmem:$0x1A480] =	vst v63  }
0x87: {  	v12 =	vld [tilespmem:$0x50];
	_ =	sdelay $0x4  }
0x88: {  	vm1 =	vge.s32 v12, v1;
	vm2 =	vlt.s32 v12, v2  }
0x89: {  	v12 =	vsub.s32 v12, v1;
	vm1 =	vmand vm1, vm2  }
0x8a: {  	v12 =	vnsel vm1, $0x2000, v12;
	_ =	sdelay $0x3  }
0x8b: {  	s4 =	simm.s32 $0x2C00  }
0x8c: {  	[spmem:s2] =	stream.indirect_vreg.scatter.add.f32 [tilespmem:s4], [sflag:$0x3], $0x80, v12, vm0, $0xb8;
	[tilespmem:$0x1A480] =	vst v63  }
0x8d: {  	v12 =	vld [tilespmem:$0x60];
	_ =	sdelay $0x4  }
0x8e: {  	vm1 =	vge.s32 v12, v1;
	vm2 =	vlt.s32 v12, v2  }
0x8f: {  	v12 =	vsub.s32 v12, v1;
	vm1 =	vmand vm1, vm2  }
0x90: {  	v12 =	vnsel vm1, $0x2000, v12;
	_ =	sdelay $0x3  }
0x91: {  	s25 =	simm.s32 $0x3400  }
0x92: {  	[spmem:s2] =	stream.indirect_vreg.scatter.add.f32 [tilespmem:s25], [sflag:$0x3], $0x80, v12, vm0, $0xb8;
	[tilespmem:$0x1A480] =	vst v63  }
0x93: {  	v12 =	vld [tilespmem:$0x70];
	_ =	sdelay $0x4  }
0x94: {  	vm1 =	vge.s32 v12, v1;
	vm2 =	vlt.s32 v12, v2  }
0x95: {  	v12 =	vsub.s32 v12, v1;
	vm1 =	vmand vm1, vm2  }
0x96: {  	s14 =	sadd.s32 s12, s5;
	v12 =	vnsel vm1, $0x2000, v12  }
0x97: {  	s5 =	sadd.s32 $0x400, s14  }
0x98: {  	v13 =	vor.u32 s5, v0  }
0x99: {  	s6 =	sadd.s32 $0x480, s14  }
0x9a: {  	s18 =	simm.s32 $0x3C00;
	v14 =	vor.u32 s6, v0;
	s15 =	sadd.s32 $0x500, s14  }
0x9b: {  	[spmem:s2] =	stream.indirect_vreg.scatter.add.f32 [tilespmem:s18], [sflag:$0x3], $0x80, v12, vm0, $0xb8;
	[tilespmem:$0x1A480] =	vst v63  }
0x9c: {  	s16 =	sadd.s32 $0x580, s14;
	v51 =	vor.u32 s15, v0  }
0x9d: {  	[tilespmem:s10], [sflag:$0x2] =	stream.indirect_vreg.gather [hbm4b:s1+s3], $0x80, v13, vm0, $0xb8;
	[tilespmem:$0x1A480] =	vst v63  }
0x9e: {  	s23 =	sadd.s32 $0x600, s14;
	s6 =	simm.s32 $0x4C00;
	v52 =	vor.u32 s16, v0  }
0x9f: {  	[tilespmem:s6], [sflag:$0x2] =	stream.indirect_vreg.gather [hbm4b:s1+s3], $0x80, v14, vm0, $0xb8;
	[tilespmem:$0x1A480] =	vst v63  }
0xa0: {  	s22 =	sadd.s32 $0x680, s14;
	v53 =	vor.u32 s23, v0;
	s15 =	simm.s32 $0x5400  }
0xa1: {  	[tilespmem:s15], [sflag:$0x2] =	stream.indirect_vreg.gather [hbm4b:s1+s3], $0x80, v51, vm0, $0xb8;
	[tilespmem:$0x1A480] =	vst v63  }
0xa2: {  	s16 =	simm.s32 $0x5C00;
	v54 =	vor.u32 s22, v0;
	s22 =	sadd.s32 $0x700, s14  }
0xa3: {  	[tilespmem:s16], [sflag:$0x2] =	stream.indirect_vreg.gather [hbm4b:s1+s3], $0x80, v52, vm0, $0xb8;
	[tilespmem:$0x1A480] =	vst v63  }
0xa4: {  	v55 =	vor.u32 s22, v0;
	s22 =	sadd.s32 $0x780, s14  }
0xa5: {  	[tilespmem:s20], [sflag:$0x2] =	stream.indirect_vreg.gather [hbm4b:s1+s3], $0x80, v53, vm0, $0xb8;
	[tilespmem:$0x1A480] =	vst v63  }
0xa6: {  	v56 =	vor.u32 s22, v0  }
0xa7: {  	[tilespmem:s7], [sflag:$0x2] =	stream.indirect_vreg.gather [hbm4b:s1+s3], $0x80, v54, vm0, $0xb8;
	[tilespmem:$0x1A480] =	vst v63  }
0xa8: {  	_ = 	snop  }
0xa9: {  	[tilespmem:s29], [sflag:$0x2] =	stream.indirect_vreg.gather [hbm4b:s1+s3], $0x80, v55, vm0, $0xb8;
	[tilespmem:$0x1A480] =	vst v63  }
0xaa: {  	_ = 	snop  }
0xab: {  	[tilespmem:s17], [sflag:$0x2] =	stream.indirect_vreg.gather [hbm4b:s1+s3], $0x80, v56, vm0, $0xb8;
	[tilespmem:$0x1A480] =	vst v63  }
0xac: {  	_ =	swait.ge [sflag:s8], $0x4000  }
0xad: {  	[sflag:s8] =	ssyncset.done $0x0  }
0xae: {  	[sflag:s8] =	ssyncadd.s32 $0xFFFFC000  }
0xaf: {  	v57 =	vld [tilespmem:$0x80];
	_ =	sdelay $0x4  }
0xb0: {  	vm1 =	vge.s32 v57, v1;
	vm2 =	vlt.s32 v57, v2  }
0xb1: {  	v12 =	vsub.s32 v57, v1;
	vm1 =	vmand vm1, vm2  }
0xb2: {  	v12 =	vnsel vm1, $0x2000, v12;
	_ =	sdelay $0x4  }
0xb3: {  	[spmem:s2] =	stream.indirect_vreg.scatter.add.f32 [tilespmem:s10], [sflag:$0x4], $0x80, v12, vm0, $0xb8;
	[tilespmem:$0x1A480] =	vst v63  }
0xb4: {  	v12 =	vld [tilespmem:$0x90];
	_ =	sdelay $0x4  }
0xb5: {  	vm1 =	vge.s32 v12, v1;
	vm2 =	vlt.s32 v12, v2  }
0xb6: {  	v12 =	vsub.s32 v12, v1;
	vm1 =	vmand vm1, vm2  }
0xb7: {  	v12 =	vnsel vm1, $0x2000, v12;
	_ =	sdelay $0x4  }
0xb8: {  	[spmem:s2] =	stream.indirect_vreg.scatter.add.f32 [tilespmem:s6], [sflag:$0x4], $0x80, v12, vm0, $0xb8;
	[tilespmem:$0x1A480] =	vst v63  }
0xb9: {  	v12 =	vld [tilespmem:$0xA0];
	_ =	sdelay $0x4  }
0xba: {  	vm1 =	vge.s32 v12, v1;
	vm2 =	vlt.s32 v12, v2  }
0xbb: {  	v12 =	vsub.s32 v12, v1;
	vm1 =	vmand vm1, vm2  }
0xbc: {  	v12 =	vnsel vm1, $0x2000, v12;
	_ =	sdelay $0x4  }
0xbd: {  	[spmem:s2] =	stream.indirect_vreg.scatter.add.f32 [tilespmem:s15], [sflag:$0x4], $0x80, v12, vm0, $0xb8;
	[tilespmem:$0x1A480] =	vst v63  }
0xbe: {  	v12 =	vld [tilespmem:$0xB0];
	_ =	sdelay $0x4  }
0xbf: {  	vm1 =	vge.s32 v12, v1;
	vm2 =	vlt.s32 v12, v2  }
0xc0: {  	v12 =	vsub.s32 v12, v1;
	vm1 =	vmand vm1, vm2  }
0xc1: {  	v12 =	vnsel vm1, $0x2000, v12;
	_ =	sdelay $0x4  }
0xc2: {  	[spmem:s2] =	stream.indirect_vreg.scatter.add.f32 [tilespmem:s16], [sflag:$0x4], $0x80, v12, vm0, $0xb8;
	[tilespmem:$0x1A480] =	vst v63  }
0xc3: {  	v12 =	vld [tilespmem:$0xC0];
	_ =	sdelay $0x4  }
0xc4: {  	vm1 =	vge.s32 v12, v1;
	vm2 =	vlt.s32 v12, v2  }
0xc5: {  	v12 =	vsub.s32 v12, v1;
	vm1 =	vmand vm1, vm2  }
0xc6: {  	v12 =	vnsel vm1, $0x2000, v12;
	_ =	sdelay $0x4  }
0xc7: {  	[spmem:s2] =	stream.indirect_vreg.scatter.add.f32 [tilespmem:s20], [sflag:$0x4], $0x80, v12, vm0, $0xb8;
	[tilespmem:$0x1A480] =	vst v63  }
0xc8: {  	v12 =	vld [tilespmem:$0xD0];
	_ =	sdelay $0x4  }
0xc9: {  	vm1 =	vge.s32 v12, v1;
	vm2 =	vlt.s32 v12, v2  }
0xca: {  	v12 =	vsub.s32 v12, v1;
	vm1 =	vmand vm1, vm2  }
0xcb: {  	v12 =	vnsel vm1, $0x2000, v12;
	_ =	sdelay $0x4  }
0xcc: {  	[spmem:s2] =	stream.indirect_vreg.scatter.add.f32 [tilespmem:s7], [sflag:$0x4], $0x80, v12, vm0, $0xb8;
	[tilespmem:$0x1A480] =	vst v63  }
0xcd: {  	v12 =	vld [tilespmem:$0xE0];
	_ =	sdelay $0x4  }
0xce: {  	vm1 =	vge.s32 v12, v1;
	vm2 =	vlt.s32 v12, v2  }
0xcf: {  	v12 =	vsub.s32 v12, v1;
	vm1 =	vmand vm1, vm2  }
0xd0: {  	v12 =	vnsel vm1, $0x2000, v12;
	_ =	sdelay $0x4  }
0xd1: {  	[spmem:s2] =	stream.indirect_vreg.scatter.add.f32 [tilespmem:s29], [sflag:$0x4], $0x80, v12, vm0, $0xb8;
	[tilespmem:$0x1A480] =	vst v63  }
0xd2: {  	v12 =	vld [tilespmem:$0xF0];
	_ =	sdelay $0x4  }
0xd3: {  	vm1 =	vge.s32 v12, v1;
	vm2 =	vlt.s32 v12, v2  }
0xd4: {  	v12 =	vsub.s32 v12, v1;
	vm1 =	vmand vm1, vm2  }
0xd5: {  	v12 =	vnsel vm1, $0x2000, v12;
	_ =	sdelay $0x2  }
0xd6: {  	s22 =	sadd.s32 $0x800, s14  }
0xd7: {  	v58 =	vor.u32 s22, v0;
	s22 =	sadd.s32 $0x880, s14  }
0xd8: {  	[spmem:s2] =	stream.indirect_vreg.scatter.add.f32 [tilespmem:s17], [sflag:$0x4], $0x80, v12, vm0, $0xb8;
	[tilespmem:$0x1A480] =	vst v63  }
0xd9: {  	v59 =	vor.u32 s22, v0;
	_ =	swait.ge [sflag:s9], $0x4000  }
0xda: {  	s22 =	sadd.s32 $0x900, s14;
	[sflag:s9] =	ssyncset.done $0x0  }
0xdb: {  	v60 =	vor.u32 s22, v0;
	s22 =	sadd.s32 $0x980, s14;
	[sflag:s9] =	ssyncadd.s32 $0xFFFFC000  }
0xdc: {  	[tilespmem:s21], [sflag:$0x1] =	stream.indirect_vreg.gather [hbm4b:s1+s3], $0x80, v58, vm0, $0xb8;
	[tilespmem:$0x1A480] =	vst v63  }
0xdd: {  	v61 =	vor.u32 s22, v0;
	s22 =	sadd.s32 $0xA00, s14  }
0xde: {  	[tilespmem:s0], [sflag:$0x1] =	stream.indirect_vreg.gather [hbm4b:s1+s3], $0x80, v59, vm0, $0xb8;
	[tilespmem:$0x1A480] =	vst v63  }
0xdf: {  	v62 =	vor.u32 s22, v0;
	s22 =	sadd.s32 $0xA80, s14  }
0xe0: {  	[tilespmem:s24], [sflag:$0x1] =	stream.indirect_vreg.gather [hbm4b:s1+s3], $0x80, v60, vm0, $0xb8;
	[tilespmem:$0x1A480] =	vst v63  }
0xe1: {  	v63 =	vor.u32 s22, v0;
	s22 =	sadd.s32 $0xB00, s14  }
0xe2: {  	[tilespmem:s28], [sflag:$0x1] =	stream.indirect_vreg.gather [hbm4b:s1+s3], $0x80, v61, vm0, $0xb8;
	[tilespmem:$0x1A480] =	vst v63  }
0xe3: {  	v16 =	vor.u32 s22, v0;
	s22 =	sadd.s32 $0xB80, s14  }
0xe4: {  	[tilespmem:s26], [sflag:$0x1] =	stream.indirect_vreg.gather [hbm4b:s1+s3], $0x80, v62, vm0, $0xb8;
	[tilespmem:$0x1A480] =	vst v63  }
0xe5: {  	v17 =	vor.u32 s22, v0  }
0xe6: {  	[tilespmem:s4], [sflag:$0x1] =	stream.indirect_vreg.gather [hbm4b:s1+s3], $0x80, v63, vm0, $0xb8;
	[tilespmem:$0x1A480] =	vst v63  }
0xe7: {  	_ = 	snop  }
0xe8: {  	[tilespmem:s25], [sflag:$0x1] =	stream.indirect_vreg.gather [hbm4b:s1+s3], $0x80, v16, vm0, $0xb8;
	[tilespmem:$0x1A480] =	vst v63  }
0xe9: {  	s5 =	simm.s32 $0x1  }
0xea: {  	[tilespmem:s18], [sflag:$0x1] =	stream.indirect_vreg.gather [hbm4b:s1+s3], $0x80, v17, vm0, $0xb8;
	[tilespmem:$0x1A480] =	vst v63  }
0xeb: {  	_ =	swait.ge [sflag:s5], $0x4000  }
0xec: {  	[sflag:s5] =	ssyncset.done $0x0  }
0xed: {  	[sflag:s5] =	ssyncadd.s32 $0xFFFFC000  }
0xee: {  	v18 =	vld [tilespmem:$0x100];
	_ =	sdelay $0x4  }
0xef: {  	vm1 =	vge.s32 v18, v1;
	vm2 =	vlt.s32 v18, v2  }
0xf0: {  	v12 =	vsub.s32 v18, v1;
	vm1 =	vmand vm1, vm2  }
0xf1: {  	v12 =	vnsel vm1, $0x2000, v12;
	_ =	sdelay $0x4  }
0xf2: {  	[spmem:s2] =	stream.indirect_vreg.scatter.add.f32 [tilespmem:s21], [sflag:$0x3], $0x80, v12, vm0, $0xb8;
	[tilespmem:$0x1A480] =	vst v63  }
0xf3: {  	v12 =	vld [tilespmem:$0x110];
	_ =	sdelay $0x4  }
0xf4: {  	vm1 =	vge.s32 v12, v1;
	vm2 =	vlt.s32 v12, v2  }
0xf5: {  	v12 =	vsub.s32 v12, v1;
	vm1 =	vmand vm1, vm2  }
0xf6: {  	v12 =	vnsel vm1, $0x2000, v12;
	_ =	sdelay $0x4  }
0xf7: {  	[spmem:s2] =	stream.indirect_vreg.scatter.add.f32 [tilespmem:s0], [sflag:$0x3], $0x80, v12, vm0, $0xb8;
	[tilespmem:$0x1A480] =	vst v63  }
0xf8: {  	v12 =	vld [tilespmem:$0x120];
	_ =	sdelay $0x4  }
0xf9: {  	vm1 =	vge.s32 v12, v1;
	vm2 =	vlt.s32 v12, v2  }
0xfa: {  	v12 =	vsub.s32 v12, v1;
	vm1 =	vmand vm1, vm2  }
0xfb: {  	v12 =	vnsel vm1, $0x2000, v12;
	_ =	sdelay $0x4  }
0xfc: {  	[spmem:s2] =	stream.indirect_vreg.scatter.add.f32 [tilespmem:s24], [sflag:$0x3], $0x80, v12, vm0, $0xb8;
	[tilespmem:$0x1A480] =	vst v63  }
0xfd: {  	v12 =	vld [tilespmem:$0x130];
	_ =	sdelay $0x4  }
0xfe: {  	vm1 =	vge.s32 v12, v1;
	vm2 =	vlt.s32 v12, v2  }
0xff: {  	v12 =	vsub.s32 v12, v1;
	vm1 =	vmand vm1, vm2  }
0x100: {  	v12 =	vnsel vm1, $0x2000, v12;
	_ =	sdelay $0x4  }
0x101: {  	[spmem:s2] =	stream.indirect_vreg.scatter.add.f32 [tilespmem:s28], [sflag:$0x3], $0x80, v12, vm0, $0xb8;
	[tilespmem:$0x1A480] =	vst v63  }
0x102: {  	v12 =	vld [tilespmem:$0x140];
	_ =	sdelay $0x4  }
0x103: {  	vm1 =	vge.s32 v12, v1;
	vm2 =	vlt.s32 v12, v2  }
0x104: {  	v12 =	vsub.s32 v12, v1;
	vm1 =	vmand vm1, vm2  }
0x105: {  	v12 =	vnsel vm1, $0x2000, v12;
	_ =	sdelay $0x4  }
0x106: {  	[spmem:s2] =	stream.indirect_vreg.scatter.add.f32 [tilespmem:s26], [sflag:$0x3], $0x80, v12, vm0, $0xb8;
	[tilespmem:$0x1A480] =	vst v63  }
0x107: {  	v12 =	vld [tilespmem:$0x150];
	_ =	sdelay $0x4  }
0x108: {  	vm1 =	vge.s32 v12, v1;
	vm2 =	vlt.s32 v12, v2  }
0x109: {  	v12 =	vsub.s32 v12, v1;
	vm1 =	vmand vm1, vm2  }
0x10a: {  	v12 =	vnsel vm1, $0x2000, v12;
	_ =	sdelay $0x4  }
0x10b: {  	[spmem:s2] =	stream.indirect_vreg.scatter.add.f32 [tilespmem:s4], [sflag:$0x3], $0x80, v12, vm0, $0xb8;
	[tilespmem:$0x1A480] =	vst v63  }
0x10c: {  	v12 =	vld [tilespmem:$0x160];
	_ =	sdelay $0x4  }
0x10d: {  	vm1 =	vge.s32 v12, v1;
	vm2 =	vlt.s32 v12, v2  }
0x10e: {  	v12 =	vsub.s32 v12, v1;
	vm1 =	vmand vm1, vm2  }
0x10f: {  	v12 =	vnsel vm1, $0x2000, v12;
	_ =	sdelay $0x4  }
0x110: {  	[spmem:s2] =	stream.indirect_vreg.scatter.add.f32 [tilespmem:s25], [sflag:$0x3], $0x80, v12, vm0, $0xb8;
	[tilespmem:$0x1A480] =	vst v63  }
0x111: {  	v12 =	vld [tilespmem:$0x170];
	_ =	sdelay $0x4  }
0x112: {  	vm1 =	vge.s32 v12, v1;
	vm2 =	vlt.s32 v12, v2  }
0x113: {  	v12 =	vsub.s32 v12, v1;
	vm1 =	vmand vm1, vm2  }
0x114: {  	v12 =	vnsel vm1, $0x2000, v12;
	_ =	sdelay $0x2  }
0x115: {  	s22 =	sadd.s32 $0xC00, s14  }
0x116: {  	s23 =	simm.s32 $0x4;
	v19 =	vor.u32 s22, v0;
	s22 =	sadd.s32 $0xC80, s14  }
0x117: {  	[spmem:s2] =	stream.indirect_vreg.scatter.add.f32 [tilespmem:s18], [sflag:$0x3], $0x80, v12, vm0, $0xb8;
	[tilespmem:$0x1A480] =	vst v63  }
0x118: {  	v20 =	vor.u32 s22, v0;
	_ =	swait.ge [sflag:s23], $0x4000  }
0x119: {  	s22 =	sadd.s32 $0xD00, s14;
	[sflag:s23] =	ssyncset.done $0x0  }
0x11a: {  	v21 =	vor.u32 s22, v0;
	s22 =	sadd.s32 $0xD80, s14;
	[sflag:s23] =	ssyncadd.s32 $0xFFFFC000  }
0x11b: {  	[tilespmem:s10], [sflag:$0x2] =	stream.indirect_vreg.gather [hbm4b:s1+s3], $0x80, v19, vm0, $0xb8;
	[tilespmem:$0x1A480] =	vst v63  }
0x11c: {  	v22 =	vor.u32 s22, v0;
	s22 =	sadd.s32 $0xE00, s14  }
0x11d: {  	[tilespmem:s6], [sflag:$0x2] =	stream.indirect_vreg.gather [hbm4b:s1+s3], $0x80, v20, vm0, $0xb8;
	[tilespmem:$0x1A480] =	vst v63  }
0x11e: {  	v23 =	vor.u32 s22, v0;
	s22 =	sadd.s32 $0xE80, s14  }
0x11f: {  	[tilespmem:s15], [sflag:$0x2] =	stream.indirect_vreg.gather [hbm4b:s1+s3], $0x80, v21, vm0, $0xb8;
	[tilespmem:$0x1A480] =	vst v63  }
0x120: {  	v24 =	vor.u32 s22, v0;
	s22 =	sadd.s32 $0xF00, s14  }
0x121: {  	[tilespmem:s16], [sflag:$0x2] =	stream.indirect_vreg.gather [hbm4b:s1+s3], $0x80, v22, vm0, $0xb8;
	[tilespmem:$0x1A480] =	vst v63  }
0x122: {  	v25 =	vor.u32 s22, v0;
	s22 =	sadd.s32 $0xF80, s14  }
0x123: {  	[tilespmem:s20], [sflag:$0x2] =	stream.indirect_vreg.gather [hbm4b:s1+s3], $0x80, v23, vm0, $0xb8;
	[tilespmem:$0x1A480] =	vst v63  }
0x124: {  	v26 =	vor.u32 s22, v0  }
0x125: {  	[tilespmem:s7], [sflag:$0x2] =	stream.indirect_vreg.gather [hbm4b:s1+s3], $0x80, v24, vm0, $0xb8;
	[tilespmem:$0x1A480] =	vst v63  }
0x126: {  	_ = 	snop  }
0x127: {  	[tilespmem:s29], [sflag:$0x2] =	stream.indirect_vreg.gather [hbm4b:s1+s3], $0x80, v25, vm0, $0xb8;
	[tilespmem:$0x1A480] =	vst v63  }
0x128: {  	_ = 	snop  }
0x129: {  	[tilespmem:s17], [sflag:$0x2] =	stream.indirect_vreg.gather [hbm4b:s1+s3], $0x80, v26, vm0, $0xb8;
	[tilespmem:$0x1A480] =	vst v63  }
0x12a: {  	_ =	swait.ge [sflag:s8], $0x4000  }
0x12b: {  	[sflag:s8] =	ssyncset.done $0x0  }
0x12c: {  	[sflag:s8] =	ssyncadd.s32 $0xFFFFC000  }
0x12d: {  	v27 =	vld [tilespmem:$0x180];
	_ =	sdelay $0x4  }
0x12e: {  	vm1 =	vge.s32 v27, v1;
	vm2 =	vlt.s32 v27, v2  }
0x12f: {  	v12 =	vsub.s32 v27, v1;
	vm1 =	vmand vm1, vm2  }
0x130: {  	v12 =	vnsel vm1, $0x2000, v12;
	_ =	sdelay $0x4  }
0x131: {  	[spmem:s2] =	stream.indirect_vreg.scatter.add.f32 [tilespmem:s10], [sflag:$0x4], $0x80, v12, vm0, $0xb8;
	[tilespmem:$0x1A480] =	vst v63  }
0x132: {  	v12 =	vld [tilespmem:$0x190];
	_ =	sdelay $0x4  }
0x133: {  	vm1 =	vge.s32 v12, v1;
	vm2 =	vlt.s32 v12, v2  }
0x134: {  	v12 =	vsub.s32 v12, v1;
	vm1 =	vmand vm1, vm2  }
0x135: {  	v12 =	vnsel vm1, $0x2000, v12;
	_ =	sdelay $0x4  }
0x136: {  	[spmem:s2] =	stream.indirect_vreg.scatter.add.f32 [tilespmem:s6], [sflag:$0x4], $0x80, v12, vm0, $0xb8;
	[tilespmem:$0x1A480] =	vst v63  }
0x137: {  	v12 =	vld [tilespmem:$0x1A0];
	_ =	sdelay $0x4  }
0x138: {  	vm1 =	vge.s32 v12, v1;
	vm2 =	vlt.s32 v12, v2  }
0x139: {  	v12 =	vsub.s32 v12, v1;
	vm1 =	vmand vm1, vm2  }
0x13a: {  	v12 =	vnsel vm1, $0x2000, v12;
	_ =	sdelay $0x4  }
0x13b: {  	[spmem:s2] =	stream.indirect_vreg.scatter.add.f32 [tilespmem:s15], [sflag:$0x4], $0x80, v12, vm0, $0xb8;
	[tilespmem:$0x1A480] =	vst v63  }
0x13c: {  	v12 =	vld [tilespmem:$0x1B0];
	_ =	sdelay $0x4  }
0x13d: {  	vm1 =	vge.s32 v12, v1;
	vm2 =	vlt.s32 v12, v2  }
0x13e: {  	v12 =	vsub.s32 v12, v1;
	vm1 =	vmand vm1, vm2  }
0x13f: {  	v12 =	vnsel vm1, $0x2000, v12;
	_ =	sdelay $0x4  }
0x140: {  	[spmem:s2] =	stream.indirect_vreg.scatter.add.f32 [tilespmem:s16], [sflag:$0x4], $0x80, v12, vm0, $0xb8;
	[tilespmem:$0x1A480] =	vst v63  }
0x141: {  	v12 =	vld [tilespmem:$0x1C0];
	_ =	sdelay $0x4  }
0x142: {  	vm1 =	vge.s32 v12, v1;
	vm2 =	vlt.s32 v12, v2  }
0x143: {  	v12 =	vsub.s32 v12, v1;
	vm1 =	vmand vm1, vm2  }
0x144: {  	v12 =	vnsel vm1, $0x2000, v12;
	_ =	sdelay $0x4  }
0x145: {  	[spmem:s2] =	stream.indirect_vreg.scatter.add.f32 [tilespmem:s20], [sflag:$0x4], $0x80, v12, vm0, $0xb8;
	[tilespmem:$0x1A480] =	vst v63  }
0x146: {  	v12 =	vld [tilespmem:$0x1D0];
	_ =	sdelay $0x4  }
0x147: {  	vm1 =	vge.s32 v12, v1;
	vm2 =	vlt.s32 v12, v2  }
0x148: {  	v12 =	vsub.s32 v12, v1;
	vm1 =	vmand vm1, vm2  }
0x149: {  	v12 =	vnsel vm1, $0x2000, v12;
	_ =	sdelay $0x4  }
0x14a: {  	[spmem:s2] =	stream.indirect_vreg.scatter.add.f32 [tilespmem:s7], [sflag:$0x4], $0x80, v12, vm0, $0xb8;
	[tilespmem:$0x1A480] =	vst v63  }
0x14b: {  	v12 =	vld [tilespmem:$0x1E0];
	_ =	sdelay $0x4  }
0x14c: {  	vm1 =	vge.s32 v12, v1;
	vm2 =	vlt.s32 v12, v2  }
0x14d: {  	v12 =	vsub.s32 v12, v1;
	vm1 =	vmand vm1, vm2  }
0x14e: {  	v12 =	vnsel vm1, $0x2000, v12;
	_ =	sdelay $0x4  }
0x14f: {  	[spmem:s2] =	stream.indirect_vreg.scatter.add.f32 [tilespmem:s29], [sflag:$0x4], $0x80, v12, vm0, $0xb8;
	[tilespmem:$0x1A480] =	vst v63  }
0x150: {  	v12 =	vld [tilespmem:$0x1F0];
	_ =	sdelay $0x4  }
0x151: {  	vm1 =	vge.s32 v12, v1;
	vm2 =	vlt.s32 v12, v2  }
0x152: {  	v12 =	vsub.s32 v12, v1;
	vm1 =	vmand vm1, vm2  }
0x153: {  	v12 =	vnsel vm1, $0x2000, v12;
	_ =	sdelay $0x2  }
0x154: {  	s22 =	sadd.s32 $0x1000, s14  }
0x155: {  	v28 =	vor.u32 s22, v0;
	s22 =	sadd.s32 $0x1080, s14  }
0x156: {  	[spmem:s2] =	stream.indirect_vreg.scatter.add.f32 [tilespmem:s17], [sflag:$0x4], $0x80, v12, vm0, $0xb8;
	[tilespmem:$0x1A480] =	vst v63  }
0x157: {  	v29 =	vor.u32 s22, v0;
	_ =	swait.ge [sflag:s9], $0x4000  }
0x158: {  	s22 =	sadd.s32 $0x1100, s14;
	[sflag:s9] =	ssyncset.done $0x0  }
0x159: {  	v30 =	vor.u32 s22, v0;
	s22 =	sadd.s32 $0x1180, s14;
	[sflag:s9] =	ssyncadd.s32 $0xFFFFC000  }
0x15a: {  	[tilespmem:s21], [sflag:$0x1] =	stream.indirect_vreg.gather [hbm4b:s1+s3], $0x80, v28, vm0, $0xb8;
	[tilespmem:$0x1A480] =	vst v63  }
0x15b: {  	v31 =	vor.u32 s22, v0;
	s22 =	sadd.s32 $0x1200, s14  }
0x15c: {  	[tilespmem:s0], [sflag:$0x1] =	stream.indirect_vreg.gather [hbm4b:s1+s3], $0x80, v29, vm0, $0xb8;
	[tilespmem:$0x1A480] =	vst v63  }
0x15d: {  	v32 =	vor.u32 s22, v0;
	s22 =	sadd.s32 $0x1280, s14  }
0x15e: {  	[tilespmem:s24], [sflag:$0x1] =	stream.indirect_vreg.gather [hbm4b:s1+s3], $0x80, v30, vm0, $0xb8;
	[tilespmem:$0x1A480] =	vst v63  }
0x15f: {  	v33 =	vor.u32 s22, v0;
	s22 =	sadd.s32 $0x1300, s14  }
0x160: {  	[tilespmem:s28], [sflag:$0x1] =	stream.indirect_vreg.gather [hbm4b:s1+s3], $0x80, v31, vm0, $0xb8;
	[tilespmem:$0x1A480] =	vst v63  }
0x161: {  	v34 =	vor.u32 s22, v0;
	s22 =	sadd.s32 $0x1380, s14  }
0x162: {  	[tilespmem:s26], [sflag:$0x1] =	stream.indirect_vreg.gather [hbm4b:s1+s3], $0x80, v32, vm0, $0xb8;
	[tilespmem:$0x1A480] =	vst v63  }
0x163: {  	v35 =	vor.u32 s22, v0  }
0x164: {  	[tilespmem:s4], [sflag:$0x1] =	stream.indirect_vreg.gather [hbm4b:s1+s3], $0x80, v33, vm0, $0xb8;
	[tilespmem:$0x1A480] =	vst v63  }
0x165: {  	_ = 	snop  }
0x166: {  	[tilespmem:s25], [sflag:$0x1] =	stream.indirect_vreg.gather [hbm4b:s1+s3], $0x80, v34, vm0, $0xb8;
	[tilespmem:$0x1A480] =	vst v63  }
0x167: {  	_ = 	snop  }
0x168: {  	[tilespmem:s18], [sflag:$0x1] =	stream.indirect_vreg.gather [hbm4b:s1+s3], $0x80, v35, vm0, $0xb8;
	[tilespmem:$0x1A480] =	vst v63  }
0x169: {  	_ =	swait.ge [sflag:s5], $0x4000  }
0x16a: {  	[sflag:s5] =	ssyncset.done $0x0  }
0x16b: {  	[sflag:s5] =	ssyncadd.s32 $0xFFFFC000  }
0x16c: {  	v36 =	vld [tilespmem:$0x200];
	_ =	sdelay $0x4  }
0x16d: {  	vm1 =	vge.s32 v36, v1;
	vm2 =	vlt.s32 v36, v2  }
0x16e: {  	v12 =	vsub.s32 v36, v1;
	vm1 =	vmand vm1, vm2  }
0x16f: {  	v12 =	vnsel vm1, $0x2000, v12;
	_ =	sdelay $0x4  }
0x170: {  	[spmem:s2] =	stream.indirect_vreg.scatter.add.f32 [tilespmem:s21], [sflag:$0x3], $0x80, v12, vm0, $0xb8;
	[tilespmem:$0x1A480] =	vst v63  }
0x171: {  	v12 =	vld [tilespmem:$0x210];
	_ =	sdelay $0x4  }
0x172: {  	vm1 =	vge.s32 v12, v1;
	vm2 =	vlt.s32 v12, v2  }
0x173: {  	v12 =	vsub.s32 v12, v1;
	vm1 =	vmand vm1, vm2  }
0x174: {  	v12 =	vnsel vm1, $0x2000, v12;
	_ =	sdelay $0x4  }
0x175: {  	[spmem:s2] =	stream.indirect_vreg.scatter.add.f32 [tilespmem:s0], [sflag:$0x3], $0x80, v12, vm0, $0xb8;
	[tilespmem:$0x1A480] =	vst v63  }
0x176: {  	v12 =	vld [tilespmem:$0x220];
	_ =	sdelay $0x4  }
0x177: {  	vm1 =	vge.s32 v12, v1;
	vm2 =	vlt.s32 v12, v2  }
0x178: {  	v12 =	vsub.s32 v12, v1;
	vm1 =	vmand vm1, vm2  }
0x179: {  	v12 =	vnsel vm1, $0x2000, v12;
	_ =	sdelay $0x4  }
0x17a: {  	[spmem:s2] =	stream.indirect_vreg.scatter.add.f32 [tilespmem:s24], [sflag:$0x3], $0x80, v12, vm0, $0xb8;
	[tilespmem:$0x1A480] =	vst v63  }
0x17b: {  	v12 =	vld [tilespmem:$0x230];
	_ =	sdelay $0x4  }
0x17c: {  	vm1 =	vge.s32 v12, v1;
	vm2 =	vlt.s32 v12, v2  }
0x17d: {  	v12 =	vsub.s32 v12, v1;
	vm1 =	vmand vm1, vm2  }
0x17e: {  	v12 =	vnsel vm1, $0x2000, v12;
	_ =	sdelay $0x4  }
0x17f: {  	[spmem:s2] =	stream.indirect_vreg.scatter.add.f32 [tilespmem:s28], [sflag:$0x3], $0x80, v12, vm0, $0xb8;
	[tilespmem:$0x1A480] =	vst v63  }
0x180: {  	v12 =	vld [tilespmem:$0x240];
	_ =	sdelay $0x4  }
0x181: {  	vm1 =	vge.s32 v12, v1;
	vm2 =	vlt.s32 v12, v2  }
0x182: {  	v12 =	vsub.s32 v12, v1;
	vm1 =	vmand vm1, vm2  }
0x183: {  	v12 =	vnsel vm1, $0x2000, v12;
	_ =	sdelay $0x4  }
0x184: {  	[spmem:s2] =	stream.indirect_vreg.scatter.add.f32 [tilespmem:s26], [sflag:$0x3], $0x80, v12, vm0, $0xb8;
	[tilespmem:$0x1A480] =	vst v63  }
0x185: {  	v12 =	vld [tilespmem:$0x250];
	_ =	sdelay $0x4  }
0x186: {  	vm1 =	vge.s32 v12, v1;
	vm2 =	vlt.s32 v12, v2  }
0x187: {  	v12 =	vsub.s32 v12, v1;
	vm1 =	vmand vm1, vm2  }
0x188: {  	v12 =	vnsel vm1, $0x2000, v12;
	_ =	sdelay $0x4  }
0x189: {  	[spmem:s2] =	stream.indirect_vreg.scatter.add.f32 [tilespmem:s4], [sflag:$0x3], $0x80, v12, vm0, $0xb8;
	[tilespmem:$0x1A480] =	vst v63  }
0x18a: {  	v12 =	vld [tilespmem:$0x260];
	_ =	sdelay $0x4  }
0x18b: {  	vm1 =	vge.s32 v12, v1;
	vm2 =	vlt.s32 v12, v2  }
0x18c: {  	v12 =	vsub.s32 v12, v1;
	vm1 =	vmand vm1, vm2  }
0x18d: {  	v12 =	vnsel vm1, $0x2000, v12;
	_ =	sdelay $0x4  }
0x18e: {  	[spmem:s2] =	stream.indirect_vreg.scatter.add.f32 [tilespmem:s25], [sflag:$0x3], $0x80, v12, vm0, $0xb8;
	[tilespmem:$0x1A480] =	vst v63  }
0x18f: {  	v12 =	vld [tilespmem:$0x270];
	_ =	sdelay $0x4  }
0x190: {  	vm1 =	vge.s32 v12, v1;
	vm2 =	vlt.s32 v12, v2  }
0x191: {  	v12 =	vsub.s32 v12, v1;
	vm1 =	vmand vm1, vm2  }
0x192: {  	v12 =	vnsel vm1, $0x2000, v12;
	_ =	sdelay $0x2  }
0x193: {  	s22 =	sadd.s32 $0x1400, s14  }
0x194: {  	v37 =	vor.u32 s22, v0;
	s22 =	sadd.s32 $0x1480, s14  }
0x195: {  	[spmem:s2] =	stream.indirect_vreg.scatter.add.f32 [tilespmem:s18], [sflag:$0x3], $0x80, v12, vm0, $0xb8;
	[tilespmem:$0x1A480] =	vst v63  }
0x196: {  	v38 =	vor.u32 s22, v0;
	_ =	swait.ge [sflag:s23], $0x4000  }
0x197: {  	s22 =	sadd.s32 $0x1500, s14;
	[sflag:s23] =	ssyncset.done $0x0  }
0x198: {  	v39 =	vor.u32 s22, v0;
	s22 =	sadd.s32 $0x1580, s14;
	[sflag:s23] =	ssyncadd.s32 $0xFFFFC000  }
0x199: {  	[tilespmem:s10], [sflag:$0x2] =	stream.indirect_vreg.gather [hbm4b:s1+s3], $0x80, v37, vm0, $0xb8;
	[tilespmem:$0x1A480] =	vst v63  }
0x19a: {  	v40 =	vor.u32 s22, v0;
	s22 =	sadd.s32 $0x1600, s14  }
0x19b: {  	[tilespmem:s6], [sflag:$0x2] =	stream.indirect_vreg.gather [hbm4b:s1+s3], $0x80, v38, vm0, $0xb8;
	[tilespmem:$0x1A480] =	vst v63  }
0x19c: {  	v41 =	vor.u32 s22, v0;
	s22 =	sadd.s32 $0x1680, s14  }
0x19d: {  	[tilespmem:s15], [sflag:$0x2] =	stream.indirect_vreg.gather [hbm4b:s1+s3], $0x80, v39, vm0, $0xb8;
	[tilespmem:$0x1A480] =	vst v63  }
0x19e: {  	v42 =	vor.u32 s22, v0;
	s22 =	sadd.s32 $0x1700, s14  }
0x19f: {  	[tilespmem:s16], [sflag:$0x2] =	stream.indirect_vreg.gather [hbm4b:s1+s3], $0x80, v40, vm0, $0xb8;
	[tilespmem:$0x1A480] =	vst v63  }
0x1a0: {  	v43 =	vor.u32 s22, v0;
	s22 =	sadd.s32 $0x1780, s14  }
0x1a1: {  	[tilespmem:s20], [sflag:$0x2] =	stream.indirect_vreg.gather [hbm4b:s1+s3], $0x80, v41, vm0, $0xb8;
	[tilespmem:$0x1A480] =	vst v63  }
0x1a2: {  	v44 =	vor.u32 s22, v0  }
0x1a3: {  	[tilespmem:s7], [sflag:$0x2] =	stream.indirect_vreg.gather [hbm4b:s1+s3], $0x80, v42, vm0, $0xb8;
	[tilespmem:$0x1A480] =	vst v63  }
0x1a4: {  	_ = 	snop  }
0x1a5: {  	[tilespmem:s29], [sflag:$0x2] =	stream.indirect_vreg.gather [hbm4b:s1+s3], $0x80, v43, vm0, $0xb8;
	[tilespmem:$0x1A480] =	vst v63  }
0x1a6: {  	_ = 	snop  }
0x1a7: {  	[tilespmem:s17], [sflag:$0x2] =	stream.indirect_vreg.gather [hbm4b:s1+s3], $0x80, v44, vm0, $0xb8;
	[tilespmem:$0x1A480] =	vst v63  }
0x1a8: {  	_ =	swait.ge [sflag:s8], $0x4000  }
0x1a9: {  	[sflag:s8] =	ssyncset.done $0x0  }
0x1aa: {  	[sflag:s8] =	ssyncadd.s32 $0xFFFFC000  }
0x1ab: {  	v45 =	vld [tilespmem:$0x280];
	_ =	sdelay $0x4  }
0x1ac: {  	vm1 =	vge.s32 v45, v1;
	vm2 =	vlt.s32 v45, v2  }
0x1ad: {  	v12 =	vsub.s32 v45, v1;
	vm1 =	vmand vm1, vm2  }
0x1ae: {  	v12 =	vnsel vm1, $0x2000, v12;
	_ =	sdelay $0x4  }
0x1af: {  	[spmem:s2] =	stream.indirect_vreg.scatter.add.f32 [tilespmem:s10], [sflag:$0x4], $0x80, v12, vm0, $0xb8;
	[tilespmem:$0x1A480] =	vst v63  }
0x1b0: {  	v12 =	vld [tilespmem:$0x290];
	_ =	sdelay $0x4  }
0x1b1: {  	vm1 =	vge.s32 v12, v1;
	vm2 =	vlt.s32 v12, v2  }
0x1b2: {  	v12 =	vsub.s32 v12, v1;
	vm1 =	vmand vm1, vm2  }
0x1b3: {  	v12 =	vnsel vm1, $0x2000, v12;
	_ =	sdelay $0x4  }
0x1b4: {  	[spmem:s2] =	stream.indirect_vreg.scatter.add.f32 [tilespmem:s6], [sflag:$0x4], $0x80, v12, vm0, $0xb8;
	[tilespmem:$0x1A480] =	vst v63  }
0x1b5: {  	v12 =	vld [tilespmem:$0x2A0];
	_ =	sdelay $0x4  }
0x1b6: {  	vm1 =	vge.s32 v12, v1;
	vm2 =	vlt.s32 v12, v2  }
0x1b7: {  	v12 =	vsub.s32 v12, v1;
	vm1 =	vmand vm1, vm2  }
0x1b8: {  	v12 =	vnsel vm1, $0x2000, v12;
	_ =	sdelay $0x4  }
0x1b9: {  	[spmem:s2] =	stream.indirect_vreg.scatter.add.f32 [tilespmem:s15], [sflag:$0x4], $0x80, v12, vm0, $0xb8;
	[tilespmem:$0x1A480] =	vst v63  }
0x1ba: {  	v12 =	vld [tilespmem:$0x2B0];
	_ =	sdelay $0x4  }
0x1bb: {  	vm1 =	vge.s32 v12, v1;
	vm2 =	vlt.s32 v12, v2  }
0x1bc: {  	v12 =	vsub.s32 v12, v1;
	vm1 =	vmand vm1, vm2  }
0x1bd: {  	v12 =	vnsel vm1, $0x2000, v12;
	_ =	sdelay $0x4  }
0x1be: {  	[spmem:s2] =	stream.indirect_vreg.scatter.add.f32 [tilespmem:s16], [sflag:$0x4], $0x80, v12, vm0, $0xb8;
	[tilespmem:$0x1A480] =	vst v63  }
0x1bf: {  	v12 =	vld [tilespmem:$0x2C0];
	_ =	sdelay $0x4  }
0x1c0: {  	vm1 =	vge.s32 v12, v1;
	vm2 =	vlt.s32 v12, v2  }
0x1c1: {  	v12 =	vsub.s32 v12, v1;
	vm1 =	vmand vm1, vm2  }
0x1c2: {  	v12 =	vnsel vm1, $0x2000, v12;
	_ =	sdelay $0x4  }
0x1c3: {  	[spmem:s2] =	stream.indirect_vreg.scatter.add.f32 [tilespmem:s20], [sflag:$0x4], $0x80, v12, vm0, $0xb8;
	[tilespmem:$0x1A480] =	vst v63  }
0x1c4: {  	v12 =	vld [tilespmem:$0x2D0];
	_ =	sdelay $0x4  }
0x1c5: {  	vm1 =	vge.s32 v12, v1;
	vm2 =	vlt.s32 v12, v2  }
0x1c6: {  	v12 =	vsub.s32 v12, v1;
	vm1 =	vmand vm1, vm2  }
0x1c7: {  	v12 =	vnsel vm1, $0x2000, v12;
	_ =	sdelay $0x4  }
0x1c8: {  	[spmem:s2] =	stream.indirect_vreg.scatter.add.f32 [tilespmem:s7], [sflag:$0x4], $0x80, v12, vm0, $0xb8;
	[tilespmem:$0x1A480] =	vst v63  }
0x1c9: {  	v12 =	vld [tilespmem:$0x2E0];
	_ =	sdelay $0x4  }
0x1ca: {  	vm1 =	vge.s32 v12, v1;
	vm2 =	vlt.s32 v12, v2  }
0x1cb: {  	v12 =	vsub.s32 v12, v1;
	vm1 =	vmand vm1, vm2  }
0x1cc: {  	v12 =	vnsel vm1, $0x2000, v12;
	_ =	sdelay $0x4  }
0x1cd: {  	[spmem:s2] =	stream.indirect_vreg.scatter.add.f32 [tilespmem:s29], [sflag:$0x4], $0x80, v12, vm0, $0xb8;
	[tilespmem:$0x1A480] =	vst v63  }
0x1ce: {  	v12 =	vld [tilespmem:$0x2F0];
	_ =	sdelay $0x4  }
0x1cf: {  	vm1 =	vge.s32 v12, v1;
	vm2 =	vlt.s32 v12, v2  }
0x1d0: {  	v12 =	vsub.s32 v12, v1;
	vm1 =	vmand vm1, vm2  }
0x1d1: {  	v12 =	vnsel vm1, $0x2000, v12;
	_ =	sdelay $0x2  }
0x1d2: {  	s22 =	sadd.s32 $0x1800, s14  }
0x1d3: {  	v46 =	vor.u32 s22, v0;
	s22 =	sadd.s32 $0x1880, s14  }
0x1d4: {  	[spmem:s2] =	stream.indirect_vreg.scatter.add.f32 [tilespmem:s17], [sflag:$0x4], $0x80, v12, vm0, $0xb8;
	[tilespmem:$0x1A480] =	vst v63  }
0x1d5: {  	v47 =	vor.u32 s22, v0;
	_ =	swait.ge [sflag:s9], $0x4000  }
0x1d6: {  	s22 =	sadd.s32 $0x1900, s14;
	[sflag:s9] =	ssyncset.done $0x0  }
0x1d7: {  	v48 =	vor.u32 s22, v0;
	s22 =	sadd.s32 $0x1980, s14;
	[sflag:s9] =	ssyncadd.s32 $0xFFFFC000  }
0x1d8: {  	[tilespmem:s21], [sflag:$0x1] =	stream.indirect_vreg.gather [hbm4b:s1+s3], $0x80, v46, vm0, $0xb8;
	[tilespmem:$0x1A480] =	vst v63  }
0x1d9: {  	v49 =	vor.u32 s22, v0;
	s22 =	sadd.s32 $0x1A00, s14  }
0x1da: {  	[tilespmem:s0], [sflag:$0x1] =	stream.indirect_vreg.gather [hbm4b:s1+s3], $0x80, v47, vm0, $0xb8;
	[tilespmem:$0x1A480] =	vst v63  }
0x1db: {  	v50 =	vor.u32 s22, v0;
	s22 =	sadd.s32 $0x1A80, s14  }
0x1dc: {  	[tilespmem:s24], [sflag:$0x1] =	stream.indirect_vreg.gather [hbm4b:s1+s3], $0x80, v48, vm0, $0xb8;
	[tilespmem:$0x1A480] =	vst v63  }
0x1dd: {  	v51 =	vor.u32 s22, v0;
	s22 =	sadd.s32 $0x1B00, s14  }
0x1de: {  	[tilespmem:s28], [sflag:$0x1] =	stream.indirect_vreg.gather [hbm4b:s1+s3], $0x80, v49, vm0, $0xb8;
	[tilespmem:$0x1A480] =	vst v63  }
0x1df: {  	v52 =	vor.u32 s22, v0;
	s22 =	sadd.s32 $0x1B80, s14  }
0x1e0: {  	[tilespmem:s26], [sflag:$0x1] =	stream.indirect_vreg.gather [hbm4b:s1+s3], $0x80, v50, vm0, $0xb8;
	[tilespmem:$0x1A480] =	vst v63  }
0x1e1: {  	v53 =	vor.u32 s22, v0  }
0x1e2: {  	[tilespmem:s4], [sflag:$0x1] =	stream.indirect_vreg.gather [hbm4b:s1+s3], $0x80, v51, vm0, $0xb8;
	[tilespmem:$0x1A480] =	vst v63  }
0x1e3: {  	_ = 	snop  }
0x1e4: {  	[tilespmem:s25], [sflag:$0x1] =	stream.indirect_vreg.gather [hbm4b:s1+s3], $0x80, v52, vm0, $0xb8;
	[tilespmem:$0x1A480] =	vst v63  }
0x1e5: {  	_ = 	snop  }
0x1e6: {  	[tilespmem:s18], [sflag:$0x1] =	stream.indirect_vreg.gather [hbm4b:s1+s3], $0x80, v53, vm0, $0xb8;
	[tilespmem:$0x1A480] =	vst v63  }
0x1e7: {  	_ =	swait.ge [sflag:s5], $0x4000  }
0x1e8: {  	[sflag:s5] =	ssyncset.done $0x0  }
0x1e9: {  	[sflag:s5] =	ssyncadd.s32 $0xFFFFC000  }
0x1ea: {  	v54 =	vld [tilespmem:$0x300];
	_ =	sdelay $0x4  }
0x1eb: {  	vm1 =	vge.s32 v54, v1;
	vm2 =	vlt.s32 v54, v2  }
0x1ec: {  	v12 =	vsub.s32 v54, v1;
	vm1 =	vmand vm1, vm2  }
0x1ed: {  	v12 =	vnsel vm1, $0x2000, v12;
	_ =	sdelay $0x4  }
0x1ee: {  	[spmem:s2] =	stream.indirect_vreg.scatter.add.f32 [tilespmem:s21], [sflag:$0x3], $0x80, v12, vm0, $0xb8;
	[tilespmem:$0x1A480] =	vst v63  }
0x1ef: {  	v12 =	vld [tilespmem:$0x310];
	_ =	sdelay $0x4  }
0x1f0: {  	vm1 =	vge.s32 v12, v1;
	vm2 =	vlt.s32 v12, v2  }
0x1f1: {  	v12 =	vsub.s32 v12, v1;
	vm1 =	vmand vm1, vm2  }
0x1f2: {  	v12 =	vnsel vm1, $0x2000, v12;
	_ =	sdelay $0x4  }
0x1f3: {  	[spmem:s2] =	stream.indirect_vreg.scatter.add.f32 [tilespmem:s0], [sflag:$0x3], $0x80, v12, vm0, $0xb8;
	[tilespmem:$0x1A480] =	vst v63  }
0x1f4: {  	v12 =	vld [tilespmem:$0x320];
	_ =	sdelay $0x4  }
0x1f5: {  	vm1 =	vge.s32 v12, v1;
	vm2 =	vlt.s32 v12, v2  }
0x1f6: {  	v12 =	vsub.s32 v12, v1;
	vm1 =	vmand vm1, vm2  }
0x1f7: {  	v12 =	vnsel vm1, $0x2000, v12;
	_ =	sdelay $0x4  }
0x1f8: {  	[spmem:s2] =	stream.indirect_vreg.scatter.add.f32 [tilespmem:s24], [sflag:$0x3], $0x80, v12, vm0, $0xb8;
	[tilespmem:$0x1A480] =	vst v63  }
0x1f9: {  	v12 =	vld [tilespmem:$0x330];
	_ =	sdelay $0x4  }
0x1fa: {  	vm1 =	vge.s32 v12, v1;
	vm2 =	vlt.s32 v12, v2  }
0x1fb: {  	v12 =	vsub.s32 v12, v1;
	vm1 =	vmand vm1, vm2  }
0x1fc: {  	v12 =	vnsel vm1, $0x2000, v12;
	_ =	sdelay $0x4  }
0x1fd: {  	[spmem:s2] =	stream.indirect_vreg.scatter.add.f32 [tilespmem:s28], [sflag:$0x3], $0x80, v12, vm0, $0xb8;
	[tilespmem:$0x1A480] =	vst v63  }
0x1fe: {  	v12 =	vld [tilespmem:$0x340];
	_ =	sdelay $0x4  }
0x1ff: {  	vm1 =	vge.s32 v12, v1;
	vm2 =	vlt.s32 v12, v2  }
0x200: {  	v12 =	vsub.s32 v12, v1;
	vm1 =	vmand vm1, vm2  }
0x201: {  	v12 =	vnsel vm1, $0x2000, v12;
	_ =	sdelay $0x4  }
0x202: {  	[spmem:s2] =	stream.indirect_vreg.scatter.add.f32 [tilespmem:s26], [sflag:$0x3], $0x80, v12, vm0, $0xb8;
	[tilespmem:$0x1A480] =	vst v63  }
0x203: {  	v12 =	vld [tilespmem:$0x350];
	_ =	sdelay $0x4  }
0x204: {  	vm1 =	vge.s32 v12, v1;
	vm2 =	vlt.s32 v12, v2  }
0x205: {  	v12 =	vsub.s32 v12, v1;
	vm1 =	vmand vm1, vm2  }
0x206: {  	v12 =	vnsel vm1, $0x2000, v12;
	_ =	sdelay $0x4  }
0x207: {  	[spmem:s2] =	stream.indirect_vreg.scatter.add.f32 [tilespmem:s4], [sflag:$0x3], $0x80, v12, vm0, $0xb8;
	[tilespmem:$0x1A480] =	vst v63  }
0x208: {  	v12 =	vld [tilespmem:$0x360];
	_ =	sdelay $0x4  }
0x209: {  	vm1 =	vge.s32 v12, v1;
	vm2 =	vlt.s32 v12, v2  }
0x20a: {  	v12 =	vsub.s32 v12, v1;
	vm1 =	vmand vm1, vm2  }
0x20b: {  	v12 =	vnsel vm1, $0x2000, v12;
	_ =	sdelay $0x4  }
0x20c: {  	[spmem:s2] =	stream.indirect_vreg.scatter.add.f32 [tilespmem:s25], [sflag:$0x3], $0x80, v12, vm0, $0xb8;
	[tilespmem:$0x1A480] =	vst v63  }
0x20d: {  	v12 =	vld [tilespmem:$0x370];
	_ =	sdelay $0x4  }
0x20e: {  	vm1 =	vge.s32 v12, v1;
	vm2 =	vlt.s32 v12, v2  }
0x20f: {  	v12 =	vsub.s32 v12, v1;
	vm1 =	vmand vm1, vm2  }
0x210: {  	v12 =	vnsel vm1, $0x2000, v12;
	_ =	sdelay $0x2  }
0x211: {  	s24 =	sadd.s32 $0x1C00, s14  }
0x212: {  	v55 =	vor.u32 s24, v0;
	s25 =	sadd.s32 $0x1C80, s14  }
0x213: {  	[spmem:s2] =	stream.indirect_vreg.scatter.add.f32 [tilespmem:s18], [sflag:$0x3], $0x80, v12, vm0, $0xb8;
	[tilespmem:$0x1A480] =	vst v63  }
0x214: {  	v56 =	vor.u32 s25, v0;
	_ =	swait.ge [sflag:s23], $0x4000  }
0x215: {  	s26 =	sadd.s32 $0x1D00, s14;
	[sflag:s23] =	ssyncset.done $0x0  }
0x216: {  	s0 =	sadd.s32 $0x1D80, s14;
	v57 =	vor.u32 s26, v0;
	[sflag:s23] =	ssyncadd.s32 $0xFFFFC000  }
0x217: {  	[tilespmem:s10], [sflag:$0x2] =	stream.indirect_vreg.gather [hbm4b:s1+s3], $0x80, v55, vm0, $0xb8;
	[tilespmem:$0x1A480] =	vst v63  }
0x218: {  	v58 =	vor.u32 s0, v0;
	s4 =	sadd.s32 $0x1E00, s14  }
0x219: {  	[tilespmem:s6], [sflag:$0x2] =	stream.indirect_vreg.gather [hbm4b:s1+s3], $0x80, v56, vm0, $0xb8;
	[tilespmem:$0x1A480] =	vst v63  }
0x21a: {  	v59 =	vor.u32 s4, v0;
	s18 =	sadd.s32 $0x1E80, s14  }
0x21b: {  	[tilespmem:s15], [sflag:$0x2] =	stream.indirect_vreg.gather [hbm4b:s1+s3], $0x80, v57, vm0, $0xb8;
	[tilespmem:$0x1A480] =	vst v63  }
0x21c: {  	v60 =	vor.u32 s18, v0;
	s23 =	sadd.s32 $0x1F00, s14  }
0x21d: {  	[tilespmem:s16], [sflag:$0x2] =	stream.indirect_vreg.gather [hbm4b:s1+s3], $0x80, v58, vm0, $0xb8;
	[tilespmem:$0x1A480] =	vst v63  }
0x21e: {  	s14 =	sadd.s32 $0x1F80, s14;
	v61 =	vor.u32 s23, v0  }
0x21f: {  	[tilespmem:s20], [sflag:$0x2] =	stream.indirect_vreg.gather [hbm4b:s1+s3], $0x80, v59, vm0, $0xb8;
	[tilespmem:$0x1A480] =	vst v63  }
0x220: {  	v62 =	vor.u32 s14, v0  }
0x221: {  	[tilespmem:s7], [sflag:$0x2] =	stream.indirect_vreg.gather [hbm4b:s1+s3], $0x80, v60, vm0, $0xb8;
	[tilespmem:$0x1A480] =	vst v63  }
0x222: {  	_ = 	snop  }
0x223: {  	[tilespmem:s29], [sflag:$0x2] =	stream.indirect_vreg.gather [hbm4b:s1+s3], $0x80, v61, vm0, $0xb8;
	[tilespmem:$0x1A480] =	vst v63  }
0x224: {  	s5 =	simm.s32 $0x2  }
0x225: {  	[tilespmem:s17], [sflag:$0x2] =	stream.indirect_vreg.gather [hbm4b:s1+s3], $0x80, v62, vm0, $0xb8;
	[tilespmem:$0x1A480] =	vst v63  }
0x226: {  	_ =	swait.ge [sflag:s5], $0x4000  }
0x227: {  	[sflag:s5] =	ssyncset.done $0x0  }
0x228: {  	[sflag:s5] =	ssyncadd.s32 $0xFFFFC000  }
0x229: {  	v63 =	vld [tilespmem:$0x380];
	_ =	sdelay $0x4  }
0x22a: {  	vm1 =	vge.s32 v63, v1;
	vm2 =	vlt.s32 v63, v2  }
0x22b: {  	v12 =	vsub.s32 v63, v1;
	vm1 =	vmand vm1, vm2  }
0x22c: {  	v12 =	vnsel vm1, $0x2000, v12;
	_ =	sdelay $0x4  }
0x22d: {  	[spmem:s2] =	stream.indirect_vreg.scatter.add.f32 [tilespmem:s10], [sflag:$0x4], $0x80, v12, vm0, $0xb8;
	[tilespmem:$0x1A480] =	vst v63  }
0x22e: {  	v12 =	vld [tilespmem:$0x390];
	_ =	sdelay $0x4  }
0x22f: {  	vm1 =	vge.s32 v12, v1;
	vm2 =	vlt.s32 v12, v2  }
0x230: {  	v12 =	vsub.s32 v12, v1;
	vm1 =	vmand vm1, vm2  }
0x231: {  	v12 =	vnsel vm1, $0x2000, v12;
	_ =	sdelay $0x4  }
0x232: {  	[spmem:s2] =	stream.indirect_vreg.scatter.add.f32 [tilespmem:s6], [sflag:$0x4], $0x80, v12, vm0, $0xb8;
	[tilespmem:$0x1A480] =	vst v63  }
0x233: {  	v12 =	vld [tilespmem:$0x3A0];
	_ =	sdelay $0x4  }
0x234: {  	vm1 =	vge.s32 v12, v1;
	vm2 =	vlt.s32 v12, v2  }
0x235: {  	v12 =	vsub.s32 v12, v1;
	vm1 =	vmand vm1, vm2  }
0x236: {  	v12 =	vnsel vm1, $0x2000, v12;
	_ =	sdelay $0x4  }
0x237: {  	[spmem:s2] =	stream.indirect_vreg.scatter.add.f32 [tilespmem:s15], [sflag:$0x4], $0x80, v12, vm0, $0xb8;
	[tilespmem:$0x1A480] =	vst v63  }
0x238: {  	v12 =	vld [tilespmem:$0x3B0];
	_ =	sdelay $0x4  }
0x239: {  	vm1 =	vge.s32 v12, v1;
	vm2 =	vlt.s32 v12, v2  }
0x23a: {  	v12 =	vsub.s32 v12, v1;
	vm1 =	vmand vm1, vm2  }
0x23b: {  	v12 =	vnsel vm1, $0x2000, v12;
	_ =	sdelay $0x4  }
0x23c: {  	[spmem:s2] =	stream.indirect_vreg.scatter.add.f32 [tilespmem:s16], [sflag:$0x4], $0x80, v12, vm0, $0xb8;
	[tilespmem:$0x1A480] =	vst v63  }
0x23d: {  	v12 =	vld [tilespmem:$0x3C0];
	_ =	sdelay $0x4  }
0x23e: {  	vm1 =	vge.s32 v12, v1;
	vm2 =	vlt.s32 v12, v2  }
0x23f: {  	v12 =	vsub.s32 v12, v1;
	vm1 =	vmand vm1, vm2  }
0x240: {  	v12 =	vnsel vm1, $0x2000, v12;
	_ =	sdelay $0x4  }
0x241: {  	[spmem:s2] =	stream.indirect_vreg.scatter.add.f32 [tilespmem:s20], [sflag:$0x4], $0x80, v12, vm0, $0xb8;
	[tilespmem:$0x1A480] =	vst v63  }
0x242: {  	v12 =	vld [tilespmem:$0x3D0];
	_ =	sdelay $0x4  }
0x243: {  	vm1 =	vge.s32 v12, v1;
	vm2 =	vlt.s32 v12, v2  }
0x244: {  	v12 =	vsub.s32 v12, v1;
	vm1 =	vmand vm1, vm2  }
0x245: {  	v12 =	vnsel vm1, $0x2000, v12;
	_ =	sdelay $0x4  }
0x246: {  	[spmem:s2] =	stream.indirect_vreg.scatter.add.f32 [tilespmem:s7], [sflag:$0x4], $0x80, v12, vm0, $0xb8;
	[tilespmem:$0x1A480] =	vst v63  }
0x247: {  	v12 =	vld [tilespmem:$0x3E0];
	_ =	sdelay $0x4  }
0x248: {  	vm1 =	vge.s32 v12, v1;
	vm2 =	vlt.s32 v12, v2  }
0x249: {  	v12 =	vsub.s32 v12, v1;
	vm1 =	vmand vm1, vm2  }
0x24a: {  	v12 =	vnsel vm1, $0x2000, v12;
	_ =	sdelay $0x4  }
0x24b: {  	[spmem:s2] =	stream.indirect_vreg.scatter.add.f32 [tilespmem:s29], [sflag:$0x4], $0x80, v12, vm0, $0xb8;
	[tilespmem:$0x1A480] =	vst v63  }
0x24c: {  	v12 =	vld [tilespmem:$0x3F0];
	_ =	sdelay $0x4  }
0x24d: {  	vm1 =	vge.s32 v12, v1;
	vm2 =	vlt.s32 v12, v2  }
0x24e: {  	v12 =	vsub.s32 v12, v1;
	vm1 =	vmand vm1, vm2  }
0x24f: {  	v12 =	vnsel vm1, $0x2000, v12;
	_ =	sdelay $0x3  }
0x250: {  	s25 =	simm.s32 $0x3  }
0x251: {  	[spmem:s2] =	stream.indirect_vreg.scatter.add.f32 [tilespmem:s17], [sflag:$0x4], $0x80, v12, vm0, $0xb8;
	[tilespmem:$0x1A480] =	vst v63  }
0x252: {  	p0 =	seq.s32 s12, $0x7;
	_ =	swait.ge [sflag:s25], $0x4000  }
0x253: {  	v12 =	vlaneseq.u32 @!p0;
	s5 =	rddreg [dreg:$0xf]  }
0x254: {  	v12 =	vmul.u32 @!p0 $0x8, v12;
	s14 =	sadd.s32 @!p0 s12, s5  }
0x255: {  	s22 =	sadd.s32 @!p0 $0x1, s14  }
0x256: {  	[sflag:s25] =	ssyncset.done $0x0;
	v13 =	vadd.s32 @!p0 s22, v12  }
0x257: {  	s24 =	simm.s32 $0x4;
	[sflag:s25] =	ssyncadd.s32 $0xFFFFC000  }
0x258: {  	_ =	swait.ge [sflag:s24], $0x4000;
	s22 =	sadd.s32 @!p0 $0x81, s14  }
0x259: {  	s23 =	simm.s32 @!p0 $0x400;
	[sflag:s24] =	ssyncset.done $0x0;
	v14 =	vadd.s32 @!p0 s22, v12  }
0x25a: {  	vm1 =	vmmov @!p0 $0xffff;
	[sflag:s24] =	ssyncadd.s32 $0xFFFFC000;
	s22 =	simm.s32 @!p0 $0x0;
	s24 =	sadd.s32 @!p0 $0x101, s14  }
0x25b: {  	[tilespmem:s23], [sflag:$0x1] =	stream.indirect_vreg.gather @!p0 [hbm4b:s1+s22], $0x80, v13, vm1, $0xb8;
	v13 =	vadd.s32 @!p0 s24, v12;
	[tilespmem:$0x1A480] =	vst v63  }
0x25c: {  	_ = 	snop  }
0x25d: {  	s23 =	simm.s32 @!p0 $0xC00;
	s24 =	sadd.s32 @!p0 $0x181, s14  }
0x25e: {  	[tilespmem:s23], [sflag:$0x1] =	stream.indirect_vreg.gather @!p0 [hbm4b:s1+s22], $0x80, v14, vm1, $0xb8;
	v14 =	vadd.s32 @!p0 s24, v12;
	[tilespmem:$0x1A480] =	vst v63  }
0x25f: {  	s23 =	sadd.s32 @!p0 $0x201, s14;
	s24 =	simm.s32 @!p0 $0x1400  }
0x260: {  	v15 =	vadd.s32 @!p0 s23, v12;
	[tilespmem:s24], [sflag:$0x1] =	stream.indirect_vreg.gather @!p0 [hbm4b:s1+s22], $0x80, v13, vm1, $0xb8;
	[tilespmem:$0x1A480] =	vst v63  }
0x261: {  	s24 =	sadd.s32 @!p0 $0x281, s14  }
0x262: {  	s23 =	simm.s32 @!p0 $0x1C00;
	v13 =	vadd.s32 @!p0 s24, v12;
	s24 =	sadd.s32 @!p0 $0x301, s14  }
0x263: {  	[tilespmem:s23], [sflag:$0x1] =	stream.indirect_vreg.gather @!p0 [hbm4b:s1+s22], $0x80, v14, vm1, $0xb8;
	[tilespmem:$0x1A480] =	vst v63  }
0x264: {  	s14 =	sadd.s32 @!p0 $0x381, s14;
	s23 =	simm.s32 @!p0 $0x2400;
	v14 =	vadd.s32 @!p0 s24, v12  }
0x265: {  	[tilespmem:s23], [sflag:$0x1] =	stream.indirect_vreg.gather @!p0 [hbm4b:s1+s22], $0x80, v15, vm1, $0xb8;
	[tilespmem:$0x1A480] =	vst v63  }
0x266: {  	v12 =	vadd.s32 @!p0 s14, v12;
	s23 =	simm.s32 @!p0 $0x2C00  }
0x267: {  	[tilespmem:s23], [sflag:$0x1] =	stream.indirect_vreg.gather @!p0 [hbm4b:s1+s22], $0x80, v13, vm1, $0xb8;
	[tilespmem:$0x1A480] =	vst v63  }
0x268: {  	s14 =	simm.s32 @!p0 $0x3400  }
0x269: {  	[tilespmem:s14], [sflag:$0x1] =	stream.indirect_vreg.gather @!p0 [hbm4b:s1+s22], $0x80, v14, vm1, $0xb8;
	[tilespmem:$0x1A480] =	vst v63  }
0x26a: {  	s4 =	sadd.s32 $0xFFFF8000, s13;
	s6 =	simm.s32 $0x80;
	s14 =	simm.s32 @!p0 $0x3C00  }
0x26b: {  	[tilespmem:s14], [sflag:$0x1] =	stream.indirect_vreg.gather @!p0 [hbm4b:s1+s22], $0x80, v12, vm1, $0xb8;
	[tilespmem:$0x1A480] =	vst v63  }
0x26c: {  	s25 =	rddreg [dreg:$0xe];
	s24 =	stileid.u32;
	[bflag:$0x0] =	sbarrier.arrive $0xFFFF  }
0x26d: {  	s0 =	smov.u32 s5;
	s26 =	sshll.u32 s24, $0x6;
	s16 =	rddreg [dreg:$0x6]  }
0x26e: {  	s5 =	simm.s32 $0x8;
	s14 =	sor.u32 $0x1C05, s26;
	s23 =	sshrl.u32 s16, $0x3  }
0x26f: {  	[hbm:s4@s21], [sflag:s14] =	dma.strided [spmem:s23@s6], $0x400, s5, $0x10   }
0x270: {  	s23 =	rddreg [dreg:$0x7]  }
0x271: {  	s18 =	sadd.s32 $0xFFFFA000, s13;
	s23 =	sshrl.u32 s23, $0x3  }
0x272: {  	[hbm:s18@s21], [sflag:s14] =	dma.strided [spmem:s23@s6], $0x400, s5, $0x10   }
0x273: {  	s26 =	rddreg [dreg:$0xc]  }
0x274: {  	s23 =	sadd.s32 $0xFFFFC000, s13;
	s16 =	sshrl.u32 s26, $0x3  }
0x275: {  	[hbm:s23@s21], [sflag:s14] =	dma.strided [spmem:s16@s6], $0x400, s5, $0x10   }
0x276: {  	s23 =	rddreg [dreg:$0x8]  }
0x277: {  	s18 =	sadd.s32 $0xFFFFE000, s13;
	s23 =	sshrl.u32 s23, $0x3  }
0x278: {  	[hbm:s18@s21], [sflag:s14] =	dma.strided [spmem:s23@s6], $0x400, s5, $0x10   }
0x279: {  	s16 =	sadd.s32 $0x2000, s13;
	s26 =	rddreg [dreg:$0xd]  }
0x27a: {  	s18 =	sshrl.u32 s25, $0x3;
	s4 =	sshrl.u32 s26, $0x3;
	s26 =	sadd.s32 $0x4000, s13  }
0x27b: {  	[hbm:s13@s21], [sflag:s14] =	dma.strided [spmem:s4@s6], $0x400, s5, $0x10   }
0x27c: {  	[hbm:s16@s21], [sflag:s14] =	dma.strided [spmem:s18@s6], $0x400, s5, $0x10   }
0x27d: {  	s4 =	sshrl.u32 s30, $0x3;
	s16 =	sadd.s32 $0x6000, s13;
	s18 =	sshrl.u32 s31, $0x3  }
0x27e: {  	[hbm:s26@s21], [sflag:s14] =	dma.strided [spmem:s4@s6], $0x400, s5, $0x10   }
0x27f: {  	[hbm:s16@s21], [sflag:s14] =	dma.strided [spmem:s18@s6], $0x400, s5, $0x10   }
0x280: {  	s18 =	rddreg [dreg:$0xd]  }
0x281: {  	s26 =	rddreg [dreg:$0x8]  }
0x282: {  	s16 =	rddreg [dreg:$0xc]  }
0x283: {  	s22 =	rddreg [dreg:$0x7]  }
0x284: {  	s14 =	rddreg [dreg:$0x6];
	_ =	swait.ge [sflag:s11], $0x400  }
0x285: {  	[sflag:s11] =	ssyncset.done $0x0  }
0x286: {  	s23 =	simm.s32 $0x8400;
	[sflag:s11] =	ssyncadd.s32 $0xFFFFFC00  }
0x287: {  	[spmem:s14] =	stream.linear.scatter [tilespmem:s23], [sflag:$0x6], $0x2000, $0x38;
	[tilespmem:$0x1A480] =	vst v63  }
0x288: {  	_ =	swait.ge [sflag:s11], $0x400  }
0x289: {  	[sflag:s11] =	ssyncset.done $0x0  }
0x28a: {  	[sflag:s11] =	ssyncadd.s32 $0xFFFFFC00  }
0x28b: {  	[spmem:s22] =	stream.linear.scatter [tilespmem:s23], [sflag:$0x6], $0x2000, $0x38;
	[tilespmem:$0x1A480] =	vst v63  }
0x28c: {  	_ =	swait.ge [sflag:s11], $0x400  }
0x28d: {  	[sflag:s11] =	ssyncset.done $0x0  }
0x28e: {  	[sflag:s11] =	ssyncadd.s32 $0xFFFFFC00  }
0x28f: {  	[spmem:s16] =	stream.linear.scatter [tilespmem:s23], [sflag:$0x6], $0x2000, $0x38;
	[tilespmem:$0x1A480] =	vst v63  }
0x290: {  	_ =	swait.ge [sflag:s11], $0x400  }
0x291: {  	[sflag:s11] =	ssyncset.done $0x0  }
0x292: {  	[sflag:s11] =	ssyncadd.s32 $0xFFFFFC00  }
0x293: {  	[spmem:s26] =	stream.linear.scatter [tilespmem:s23], [sflag:$0x6], $0x2000, $0x38;
	[tilespmem:$0x1A480] =	vst v63  }
0x294: {  	_ =	swait.ge [sflag:s11], $0x400  }
0x295: {  	[sflag:s11] =	ssyncset.done $0x0  }
0x296: {  	[sflag:s11] =	ssyncadd.s32 $0xFFFFFC00  }
0x297: {  	[spmem:s18] =	stream.linear.scatter [tilespmem:s23], [sflag:$0x6], $0x2000, $0x38;
	[tilespmem:$0x1A480] =	vst v63  }
0x298: {  	_ =	swait.ge [sflag:s11], $0x400  }
0x299: {  	[sflag:s11] =	ssyncset.done $0x0  }
0x29a: {  	[sflag:s11] =	ssyncadd.s32 $0xFFFFFC00  }
0x29b: {  	[spmem:s25] =	stream.linear.scatter [tilespmem:s23], [sflag:$0x6], $0x2000, $0x38;
	[tilespmem:$0x1A480] =	vst v63  }
0x29c: {  	_ =	swait.ge [sflag:s11], $0x400  }
0x29d: {  	[sflag:s11] =	ssyncset.done $0x0  }
0x29e: {  	[sflag:s11] =	ssyncadd.s32 $0xFFFFFC00  }
0x29f: {  	[spmem:s30] =	stream.linear.scatter [tilespmem:s23], [sflag:$0x6], $0x2000, $0x38;
	[tilespmem:$0x1A480] =	vst v63  }
0x2a0: {  	_ =	swait.ge [sflag:s11], $0x400  }
0x2a1: {  	[sflag:s11] =	ssyncset.done $0x0  }
0x2a2: {  	[sflag:s11] =	ssyncadd.s32 $0xFFFFFC00  }
0x2a3: {  	[spmem:s31] =	stream.linear.scatter [tilespmem:s23], [sflag:$0x6], $0x2000, $0x38;
	[tilespmem:$0x1A480] =	vst v63  }
0x2a4: {  	_ =	swait.ge [sflag:s19], $0x2000  }
0x2a5: {  	[sflag:s19] =	ssyncset.done $0x0  }
0x2a6: {  	[sflag:s19] =	ssyncadd.s32 $0xFFFFE000  }
0x2a7: {  	_ =	swait.ge [sflag:s19], $0x2000  }
0x2a8: {  	[sflag:s19] =	ssyncset.done $0x0  }
0x2a9: {  	[sflag:s19] =	ssyncadd.s32 $0xFFFFE000  }
0x2aa: {  	_ =	swait.ge [sflag:s19], $0x2000  }
0x2ab: {  	[sflag:s19] =	ssyncset.done $0x0  }
0x2ac: {  	[sflag:s19] =	ssyncadd.s32 $0xFFFFE000  }
0x2ad: {  	_ =	swait.ge [sflag:s19], $0x2000  }
0x2ae: {  	[sflag:s19] =	ssyncset.done $0x0  }
0x2af: {  	[sflag:s19] =	ssyncadd.s32 $0xFFFFE000  }
0x2b0: {  	_ =	swait.ge [sflag:s19], $0x2000  }
0x2b1: {  	[sflag:s19] =	ssyncset.done $0x0  }
0x2b2: {  	[sflag:s19] =	ssyncadd.s32 $0xFFFFE000  }
0x2b3: {  	_ =	swait.ge [sflag:s19], $0x2000  }
0x2b4: {  	[sflag:s19] =	ssyncset.done $0x0  }
0x2b5: {  	[sflag:s19] =	ssyncadd.s32 $0xFFFFE000  }
0x2b6: {  	_ =	swait.ge [sflag:s19], $0x2000  }
0x2b7: {  	s12 =	sadd.s32 $0x1, s12;
	[sflag:s19] =	ssyncset.done $0x0  }
0x2b8: {  	p0 =	sne.s32 s12, $0x8;
	[sflag:s19] =	ssyncadd.s32 $0xFFFFE000  }
.Ltmp1:
0x2b9: {  	_ =	swait.ge [sflag:s19], $0x2000;
	(pc) =	sbr.rel @p0 .LBB2_4-.Ltmp1, $4  }
0x2ba: {  	[sflag:s19] =	ssyncset.done $0x0  }
0x2bb: {  	[sflag:s19] =	ssyncadd.s32 $0xFFFFE000  }
0x2bc: {  	[bflag:$0x0] =	sbarrier.arrive $0xFFFF  }
0x2bd: {  	s15 =	simm.s32 $0x1;
	s13 =	sadd.s32 $0x80, s13;
	s5 =	smov.u32 s0  }
0x2be: {  	s6 =	rddreg [dreg:$0xb]  }
0x2bf: {  	s0 =	rddreg [dreg:$0x9];
	s6 =	sadd.s32 $0x1, s6  }
0x2c0: {  	p0 =	sne.s32 s6, s0  }
.Ltmp2:
0x2c1: {  	_ = 	snop;
	(pc) =	sbr.rel @p0 .LBB2_1-.Ltmp2, $2  }
0x2c2: {  	_ =	sdelay $0x2  }
0x2c3: {  	s4 =	simm.s32 $0x8400  }
0x2c4: {  	_ =	sfence.sel $0x180000  }
0x2c5: {  	[bflag:$0x0] =	sbarrier.arrive $0xFFFF  }
0x2c6: {  	_ =	strace $0x9000004A  }
0x2c7: {  	[bflag:$0x2] =	sbarrier.arrive $0xFFFF  }
0x2c8: {  	p0 =	sne.s32 s24, $0x0;
	s0 =	rddreg [dreg:$0x4]  }
0x2c9: {  	s0 =	sadd.s32 @!p0 $0x100000, s0  }
0x2ca: {  	[sflag:s0] =	ssyncadd.tile.s32 @!p0 $0x1;
	_ =	shalt  }
.Lfunc_end2:
_tile_overlayer_lowered:
.L_overlay_start_2:
0x2cb: {  	(tag) =	ssettag $0x2  }
0x2cc: {  	s0 =	rddreg [dreg:$0x0];
	s2 =	stileid.u32  }
0x2cd: {  	s1 =	rddreg [dreg:$0x1];
	p0 =	sne.s32 s2, $0x0  }
0x2ce: {  	s3 =	rddreg [dreg:$0x2];
	[bflag:$0x3] =	sbarrier.arrive $0xFFFF;
	s2 =	simm.s32 @!p0 $0x1C07  }
0x2cf: {  	[timem:s3], [sflag:s2] =	dma.local @!p0 [hbm:s0], s1  }
0x2d0: {  	s0 =	simm.s32 @!p0 $0x7  }
0x2d1: {  	_ =	swait.ge @!p0 [sflag:s0], s1  }
0x2d2: {  	s1 =	ssub.s32 @!p0 $0x0, s1;
	[sflag:s0] =	ssyncset.done @!p0 $0x0  }
0x2d3: {  	[sflag:s0] =	ssyncadd.s32 @!p0 s1  }
0x2d4: {  	[bflag:$0x3] =	sbarrier.arrive $0xFFFF  }
0x2d5: {  	_ =	shalt  }

</sc_bundles>
